<compile_context>
chip_gen: v7x
topology: tpu7x:2x2x1
jax: 0.10.2.dev20260603
libtpu: 0.0.44.dev20260713+nightly
codegen_flags: <defaults>
</compile_context>

<pallas_src>
import functools

import jax
import jax.numpy as jnp
import numpy as np
from jax import lax
from jax.experimental import pallas as pl
from jax.experimental.pallas import tpu as pltpu
from jax.experimental.pallas import tpu_sc as plsc

_CR = np.array(
    [[[0.25, 0.25, 0.25, 0.25]] * 4,
     [[0.5, 0.0, -0.5, 0.0],
      [0.0, 0.5, 0.0, -0.5],
      [-0.5, 0.0, 0.5, 0.0],
      [0.0, -0.5, 0.0, 0.5]],
     [[0.25, -0.25, 0.25, -0.25],
      [-0.25, 0.25, -0.25, 0.25],
      [0.25, -0.25, 0.25, -0.25],
      [-0.25, 0.25, -0.25, 0.25]]], dtype=np.float32)
_CI = np.array(
    [[[0.0] * 4] * 4,
     [[0.0, -0.5, 0.0, 0.5],
      [0.5, 0.0, -0.5, 0.0],
      [0.0, 0.5, 0.0, -0.5],
      [-0.5, 0.0, 0.5, 0.0]],
     [[0.0] * 4] * 4], dtype=np.float32)

_NC, _NS = 2, 16


def _silu(v):
    return v * jax.nn.sigmoid(v)


def _pack_bf16_pairs(a):
    half = a.shape[1] // 2
    ai = jax.lax.bitcast_convert_type(
        a.astype(jnp.bfloat16).astype(jnp.float32), jnp.uint32)
    lo = jax.lax.shift_right_logical(ai[:, :half], jnp.uint32(16))
    hi = jnp.bitwise_and(ai[:, half:], jnp.uint32(0xFFFF0000))
    return jax.lax.bitcast_convert_type(jnp.bitwise_or(lo, hi), jnp.float32)


def _unpack_bf16_pairs(w):
    wi = jax.lax.bitcast_convert_type(w, jnp.uint32)
    lo = jax.lax.bitcast_convert_type(
        jax.lax.shift_left(wi, jnp.uint32(16)), jnp.float32)
    hi = jax.lax.bitcast_convert_type(
        jnp.bitwise_and(wi, jnp.uint32(0xFFFF0000)), jnp.float32)
    return jnp.concatenate([lo, hi], axis=1)


def _prep_body(T, NB, C, h_ref, vel_ref, m2_ref, w1s_ref, w1d_ref, mv_ref,
               h2_ref, a_ref, b_ref, vout_ref):
    pa, pb = [], []
    for u in range(T):
        acc = jnp.zeros((NB, C), jnp.float32)
        for t in range(T):
            acc = acc + jnp.dot(h_ref[t], m2_ref[t, u],
                                preferred_element_type=jnp.float32)
        h2 = h_ref[u] + jnp.where(acc > 0, acc, 0.2 * acc)
        h2_ref[u] = h2
        pa.append(_pack_bf16_pairs(
            jnp.dot(h2, w1s_ref[...], preferred_element_type=jnp.float32)))
        pb.append(_pack_bf16_pairs(
            jnp.dot(h2, w1d_ref[...], preferred_element_type=jnp.float32)))
    for p in range(T // 2):
        a_ref[p] = jnp.concatenate([pa[2 * p], pa[2 * p + 1]], axis=1)
        b_ref[p] = jnp.concatenate([pb[2 * p], pb[2 * p + 1]], axis=1)
    v = vel_ref[...]
    vout_ref[...] = v + jnp.dot(v, mv_ref[...], preferred_element_type=jnp.float32)


def _prep(h, vel12, m2, w1s, w1d, mv12, NB):
    T, BN, C = h.shape
    grid = BN // NB
    f32 = jnp.float32
    return pl.pallas_call(
        functools.partial(_prep_body, T, NB, C),
        grid=(grid,),
        in_specs=[
            pl.BlockSpec((T, NB, C), lambda i: (0, i, 0)),
            pl.BlockSpec((NB, 12), lambda i: (i, 0)),
            pl.BlockSpec((T, T, C, C), lambda i: (0, 0, 0, 0)),
            pl.BlockSpec((C, C), lambda i: (0, 0)),
            pl.BlockSpec((C, C), lambda i: (0, 0)),
            pl.BlockSpec((12, 12), lambda i: (0, 0)),
        ],
        out_specs=[
            pl.BlockSpec((T, NB, C), lambda i: (0, i, 0)),
            pl.BlockSpec((T // 2, NB, C), lambda i: (0, i, 0)),
            pl.BlockSpec((T // 2, NB, C), lambda i: (0, i, 0)),
            pl.BlockSpec((NB, 12), lambda i: (i, 0)),
        ],
        out_shape=[
            jax.ShapeDtypeStruct((T, BN, C), f32),
            jax.ShapeDtypeStruct((T // 2, BN, C), f32),
            jax.ShapeDtypeStruct((T // 2, BN, C), f32),
            jax.ShapeDtypeStruct((BN, 12), f32),
        ],
    )(h, vel12, m2, w1s, w1d, mv12)


def _sc_gather(table, idx, P):
    V, D = table.shape
    B = idx.shape[0]
    NW = _NC * _NS
    per_w = B // NW
    assert per_w % P == 0 and P % 8 == 0 and B % NW == 0
    pieces = per_w // P
    assert pieces % 2 == 1 and pieces >= 3
    mesh = plsc.VectorSubcoreMesh(core_axis_name="c", subcore_axis_name="s")

    @functools.partial(
        pl.kernel,
        out_type=jax.ShapeDtypeStruct((B, D), table.dtype),
        mesh=mesh,
        scratch_types=[
            pltpu.VMEM((per_w,), jnp.int32),
            pltpu.VMEM((P, D), table.dtype),
            pltpu.VMEM((P, D), table.dtype),
            pltpu.SemaphoreType.DMA,
            pltpu.SemaphoreType.DMA,
        ],
    )
    def k(table_hbm, idx_hbm, out_hbm, idx_all, rows0, rows1, sem0, sem1):
        wid = lax.axis_index("s") * _NC + lax.axis_index("c")
        base = wid * per_w
        pltpu.sync_copy(idx_hbm.at[pl.ds(base, per_w)], idx_all)

        def start(j, rows, sem):
            pltpu.async_copy(table_hbm.at[idx_all.at[pl.ds(j * P, P)]],
                             rows, sem)

        def wait(rows, sem):
            pltpu.make_async_copy(table_hbm.at[pl.ds(0, P)], rows, sem).wait()

        start(0, rows0, sem0)

        def body(i, carry):
            j0 = 2 * i
            start(j0 + 1, rows1, sem1)
            wait(rows0, sem0)
            pltpu.sync_copy(rows0, out_hbm.at[pl.ds(base + j0 * P, P)])
            start(j0 + 2, rows0, sem0)
            wait(rows1, sem1)
            pltpu.sync_copy(rows1, out_hbm.at[pl.ds(base + (j0 + 1) * P, P)])
            return carry

        lax.fori_loop(0, (pieces - 1) // 2, body, 0)
        wait(rows0, sem0)
        pltpu.sync_copy(rows0, out_hbm.at[pl.ds(base + (pieces - 1) * P, P)])

    return k(table, idx)


def _sc_d2(xflat, src, dst):
    E = src.shape[0]
    NW = _NC * _NS
    per_w = E // NW
    mesh = plsc.VectorSubcoreMesh(core_axis_name="c", subcore_axis_name="s")

    @functools.partial(
        pl.kernel,
        out_type=jax.ShapeDtypeStruct((E,), jnp.float32),
        mesh=mesh,
        compiler_params=pltpu.CompilerParams(needs_layout_passes=False),
        scratch_types=[
            pltpu.VMEM(xflat.shape, jnp.float32),
            pltpu.VMEM((per_w,), jnp.int32),
            pltpu.VMEM((per_w,), jnp.int32),
            pltpu.VMEM((per_w,), jnp.float32),
        ],
    )
    def k(x_hbm, src_hbm, dst_hbm, out_hbm, x_v, src_v, dst_v, d2_v):
        wid = lax.axis_index("s") * _NC + lax.axis_index("c")
        base = wid * per_w
        pltpu.sync_copy(x_hbm, x_v)
        pltpu.sync_copy(src_hbm.at[pl.ds(base, per_w)], src_v)
        pltpu.sync_copy(dst_hbm.at[pl.ds(base, per_w)], dst_v)

        def window(o):
            si = src_v[pl.ds(o, 16)] * 4
            di = dst_v[pl.ds(o, 16)] * 4
            acc = jnp.zeros((16,), jnp.float32)
            for c in range(3):
                a = plsc.load_gather(x_v, [si + c])
                b = plsc.load_gather(x_v, [di + c])
                acc = acc + (a - b) * (a - b)
            d2_v[pl.ds(o, 16)] = acc

        def body(j, carry):
            window(j * 16)
            return carry

        lax.fori_loop(0, per_w // 16, body, 0)
        if per_w % 16 != 0:
            window(per_w - 16)
        pltpu.sync_copy(d2_v, out_hbm.at[pl.ds(base, per_w)])

    return k(xflat, src, dst)


def _edge_body(C, ga_ref, gb_ref, d2_ref, we2_ref, consts_ref, out_ref):
    d2 = d2_ref[...]
    w_d = consts_ref[0:1, :]
    b_e1 = consts_ref[1:2, :]
    b_e2 = consts_ref[2:3, :]
    w_g = consts_ref[3:4, :]
    b_g = consts_ref[4:5, 0:1]
    H = C // 2
    ga = ga_ref[...]
    gb = gb_ref[...]
    for parity in range(2):
        a = _unpack_bf16_pairs(ga[:, parity * H:(parity + 1) * H])
        b = _unpack_bf16_pairs(gb[:, parity * H:(parity + 1) * H])
        pre = a + b + d2 * w_d + b_e1
        m = _silu(pre)
        m = _silu(jnp.dot(m.astype(jnp.bfloat16), we2_ref[...],
                          preferred_element_type=jnp.float32) + b_e2)
        g = jnp.sum(m * w_g, axis=1, keepdims=True) + b_g
        out_ref[parity] = m * jax.nn.sigmoid(g)


def _edge_mlp(ga, gb, d2, we2, consts, NEB):
    E, C = ga.shape
    grid = E // NEB
    return pl.pallas_call(
        functools.partial(_edge_body, C),
        grid=(grid,),
        in_specs=[
            pl.BlockSpec((NEB, C), lambda i: (i, 0)),
            pl.BlockSpec((NEB, C), lambda i: (i, 0)),
            pl.BlockSpec((NEB, 1), lambda i: (i, 0)),
            pl.BlockSpec((C, C), lambda i: (0, 0)),
            pl.BlockSpec((8, C), lambda i: (0, 0)),
        ],
        out_specs=pl.BlockSpec((2, NEB, C), lambda i: (0, i, 0)),
        out_shape=jax.ShapeDtypeStruct((2, E, C), jnp.float32),
    )(ga, gb, d2.reshape(E, 1), we2.astype(jnp.bfloat16), consts)


def _sc_scatter(m_pair, parity, dst, zeros_nc, P):
    _, E, C = m_pair.shape
    BNP = zeros_nc.shape[0]
    per_tile = E // (_NC * _NS)
    pieces = per_tile // P
    rows_per_tile = BNP // _NS
    mesh = plsc.VectorSubcoreMesh(core_axis_name="c", subcore_axis_name="s")

    @functools.partial(
        pl.kernel,
        out_type=jax.ShapeDtypeStruct((_NC, BNP, C), jnp.float32),
        mesh=mesh,
        scratch_types=[
            pltpu.VMEM((P,), jnp.int32),
            pltpu.VMEM((P, C), jnp.float32),
            pltpu.VMEM_SHARED((BNP, C), jnp.float32),
            pltpu.SemaphoreType.DMA,
        ],
    )
    def k(m_hbm, dst_hbm, zero_hbm, out_hbm, idx_v, rows_v, agg_sh, sem):
        c = lax.axis_index("c")
        s = lax.axis_index("s")
        tile_base = (c * _NS + s) * per_tile
        row0 = s * rows_per_tile
        pltpu.sync_copy(zero_hbm.at[pl.ds(row0, rows_per_tile)],
                        agg_sh.at[pl.ds(row0, rows_per_tile)])
        plsc.subcore_barrier()

        def body(j, carry):
            off = tile_base + j * P
            pltpu.sync_copy(dst_hbm.at[pl.ds(off, P)], idx_v)
            pltpu.async_copy(m_hbm.at[parity, pl.ds(off, P)], rows_v, sem).wait()
            pltpu.sync_copy(rows_v, agg_sh.at[idx_v], add=True)
            return carry

        lax.fori_loop(0, pieces, body, 0)
        plsc.subcore_barrier()
        pltpu.sync_copy(agg_sh.at[pl.ds(row0, rows_per_tile)],
                        out_hbm.at[c, pl.ds(row0, rows_per_tile)])

    return k(m_pair, dst, zeros_nc)


def _node_body(n1a_ref, n1b_ref, n2_ref, consts_ref, h2_ref, agg_ref, out_ref):
    b_n1 = consts_ref[0:1, :]
    b_n2 = consts_ref[1:2, :]
    h2 = h2_ref[...]
    agg = agg_ref[0] + agg_ref[1]
    acc = (jnp.dot(h2, n1a_ref[...], preferred_element_type=jnp.float32)
           + jnp.dot(agg, n1b_ref[...], preferred_element_type=jnp.float32)
           + b_n1)
    u = _silu(acc)
    out_ref[...] = h2 + jnp.dot(u, n2_ref[...],
                                preferred_element_type=jnp.float32) + b_n2


def _node_mlp(h2t, aggt, n1a, n1b, n2, consts, NB):
    BN, C = h2t.shape
    grid = BN // NB
    return pl.pallas_call(
        _node_body,
        grid=(grid,),
        in_specs=[
            pl.BlockSpec((C, C), lambda i: (0, 0)),
            pl.BlockSpec((C, C), lambda i: (0, 0)),
            pl.BlockSpec((C, C), lambda i: (0, 0)),
            pl.BlockSpec((8, C), lambda i: (0, 0)),
            pl.BlockSpec((NB, C), lambda i: (i, 0)),
            pl.BlockSpec((2, NB, C), lambda i: (0, i, 0)),
        ],
        out_specs=pl.BlockSpec((NB, C), lambda i: (i, 0)),
        out_shape=jax.ShapeDtypeStruct((BN, C), jnp.float32),
    )(n1a, n1b, n2, consts, h2t, aggt)


def kernel(h, x, vel_all, edge_index, tc_h_wr, tc_h_wi, tc_v_wr, tc_v_wi,
           W_e1, b_e1, W_e2, b_e2, W_g, b_g, W_n1, b_n1, W_n2, b_n2):
    T, BN, C = h.shape
    E = edge_index.shape[1]
    f32 = jnp.float32
    cr = jnp.asarray(_CR)
    ci = jnp.asarray(_CI)

    m2 = (jnp.einsum('iok,ktu->tuio', tc_h_wr, cr)
          + jnp.einsum('iok,ktu->tuio', tc_h_wi, ci))
    mv = (jnp.einsum('k,ktu->tu', tc_v_wr[0, 0], cr)
          + jnp.einsum('k,ktu->tu', tc_v_wi[0, 0], ci))
    mv12 = jnp.kron(mv, jnp.eye(3, dtype=f32))
    w1s = W_e1[:C]
    w1d = W_e1[C:2 * C]
    w_d = W_e1[2 * C]
    n1a = W_n1[:C]
    n1b = W_n1[C:]

    vel12 = vel_all.reshape(BN, T * 3)
    h2, a_t, b_t, vout = _prep(h, vel12, m2, w1s, w1d, mv12, NB=1000)
    vel_new = vout.reshape(BN, T, 3)

    src = edge_index[0].astype(jnp.int32)
    dst = edge_index[1].astype(jnp.int32)

    xflat = jnp.zeros((BN, 4), f32).at[:, :3].set(x).reshape(BN * 4)
    d2 = _sc_d2(xflat, src, dst)

    consts_e = (jnp.zeros((8, C), f32)
                .at[0].set(w_d).at[1].set(b_e1).at[2].set(b_e2)
                .at[3].set(W_g[:, 0]).at[4, 0].set(b_g[0]))
    consts_n = jnp.zeros((8, C), f32).at[0].set(b_n1).at[1].set(b_n2)
    BNP = ((BN // _NS + 7) // 8 * 8) * _NS
    zeros_nc = jnp.zeros((BNP, C), f32)
    a2 = a_t.reshape(T // 2 * BN, C)
    b2 = b_t.reshape(T // 2 * BN, C)

    h_ts = []
    for p in range(T // 2):
        off = jnp.int32(p * BN)
        ga = _sc_gather(a2, src + off, P=200)
        gb = _sc_gather(b2, dst + off, P=200)
        m_pair = _edge_mlp(ga, gb, d2, W_e2, consts_e, NEB=2000)
        for parity in range(2):
            aggt = _sc_scatter(m_pair, parity, dst, zeros_nc, P=200)
            h_ts.append(_node_mlp(h2[2 * p + parity], aggt,
                                  n1a, n1b, W_n2, consts_n, NB=2000))
    return jnp.stack(h_ts), vel_new

# --- scband reference (transcript-rebuilt; emitter-appended) ---
"""Pipeline reference for scband-gated-egnoblock-17291538333995 (READ-ONLY COPY).

The authoritative reference and input builder live on the scoring server;
editing this copy changes nothing except your own understanding.
"""

import jax, jax.numpy as jnp
import numpy as np

T_STEPS, N_NODES, C_HID, N_EDGES, N_MODES = 4, 10000, 128, 160000, 3


def spectral_conv(x, wr, wi):
    # x: (B, C_in, T); wr/wi: (C_in, C_out, modes)
    T = x.shape[-1]
    xf = jnp.fft.rfft(x, axis=-1)
    m = wr.shape[-1]
    w = wr + 1j * wi
    of = jnp.einsum('bim,iom->bom', xf[..., :m], w)
    full = jnp.zeros((x.shape[0], wr.shape[1], T // 2 + 1), dtype=of.dtype)
    full = full.at[..., :m].set(of)
    return jnp.fft.irfft(full, n=T, axis=-1)


def setup_inputs(seed: int = 0) -> dict:
    key = jax.random.key(seed)
    ks = jax.random.split(key, 20)
    T, BN, C, E = T_STEPS, N_NODES, C_HID, N_EDGES
    inp = {}
    inp['h'] = jax.random.normal(ks[0], (T, BN, C), dtype=jnp.float32)
    inp['x'] = jax.random.normal(ks[1], (BN, 3), dtype=jnp.float32)
    inp['vel_all'] = jax.random.normal(ks[2], (BN, T, 3), dtype=jnp.float32)
    inp['edge_index'] = jax.random.randint(ks[3], (2, E), 0, BN)
    # TimeConv (scalar features) spectral weights
    inp['tc_h_wr'] = jax.random.normal(ks[4], (C, C, N_MODES), dtype=jnp.float32) * (1.0 / C)
    inp['tc_h_wi'] = jax.random.normal(ks[5], (C, C, N_MODES), dtype=jnp.float32) * (1.0 / C)
    # TimeConvX (equivariant velocity channel, C=1) spectral weights
    inp['tc_v_wr'] = jax.random.normal(ks[6], (1, 1, N_MODES), dtype=jnp.float32) * 0.5
    inp['tc_v_wi'] = jax.random.normal(ks[7], (1, 1, N_MODES), dtype=jnp.float32) * 0.5
    # gated EGNN layer params
    inp['W_e1'] = jax.random.normal(ks[8], (2 * C + 1, C), dtype=jnp.float32) * (1.0 / np.sqrt(2 * C + 1))
    inp['b_e1'] = jnp.zeros((C,), jnp.float32)
    inp['W_e2'] = jax.random.normal(ks[9], (C, C), dtype=jnp.float32) * (1.0 / np.sqrt(C))
    inp['b_e2'] = jnp.zeros((C,), jnp.float32)
    inp['W_g'] = jax.random.normal(ks[10], (C, 1), dtype=jnp.float32) * (1.0 / np.sqrt(C))
    inp['b_g'] = jnp.zeros((1,), jnp.float32)
    inp['W_n1'] = jax.random.normal(ks[11], (2 * C, C), dtype=jnp.float32) * (1.0 / np.sqrt(2 * C))
    inp['b_n1'] = jnp.zeros((C,), jnp.float32)
    inp['W_n2'] = jax.random.normal(ks[12], (C, C), dtype=jnp.float32) * (1.0 / np.sqrt(C))
    inp['b_n2'] = jnp.zeros((C,), jnp.float32)
    return inp


def reference(h, x, vel_all, edge_index, tc_h_wr, tc_h_wi, tc_v_wr, tc_v_wi,
              W_e1, b_e1, W_e2, b_e2, W_g, b_g, W_n1, b_n1, W_n2, b_n2):
    T, BN, C = h.shape
    # --- TimeConv on hidden scalar features: h + LeakyReLU(spec_time(h)) ---
    xh = jnp.transpose(h, (1, 2, 0))  # (BN, C, T)
    xh = spectral_conv(xh, tc_h_wr, tc_h_wi)
    xh = jnp.transpose(xh, (2, 0, 1))  # (T, BN, C)
    h2 = h + jax.nn.leaky_relu(xh, 0.2)
    # --- TimeConvX on velocity (equivariant; residual, no activation; D absorbed into batch) ---
    vel_td = jnp.transpose(vel_all, (1, 0, 2))[..., None]  # (T, BN, 3, 1)
    v = jnp.transpose(vel_td, (1, 2, 3, 0)).reshape(BN * 3, 1, T)
    v = spectral_conv(v, tc_v_wr, tc_v_wi)
    v = jnp.transpose(v.reshape(BN, 3, 1, T), (3, 0, 1, 2))
    vel_td = vel_td + v
    vel_all_new = jnp.transpose(vel_td[..., 0], (1, 0, 2))  # (BN, T, 3)
    # --- batch the T time slices into one big graph ---
    E = edge_index.shape[1]
    h_b = h2.reshape(T * BN, C)
    x_b = jnp.tile(x, (T, 1))
    offsets = jnp.repeat(jnp.arange(T) * BN, E)
    eb = jnp.tile(edge_index, (1, T)) + offsets[None, :]
    src, dst = eb[0], eb[1]
    # --- gated EGNN layer (update_coords=False, heads=1, dropout=0/eval) ---
    rel = x_b[src] - x_b[dst]
    d2 = jnp.sum(rel * rel, axis=-1, keepdims=True)
    m_in = jnp.concatenate([h_b[src], h_b[dst], d2], axis=-1)
    m = jax.nn.silu(m_in @ W_e1 + b_e1)
    m = jax.nn.silu(m @ W_e2 + b_e2)
    gate = jax.nn.sigmoid(m @ W_g + b_g)
    m = m * gate
    agg = jax.ops.segment_sum(m, dst, num_segments=T * BN)
    upd = jax.nn.silu(jnp.concatenate([h_b, agg], axis=-1) @ W_n1 + b_n1) @ W_n2 + b_n2
    h_out = h_b + upd
    h_new = h_out.reshape(T, BN, C)
    return (h_new, vel_all_new)

if __name__ == "__main__":
    import jax
    _d = setup_inputs()
    print(jax.jit(kernel)(*tuple(_d.values())))

</pallas_src>

<mosaic_0001>
#map = affine_map<(d0, d1) -> (0, 0)>
#map1 = affine_map<(d0, d1) -> (0)>
module attributes {stable_mosaic.version = 14 : i64} {
  func.func @k(%arg0: i32, %arg1: i32, %arg2: memref<20000x128xf32, #tpu.memory_space<hbm>>, %arg3: memref<160000xi32, #tpu.memory_space<hbm>>, %arg4: memref<160000x128xf32, #tpu.memory_space<hbm>>, %arg5: memref<5000xi32, #tpu.memory_space<vmem>>, %arg6: memref<200x128xf32, #tpu.memory_space<vmem>>, %arg7: memref<200x128xf32, #tpu.memory_space<vmem>>, %arg8: memref<!tpu.dma_semaphore, #tpu.memory_space<semaphore_mem>>, %arg9: memref<!tpu.dma_semaphore, #tpu.memory_space<semaphore_mem>>) attributes {dimension_semantics = [#tpu.dimension_semantics<core_parallel>, #tpu.dimension_semantics<subcore_parallel>], iteration_bounds = array<i64: 2, 16>, scalar_prefetch = 0 : i64, scratch_operands = 5 : i64, tpu.core_type = #tpu.core_type<sc_vector_subcore>, window_params = [{transform_indices = #map}, {transform_indices = #map1}, {transform_indices = #map}]} {
    %mul3A = arith.constant 2 : i32
    %mul3A_0 = arith.muli %arg1, %mul3A : i32
    %add3A = arith.addi %mul3A_0, %arg0 : i32
    %mul3A_1 = arith.constant 5000 : i32
    %mul3A_2 = arith.muli %add3A, %mul3A_1 : i32
    "tpu.region"() ({
      %run_scoped3A = tpu.sem_alloc : memref<!tpu.dma_semaphore, #tpu.memory_space<semaphore_mem>>
      %dma_start3A_19 = tpu.memref_slice %arg3[%mul3A_2] : memref<160000xi32, #tpu.memory_space<hbm>> -> memref<5000xi32, #tpu.memory_space<hbm>>
      %dma_start3A_20 = tpu.memref_slice %arg3[%mul3A_2] : memref<160000xi32, #tpu.memory_space<hbm>> -> memref<5000xi32, #tpu.memory_space<hbm>>
      tpu.enqueue_dma source(%dma_start3A_20 : memref<5000xi32, #tpu.memory_space<hbm>>) target(%arg5 : memref<5000xi32, #tpu.memory_space<vmem>>) target_semaphore(%run_scoped3A : memref<!tpu.dma_semaphore, #tpu.memory_space<semaphore_mem>>)
      %dma_wait3A_21 = tpu.memref_slice %arg3[%mul3A_2] : memref<160000xi32, #tpu.memory_space<hbm>> -> memref<5000xi32, #tpu.memory_space<hbm>>
      %dma_wait3A_22 = tpu.memref_slice %arg3[%mul3A_2] : memref<160000xi32, #tpu.memory_space<hbm>> -> memref<5000xi32, #tpu.memory_space<hbm>>
      tpu.wait_dma2 semaphore(%run_scoped3A : memref<!tpu.dma_semaphore, #tpu.memory_space<semaphore_mem>>) src(%dma_wait3A_22 : memref<5000xi32, #tpu.memory_space<hbm>>) dst(%arg5 : memref<5000xi32, #tpu.memory_space<vmem>>)
      tpu.yield
    }) : () -> ()
    %dma_start3A = arith.constant 0 : i32
    %dma_start3A_3 = tpu.memref_slice %arg5[%dma_start3A] : memref<5000xi32, #tpu.memory_space<vmem>> -> memref<200xi32, #tpu.memory_space<vmem>>
    %dma_start3A_4 = arith.constant 0 : i32
    %dma_start3A_5 = arith.constant 0 : i32
    %dma_start3A_6 = tpu.memref_slice %arg2[%dma_start3A_4, %dma_start3A_5] : memref<20000x128xf32, #tpu.memory_space<hbm>> -> memref<20000x128xf32, #tpu.memory_space<hbm>>
    tpu.enqueue_indirect_dma source(%dma_start3A_6 : memref<20000x128xf32, #tpu.memory_space<hbm>>) target(%arg6 : memref<200x128xf32, #tpu.memory_space<vmem>>) offsets(%dma_start3A_3 : memref<200xi32, #tpu.memory_space<vmem>>) semaphore(%arg8 : memref<!tpu.dma_semaphore, #tpu.memory_space<semaphore_mem>>)
    %scan3A = arith.constant 0 : i32
    %scan3A_7 = arith.constant 0 : i32
    %scan3A_8 = arith.constant 12 : i32
    %scan3A_9 = arith.addi %scan3A_7, %scan3A_8 : i32
    %scan3A_10 = arith.constant 1 : i32
    scf.for %scan3A_19 = %scan3A_7 to %scan3A_9 step %scan3A_10  : i32 {
      %mul3A_20 = arith.constant 2 : i32
      %mul3A_21 = arith.muli %mul3A_20, %scan3A_19 : i32
      %add3A_22 = arith.constant 1 : i32
      %add3A_23 = arith.addi %mul3A_21, %add3A_22 : i32
      %mul3A_24 = arith.constant 200 : i32
      %mul3A_25 = arith.muli %add3A_23, %mul3A_24 : i32
      %dma_start3A_26 = tpu.memref_slice %arg5[%mul3A_25] : memref<5000xi32, #tpu.memory_space<vmem>> -> memref<200xi32, #tpu.memory_space<vmem>>
      %dma_start3A_27 = arith.constant 0 : i32
      %dma_start3A_28 = arith.constant 0 : i32
      %dma_start3A_29 = tpu.memref_slice %arg2[%dma_start3A_27, %dma_start3A_28] : memref<20000x128xf32, #tpu.memory_space<hbm>> -> memref<20000x128xf32, #tpu.memory_space<hbm>>
      tpu.enqueue_indirect_dma source(%dma_start3A_29 : memref<20000x128xf32, #tpu.memory_space<hbm>>) target(%arg7 : memref<200x128xf32, #tpu.memory_space<vmem>>) offsets(%dma_start3A_26 : memref<200xi32, #tpu.memory_space<vmem>>) semaphore(%arg9 : memref<!tpu.dma_semaphore, #tpu.memory_space<semaphore_mem>>)
      %dma_wait3A_30 = arith.constant 0 : i32
      %dma_wait3A_31 = arith.constant 0 : i32
      %dma_wait3A_32 = tpu.memref_slice %arg2[%dma_wait3A_30, %dma_wait3A_31] : memref<20000x128xf32, #tpu.memory_space<hbm>> -> memref<200x128xf32, #tpu.memory_space<hbm>>
      %dma_wait3A_33 = arith.constant 0 : i32
      %dma_wait3A_34 = arith.constant 0 : i32
      %dma_wait3A_35 = tpu.memref_slice %arg2[%dma_wait3A_33, %dma_wait3A_34] : memref<20000x128xf32, #tpu.memory_space<hbm>> -> memref<200x128xf32, #tpu.memory_space<hbm>>
      tpu.wait_dma2 semaphore(%arg8 : memref<!tpu.dma_semaphore, #tpu.memory_space<semaphore_mem>>) src(%dma_wait3A_35 : memref<200x128xf32, #tpu.memory_space<hbm>>) dst(%arg6 : memref<200x128xf32, #tpu.memory_space<vmem>>)
      %mul3A_36 = arith.constant 200 : i32
      %mul3A_37 = arith.muli %mul3A_21, %mul3A_36 : i32
      %add3A_38 = arith.addi %mul3A_2, %mul3A_37 : i32
      "tpu.region"() ({
        %run_scoped3A = tpu.sem_alloc : memref<!tpu.dma_semaphore, #tpu.memory_space<semaphore_mem>>
        %dma_start3A_58 = arith.constant 0 : i32
        %dma_start3A_59 = tpu.memref_slice %arg4[%add3A_38, %dma_start3A_58] : memref<160000x128xf32, #tpu.memory_space<hbm>> -> memref<200x128xf32, #tpu.memory_space<hbm>>
        %dma_start3A_60 = arith.constant 0 : i32
        %dma_start3A_61 = tpu.memref_slice %arg4[%add3A_38, %dma_start3A_60] : memref<160000x128xf32, #tpu.memory_space<hbm>> -> memref<200x128xf32, #tpu.memory_space<hbm>>
        tpu.enqueue_dma source(%arg6 : memref<200x128xf32, #tpu.memory_space<vmem>>) target(%dma_start3A_61 : memref<200x128xf32, #tpu.memory_space<hbm>>) target_semaphore(%run_scoped3A : memref<!tpu.dma_semaphore, #tpu.memory_space<semaphore_mem>>)
        %dma_wait3A_62 = arith.constant 0 : i32
        %dma_wait3A_63 = tpu.memref_slice %arg4[%add3A_38, %dma_wait3A_62] : memref<160000x128xf32, #tpu.memory_space<hbm>> -> memref<200x128xf32, #tpu.memory_space<hbm>>
        %dma_wait3A_64 = arith.constant 0 : i32
        %dma_wait3A_65 = tpu.memref_slice %arg4[%add3A_38, %dma_wait3A_64] : memref<160000x128xf32, #tpu.memory_space<hbm>> -> memref<200x128xf32, #tpu.memory_space<hbm>>
        tpu.wait_dma2 semaphore(%run_scoped3A : memref<!tpu.dma_semaphore, #tpu.memory_space<semaphore_mem>>) src(%arg6 : memref<200x128xf32, #tpu.memory_space<vmem>>) dst(%dma_wait3A_65 : memref<200x128xf32, #tpu.memory_space<hbm>>)
        tpu.yield
      }) : () -> ()
      %add3A_39 = arith.constant 2 : i32
      %add3A_40 = arith.addi %mul3A_21, %add3A_39 : i32
      %mul3A_41 = arith.constant 200 : i32
      %mul3A_42 = arith.muli %add3A_40, %mul3A_41 : i32
      %dma_start3A_43 = tpu.memref_slice %arg5[%mul3A_42] : memref<5000xi32, #tpu.memory_space<vmem>> -> memref<200xi32, #tpu.memory_space<vmem>>
      %dma_start3A_44 = arith.constant 0 : i32
      %dma_start3A_45 = arith.constant 0 : i32
      %dma_start3A_46 = tpu.memref_slice %arg2[%dma_start3A_44, %dma_start3A_45] : memref<20000x128xf32, #tpu.memory_space<hbm>> -> memref<20000x128xf32, #tpu.memory_space<hbm>>
      tpu.enqueue_indirect_dma source(%dma_start3A_46 : memref<20000x128xf32, #tpu.memory_space<hbm>>) target(%arg6 : memref<200x128xf32, #tpu.memory_space<vmem>>) offsets(%dma_start3A_43 : memref<200xi32, #tpu.memory_space<vmem>>) semaphore(%arg8 : memref<!tpu.dma_semaphore, #tpu.memory_space<semaphore_mem>>)
      %dma_wait3A_47 = arith.constant 0 : i32
      %dma_wait3A_48 = arith.constant 0 : i32
      %dma_wait3A_49 = tpu.memref_slice %arg2[%dma_wait3A_47, %dma_wait3A_48] : memref<20000x128xf32, #tpu.memory_space<hbm>> -> memref<200x128xf32, #tpu.memory_space<hbm>>
      %dma_wait3A_50 = arith.constant 0 : i32
      %dma_wait3A_51 = arith.constant 0 : i32
      %dma_wait3A_52 = tpu.memref_slice %arg2[%dma_wait3A_50, %dma_wait3A_51] : memref<20000x128xf32, #tpu.memory_space<hbm>> -> memref<200x128xf32, #tpu.memory_space<hbm>>
      tpu.wait_dma2 semaphore(%arg9 : memref<!tpu.dma_semaphore, #tpu.memory_space<semaphore_mem>>) src(%dma_wait3A_52 : memref<200x128xf32, #tpu.memory_space<hbm>>) dst(%arg7 : memref<200x128xf32, #tpu.memory_space<vmem>>)
      %add3A_53 = arith.constant 1 : i32
      %add3A_54 = arith.addi %mul3A_21, %add3A_53 : i32
      %mul3A_55 = arith.constant 200 : i32
      %mul3A_56 = arith.muli %add3A_54, %mul3A_55 : i32
      %add3A_57 = arith.addi %mul3A_2, %mul3A_56 : i32
      "tpu.region"() ({
        %run_scoped3A = tpu.sem_alloc : memref<!tpu.dma_semaphore, #tpu.memory_space<semaphore_mem>>
        %dma_start3A_58 = arith.constant 0 : i32
        %dma_start3A_59 = tpu.memref_slice %arg4[%add3A_57, %dma_start3A_58] : memref<160000x128xf32, #tpu.memory_space<hbm>> -> memref<200x128xf32, #tpu.memory_space<hbm>>
        %dma_start3A_60 = arith.constant 0 : i32
        %dma_start3A_61 = tpu.memref_slice %arg4[%add3A_57, %dma_start3A_60] : memref<160000x128xf32, #tpu.memory_space<hbm>> -> memref<200x128xf32, #tpu.memory_space<hbm>>
        tpu.enqueue_dma source(%arg7 : memref<200x128xf32, #tpu.memory_space<vmem>>) target(%dma_start3A_61 : memref<200x128xf32, #tpu.memory_space<hbm>>) target_semaphore(%run_scoped3A : memref<!tpu.dma_semaphore, #tpu.memory_space<semaphore_mem>>)
        %dma_wait3A_62 = arith.constant 0 : i32
        %dma_wait3A_63 = tpu.memref_slice %arg4[%add3A_57, %dma_wait3A_62] : memref<160000x128xf32, #tpu.memory_space<hbm>> -> memref<200x128xf32, #tpu.memory_space<hbm>>
        %dma_wait3A_64 = arith.constant 0 : i32
        %dma_wait3A_65 = tpu.memref_slice %arg4[%add3A_57, %dma_wait3A_64] : memref<160000x128xf32, #tpu.memory_space<hbm>> -> memref<200x128xf32, #tpu.memory_space<hbm>>
        tpu.wait_dma2 semaphore(%run_scoped3A : memref<!tpu.dma_semaphore, #tpu.memory_space<semaphore_mem>>) src(%arg7 : memref<200x128xf32, #tpu.memory_space<vmem>>) dst(%dma_wait3A_65 : memref<200x128xf32, #tpu.memory_space<hbm>>)
        tpu.yield
      }) : () -> ()
    }
    %scan3A_11 = arith.constant 12 : i32
    %dma_wait3A = arith.constant 0 : i32
    %dma_wait3A_12 = arith.constant 0 : i32
    %dma_wait3A_13 = tpu.memref_slice %arg2[%dma_wait3A, %dma_wait3A_12] : memref<20000x128xf32, #tpu.memory_space<hbm>> -> memref<200x128xf32, #tpu.memory_space<hbm>>
    %dma_wait3A_14 = arith.constant 0 : i32
    %dma_wait3A_15 = arith.constant 0 : i32
    %dma_wait3A_16 = tpu.memref_slice %arg2[%dma_wait3A_14, %dma_wait3A_15] : memref<20000x128xf32, #tpu.memory_space<hbm>> -> memref<200x128xf32, #tpu.memory_space<hbm>>
    tpu.wait_dma2 semaphore(%arg8 : memref<!tpu.dma_semaphore, #tpu.memory_space<semaphore_mem>>) src(%dma_wait3A_16 : memref<200x128xf32, #tpu.memory_space<hbm>>) dst(%arg6 : memref<200x128xf32, #tpu.memory_space<vmem>>)
    %add3A_17 = arith.constant 4800 : i32
    %add3A_18 = arith.addi %mul3A_2, %add3A_17 : i32
    "tpu.region"() ({
      %run_scoped3A = tpu.sem_alloc : memref<!tpu.dma_semaphore, #tpu.memory_space<semaphore_mem>>
      %dma_start3A_19 = arith.constant 0 : i32
      %dma_start3A_20 = tpu.memref_slice %arg4[%add3A_18, %dma_start3A_19] : memref<160000x128xf32, #tpu.memory_space<hbm>> -> memref<200x128xf32, #tpu.memory_space<hbm>>
      %dma_start3A_21 = arith.constant 0 : i32
      %dma_start3A_22 = tpu.memref_slice %arg4[%add3A_18, %dma_start3A_21] : memref<160000x128xf32, #tpu.memory_space<hbm>> -> memref<200x128xf32, #tpu.memory_space<hbm>>
      tpu.enqueue_dma source(%arg6 : memref<200x128xf32, #tpu.memory_space<vmem>>) target(%dma_start3A_22 : memref<200x128xf32, #tpu.memory_space<hbm>>) target_semaphore(%run_scoped3A : memref<!tpu.dma_semaphore, #tpu.memory_space<semaphore_mem>>)
      %dma_wait3A_23 = arith.constant 0 : i32
      %dma_wait3A_24 = tpu.memref_slice %arg4[%add3A_18, %dma_wait3A_23] : memref<160000x128xf32, #tpu.memory_space<hbm>> -> memref<200x128xf32, #tpu.memory_space<hbm>>
      %dma_wait3A_25 = arith.constant 0 : i32
      %dma_wait3A_26 = tpu.memref_slice %arg4[%add3A_18, %dma_wait3A_25] : memref<160000x128xf32, #tpu.memory_space<hbm>> -> memref<200x128xf32, #tpu.memory_space<hbm>>
      tpu.wait_dma2 semaphore(%run_scoped3A : memref<!tpu.dma_semaphore, #tpu.memory_space<semaphore_mem>>) src(%arg6 : memref<200x128xf32, #tpu.memory_space<vmem>>) dst(%dma_wait3A_26 : memref<200x128xf32, #tpu.memory_space<hbm>>)
      tpu.yield
    }) : () -> ()
    return
  }
}

#map = affine_map<(d0, d1) -> (0, 0)>
#map1 = affine_map<(d0, d1) -> (0)>
module attributes {stable_mosaic.version = 14 : i64} {
  func.func @k(%arg0: i32, %arg1: i32, %arg2: memref<20000x128xf32, #tpu.memory_space<hbm>>, %arg3: memref<160000xi32, #tpu.memory_space<hbm>>, %arg4: memref<160000x128xf32, #tpu.memory_space<hbm>>, %arg5: memref<5000xi32, #tpu.memory_space<vmem>>, %arg6: memref<200x128xf32, #tpu.memory_space<vmem>>, %arg7: memref<200x128xf32, #tpu.memory_space<vmem>>, %arg8: memref<!tpu.dma_semaphore, #tpu.memory_space<semaphore_mem>>, %arg9: memref<!tpu.dma_semaphore, #tpu.memory_space<semaphore_mem>>) attributes {dimension_semantics = [#tpu.dimension_semantics<core_parallel>, #tpu.dimension_semantics<subcore_parallel>], iteration_bounds = array<i64: 2, 16>, scalar_prefetch = 0 : i64, scratch_operands = 5 : i64, tpu.core_type = #tpu.core_type<sc_vector_subcore>, window_params = [{transform_indices = #map}, {transform_indices = #map1}, {transform_indices = #map}]} {
    %mul3A = arith.constant 2 : i32
    %mul3A_0 = arith.muli %arg1, %mul3A : i32
    %add3A = arith.addi %mul3A_0, %arg0 : i32
    %mul3A_1 = arith.constant 5000 : i32
    %mul3A_2 = arith.muli %add3A, %mul3A_1 : i32
    "tpu.region"() ({
      %run_scoped3A = tpu.sem_alloc : memref<!tpu.dma_semaphore, #tpu.memory_space<semaphore_mem>>
      %dma_start3A_19 = tpu.memref_slice %arg3[%mul3A_2] : memref<160000xi32, #tpu.memory_space<hbm>> -> memref<5000xi32, #tpu.memory_space<hbm>>
      %dma_start3A_20 = tpu.memref_slice %arg3[%mul3A_2] : memref<160000xi32, #tpu.memory_space<hbm>> -> memref<5000xi32, #tpu.memory_space<hbm>>
      tpu.enqueue_dma source(%dma_start3A_20 : memref<5000xi32, #tpu.memory_space<hbm>>) target(%arg5 : memref<5000xi32, #tpu.memory_space<vmem>>) target_semaphore(%run_scoped3A : memref<!tpu.dma_semaphore, #tpu.memory_space<semaphore_mem>>)
      %dma_wait3A_21 = tpu.memref_slice %arg3[%mul3A_2] : memref<160000xi32, #tpu.memory_space<hbm>> -> memref<5000xi32, #tpu.memory_space<hbm>>
      %dma_wait3A_22 = tpu.memref_slice %arg3[%mul3A_2] : memref<160000xi32, #tpu.memory_space<hbm>> -> memref<5000xi32, #tpu.memory_space<hbm>>
      tpu.wait_dma2 semaphore(%run_scoped3A : memref<!tpu.dma_semaphore, #tpu.memory_space<semaphore_mem>>) src(%dma_wait3A_22 : memref<5000xi32, #tpu.memory_space<hbm>>) dst(%arg5 : memref<5000xi32, #tpu.memory_space<vmem>>)
      tpu.yield
    }) : () -> ()
    %dma_start3A = arith.constant 0 : i32
    %dma_start3A_3 = tpu.memref_slice %arg5[%dma_start3A] : memref<5000xi32, #tpu.memory_space<vmem>> -> memref<200xi32, #tpu.memory_space<vmem>>
    %dma_start3A_4 = arith.constant 0 : i32
    %dma_start3A_5 = arith.constant 0 : i32
    %dma_start3A_6 = tpu.memref_slice %arg2[%dma_start3A_4, %dma_start3A_5] : memref<20000x128xf32, #tpu.memory_space<hbm>> -> memref<20000x128xf32, #tpu.memory_space<hbm>>
    tpu.enqueue_indirect_dma source(%dma_start3A_6 : memref<20000x128xf32, #tpu.memory_space<hbm>>) target(%arg6 : memref<200x128xf32, #tpu.memory_space<vmem>>) offsets(%dma_start3A_3 : memref<200xi32, #tpu.memory_space<vmem>>) semaphore(%arg8 : memref<!tpu.dma_semaphore, #tpu.memory_space<semaphore_mem>>)
    %scan3A = arith.constant 0 : i32
    %scan3A_7 = arith.constant 0 : i32
    %scan3A_8 = arith.constant 12 : i32
    %scan3A_9 = arith.addi %scan3A_7, %scan3A_8 : i32
    %scan3A_10 = arith.constant 1 : i32
    scf.for %scan3A_19 = %scan3A_7 to %scan3A_9 step %scan3A_10  : i32 {
      %mul3A_20 = arith.constant 2 : i32
      %mul3A_21 = arith.muli %mul3A_20, %scan3A_19 : i32
      %add3A_22 = arith.constant 1 : i32
      %add3A_23 = arith.addi %mul3A_21, %add3A_22 : i32
      %mul3A_24 = arith.constant 200 : i32
      %mul3A_25 = arith.muli %add3A_23, %mul3A_24 : i32
      %dma_start3A_26 = tpu.memref_slice %arg5[%mul3A_25] : memref<5000xi32, #tpu.memory_space<vmem>> -> memref<200xi32, #tpu.memory_space<vmem>>
      %dma_start3A_27 = arith.constant 0 : i32
      %dma_start3A_28 = arith.constant 0 : i32
      %dma_start3A_29 = tpu.memref_slice %arg2[%dma_start3A_27, %dma_start3A_28] : memref<20000x128xf32, #tpu.memory_space<hbm>> -> memref<20000x128xf32, #tpu.memory_space<hbm>>
      tpu.enqueue_indirect_dma source(%dma_start3A_29 : memref<20000x128xf32, #tpu.memory_space<hbm>>) target(%arg7 : memref<200x128xf32, #tpu.memory_space<vmem>>) offsets(%dma_start3A_26 : memref<200xi32, #tpu.memory_space<vmem>>) semaphore(%arg9 : memref<!tpu.dma_semaphore, #tpu.memory_space<semaphore_mem>>)
      %dma_wait3A_30 = arith.constant 0 : i32
      %dma_wait3A_31 = arith.constant 0 : i32
      %dma_wait3A_32 = tpu.memref_slice %arg2[%dma_wait3A_30, %dma_wait3A_31] : memref<20000x128xf32, #tpu.memory_space<hbm>> -> memref<200x128xf32, #tpu.memory_space<hbm>>
      %dma_wait3A_33 = arith.constant 0 : i32
      %dma_wait3A_34 = arith.constant 0 : i32
      %dma_wait3A_35 = tpu.memref_slice %arg2[%dma_wait3A_33, %dma_wait3A_34] : memref<20000x128xf32, #tpu.memory_space<hbm>> -> memref<200x128xf32, #tpu.memory_space<hbm>>
      tpu.wait_dma2 semaphore(%arg8 : memref<!tpu.dma_semaphore, #tpu.memory_space<semaphore_mem>>) src(%dma_wait3A_35 : memref<200x128xf32, #tpu.memory_space<hbm>>) dst(%arg6 : memref<200x128xf32, #tpu.memory_space<vmem>>)
      %mul3A_36 = arith.constant 200 : i32
      %mul3A_37 = arith.muli %mul3A_21, %mul3A_36 : i32
      %add3A_38 = arith.addi %mul3A_2, %mul3A_37 : i32
      "tpu.region"() ({
        %run_scoped3A = tpu.sem_alloc : memref<!tpu.dma_semaphore, #tpu.memory_space<semaphore_mem>>
        %dma_start3A_58 = arith.constant 0 : i32
        %dma_start3A_59 = tpu.memref_slice %arg4[%add3A_38, %dma_start3A_58] : memref<160000x128xf32, #tpu.memory_space<hbm>> -> memref<200x128xf32, #tpu.memory_space<hbm>>
        %dma_start3A_60 = arith.constant 0 : i32
        %dma_start3A_61 = tpu.memref_slice %arg4[%add3A_38, %dma_start3A_60] : memref<160000x128xf32, #tpu.memory_space<hbm>> -> memref<200x128xf32, #tpu.memory_space<hbm>>
        tpu.enqueue_dma source(%arg6 : memref<200x128xf32, #tpu.memory_space<vmem>>) target(%dma_start3A_61 : memref<200x128xf32, #tpu.memory_space<hbm>>) target_semaphore(%run_scoped3A : memref<!tpu.dma_semaphore, #tpu.memory_space<semaphore_mem>>)
        %dma_wait3A_62 = arith.constant 0 : i32
        %dma_wait3A_63 = tpu.memref_slice %arg4[%add3A_38, %dma_wait3A_62] : memref<160000x128xf32, #tpu.memory_space<hbm>> -> memref<200x128xf32, #tpu.memory_space<hbm>>
        %dma_wait3A_64 = arith.constant 0 : i32
        %dma_wait3A_65 = tpu.memref_slice %arg4[%add3A_38, %dma_wait3A_64] : memref<160000x128xf32, #tpu.memory_space<hbm>> -> memref<200x128xf32, #tpu.memory_space<hbm>>
        tpu.wait_dma2 semaphore(%run_scoped3A : memref<!tpu.dma_semaphore, #tpu.memory_space<semaphore_mem>>) src(%arg6 : memref<200x128xf32, #tpu.memory_space<vmem>>) dst(%dma_wait3A_65 : memref<200x128xf32, #tpu.memory_space<hbm>>)
        tpu.yield
      }) : () -> ()
      %add3A_39 = arith.constant 2 : i32
      %add3A_40 = arith.addi %mul3A_21, %add3A_39 : i32
      %mul3A_41 = arith.constant 200 : i32
      %mul3A_42 = arith.muli %add3A_40, %mul3A_41 : i32
      %dma_start3A_43 = tpu.memref_slice %arg5[%mul3A_42] : memref<5000xi32, #tpu.memory_space<vmem>> -> memref<200xi32, #tpu.memory_space<vmem>>
      %dma_start3A_44 = arith.constant 0 : i32
      %dma_start3A_45 = arith.constant 0 : i32
      %dma_start3A_46 = tpu.memref_slice %arg2[%dma_start3A_44, %dma_start3A_45] : memref<20000x128xf32, #tpu.memory_space<hbm>> -> memref<20000x128xf32, #tpu.memory_space<hbm>>
      tpu.enqueue_indirect_dma source(%dma_start3A_46 : memref<20000x128xf32, #tpu.memory_space<hbm>>) target(%arg6 : memref<200x128xf32, #tpu.memory_space<vmem>>) offsets(%dma_start3A_43 : memref<200xi32, #tpu.memory_space<vmem>>) semaphore(%arg8 : memref<!tpu.dma_semaphore, #tpu.memory_space<semaphore_mem>>)
      %dma_wait3A_47 = arith.constant 0 : i32
      %dma_wait3A_48 = arith.constant 0 : i32
      %dma_wait3A_49 = tpu.memref_slice %arg2[%dma_wait3A_47, %dma_wait3A_48] : memref<20000x128xf32, #tpu.memory_space<hbm>> -> memref<200x128xf32, #tpu.memory_space<hbm>>
      %dma_wait3A_50 = arith.constant 0 : i32
      %dma_wait3A_51 = arith.constant 0 : i32
      %dma_wait3A_52 = tpu.memref_slice %arg2[%dma_wait3A_50, %dma_wait3A_51] : memref<20000x128xf32, #tpu.memory_space<hbm>> -> memref<200x128xf32, #tpu.memory_space<hbm>>
      tpu.wait_dma2 semaphore(%arg9 : memref<!tpu.dma_semaphore, #tpu.memory_space<semaphore_mem>>) src(%dma_wait3A_52 : memref<200x128xf32, #tpu.memory_space<hbm>>) dst(%arg7 : memref<200x128xf32, #tpu.memory_space<vmem>>)
      %add3A_53 = arith.constant 1 : i32
      %add3A_54 = arith.addi %mul3A_21, %add3A_53 : i32
      %mul3A_55 = arith.constant 200 : i32
      %mul3A_56 = arith.muli %add3A_54, %mul3A_55 : i32
      %add3A_57 = arith.addi %mul3A_2, %mul3A_56 : i32
      "tpu.region"() ({
        %run_scoped3A = tpu.sem_alloc : memref<!tpu.dma_semaphore, #tpu.memory_space<semaphore_mem>>
        %dma_start3A_58 = arith.constant 0 : i32
        %dma_start3A_59 = tpu.memref_slice %arg4[%add3A_57, %dma_start3A_58] : memref<160000x128xf32, #tpu.memory_space<hbm>> -> memref<200x128xf32, #tpu.memory_space<hbm>>
        %dma_start3A_60 = arith.constant 0 : i32
        %dma_start3A_61 = tpu.memref_slice %arg4[%add3A_57, %dma_start3A_60] : memref<160000x128xf32, #tpu.memory_space<hbm>> -> memref<200x128xf32, #tpu.memory_space<hbm>>
        tpu.enqueue_dma source(%arg7 : memref<200x128xf32, #tpu.memory_space<vmem>>) target(%dma_start3A_61 : memref<200x128xf32, #tpu.memory_space<hbm>>) target_semaphore(%run_scoped3A : memref<!tpu.dma_semaphore, #tpu.memory_space<semaphore_mem>>)
        %dma_wait3A_62 = arith.constant 0 : i32
        %dma_wait3A_63 = tpu.memref_slice %arg4[%add3A_57, %dma_wait3A_62] : memref<160000x128xf32, #tpu.memory_space<hbm>> -> memref<200x128xf32, #tpu.memory_space<hbm>>
        %dma_wait3A_64 = arith.constant 0 : i32
        %dma_wait3A_65 = tpu.memref_slice %arg4[%add3A_57, %dma_wait3A_64] : memref<160000x128xf32, #tpu.memory_space<hbm>> -> memref<200x128xf32, #tpu.memory_space<hbm>>
        tpu.wait_dma2 semaphore(%run_scoped3A : memref<!tpu.dma_semaphore, #tpu.memory_space<semaphore_mem>>) src(%arg7 : memref<200x128xf32, #tpu.memory_space<vmem>>) dst(%dma_wait3A_65 : memref<200x128xf32, #tpu.memory_space<hbm>>)
        tpu.yield
      }) : () -> ()
    }
    %scan3A_11 = arith.constant 12 : i32
    %dma_wait3A = arith.constant 0 : i32
    %dma_wait3A_12 = arith.constant 0 : i32
    %dma_wait3A_13 = tpu.memref_slice %arg2[%dma_wait3A, %dma_wait3A_12] : memref<20000x128xf32, #tpu.memory_space<hbm>> -> memref<200x128xf32, #tpu.memory_space<hbm>>
    %dma_wait3A_14 = arith.constant 0 : i32
    %dma_wait3A_15 = arith.constant 0 : i32
    %dma_wait3A_16 = tpu.memref_slice %arg2[%dma_wait3A_14, %dma_wait3A_15] : memref<20000x128xf32, #tpu.memory_space<hbm>> -> memref<200x128xf32, #tpu.memory_space<hbm>>
    tpu.wait_dma2 semaphore(%arg8 : memref<!tpu.dma_semaphore, #tpu.memory_space<semaphore_mem>>) src(%dma_wait3A_16 : memref<200x128xf32, #tpu.memory_space<hbm>>) dst(%arg6 : memref<200x128xf32, #tpu.memory_space<vmem>>)
    %add3A_17 = arith.constant 4800 : i32
    %add3A_18 = arith.addi %mul3A_2, %add3A_17 : i32
    "tpu.region"() ({
      %run_scoped3A = tpu.sem_alloc : memref<!tpu.dma_semaphore, #tpu.memory_space<semaphore_mem>>
      %dma_start3A_19 = arith.constant 0 : i32
      %dma_start3A_20 = tpu.memref_slice %arg4[%add3A_18, %dma_start3A_19] : memref<160000x128xf32, #tpu.memory_space<hbm>> -> memref<200x128xf32, #tpu.memory_space<hbm>>
      %dma_start3A_21 = arith.constant 0 : i32
      %dma_start3A_22 = tpu.memref_slice %arg4[%add3A_18, %dma_start3A_21] : memref<160000x128xf32, #tpu.memory_space<hbm>> -> memref<200x128xf32, #tpu.memory_space<hbm>>
      tpu.enqueue_dma source(%arg6 : memref<200x128xf32, #tpu.memory_space<vmem>>) target(%dma_start3A_22 : memref<200x128xf32, #tpu.memory_space<hbm>>) target_semaphore(%run_scoped3A : memref<!tpu.dma_semaphore, #tpu.memory_space<semaphore_mem>>)
      %dma_wait3A_23 = arith.constant 0 : i32
      %dma_wait3A_24 = tpu.memref_slice %arg4[%add3A_18, %dma_wait3A_23] : memref<160000x128xf32, #tpu.memory_space<hbm>> -> memref<200x128xf32, #tpu.memory_space<hbm>>
      %dma_wait3A_25 = arith.constant 0 : i32
      %dma_wait3A_26 = tpu.memref_slice %arg4[%add3A_18, %dma_wait3A_25] : memref<160000x128xf32, #tpu.memory_space<hbm>> -> memref<200x128xf32, #tpu.memory_space<hbm>>
      tpu.wait_dma2 semaphore(%run_scoped3A : memref<!tpu.dma_semaphore, #tpu.memory_space<semaphore_mem>>) src(%arg6 : memref<200x128xf32, #tpu.memory_space<vmem>>) dst(%dma_wait3A_26 : memref<200x128xf32, #tpu.memory_space<hbm>>)
      tpu.yield
    }) : () -> ()
    return
  }
}

#map = affine_map<(d0, d1) -> (0)>
module attributes {stable_mosaic.version = 14 : i64} {
  func.func @k(%arg0: i32, %arg1: i32, %arg2: memref<40000xf32, #tpu.memory_space<hbm>>, %arg3: memref<160000xi32, #tpu.memory_space<hbm>>, %arg4: memref<160000xi32, #tpu.memory_space<hbm>>, %arg5: memref<160000xf32, #tpu.memory_space<hbm>>, %arg6: memref<40000xf32, #tpu.memory_space<vmem>>, %arg7: memref<5000xi32, #tpu.memory_space<vmem>>, %arg8: memref<5000xi32, #tpu.memory_space<vmem>>, %arg9: memref<5000xf32, #tpu.memory_space<vmem>>) attributes {dimension_semantics = [#tpu.dimension_semantics<core_parallel>, #tpu.dimension_semantics<subcore_parallel>], iteration_bounds = array<i64: 2, 16>, scalar_prefetch = 0 : i64, scratch_operands = 4 : i64, tpu.core_type = #tpu.core_type<sc_vector_subcore>, window_params = [{transform_indices = #map}, {transform_indices = #map}, {transform_indices = #map}, {transform_indices = #map}]} {
    %mul3A = arith.constant 2 : i32
    %mul3A_0 = arith.muli %arg1, %mul3A : i32
    %add3A = arith.addi %mul3A_0, %arg0 : i32
    %mul3A_1 = arith.constant 5000 : i32
    %mul3A_2 = arith.muli %add3A, %mul3A_1 : i32
    "tpu.region"() ({
      %run_scoped3A = tpu.sem_alloc : memref<!tpu.dma_semaphore, #tpu.memory_space<semaphore_mem>>
      tpu.enqueue_dma source(%arg2 : memref<40000xf32, #tpu.memory_space<hbm>>) target(%arg6 : memref<40000xf32, #tpu.memory_space<vmem>>) target_semaphore(%run_scoped3A : memref<!tpu.dma_semaphore, #tpu.memory_space<semaphore_mem>>)
      tpu.wait_dma2 semaphore(%run_scoped3A : memref<!tpu.dma_semaphore, #tpu.memory_space<semaphore_mem>>) src(%arg2 : memref<40000xf32, #tpu.memory_space<hbm>>) dst(%arg6 : memref<40000xf32, #tpu.memory_space<vmem>>)
      tpu.yield
    }) : () -> ()
    "tpu.region"() ({
      %run_scoped3A = tpu.sem_alloc : memref<!tpu.dma_semaphore, #tpu.memory_space<semaphore_mem>>
      %dma_start3A = tpu.memref_slice %arg3[%mul3A_2] : memref<160000xi32, #tpu.memory_space<hbm>> -> memref<5000xi32, #tpu.memory_space<hbm>>
      %dma_start3A_53 = tpu.memref_slice %arg3[%mul3A_2] : memref<160000xi32, #tpu.memory_space<hbm>> -> memref<5000xi32, #tpu.memory_space<hbm>>
      tpu.enqueue_dma source(%dma_start3A_53 : memref<5000xi32, #tpu.memory_space<hbm>>) target(%arg7 : memref<5000xi32, #tpu.memory_space<vmem>>) target_semaphore(%run_scoped3A : memref<!tpu.dma_semaphore, #tpu.memory_space<semaphore_mem>>)
      %dma_wait3A = tpu.memref_slice %arg3[%mul3A_2] : memref<160000xi32, #tpu.memory_space<hbm>> -> memref<5000xi32, #tpu.memory_space<hbm>>
      %dma_wait3A_54 = tpu.memref_slice %arg3[%mul3A_2] : memref<160000xi32, #tpu.memory_space<hbm>> -> memref<5000xi32, #tpu.memory_space<hbm>>
      tpu.wait_dma2 semaphore(%run_scoped3A : memref<!tpu.dma_semaphore, #tpu.memory_space<semaphore_mem>>) src(%dma_wait3A_54 : memref<5000xi32, #tpu.memory_space<hbm>>) dst(%arg7 : memref<5000xi32, #tpu.memory_space<vmem>>)
      tpu.yield
    }) : () -> ()
    "tpu.region"() ({
      %run_scoped3A = tpu.sem_alloc : memref<!tpu.dma_semaphore, #tpu.memory_space<semaphore_mem>>
      %dma_start3A = tpu.memref_slice %arg4[%mul3A_2] : memref<160000xi32, #tpu.memory_space<hbm>> -> memref<5000xi32, #tpu.memory_space<hbm>>
      %dma_start3A_53 = tpu.memref_slice %arg4[%mul3A_2] : memref<160000xi32, #tpu.memory_space<hbm>> -> memref<5000xi32, #tpu.memory_space<hbm>>
      tpu.enqueue_dma source(%dma_start3A_53 : memref<5000xi32, #tpu.memory_space<hbm>>) target(%arg8 : memref<5000xi32, #tpu.memory_space<vmem>>) target_semaphore(%run_scoped3A : memref<!tpu.dma_semaphore, #tpu.memory_space<semaphore_mem>>)
      %dma_wait3A = tpu.memref_slice %arg4[%mul3A_2] : memref<160000xi32, #tpu.memory_space<hbm>> -> memref<5000xi32, #tpu.memory_space<hbm>>
      %dma_wait3A_54 = tpu.memref_slice %arg4[%mul3A_2] : memref<160000xi32, #tpu.memory_space<hbm>> -> memref<5000xi32, #tpu.memory_space<hbm>>
      tpu.wait_dma2 semaphore(%run_scoped3A : memref<!tpu.dma_semaphore, #tpu.memory_space<semaphore_mem>>) src(%dma_wait3A_54 : memref<5000xi32, #tpu.memory_space<hbm>>) dst(%arg8 : memref<5000xi32, #tpu.memory_space<vmem>>)
      tpu.yield
    }) : () -> ()
    %scan3A = arith.constant 0 : i32
    %scan3A_3 = arith.constant 0 : i32
    %scan3A_4 = arith.constant 312 : i32
    %scan3A_5 = arith.addi %scan3A_3, %scan3A_4 : i32
    %scan3A_6 = arith.constant 1 : i32
    scf.for %scan3A_53 = %scan3A_3 to %scan3A_5 step %scan3A_6  : i32 {
      %mul3A_54 = arith.constant 16 : i32
      %mul3A_55 = arith.muli %scan3A_53, %mul3A_54 : i32
      %get3A_56 = arith.index_cast %mul3A_55 : i32 to index
      %get3A_57 = tpu.vector_load %arg7[%get3A_56] {strides = array<i32>} : memref<5000xi32, #tpu.memory_space<vmem>>, vector<16xi32>,
      %mul3A_58 = arith.constant 4 : i32
      %mul3A_59 = vector.broadcast %mul3A_58 : i32 to vector<16xi32>
      %mul3A_60 = arith.muli %get3A_57, %mul3A_59 : vector<16xi32>
      %get3A_61 = arith.index_cast %mul3A_55 : i32 to index
      %get3A_62 = tpu.vector_load %arg8[%get3A_61] {strides = array<i32>} : memref<5000xi32, #tpu.memory_space<vmem>>, vector<16xi32>,
      %mul3A_63 = arith.constant 4 : i32
      %mul3A_64 = vector.broadcast %mul3A_63 : i32 to vector<16xi32>
      %mul3A_65 = arith.muli %get3A_62, %mul3A_64 : vector<16xi32>
      %broadcast_in_dim3A_66 = arith.constant 0.000000e+00 : f32
      %broadcast_in_dim3A_67 = vector.broadcast %broadcast_in_dim3A_66 : f32 to vector<16xf32>
      %add3A_68 = arith.constant 0 : i32
      %add3A_69 = vector.broadcast %add3A_68 : i32 to vector<16xi32>
      %add3A_70 = arith.addi %mul3A_60, %add3A_69 : vector<16xi32>
      %gather3A_71 = tpu.vector_load_idx %arg6[%add3A_70] : memref<40000xf32, #tpu.memory_space<vmem>>[vector<16xi32>], vector<16xf32>,
      %add3A_72 = arith.constant 0 : i32
      %add3A_73 = vector.broadcast %add3A_72 : i32 to vector<16xi32>
      %add3A_74 = arith.addi %mul3A_65, %add3A_73 : vector<16xi32>
      %gather3A_75 = tpu.vector_load_idx %arg6[%add3A_74] : memref<40000xf32, #tpu.memory_space<vmem>>[vector<16xi32>], vector<16xf32>,
      %sub3A_76 = arith.subf %gather3A_71, %gather3A_75 : vector<16xf32>
      %sub3A_77 = arith.subf %gather3A_71, %gather3A_75 : vector<16xf32>
      %mul3A_78 = arith.mulf %sub3A_76, %sub3A_77 : vector<16xf32>
      %add3A_79 = arith.addf %broadcast_in_dim3A_67, %mul3A_78 : vector<16xf32>
      %add3A_80 = arith.constant 1 : i32
      %add3A_81 = vector.broadcast %add3A_80 : i32 to vector<16xi32>
      %add3A_82 = arith.addi %mul3A_60, %add3A_81 : vector<16xi32>
      %gather3A_83 = tpu.vector_load_idx %arg6[%add3A_82] : memref<40000xf32, #tpu.memory_space<vmem>>[vector<16xi32>], vector<16xf32>,
      %add3A_84 = arith.constant 1 : i32
      %add3A_85 = vector.broadcast %add3A_84 : i32 to vector<16xi32>
      %add3A_86 = arith.addi %mul3A_65, %add3A_85 : vector<16xi32>
      %gather3A_87 = tpu.vector_load_idx %arg6[%add3A_86] : memref<40000xf32, #tpu.memory_space<vmem>>[vector<16xi32>], vector<16xf32>,
      %sub3A_88 = arith.subf %gather3A_83, %gather3A_87 : vector<16xf32>
      %sub3A_89 = arith.subf %gather3A_83, %gather3A_87 : vector<16xf32>
      %mul3A_90 = arith.mulf %sub3A_88, %sub3A_89 : vector<16xf32>
      %add3A_91 = arith.addf %add3A_79, %mul3A_90 : vector<16xf32>
      %add3A_92 = arith.constant 2 : i32
      %add3A_93 = vector.broadcast %add3A_92 : i32 to vector<16xi32>
      %add3A_94 = arith.addi %mul3A_60, %add3A_93 : vector<16xi32>
      %gather3A_95 = tpu.vector_load_idx %arg6[%add3A_94] : memref<40000xf32, #tpu.memory_space<vmem>>[vector<16xi32>], vector<16xf32>,
      %add3A_96 = arith.constant 2 : i32
      %add3A_97 = vector.broadcast %add3A_96 : i32 to vector<16xi32>
      %add3A_98 = arith.addi %mul3A_65, %add3A_97 : vector<16xi32>
      %gather3A_99 = tpu.vector_load_idx %arg6[%add3A_98] : memref<40000xf32, #tpu.memory_space<vmem>>[vector<16xi32>], vector<16xf32>,
      %sub3A_100 = arith.subf %gather3A_95, %gather3A_99 : vector<16xf32>
      %sub3A_101 = arith.subf %gather3A_95, %gather3A_99 : vector<16xf32>
      %mul3A_102 = arith.mulf %sub3A_100, %sub3A_101 : vector<16xf32>
      %add3A_103 = arith.addf %add3A_91, %mul3A_102 : vector<16xf32>
      %swap3A_104 = arith.index_cast %mul3A_55 : i32 to index
      %swap3A_105 = tpu.vector_load %arg9[%swap3A_104] {strides = array<i32>} : memref<5000xf32, #tpu.memory_space<vmem>>, vector<16xf32>,
      tpu.vector_store %arg9[%swap3A_104], %add3A_103 {strides = array<i32>} : memref<5000xf32, #tpu.memory_space<vmem>>, vector<16xf32>,
    }
    %scan3A_7 = arith.constant 312 : i32
    %get3A = arith.constant 4984 : index
    %get3A_8 = tpu.vector_load %arg7[%get3A] {strides = array<i32>} : memref<5000xi32, #tpu.memory_space<vmem>>, vector<16xi32>,
    %mul3A_9 = arith.constant 4 : i32
    %mul3A_10 = vector.broadcast %mul3A_9 : i32 to vector<16xi32>
    %mul3A_11 = arith.muli %get3A_8, %mul3A_10 : vector<16xi32>
    %get3A_12 = arith.constant 4984 : index
    %get3A_13 = tpu.vector_load %arg8[%get3A_12] {strides = array<i32>} : memref<5000xi32, #tpu.memory_space<vmem>>, vector<16xi32>,
    %mul3A_14 = arith.constant 4 : i32
    %mul3A_15 = vector.broadcast %mul3A_14 : i32 to vector<16xi32>
    %mul3A_16 = arith.muli %get3A_13, %mul3A_15 : vector<16xi32>
    %broadcast_in_dim3A = arith.constant 0.000000e+00 : f32
    %broadcast_in_dim3A_17 = vector.broadcast %broadcast_in_dim3A : f32 to vector<16xf32>
    %add3A_18 = arith.constant 0 : i32
    %add3A_19 = vector.broadcast %add3A_18 : i32 to vector<16xi32>
    %add3A_20 = arith.addi %mul3A_11, %add3A_19 : vector<16xi32>
    %gather3A = tpu.vector_load_idx %arg6[%add3A_20] : memref<40000xf32, #tpu.memory_space<vmem>>[vector<16xi32>], vector<16xf32>,
    %add3A_21 = arith.constant 0 : i32
    %add3A_22 = vector.broadcast %add3A_21 : i32 to vector<16xi32>
    %add3A_23 = arith.addi %mul3A_16, %add3A_22 : vector<16xi32>
    %gather3A_24 = tpu.vector_load_idx %arg6[%add3A_23] : memref<40000xf32, #tpu.memory_space<vmem>>[vector<16xi32>], vector<16xf32>,
    %sub3A = arith.subf %gather3A, %gather3A_24 : vector<16xf32>
    %sub3A_25 = arith.subf %gather3A, %gather3A_24 : vector<16xf32>
    %mul3A_26 = arith.mulf %sub3A, %sub3A_25 : vector<16xf32>
    %add3A_27 = arith.addf %broadcast_in_dim3A_17, %mul3A_26 : vector<16xf32>
    %add3A_28 = arith.constant 1 : i32
    %add3A_29 = vector.broadcast %add3A_28 : i32 to vector<16xi32>
    %add3A_30 = arith.addi %mul3A_11, %add3A_29 : vector<16xi32>
    %gather3A_31 = tpu.vector_load_idx %arg6[%add3A_30] : memref<40000xf32, #tpu.memory_space<vmem>>[vector<16xi32>], vector<16xf32>,
    %add3A_32 = arith.constant 1 : i32
    %add3A_33 = vector.broadcast %add3A_32 : i32 to vector<16xi32>
    %add3A_34 = arith.addi %mul3A_16, %add3A_33 : vector<16xi32>
    %gather3A_35 = tpu.vector_load_idx %arg6[%add3A_34] : memref<40000xf32, #tpu.memory_space<vmem>>[vector<16xi32>], vector<16xf32>,
    %sub3A_36 = arith.subf %gather3A_31, %gather3A_35 : vector<16xf32>
    %sub3A_37 = arith.subf %gather3A_31, %gather3A_35 : vector<16xf32>
    %mul3A_38 = arith.mulf %sub3A_36, %sub3A_37 : vector<16xf32>
    %add3A_39 = arith.addf %add3A_27, %mul3A_38 : vector<16xf32>
    %add3A_40 = arith.constant 2 : i32
    %add3A_41 = vector.broadcast %add3A_40 : i32 to vector<16xi32>
    %add3A_42 = arith.addi %mul3A_11, %add3A_41 : vector<16xi32>
    %gather3A_43 = tpu.vector_load_idx %arg6[%add3A_42] : memref<40000xf32, #tpu.memory_space<vmem>>[vector<16xi32>], vector<16xf32>,
    %add3A_44 = arith.constant 2 : i32
    %add3A_45 = vector.broadcast %add3A_44 : i32 to vector<16xi32>
    %add3A_46 = arith.addi %mul3A_16, %add3A_45 : vector<16xi32>
    %gather3A_47 = tpu.vector_load_idx %arg6[%add3A_46] : memref<40000xf32, #tpu.memory_space<vmem>>[vector<16xi32>], vector<16xf32>,
    %sub3A_48 = arith.subf %gather3A_43, %gather3A_47 : vector<16xf32>
    %sub3A_49 = arith.subf %gather3A_43, %gather3A_47 : vector<16xf32>
    %mul3A_50 = arith.mulf %sub3A_48, %sub3A_49 : vector<16xf32>
    %add3A_51 = arith.addf %add3A_39, %mul3A_50 : vector<16xf32>
    %swap3A = arith.constant 4984 : index
    %swap3A_52 = tpu.vector_load %arg9[%swap3A] {strides = array<i32>} : memref<5000xf32, #tpu.memory_space<vmem>>, vector<16xf32>,
    tpu.vector_store %arg9[%swap3A], %add3A_51 {strides = array<i32>} : memref<5000xf32, #tpu.memory_space<vmem>>, vector<16xf32>,
    "tpu.region"() ({
      %run_scoped3A = tpu.sem_alloc : memref<!tpu.dma_semaphore, #tpu.memory_space<semaphore_mem>>
      %dma_start3A = tpu.memref_slice %arg5[%mul3A_2] : memref<160000xf32, #tpu.memory_space<hbm>> -> memref<5000xf32, #tpu.memory_space<hbm>>
      %dma_start3A_53 = tpu.memref_slice %arg5[%mul3A_2] : memref<160000xf32, #tpu.memory_space<hbm>> -> memref<5000xf32, #tpu.memory_space<hbm>>
      tpu.enqueue_dma source(%arg9 : memref<5000xf32, #tpu.memory_space<vmem>>) target(%dma_start3A_53 : memref<5000xf32, #tpu.memory_space<hbm>>) target_semaphore(%run_scoped3A : memref<!tpu.dma_semaphore, #tpu.memory_space<semaphore_mem>>)
      %dma_wait3A = tpu.memref_slice %arg5[%mul3A_2] : memref<160000xf32, #tpu.memory_space<hbm>> -> memref<5000xf32, #tpu.memory_space<hbm>>
      %dma_wait3A_54 = tpu.memref_slice %arg5[%mul3A_2] : memref<160000xf32, #tpu.memory_space<hbm>> -> memref<5000xf32, #tpu.memory_space<hbm>>
      tpu.wait_dma2 semaphore(%run_scoped3A : memref<!tpu.dma_semaphore, #tpu.memory_space<semaphore_mem>>) src(%arg9 : memref<5000xf32, #tpu.memory_space<vmem>>) dst(%dma_wait3A_54 : memref<5000xf32, #tpu.memory_space<hbm>>)
      tpu.yield
    }) : () -> ()
    return
  }
}

#map = affine_map<(d0, d1) -> (0, 0)>
#map1 = affine_map<(d0, d1) -> (0)>
module attributes {stable_mosaic.version = 14 : i64} {
  func.func @k(%arg0: i32, %arg1: i32, %arg2: memref<20000x128xf32, #tpu.memory_space<hbm>>, %arg3: memref<160000xi32, #tpu.memory_space<hbm>>, %arg4: memref<160000x128xf32, #tpu.memory_space<hbm>>, %arg5: memref<5000xi32, #tpu.memory_space<vmem>>, %arg6: memref<200x128xf32, #tpu.memory_space<vmem>>, %arg7: memref<200x128xf32, #tpu.memory_space<vmem>>, %arg8: memref<!tpu.dma_semaphore, #tpu.memory_space<semaphore_mem>>, %arg9: memref<!tpu.dma_semaphore, #tpu.memory_space<semaphore_mem>>) attributes {dimension_semantics = [#tpu.dimension_semantics<core_parallel>, #tpu.dimension_semantics<subcore_parallel>], iteration_bounds = array<i64: 2, 16>, scalar_prefetch = 0 : i64, scratch_operands = 5 : i64, tpu.core_type = #tpu.core_type<sc_vector_subcore>, window_params = [{transform_indices = #map}, {transform_indices = #map1}, {transform_indices = #map}]} {
    %mul3A = arith.constant 2 : i32
    %mul3A_0 = arith.muli %arg1, %mul3A : i32
    %add3A = arith.addi %mul3A_0, %arg0 : i32
    %mul3A_1 = arith.constant 5000 : i32
    %mul3A_2 = arith.muli %add3A, %mul3A_1 : i32
    "tpu.region"() ({
      %run_scoped3A = tpu.sem_alloc : memref<!tpu.dma_semaphore, #tpu.memory_space<semaphore_mem>>
      %dma_start3A_19 = tpu.memref_slice %arg3[%mul3A_2] : memref<160000xi32, #tpu.memory_space<hbm>> -> memref<5000xi32, #tpu.memory_space<hbm>>
      %dma_start3A_20 = tpu.memref_slice %arg3[%mul3A_2] : memref<160000xi32, #tpu.memory_space<hbm>> -> memref<5000xi32, #tpu.memory_space<hbm>>
      tpu.enqueue_dma source(%dma_start3A_20 : memref<5000xi32, #tpu.memory_space<hbm>>) target(%arg5 : memref<5000xi32, #tpu.memory_space<vmem>>) target_semaphore(%run_scoped3A : memref<!tpu.dma_semaphore, #tpu.memory_space<semaphore_mem>>)
      %dma_wait3A_21 = tpu.memref_slice %arg3[%mul3A_2] : memref<160000xi32, #tpu.memory_space<hbm>> -> memref<5000xi32, #tpu.memory_space<hbm>>
      %dma_wait3A_22 = tpu.memref_slice %arg3[%mul3A_2] : memref<160000xi32, #tpu.memory_space<hbm>> -> memref<5000xi32, #tpu.memory_space<hbm>>
      tpu.wait_dma2 semaphore(%run_scoped3A : memref<!tpu.dma_semaphore, #tpu.memory_space<semaphore_mem>>) src(%dma_wait3A_22 : memref<5000xi32, #tpu.memory_space<hbm>>) dst(%arg5 : memref<5000xi32, #tpu.memory_space<vmem>>)
      tpu.yield
    }) : () -> ()
    %dma_start3A = arith.constant 0 : i32
    %dma_start3A_3 = tpu.memref_slice %arg5[%dma_start3A] : memref<5000xi32, #tpu.memory_space<vmem>> -> memref<200xi32, #tpu.memory_space<vmem>>
    %dma_start3A_4 = arith.constant 0 : i32
    %dma_start3A_5 = arith.constant 0 : i32
    %dma_start3A_6 = tpu.memref_slice %arg2[%dma_start3A_4, %dma_start3A_5] : memref<20000x128xf32, #tpu.memory_space<hbm>> -> memref<20000x128xf32, #tpu.memory_space<hbm>>
    tpu.enqueue_indirect_dma source(%dma_start3A_6 : memref<20000x128xf32, #tpu.memory_space<hbm>>) target(%arg6 : memref<200x128xf32, #tpu.memory_space<vmem>>) offsets(%dma_start3A_3 : memref<200xi32, #tpu.memory_space<vmem>>) semaphore(%arg8 : memref<!tpu.dma_semaphore, #tpu.memory_space<semaphore_mem>>)
    %scan3A = arith.constant 0 : i32
    %scan3A_7 = arith.constant 0 : i32
    %scan3A_8 = arith.constant 12 : i32
    %scan3A_9 = arith.addi %scan3A_7, %scan3A_8 : i32
    %scan3A_10 = arith.constant 1 : i32
    scf.for %scan3A_19 = %scan3A_7 to %scan3A_9 step %scan3A_10  : i32 {
      %mul3A_20 = arith.constant 2 : i32
      %mul3A_21 = arith.muli %mul3A_20, %scan3A_19 : i32
      %add3A_22 = arith.constant 1 : i32
      %add3A_23 = arith.addi %mul3A_21, %add3A_22 : i32
      %mul3A_24 = arith.constant 200 : i32
      %mul3A_25 = arith.muli %add3A_23, %mul3A_24 : i32
      %dma_start3A_26 = tpu.memref_slice %arg5[%mul3A_25] : memref<5000xi32, #tpu.memory_space<vmem>> -> memref<200xi32, #tpu.memory_space<vmem>>
      %dma_start3A_27 = arith.constant 0 : i32
      %dma_start3A_28 = arith.constant 0 : i32
      %dma_start3A_29 = tpu.memref_slice %arg2[%dma_start3A_27, %dma_start3A_28] : memref<20000x128xf32, #tpu.memory_space<hbm>> -> memref<20000x128xf32, #tpu.memory_space<hbm>>
      tpu.enqueue_indirect_dma source(%dma_start3A_29 : memref<20000x128xf32, #tpu.memory_space<hbm>>) target(%arg7 : memref<200x128xf32, #tpu.memory_space<vmem>>) offsets(%dma_start3A_26 : memref<200xi32, #tpu.memory_space<vmem>>) semaphore(%arg9 : memref<!tpu.dma_semaphore, #tpu.memory_space<semaphore_mem>>)
      %dma_wait3A_30 = arith.constant 0 : i32
      %dma_wait3A_31 = arith.constant 0 : i32
      %dma_wait3A_32 = tpu.memref_slice %arg2[%dma_wait3A_30, %dma_wait3A_31] : memref<20000x128xf32, #tpu.memory_space<hbm>> -> memref<200x128xf32, #tpu.memory_space<hbm>>
      %dma_wait3A_33 = arith.constant 0 : i32
      %dma_wait3A_34 = arith.constant 0 : i32
      %dma_wait3A_35 = tpu.memref_slice %arg2[%dma_wait3A_33, %dma_wait3A_34] : memref<20000x128xf32, #tpu.memory_space<hbm>> -> memref<200x128xf32, #tpu.memory_space<hbm>>
      tpu.wait_dma2 semaphore(%arg8 : memref<!tpu.dma_semaphore, #tpu.memory_space<semaphore_mem>>) src(%dma_wait3A_35 : memref<200x128xf32, #tpu.memory_space<hbm>>) dst(%arg6 : memref<200x128xf32, #tpu.memory_space<vmem>>)
      %mul3A_36 = arith.constant 200 : i32
      %mul3A_37 = arith.muli %mul3A_21, %mul3A_36 : i32
      %add3A_38 = arith.addi %mul3A_2, %mul3A_37 : i32
      "tpu.region"() ({
        %run_scoped3A = tpu.sem_alloc : memref<!tpu.dma_semaphore, #tpu.memory_space<semaphore_mem>>
        %dma_start3A_58 = arith.constant 0 : i32
        %dma_start3A_59 = tpu.memref_slice %arg4[%add3A_38, %dma_start3A_58] : memref<160000x128xf32, #tpu.memory_space<hbm>> -> memref<200x128xf32, #tpu.memory_space<hbm>>
        %dma_start3A_60 = arith.constant 0 : i32
        %dma_start3A_61 = tpu.memref_slice %arg4[%add3A_38, %dma_start3A_60] : memref<160000x128xf32, #tpu.memory_space<hbm>> -> memref<200x128xf32, #tpu.memory_space<hbm>>
        tpu.enqueue_dma source(%arg6 : memref<200x128xf32, #tpu.memory_space<vmem>>) target(%dma_start3A_61 : memref<200x128xf32, #tpu.memory_space<hbm>>) target_semaphore(%run_scoped3A : memref<!tpu.dma_semaphore, #tpu.memory_space<semaphore_mem>>)
        %dma_wait3A_62 = arith.constant 0 : i32
        %dma_wait3A_63 = tpu.memref_slice %arg4[%add3A_38, %dma_wait3A_62] : memref<160000x128xf32, #tpu.memory_space<hbm>> -> memref<200x128xf32, #tpu.memory_space<hbm>>
        %dma_wait3A_64 = arith.constant 0 : i32
        %dma_wait3A_65 = tpu.memref_slice %arg4[%add3A_38, %dma_wait3A_64] : memref<160000x128xf32, #tpu.memory_space<hbm>> -> memref<200x128xf32, #tpu.memory_space<hbm>>
        tpu.wait_dma2 semaphore(%run_scoped3A : memref<!tpu.dma_semaphore, #tpu.memory_space<semaphore_mem>>) src(%arg6 : memref<200x128xf32, #tpu.memory_space<vmem>>) dst(%dma_wait3A_65 : memref<200x128xf32, #tpu.memory_space<hbm>>)
        tpu.yield
      }) : () -> ()
      %add3A_39 = arith.constant 2 : i32
      %add3A_40 = arith.addi %mul3A_21, %add3A_39 : i32
      %mul3A_41 = arith.constant 200 : i32
      %mul3A_42 = arith.muli %add3A_40, %mul3A_41 : i32
      %dma_start3A_43 = tpu.memref_slice %arg5[%mul3A_42] : memref<5000xi32, #tpu.memory_space<vmem>> -> memref<200xi32, #tpu.memory_space<vmem>>
      %dma_start3A_44 = arith.constant 0 : i32
      %dma_start3A_45 = arith.constant 0 : i32
      %dma_start3A_46 = tpu.memref_slice %arg2[%dma_start3A_44, %dma_start3A_45] : memref<20000x128xf32, #tpu.memory_space<hbm>> -> memref<20000x128xf32, #tpu.memory_space<hbm>>
      tpu.enqueue_indirect_dma source(%dma_start3A_46 : memref<20000x128xf32, #tpu.memory_space<hbm>>) target(%arg6 : memref<200x128xf32, #tpu.memory_space<vmem>>) offsets(%dma_start3A_43 : memref<200xi32, #tpu.memory_space<vmem>>) semaphore(%arg8 : memref<!tpu.dma_semaphore, #tpu.memory_space<semaphore_mem>>)
      %dma_wait3A_47 = arith.constant 0 : i32
      %dma_wait3A_48 = arith.constant 0 : i32
      %dma_wait3A_49 = tpu.memref_slice %arg2[%dma_wait3A_47, %dma_wait3A_48] : memref<20000x128xf32, #tpu.memory_space<hbm>> -> memref<200x128xf32, #tpu.memory_space<hbm>>
      %dma_wait3A_50 = arith.constant 0 : i32
      %dma_wait3A_51 = arith.constant 0 : i32
      %dma_wait3A_52 = tpu.memref_slice %arg2[%dma_wait3A_50, %dma_wait3A_51] : memref<20000x128xf32, #tpu.memory_space<hbm>> -> memref<200x128xf32, #tpu.memory_space<hbm>>
      tpu.wait_dma2 semaphore(%arg9 : memref<!tpu.dma_semaphore, #tpu.memory_space<semaphore_mem>>) src(%dma_wait3A_52 : memref<200x128xf32, #tpu.memory_space<hbm>>) dst(%arg7 : memref<200x128xf32, #tpu.memory_space<vmem>>)
      %add3A_53 = arith.constant 1 : i32
      %add3A_54 = arith.addi %mul3A_21, %add3A_53 : i32
      %mul3A_55 = arith.constant 200 : i32
      %mul3A_56 = arith.muli %add3A_54, %mul3A_55 : i32
      %add3A_57 = arith.addi %mul3A_2, %mul3A_56 : i32
      "tpu.region"() ({
        %run_scoped3A = tpu.sem_alloc : memref<!tpu.dma_semaphore, #tpu.memory_space<semaphore_mem>>
        %dma_start3A_58 = arith.constant 0 : i32
        %dma_start3A_59 = tpu.memref_slice %arg4[%add3A_57, %dma_start3A_58] : memref<160000x128xf32, #tpu.memory_space<hbm>> -> memref<200x128xf32, #tpu.memory_space<hbm>>
        %dma_start3A_60 = arith.constant 0 : i32
        %dma_start3A_61 = tpu.memref_slice %arg4[%add3A_57, %dma_start3A_60] : memref<160000x128xf32, #tpu.memory_space<hbm>> -> memref<200x128xf32, #tpu.memory_space<hbm>>
        tpu.enqueue_dma source(%arg7 : memref<200x128xf32, #tpu.memory_space<vmem>>) target(%dma_start3A_61 : memref<200x128xf32, #tpu.memory_space<hbm>>) target_semaphore(%run_scoped3A : memref<!tpu.dma_semaphore, #tpu.memory_space<semaphore_mem>>)
        %dma_wait3A_62 = arith.constant 0 : i32
        %dma_wait3A_63 = tpu.memref_slice %arg4[%add3A_57, %dma_wait3A_62] : memref<160000x128xf32, #tpu.memory_space<hbm>> -> memref<200x128xf32, #tpu.memory_space<hbm>>
        %dma_wait3A_64 = arith.constant 0 : i32
        %dma_wait3A_65 = tpu.memref_slice %arg4[%add3A_57, %dma_wait3A_64] : memref<160000x128xf32, #tpu.memory_space<hbm>> -> memref<200x128xf32, #tpu.memory_space<hbm>>
        tpu.wait_dma2 semaphore(%run_scoped3A : memref<!tpu.dma_semaphore, #tpu.memory_space<semaphore_mem>>) src(%arg7 : memref<200x128xf32, #tpu.memory_space<vmem>>) dst(%dma_wait3A_65 : memref<200x128xf32, #tpu.memory_space<hbm>>)
        tpu.yield
      }) : () -> ()
    }
    %scan3A_11 = arith.constant 12 : i32
    %dma_wait3A = arith.constant 0 : i32
    %dma_wait3A_12 = arith.constant 0 : i32
    %dma_wait3A_13 = tpu.memref_slice %arg2[%dma_wait3A, %dma_wait3A_12] : memref<20000x128xf32, #tpu.memory_space<hbm>> -> memref<200x128xf32, #tpu.memory_space<hbm>>
    %dma_wait3A_14 = arith.constant 0 : i32
    %dma_wait3A_15 = arith.constant 0 : i32
    %dma_wait3A_16 = tpu.memref_slice %arg2[%dma_wait3A_14, %dma_wait3A_15] : memref<20000x128xf32, #tpu.memory_space<hbm>> -> memref<200x128xf32, #tpu.memory_space<hbm>>
    tpu.wait_dma2 semaphore(%arg8 : memref<!tpu.dma_semaphore, #tpu.memory_space<semaphore_mem>>) src(%dma_wait3A_16 : memref<200x128xf32, #tpu.memory_space<hbm>>) dst(%arg6 : memref<200x128xf32, #tpu.memory_space<vmem>>)
    %add3A_17 = arith.constant 4800 : i32
    %add3A_18 = arith.addi %mul3A_2, %add3A_17 : i32
    "tpu.region"() ({
      %run_scoped3A = tpu.sem_alloc : memref<!tpu.dma_semaphore, #tpu.memory_space<semaphore_mem>>
      %dma_start3A_19 = arith.constant 0 : i32
      %dma_start3A_20 = tpu.memref_slice %arg4[%add3A_18, %dma_start3A_19] : memref<160000x128xf32, #tpu.memory_space<hbm>> -> memref<200x128xf32, #tpu.memory_space<hbm>>
      %dma_start3A_21 = arith.constant 0 : i32
      %dma_start3A_22 = tpu.memref_slice %arg4[%add3A_18, %dma_start3A_21] : memref<160000x128xf32, #tpu.memory_space<hbm>> -> memref<200x128xf32, #tpu.memory_space<hbm>>
      tpu.enqueue_dma source(%arg6 : memref<200x128xf32, #tpu.memory_space<vmem>>) target(%dma_start3A_22 : memref<200x128xf32, #tpu.memory_space<hbm>>) target_semaphore(%run_scoped3A : memref<!tpu.dma_semaphore, #tpu.memory_space<semaphore_mem>>)
      %dma_wait3A_23 = arith.constant 0 : i32
      %dma_wait3A_24 = tpu.memref_slice %arg4[%add3A_18, %dma_wait3A_23] : memref<160000x128xf32, #tpu.memory_space<hbm>> -> memref<200x128xf32, #tpu.memory_space<hbm>>
      %dma_wait3A_25 = arith.constant 0 : i32
      %dma_wait3A_26 = tpu.memref_slice %arg4[%add3A_18, %dma_wait3A_25] : memref<160000x128xf32, #tpu.memory_space<hbm>> -> memref<200x128xf32, #tpu.memory_space<hbm>>
      tpu.wait_dma2 semaphore(%run_scoped3A : memref<!tpu.dma_semaphore, #tpu.memory_space<semaphore_mem>>) src(%arg6 : memref<200x128xf32, #tpu.memory_space<vmem>>) dst(%dma_wait3A_26 : memref<200x128xf32, #tpu.memory_space<hbm>>)
      tpu.yield
    }) : () -> ()
    return
  }
}

#map = affine_map<(d0, d1) -> (0, 0, 0)>
#map1 = affine_map<(d0, d1) -> (0)>
#map2 = affine_map<(d0, d1) -> (0, 0)>
module attributes {stable_mosaic.version = 14 : i64} {
  func.func @k(%arg0: i32, %arg1: i32, %arg2: memref<2x160000x128xf32, #tpu.memory_space<hbm>>, %arg3: memref<160000xi32, #tpu.memory_space<hbm>>, %arg4: memref<10112x128xf32, #tpu.memory_space<hbm>>, %arg5: memref<2x10112x128xf32, #tpu.memory_space<hbm>>, %arg6: memref<200xi32, #tpu.memory_space<vmem>>, %arg7: memref<200x128xf32, #tpu.memory_space<vmem>>, %arg8: memref<10112x128xf32, #tpu.memory_space<vmem_shared>>, %arg9: memref<!tpu.dma_semaphore, #tpu.memory_space<semaphore_mem>>) attributes {dimension_semantics = [#tpu.dimension_semantics<core_parallel>, #tpu.dimension_semantics<subcore_parallel>], iteration_bounds = array<i64: 2, 16>, scalar_prefetch = 0 : i64, scratch_operands = 4 : i64, tpu.core_type = #tpu.core_type<sc_vector_subcore>, window_params = [{transform_indices = #map}, {transform_indices = #map1}, {transform_indices = #map2}, {transform_indices = #map}]} {
    %mul3A = arith.constant 16 : i32
    %mul3A_0 = arith.muli %arg0, %mul3A : i32
    %add3A = arith.addi %mul3A_0, %arg1 : i32
    %mul3A_1 = arith.constant 5000 : i32
    %mul3A_2 = arith.muli %add3A, %mul3A_1 : i32
    %mul3A_3 = arith.constant 632 : i32
    %mul3A_4 = arith.muli %arg1, %mul3A_3 : i32
    "tpu.region"() ({
      %run_scoped3A = tpu.sem_alloc : memref<!tpu.dma_semaphore, #tpu.memory_space<semaphore_mem>>
      %dma_start3A = arith.constant 0 : i32
      %dma_start3A_11 = tpu.memref_slice %arg8[%mul3A_4, %dma_start3A] : memref<10112x128xf32, #tpu.memory_space<vmem_shared>> -> memref<632x128xf32, #tpu.memory_space<vmem_shared>>
      %dma_start3A_12 = arith.constant 0 : i32
      %dma_start3A_13 = tpu.memref_slice %arg4[%mul3A_4, %dma_start3A_12] : memref<10112x128xf32, #tpu.memory_space<hbm>> -> memref<632x128xf32, #tpu.memory_space<hbm>>
      tpu.enqueue_dma source(%dma_start3A_13 : memref<632x128xf32, #tpu.memory_space<hbm>>) target(%dma_start3A_11 : memref<632x128xf32, #tpu.memory_space<vmem_shared>>) target_semaphore(%run_scoped3A : memref<!tpu.dma_semaphore, #tpu.memory_space<semaphore_mem>>)
      %dma_wait3A = arith.constant 0 : i32
      %dma_wait3A_14 = tpu.memref_slice %arg8[%mul3A_4, %dma_wait3A] : memref<10112x128xf32, #tpu.memory_space<vmem_shared>> -> memref<632x128xf32, #tpu.memory_space<vmem_shared>>
      %dma_wait3A_15 = arith.constant 0 : i32
      %dma_wait3A_16 = tpu.memref_slice %arg4[%mul3A_4, %dma_wait3A_15] : memref<10112x128xf32, #tpu.memory_space<hbm>> -> memref<632x128xf32, #tpu.memory_space<hbm>>
      tpu.wait_dma2 semaphore(%run_scoped3A : memref<!tpu.dma_semaphore, #tpu.memory_space<semaphore_mem>>) src(%dma_wait3A_16 : memref<632x128xf32, #tpu.memory_space<hbm>>) dst(%dma_wait3A_14 : memref<632x128xf32, #tpu.memory_space<vmem_shared>>)
      tpu.yield
    }) : () -> ()
    %barrier3A = arith.constant 0 : index
    tpu.barrier barrier_id(%barrier3A)
    %scan3A = arith.constant 0 : i32
    %scan3A_5 = arith.constant 0 : i32
    %scan3A_6 = arith.constant 25 : i32
    %scan3A_7 = arith.addi %scan3A_5, %scan3A_6 : i32
    %scan3A_8 = arith.constant 1 : i32
    scf.for %scan3A_11 = %scan3A_5 to %scan3A_7 step %scan3A_8  : i32 {
      %mul3A_12 = arith.constant 200 : i32
      %mul3A_13 = arith.muli %scan3A_11, %mul3A_12 : i32
      %add3A_14 = arith.addi %mul3A_2, %mul3A_13 : i32
      "tpu.region"() ({
        %run_scoped3A = tpu.sem_alloc : memref<!tpu.dma_semaphore, #tpu.memory_space<semaphore_mem>>
        %dma_start3A_27 = tpu.memref_slice %arg3[%add3A_14] : memref<160000xi32, #tpu.memory_space<hbm>> -> memref<200xi32, #tpu.memory_space<hbm>>
        %dma_start3A_28 = tpu.memref_slice %arg3[%add3A_14] : memref<160000xi32, #tpu.memory_space<hbm>> -> memref<200xi32, #tpu.memory_space<hbm>>
        tpu.enqueue_dma source(%dma_start3A_28 : memref<200xi32, #tpu.memory_space<hbm>>) target(%arg6 : memref<200xi32, #tpu.memory_space<vmem>>) target_semaphore(%run_scoped3A : memref<!tpu.dma_semaphore, #tpu.memory_space<semaphore_mem>>)
        %dma_wait3A_29 = tpu.memref_slice %arg3[%add3A_14] : memref<160000xi32, #tpu.memory_space<hbm>> -> memref<200xi32, #tpu.memory_space<hbm>>
        %dma_wait3A_30 = tpu.memref_slice %arg3[%add3A_14] : memref<160000xi32, #tpu.memory_space<hbm>> -> memref<200xi32, #tpu.memory_space<hbm>>
        tpu.wait_dma2 semaphore(%run_scoped3A : memref<!tpu.dma_semaphore, #tpu.memory_space<semaphore_mem>>) src(%dma_wait3A_30 : memref<200xi32, #tpu.memory_space<hbm>>) dst(%arg6 : memref<200xi32, #tpu.memory_space<vmem>>)
        tpu.yield
      }) : () -> ()
      %dma_start3A = arith.constant 0 : i32
      %dma_start3A_15 = arith.constant 0 : i32
      %dma_start3A_16 = tpu.memref_slice %arg2[%dma_start3A, %add3A_14, %dma_start3A_15] : memref<2x160000x128xf32, #tpu.memory_space<hbm>> -> memref<1x200x128xf32, #tpu.memory_space<hbm>>
      %dma_start3A_17 = tpu.memref_squeeze %dma_start3A_16 : memref<1x200x128xf32, #tpu.memory_space<hbm>> -> memref<200x128xf32, #tpu.memory_space<hbm>>
      %dma_start3A_18 = arith.constant 0 : i32
      %dma_start3A_19 = tpu.memref_slice %arg2[%dma_start3A, %add3A_14, %dma_start3A_18] : memref<2x160000x128xf32, #tpu.memory_space<hbm>> -> memref<1x200x128xf32, #tpu.memory_space<hbm>>
      %dma_start3A_20 = tpu.memref_squeeze %dma_start3A_19 : memref<1x200x128xf32, #tpu.memory_space<hbm>> -> memref<200x128xf32, #tpu.memory_space<hbm>>
      tpu.enqueue_dma source(%dma_start3A_20 : memref<200x128xf32, #tpu.memory_space<hbm>>) target(%arg7 : memref<200x128xf32, #tpu.memory_space<vmem>>) target_semaphore(%arg9 : memref<!tpu.dma_semaphore, #tpu.memory_space<semaphore_mem>>)
      %dma_wait3A = arith.constant 0 : i32
      %dma_wait3A_21 = arith.constant 0 : i32
      %dma_wait3A_22 = tpu.memref_slice %arg2[%dma_wait3A, %add3A_14, %dma_wait3A_21] : memref<2x160000x128xf32, #tpu.memory_space<hbm>> -> memref<1x200x128xf32, #tpu.memory_space<hbm>>
      %dma_wait3A_23 = tpu.memref_squeeze %dma_wait3A_22 : memref<1x200x128xf32, #tpu.memory_space<hbm>> -> memref<200x128xf32, #tpu.memory_space<hbm>>
      %dma_wait3A_24 = arith.constant 0 : i32
      %dma_wait3A_25 = tpu.memref_slice %arg2[%dma_wait3A, %add3A_14, %dma_wait3A_24] : memref<2x160000x128xf32, #tpu.memory_space<hbm>> -> memref<1x200x128xf32, #tpu.memory_space<hbm>>
      %dma_wait3A_26 = tpu.memref_squeeze %dma_wait3A_25 : memref<1x200x128xf32, #tpu.memory_space<hbm>> -> memref<200x128xf32, #tpu.memory_space<hbm>>
      tpu.wait_dma2 semaphore(%arg9 : memref<!tpu.dma_semaphore, #tpu.memory_space<semaphore_mem>>) src(%dma_wait3A_26 : memref<200x128xf32, #tpu.memory_space<hbm>>) dst(%arg7 : memref<200x128xf32, #tpu.memory_space<vmem>>)
      "tpu.region"() ({
        %run_scoped3A = tpu.sem_alloc : memref<!tpu.dma_semaphore, #tpu.memory_space<semaphore_mem>>
        %dma_start3A_27 = arith.constant 0 : i32
        %dma_start3A_28 = arith.constant 0 : i32
        %dma_start3A_29 = tpu.memref_slice %arg8[%dma_start3A_27, %dma_start3A_28] : memref<10112x128xf32, #tpu.memory_space<vmem_shared>> -> memref<10112x128xf32, #tpu.memory_space<vmem_shared>>
        tpu.enqueue_indirect_dma source(%arg7 : memref<200x128xf32, #tpu.memory_space<vmem>>) target(%dma_start3A_29 : memref<10112x128xf32, #tpu.memory_space<vmem_shared>>) offsets(%arg6 : memref<200xi32, #tpu.memory_space<vmem>>) semaphore(%run_scoped3A : memref<!tpu.dma_semaphore, #tpu.memory_space<semaphore_mem>>) {add = true}
        %dma_wait3A_30 = arith.constant 0 : i32
        %dma_wait3A_31 = arith.constant 0 : i32
        %dma_wait3A_32 = tpu.memref_slice %arg8[%dma_wait3A_30, %dma_wait3A_31] : memref<10112x128xf32, #tpu.memory_space<vmem_shared>> -> memref<10112x128xf32, #tpu.memory_space<vmem_shared>>
        tpu.wait_indirect_dma semaphore(%run_scoped3A : memref<!tpu.dma_semaphore, #tpu.memory_space<semaphore_mem>>) src(%arg7 : memref<200x128xf32, #tpu.memory_space<vmem>>) dst(%dma_wait3A_32 : memref<10112x128xf32, #tpu.memory_space<vmem_shared>>)
        tpu.yield
      }) : () -> ()
    }
    %scan3A_9 = arith.constant 25 : i32
    %barrier3A_10 = arith.constant 0 : index
    tpu.barrier barrier_id(%barrier3A_10)
    "tpu.region"() ({
      %run_scoped3A = tpu.sem_alloc : memref<!tpu.dma_semaphore, #tpu.memory_space<semaphore_mem>>
      %dma_start3A = arith.constant 0 : i32
      %dma_start3A_11 = tpu.memref_slice %arg5[%arg0, %mul3A_4, %dma_start3A] : memref<2x10112x128xf32, #tpu.memory_space<hbm>> -> memref<1x632x128xf32, #tpu.memory_space<hbm>>
      %dma_start3A_12 = tpu.memref_squeeze %dma_start3A_11 : memref<1x632x128xf32, #tpu.memory_space<hbm>> -> memref<632x128xf32, #tpu.memory_space<hbm>>
      %dma_start3A_13 = arith.constant 0 : i32
      %dma_start3A_14 = tpu.memref_slice %arg8[%mul3A_4, %dma_start3A_13] : memref<10112x128xf32, #tpu.memory_space<vmem_shared>> -> memref<632x128xf32, #tpu.memory_space<vmem_shared>>
      tpu.enqueue_dma source(%dma_start3A_14 : memref<632x128xf32, #tpu.memory_space<vmem_shared>>) target(%dma_start3A_12 : memref<632x128xf32, #tpu.memory_space<hbm>>) target_semaphore(%run_scoped3A : memref<!tpu.dma_semaphore, #tpu.memory_space<semaphore_mem>>)
      %dma_wait3A = arith.constant 0 : i32
      %dma_wait3A_15 = tpu.memref_slice %arg5[%arg0, %mul3A_4, %dma_wait3A] : memref<2x10112x128xf32, #tpu.memory_space<hbm>> -> memref<1x632x128xf32, #tpu.memory_space<hbm>>
      %dma_wait3A_16 = tpu.memref_squeeze %dma_wait3A_15 : memref<1x632x128xf32, #tpu.memory_space<hbm>> -> memref<632x128xf32, #tpu.memory_space<hbm>>
      %dma_wait3A_17 = arith.constant 0 : i32
      %dma_wait3A_18 = tpu.memref_slice %arg8[%mul3A_4, %dma_wait3A_17] : memref<10112x128xf32, #tpu.memory_space<vmem_shared>> -> memref<632x128xf32, #tpu.memory_space<vmem_shared>>
      tpu.wait_dma2 semaphore(%run_scoped3A : memref<!tpu.dma_semaphore, #tpu.memory_space<semaphore_mem>>) src(%dma_wait3A_18 : memref<632x128xf32, #tpu.memory_space<vmem_shared>>) dst(%dma_wait3A_16 : memref<632x128xf32, #tpu.memory_space<hbm>>)
      tpu.yield
    }) : () -> ()
    return
  }
}

#map = affine_map<(d0, d1) -> (0, 0)>
#map1 = affine_map<(d0, d1) -> (0)>
module attributes {stable_mosaic.version = 14 : i64} {
  func.func @k(%arg0: i32, %arg1: i32, %arg2: memref<20000x128xf32, #tpu.memory_space<hbm>>, %arg3: memref<160000xi32, #tpu.memory_space<hbm>>, %arg4: memref<160000x128xf32, #tpu.memory_space<hbm>>, %arg5: memref<5000xi32, #tpu.memory_space<vmem>>, %arg6: memref<200x128xf32, #tpu.memory_space<vmem>>, %arg7: memref<200x128xf32, #tpu.memory_space<vmem>>, %arg8: memref<!tpu.dma_semaphore, #tpu.memory_space<semaphore_mem>>, %arg9: memref<!tpu.dma_semaphore, #tpu.memory_space<semaphore_mem>>) attributes {dimension_semantics = [#tpu.dimension_semantics<core_parallel>, #tpu.dimension_semantics<subcore_parallel>], iteration_bounds = array<i64: 2, 16>, scalar_prefetch = 0 : i64, scratch_operands = 5 : i64, tpu.core_type = #tpu.core_type<sc_vector_subcore>, window_params = [{transform_indices = #map}, {transform_indices = #map1}, {transform_indices = #map}]} {
    %mul3A = arith.constant 2 : i32
    %mul3A_0 = arith.muli %arg1, %mul3A : i32
    %add3A = arith.addi %mul3A_0, %arg0 : i32
    %mul3A_1 = arith.constant 5000 : i32
    %mul3A_2 = arith.muli %add3A, %mul3A_1 : i32
    "tpu.region"() ({
      %run_scoped3A = tpu.sem_alloc : memref<!tpu.dma_semaphore, #tpu.memory_space<semaphore_mem>>
      %dma_start3A_19 = tpu.memref_slice %arg3[%mul3A_2] : memref<160000xi32, #tpu.memory_space<hbm>> -> memref<5000xi32, #tpu.memory_space<hbm>>
      %dma_start3A_20 = tpu.memref_slice %arg3[%mul3A_2] : memref<160000xi32, #tpu.memory_space<hbm>> -> memref<5000xi32, #tpu.memory_space<hbm>>
      tpu.enqueue_dma source(%dma_start3A_20 : memref<5000xi32, #tpu.memory_space<hbm>>) target(%arg5 : memref<5000xi32, #tpu.memory_space<vmem>>) target_semaphore(%run_scoped3A : memref<!tpu.dma_semaphore, #tpu.memory_space<semaphore_mem>>)
      %dma_wait3A_21 = tpu.memref_slice %arg3[%mul3A_2] : memref<160000xi32, #tpu.memory_space<hbm>> -> memref<5000xi32, #tpu.memory_space<hbm>>
      %dma_wait3A_22 = tpu.memref_slice %arg3[%mul3A_2] : memref<160000xi32, #tpu.memory_space<hbm>> -> memref<5000xi32, #tpu.memory_space<hbm>>
      tpu.wait_dma2 semaphore(%run_scoped3A : memref<!tpu.dma_semaphore, #tpu.memory_space<semaphore_mem>>) src(%dma_wait3A_22 : memref<5000xi32, #tpu.memory_space<hbm>>) dst(%arg5 : memref<5000xi32, #tpu.memory_space<vmem>>)
      tpu.yield
    }) : () -> ()
    %dma_start3A = arith.constant 0 : i32
    %dma_start3A_3 = tpu.memref_slice %arg5[%dma_start3A] : memref<5000xi32, #tpu.memory_space<vmem>> -> memref<200xi32, #tpu.memory_space<vmem>>
    %dma_start3A_4 = arith.constant 0 : i32
    %dma_start3A_5 = arith.constant 0 : i32
    %dma_start3A_6 = tpu.memref_slice %arg2[%dma_start3A_4, %dma_start3A_5] : memref<20000x128xf32, #tpu.memory_space<hbm>> -> memref<20000x128xf32, #tpu.memory_space<hbm>>
    tpu.enqueue_indirect_dma source(%dma_start3A_6 : memref<20000x128xf32, #tpu.memory_space<hbm>>) target(%arg6 : memref<200x128xf32, #tpu.memory_space<vmem>>) offsets(%dma_start3A_3 : memref<200xi32, #tpu.memory_space<vmem>>) semaphore(%arg8 : memref<!tpu.dma_semaphore, #tpu.memory_space<semaphore_mem>>)
    %scan3A = arith.constant 0 : i32
    %scan3A_7 = arith.constant 0 : i32
    %scan3A_8 = arith.constant 12 : i32
    %scan3A_9 = arith.addi %scan3A_7, %scan3A_8 : i32
    %scan3A_10 = arith.constant 1 : i32
    scf.for %scan3A_19 = %scan3A_7 to %scan3A_9 step %scan3A_10  : i32 {
      %mul3A_20 = arith.constant 2 : i32
      %mul3A_21 = arith.muli %mul3A_20, %scan3A_19 : i32
      %add3A_22 = arith.constant 1 : i32
      %add3A_23 = arith.addi %mul3A_21, %add3A_22 : i32
      %mul3A_24 = arith.constant 200 : i32
      %mul3A_25 = arith.muli %add3A_23, %mul3A_24 : i32
      %dma_start3A_26 = tpu.memref_slice %arg5[%mul3A_25] : memref<5000xi32, #tpu.memory_space<vmem>> -> memref<200xi32, #tpu.memory_space<vmem>>
      %dma_start3A_27 = arith.constant 0 : i32
      %dma_start3A_28 = arith.constant 0 : i32
      %dma_start3A_29 = tpu.memref_slice %arg2[%dma_start3A_27, %dma_start3A_28] : memref<20000x128xf32, #tpu.memory_space<hbm>> -> memref<20000x128xf32, #tpu.memory_space<hbm>>
      tpu.enqueue_indirect_dma source(%dma_start3A_29 : memref<20000x128xf32, #tpu.memory_space<hbm>>) target(%arg7 : memref<200x128xf32, #tpu.memory_space<vmem>>) offsets(%dma_start3A_26 : memref<200xi32, #tpu.memory_space<vmem>>) semaphore(%arg9 : memref<!tpu.dma_semaphore, #tpu.memory_space<semaphore_mem>>)
      %dma_wait3A_30 = arith.constant 0 : i32
      %dma_wait3A_31 = arith.constant 0 : i32
      %dma_wait3A_32 = tpu.memref_slice %arg2[%dma_wait3A_30, %dma_wait3A_31] : memref<20000x128xf32, #tpu.memory_space<hbm>> -> memref<200x128xf32, #tpu.memory_space<hbm>>
      %dma_wait3A_33 = arith.constant 0 : i32
      %dma_wait3A_34 = arith.constant 0 : i32
      %dma_wait3A_35 = tpu.memref_slice %arg2[%dma_wait3A_33, %dma_wait3A_34] : memref<20000x128xf32, #tpu.memory_space<hbm>> -> memref<200x128xf32, #tpu.memory_space<hbm>>
      tpu.wait_dma2 semaphore(%arg8 : memref<!tpu.dma_semaphore, #tpu.memory_space<semaphore_mem>>) src(%dma_wait3A_35 : memref<200x128xf32, #tpu.memory_space<hbm>>) dst(%arg6 : memref<200x128xf32, #tpu.memory_space<vmem>>)
      %mul3A_36 = arith.constant 200 : i32
      %mul3A_37 = arith.muli %mul3A_21, %mul3A_36 : i32
      %add3A_38 = arith.addi %mul3A_2, %mul3A_37 : i32
      "tpu.region"() ({
        %run_scoped3A = tpu.sem_alloc : memref<!tpu.dma_semaphore, #tpu.memory_space<semaphore_mem>>
        %dma_start3A_58 = arith.constant 0 : i32
        %dma_start3A_59 = tpu.memref_slice %arg4[%add3A_38, %dma_start3A_58] : memref<160000x128xf32, #tpu.memory_space<hbm>> -> memref<200x128xf32, #tpu.memory_space<hbm>>
        %dma_start3A_60 = arith.constant 0 : i32
        %dma_start3A_61 = tpu.memref_slice %arg4[%add3A_38, %dma_start3A_60] : memref<160000x128xf32, #tpu.memory_space<hbm>> -> memref<200x128xf32, #tpu.memory_space<hbm>>
        tpu.enqueue_dma source(%arg6 : memref<200x128xf32, #tpu.memory_space<vmem>>) target(%dma_start3A_61 : memref<200x128xf32, #tpu.memory_space<hbm>>) target_semaphore(%run_scoped3A : memref<!tpu.dma_semaphore, #tpu.memory_space<semaphore_mem>>)
        %dma_wait3A_62 = arith.constant 0 : i32
        %dma_wait3A_63 = tpu.memref_slice %arg4[%add3A_38, %dma_wait3A_62] : memref<160000x128xf32, #tpu.memory_space<hbm>> -> memref<200x128xf32, #tpu.memory_space<hbm>>
        %dma_wait3A_64 = arith.constant 0 : i32
        %dma_wait3A_65 = tpu.memref_slice %arg4[%add3A_38, %dma_wait3A_64] : memref<160000x128xf32, #tpu.memory_space<hbm>> -> memref<200x128xf32, #tpu.memory_space<hbm>>
        tpu.wait_dma2 semaphore(%run_scoped3A : memref<!tpu.dma_semaphore, #tpu.memory_space<semaphore_mem>>) src(%arg6 : memref<200x128xf32, #tpu.memory_space<vmem>>) dst(%dma_wait3A_65 : memref<200x128xf32, #tpu.memory_space<hbm>>)
        tpu.yield
      }) : () -> ()
      %add3A_39 = arith.constant 2 : i32
      %add3A_40 = arith.addi %mul3A_21, %add3A_39 : i32
      %mul3A_41 = arith.constant 200 : i32
      %mul3A_42 = arith.muli %add3A_40, %mul3A_41 : i32
      %dma_start3A_43 = tpu.memref_slice %arg5[%mul3A_42] : memref<5000xi32, #tpu.memory_space<vmem>> -> memref<200xi32, #tpu.memory_space<vmem>>
      %dma_start3A_44 = arith.constant 0 : i32
      %dma_start3A_45 = arith.constant 0 : i32
      %dma_start3A_46 = tpu.memref_slice %arg2[%dma_start3A_44, %dma_start3A_45] : memref<20000x128xf32, #tpu.memory_space<hbm>> -> memref<20000x128xf32, #tpu.memory_space<hbm>>
      tpu.enqueue_indirect_dma source(%dma_start3A_46 : memref<20000x128xf32, #tpu.memory_space<hbm>>) target(%arg6 : memref<200x128xf32, #tpu.memory_space<vmem>>) offsets(%dma_start3A_43 : memref<200xi32, #tpu.memory_space<vmem>>) semaphore(%arg8 : memref<!tpu.dma_semaphore, #tpu.memory_space<semaphore_mem>>)
      %dma_wait3A_47 = arith.constant 0 : i32
      %dma_wait3A_48 = arith.constant 0 : i32
      %dma_wait3A_49 = tpu.memref_slice %arg2[%dma_wait3A_47, %dma_wait3A_48] : memref<20000x128xf32, #tpu.memory_space<hbm>> -> memref<200x128xf32, #tpu.memory_space<hbm>>
      %dma_wait3A_50 = arith.constant 0 : i32
      %dma_wait3A_51 = arith.constant 0 : i32
      %dma_wait3A_52 = tpu.memref_slice %arg2[%dma_wait3A_50, %dma_wait3A_51] : memref<20000x128xf32, #tpu.memory_space<hbm>> -> memref<200x128xf32, #tpu.memory_space<hbm>>
      tpu.wait_dma2 semaphore(%arg9 : memref<!tpu.dma_semaphore, #tpu.memory_space<semaphore_mem>>) src(%dma_wait3A_52 : memref<200x128xf32, #tpu.memory_space<hbm>>) dst(%arg7 : memref<200x128xf32, #tpu.memory_space<vmem>>)
      %add3A_53 = arith.constant 1 : i32
      %add3A_54 = arith.addi %mul3A_21, %add3A_53 : i32
      %mul3A_55 = arith.constant 200 : i32
      %mul3A_56 = arith.muli %add3A_54, %mul3A_55 : i32
      %add3A_57 = arith.addi %mul3A_2, %mul3A_56 : i32
      "tpu.region"() ({
        %run_scoped3A = tpu.sem_alloc : memref<!tpu.dma_semaphore, #tpu.memory_space<semaphore_mem>>
        %dma_start3A_58 = arith.constant 0 : i32
        %dma_start3A_59 = tpu.memref_slice %arg4[%add3A_57, %dma_start3A_58] : memref<160000x128xf32, #tpu.memory_space<hbm>> -> memref<200x128xf32, #tpu.memory_space<hbm>>
        %dma_start3A_60 = arith.constant 0 : i32
        %dma_start3A_61 = tpu.memref_slice %arg4[%add3A_57, %dma_start3A_60] : memref<160000x128xf32, #tpu.memory_space<hbm>> -> memref<200x128xf32, #tpu.memory_space<hbm>>
        tpu.enqueue_dma source(%arg7 : memref<200x128xf32, #tpu.memory_space<vmem>>) target(%dma_start3A_61 : memref<200x128xf32, #tpu.memory_space<hbm>>) target_semaphore(%run_scoped3A : memref<!tpu.dma_semaphore, #tpu.memory_space<semaphore_mem>>)
        %dma_wait3A_62 = arith.constant 0 : i32
        %dma_wait3A_63 = tpu.memref_slice %arg4[%add3A_57, %dma_wait3A_62] : memref<160000x128xf32, #tpu.memory_space<hbm>> -> memref<200x128xf32, #tpu.memory_space<hbm>>
        %dma_wait3A_64 = arith.constant 0 : i32
        %dma_wait3A_65 = tpu.memref_slice %arg4[%add3A_57, %dma_wait3A_64] : memref<160000x128xf32, #tpu.memory_space<hbm>> -> memref<200x128xf32, #tpu.memory_space<hbm>>
        tpu.wait_dma2 semaphore(%run_scoped3A : memref<!tpu.dma_semaphore, #tpu.memory_space<semaphore_mem>>) src(%arg7 : memref<200x128xf32, #tpu.memory_space<vmem>>) dst(%dma_wait3A_65 : memref<200x128xf32, #tpu.memory_space<hbm>>)
        tpu.yield
      }) : () -> ()
    }
    %scan3A_11 = arith.constant 12 : i32
    %dma_wait3A = arith.constant 0 : i32
    %dma_wait3A_12 = arith.constant 0 : i32
    %dma_wait3A_13 = tpu.memref_slice %arg2[%dma_wait3A, %dma_wait3A_12] : memref<20000x128xf32, #tpu.memory_space<hbm>> -> memref<200x128xf32, #tpu.memory_space<hbm>>
    %dma_wait3A_14 = arith.constant 0 : i32
    %dma_wait3A_15 = arith.constant 0 : i32
    %dma_wait3A_16 = tpu.memref_slice %arg2[%dma_wait3A_14, %dma_wait3A_15] : memref<20000x128xf32, #tpu.memory_space<hbm>> -> memref<200x128xf32, #tpu.memory_space<hbm>>
    tpu.wait_dma2 semaphore(%arg8 : memref<!tpu.dma_semaphore, #tpu.memory_space<semaphore_mem>>) src(%dma_wait3A_16 : memref<200x128xf32, #tpu.memory_space<hbm>>) dst(%arg6 : memref<200x128xf32, #tpu.memory_space<vmem>>)
    %add3A_17 = arith.constant 4800 : i32
    %add3A_18 = arith.addi %mul3A_2, %add3A_17 : i32
    "tpu.region"() ({
      %run_scoped3A = tpu.sem_alloc : memref<!tpu.dma_semaphore, #tpu.memory_space<semaphore_mem>>
      %dma_start3A_19 = arith.constant 0 : i32
      %dma_start3A_20 = tpu.memref_slice %arg4[%add3A_18, %dma_start3A_19] : memref<160000x128xf32, #tpu.memory_space<hbm>> -> memref<200x128xf32, #tpu.memory_space<hbm>>
      %dma_start3A_21 = arith.constant 0 : i32
      %dma_start3A_22 = tpu.memref_slice %arg4[%add3A_18, %dma_start3A_21] : memref<160000x128xf32, #tpu.memory_space<hbm>> -> memref<200x128xf32, #tpu.memory_space<hbm>>
      tpu.enqueue_dma source(%arg6 : memref<200x128xf32, #tpu.memory_space<vmem>>) target(%dma_start3A_22 : memref<200x128xf32, #tpu.memory_space<hbm>>) target_semaphore(%run_scoped3A : memref<!tpu.dma_semaphore, #tpu.memory_space<semaphore_mem>>)
      %dma_wait3A_23 = arith.constant 0 : i32
      %dma_wait3A_24 = tpu.memref_slice %arg4[%add3A_18, %dma_wait3A_23] : memref<160000x128xf32, #tpu.memory_space<hbm>> -> memref<200x128xf32, #tpu.memory_space<hbm>>
      %dma_wait3A_25 = arith.constant 0 : i32
      %dma_wait3A_26 = tpu.memref_slice %arg4[%add3A_18, %dma_wait3A_25] : memref<160000x128xf32, #tpu.memory_space<hbm>> -> memref<200x128xf32, #tpu.memory_space<hbm>>
      tpu.wait_dma2 semaphore(%run_scoped3A : memref<!tpu.dma_semaphore, #tpu.memory_space<semaphore_mem>>) src(%arg6 : memref<200x128xf32, #tpu.memory_space<vmem>>) dst(%dma_wait3A_26 : memref<200x128xf32, #tpu.memory_space<hbm>>)
      tpu.yield
    }) : () -> ()
    return
  }
}

#map = affine_map<(d0, d1) -> (0, 0, 0)>
#map1 = affine_map<(d0, d1) -> (0)>
#map2 = affine_map<(d0, d1) -> (0, 0)>
module attributes {stable_mosaic.version = 14 : i64} {
  func.func @k(%arg0: i32, %arg1: i32, %arg2: memref<2x160000x128xf32, #tpu.memory_space<hbm>>, %arg3: memref<160000xi32, #tpu.memory_space<hbm>>, %arg4: memref<10112x128xf32, #tpu.memory_space<hbm>>, %arg5: memref<2x10112x128xf32, #tpu.memory_space<hbm>>, %arg6: memref<200xi32, #tpu.memory_space<vmem>>, %arg7: memref<200x128xf32, #tpu.memory_space<vmem>>, %arg8: memref<10112x128xf32, #tpu.memory_space<vmem_shared>>, %arg9: memref<!tpu.dma_semaphore, #tpu.memory_space<semaphore_mem>>) attributes {dimension_semantics = [#tpu.dimension_semantics<core_parallel>, #tpu.dimension_semantics<subcore_parallel>], iteration_bounds = array<i64: 2, 16>, scalar_prefetch = 0 : i64, scratch_operands = 4 : i64, tpu.core_type = #tpu.core_type<sc_vector_subcore>, window_params = [{transform_indices = #map}, {transform_indices = #map1}, {transform_indices = #map2}, {transform_indices = #map}]} {
    %mul3A = arith.constant 16 : i32
    %mul3A_0 = arith.muli %arg0, %mul3A : i32
    %add3A = arith.addi %mul3A_0, %arg1 : i32
    %mul3A_1 = arith.constant 5000 : i32
    %mul3A_2 = arith.muli %add3A, %mul3A_1 : i32
    %mul3A_3 = arith.constant 632 : i32
    %mul3A_4 = arith.muli %arg1, %mul3A_3 : i32
    "tpu.region"() ({
      %run_scoped3A = tpu.sem_alloc : memref<!tpu.dma_semaphore, #tpu.memory_space<semaphore_mem>>
      %dma_start3A = arith.constant 0 : i32
      %dma_start3A_11 = tpu.memref_slice %arg8[%mul3A_4, %dma_start3A] : memref<10112x128xf32, #tpu.memory_space<vmem_shared>> -> memref<632x128xf32, #tpu.memory_space<vmem_shared>>
      %dma_start3A_12 = arith.constant 0 : i32
      %dma_start3A_13 = tpu.memref_slice %arg4[%mul3A_4, %dma_start3A_12] : memref<10112x128xf32, #tpu.memory_space<hbm>> -> memref<632x128xf32, #tpu.memory_space<hbm>>
      tpu.enqueue_dma source(%dma_start3A_13 : memref<632x128xf32, #tpu.memory_space<hbm>>) target(%dma_start3A_11 : memref<632x128xf32, #tpu.memory_space<vmem_shared>>) target_semaphore(%run_scoped3A : memref<!tpu.dma_semaphore, #tpu.memory_space<semaphore_mem>>)
      %dma_wait3A = arith.constant 0 : i32
      %dma_wait3A_14 = tpu.memref_slice %arg8[%mul3A_4, %dma_wait3A] : memref<10112x128xf32, #tpu.memory_space<vmem_shared>> -> memref<632x128xf32, #tpu.memory_space<vmem_shared>>
      %dma_wait3A_15 = arith.constant 0 : i32
      %dma_wait3A_16 = tpu.memref_slice %arg4[%mul3A_4, %dma_wait3A_15] : memref<10112x128xf32, #tpu.memory_space<hbm>> -> memref<632x128xf32, #tpu.memory_space<hbm>>
      tpu.wait_dma2 semaphore(%run_scoped3A : memref<!tpu.dma_semaphore, #tpu.memory_space<semaphore_mem>>) src(%dma_wait3A_16 : memref<632x128xf32, #tpu.memory_space<hbm>>) dst(%dma_wait3A_14 : memref<632x128xf32, #tpu.memory_space<vmem_shared>>)
      tpu.yield
    }) : () -> ()
    %barrier3A = arith.constant 0 : index
    tpu.barrier barrier_id(%barrier3A)
    %scan3A = arith.constant 0 : i32
    %scan3A_5 = arith.constant 0 : i32
    %scan3A_6 = arith.constant 25 : i32
    %scan3A_7 = arith.addi %scan3A_5, %scan3A_6 : i32
    %scan3A_8 = arith.constant 1 : i32
    scf.for %scan3A_11 = %scan3A_5 to %scan3A_7 step %scan3A_8  : i32 {
      %mul3A_12 = arith.constant 200 : i32
      %mul3A_13 = arith.muli %scan3A_11, %mul3A_12 : i32
      %add3A_14 = arith.addi %mul3A_2, %mul3A_13 : i32
      "tpu.region"() ({
        %run_scoped3A = tpu.sem_alloc : memref<!tpu.dma_semaphore, #tpu.memory_space<semaphore_mem>>
        %dma_start3A_27 = tpu.memref_slice %arg3[%add3A_14] : memref<160000xi32, #tpu.memory_space<hbm>> -> memref<200xi32, #tpu.memory_space<hbm>>
        %dma_start3A_28 = tpu.memref_slice %arg3[%add3A_14] : memref<160000xi32, #tpu.memory_space<hbm>> -> memref<200xi32, #tpu.memory_space<hbm>>
        tpu.enqueue_dma source(%dma_start3A_28 : memref<200xi32, #tpu.memory_space<hbm>>) target(%arg6 : memref<200xi32, #tpu.memory_space<vmem>>) target_semaphore(%run_scoped3A : memref<!tpu.dma_semaphore, #tpu.memory_space<semaphore_mem>>)
        %dma_wait3A_29 = tpu.memref_slice %arg3[%add3A_14] : memref<160000xi32, #tpu.memory_space<hbm>> -> memref<200xi32, #tpu.memory_space<hbm>>
        %dma_wait3A_30 = tpu.memref_slice %arg3[%add3A_14] : memref<160000xi32, #tpu.memory_space<hbm>> -> memref<200xi32, #tpu.memory_space<hbm>>
        tpu.wait_dma2 semaphore(%run_scoped3A : memref<!tpu.dma_semaphore, #tpu.memory_space<semaphore_mem>>) src(%dma_wait3A_30 : memref<200xi32, #tpu.memory_space<hbm>>) dst(%arg6 : memref<200xi32, #tpu.memory_space<vmem>>)
        tpu.yield
      }) : () -> ()
      %dma_start3A = arith.constant 1 : i32
      %dma_start3A_15 = arith.constant 0 : i32
      %dma_start3A_16 = tpu.memref_slice %arg2[%dma_start3A, %add3A_14, %dma_start3A_15] : memref<2x160000x128xf32, #tpu.memory_space<hbm>> -> memref<1x200x128xf32, #tpu.memory_space<hbm>>
      %dma_start3A_17 = tpu.memref_squeeze %dma_start3A_16 : memref<1x200x128xf32, #tpu.memory_space<hbm>> -> memref<200x128xf32, #tpu.memory_space<hbm>>
      %dma_start3A_18 = arith.constant 0 : i32
      %dma_start3A_19 = tpu.memref_slice %arg2[%dma_start3A, %add3A_14, %dma_start3A_18] : memref<2x160000x128xf32, #tpu.memory_space<hbm>> -> memref<1x200x128xf32, #tpu.memory_space<hbm>>
      %dma_start3A_20 = tpu.memref_squeeze %dma_start3A_19 : memref<1x200x128xf32, #tpu.memory_space<hbm>> -> memref<200x128xf32, #tpu.memory_space<hbm>>
      tpu.enqueue_dma source(%dma_start3A_20 : memref<200x128xf32, #tpu.memory_space<hbm>>) target(%arg7 : memref<200x128xf32, #tpu.memory_space<vmem>>) target_semaphore(%arg9 : memref<!tpu.dma_semaphore, #tpu.memory_space<semaphore_mem>>)
      %dma_wait3A = arith.constant 1 : i32
      %dma_wait3A_21 = arith.constant 0 : i32
      %dma_wait3A_22 = tpu.memref_slice %arg2[%dma_wait3A, %add3A_14, %dma_wait3A_21] : memref<2x160000x128xf32, #tpu.memory_space<hbm>> -> memref<1x200x128xf32, #tpu.memory_space<hbm>>
      %dma_wait3A_23 = tpu.memref_squeeze %dma_wait3A_22 : memref<1x200x128xf32, #tpu.memory_space<hbm>> -> memref<200x128xf32, #tpu.memory_space<hbm>>
      %dma_wait3A_24 = arith.constant 0 : i32
      %dma_wait3A_25 = tpu.memref_slice %arg2[%dma_wait3A, %add3A_14, %dma_wait3A_24] : memref<2x160000x128xf32, #tpu.memory_space<hbm>> -> memref<1x200x128xf32, #tpu.memory_space<hbm>>
      %dma_wait3A_26 = tpu.memref_squeeze %dma_wait3A_25 : memref<1x200x128xf32, #tpu.memory_space<hbm>> -> memref<200x128xf32, #tpu.memory_space<hbm>>
      tpu.wait_dma2 semaphore(%arg9 : memref<!tpu.dma_semaphore, #tpu.memory_space<semaphore_mem>>) src(%dma_wait3A_26 : memref<200x128xf32, #tpu.memory_space<hbm>>) dst(%arg7 : memref<200x128xf32, #tpu.memory_space<vmem>>)
      "tpu.region"() ({
        %run_scoped3A = tpu.sem_alloc : memref<!tpu.dma_semaphore, #tpu.memory_space<semaphore_mem>>
        %dma_start3A_27 = arith.constant 0 : i32
        %dma_start3A_28 = arith.constant 0 : i32
        %dma_start3A_29 = tpu.memref_slice %arg8[%dma_start3A_27, %dma_start3A_28] : memref<10112x128xf32, #tpu.memory_space<vmem_shared>> -> memref<10112x128xf32, #tpu.memory_space<vmem_shared>>
        tpu.enqueue_indirect_dma source(%arg7 : memref<200x128xf32, #tpu.memory_space<vmem>>) target(%dma_start3A_29 : memref<10112x128xf32, #tpu.memory_space<vmem_shared>>) offsets(%arg6 : memref<200xi32, #tpu.memory_space<vmem>>) semaphore(%run_scoped3A : memref<!tpu.dma_semaphore, #tpu.memory_space<semaphore_mem>>) {add = true}
        %dma_wait3A_30 = arith.constant 0 : i32
        %dma_wait3A_31 = arith.constant 0 : i32
        %dma_wait3A_32 = tpu.memref_slice %arg8[%dma_wait3A_30, %dma_wait3A_31] : memref<10112x128xf32, #tpu.memory_space<vmem_shared>> -> memref<10112x128xf32, #tpu.memory_space<vmem_shared>>
        tpu.wait_indirect_dma semaphore(%run_scoped3A : memref<!tpu.dma_semaphore, #tpu.memory_space<semaphore_mem>>) src(%arg7 : memref<200x128xf32, #tpu.memory_space<vmem>>) dst(%dma_wait3A_32 : memref<10112x128xf32, #tpu.memory_space<vmem_shared>>)
        tpu.yield
      }) : () -> ()
    }
    %scan3A_9 = arith.constant 25 : i32
    %barrier3A_10 = arith.constant 0 : index
    tpu.barrier barrier_id(%barrier3A_10)
    "tpu.region"() ({
      %run_scoped3A = tpu.sem_alloc : memref<!tpu.dma_semaphore, #tpu.memory_space<semaphore_mem>>
      %dma_start3A = arith.constant 0 : i32
      %dma_start3A_11 = tpu.memref_slice %arg5[%arg0, %mul3A_4, %dma_start3A] : memref<2x10112x128xf32, #tpu.memory_space<hbm>> -> memref<1x632x128xf32, #tpu.memory_space<hbm>>
      %dma_start3A_12 = tpu.memref_squeeze %dma_start3A_11 : memref<1x632x128xf32, #tpu.memory_space<hbm>> -> memref<632x128xf32, #tpu.memory_space<hbm>>
      %dma_start3A_13 = arith.constant 0 : i32
      %dma_start3A_14 = tpu.memref_slice %arg8[%mul3A_4, %dma_start3A_13] : memref<10112x128xf32, #tpu.memory_space<vmem_shared>> -> memref<632x128xf32, #tpu.memory_space<vmem_shared>>
      tpu.enqueue_dma source(%dma_start3A_14 : memref<632x128xf32, #tpu.memory_space<vmem_shared>>) target(%dma_start3A_12 : memref<632x128xf32, #tpu.memory_space<hbm>>) target_semaphore(%run_scoped3A : memref<!tpu.dma_semaphore, #tpu.memory_space<semaphore_mem>>)
      %dma_wait3A = arith.constant 0 : i32
      %dma_wait3A_15 = tpu.memref_slice %arg5[%arg0, %mul3A_4, %dma_wait3A] : memref<2x10112x128xf32, #tpu.memory_space<hbm>> -> memref<1x632x128xf32, #tpu.memory_space<hbm>>
      %dma_wait3A_16 = tpu.memref_squeeze %dma_wait3A_15 : memref<1x632x128xf32, #tpu.memory_space<hbm>> -> memref<632x128xf32, #tpu.memory_space<hbm>>
      %dma_wait3A_17 = arith.constant 0 : i32
      %dma_wait3A_18 = tpu.memref_slice %arg8[%mul3A_4, %dma_wait3A_17] : memref<10112x128xf32, #tpu.memory_space<vmem_shared>> -> memref<632x128xf32, #tpu.memory_space<vmem_shared>>
      tpu.wait_dma2 semaphore(%run_scoped3A : memref<!tpu.dma_semaphore, #tpu.memory_space<semaphore_mem>>) src(%dma_wait3A_18 : memref<632x128xf32, #tpu.memory_space<vmem_shared>>) dst(%dma_wait3A_16 : memref<632x128xf32, #tpu.memory_space<hbm>>)
      tpu.yield
    }) : () -> ()
    return
  }
}

#map = affine_map<(d0, d1) -> (0, 0, 0)>
#map1 = affine_map<(d0, d1) -> (0)>
#map2 = affine_map<(d0, d1) -> (0, 0)>
module attributes {stable_mosaic.version = 14 : i64} {
  func.func @k(%arg0: i32, %arg1: i32, %arg2: memref<2x160000x128xf32, #tpu.memory_space<hbm>>, %arg3: memref<160000xi32, #tpu.memory_space<hbm>>, %arg4: memref<10112x128xf32, #tpu.memory_space<hbm>>, %arg5: memref<2x10112x128xf32, #tpu.memory_space<hbm>>, %arg6: memref<200xi32, #tpu.memory_space<vmem>>, %arg7: memref<200x128xf32, #tpu.memory_space<vmem>>, %arg8: memref<10112x128xf32, #tpu.memory_space<vmem_shared>>, %arg9: memref<!tpu.dma_semaphore, #tpu.memory_space<semaphore_mem>>) attributes {dimension_semantics = [#tpu.dimension_semantics<core_parallel>, #tpu.dimension_semantics<subcore_parallel>], iteration_bounds = array<i64: 2, 16>, scalar_prefetch = 0 : i64, scratch_operands = 4 : i64, tpu.core_type = #tpu.core_type<sc_vector_subcore>, window_params = [{transform_indices = #map}, {transform_indices = #map1}, {transform_indices = #map2}, {transform_indices = #map}]} {
    %mul3A = arith.constant 16 : i32
    %mul3A_0 = arith.muli %arg0, %mul3A : i32
    %add3A = arith.addi %mul3A_0, %arg1 : i32
    %mul3A_1 = arith.constant 5000 : i32
    %mul3A_2 = arith.muli %add3A, %mul3A_1 : i32
    %mul3A_3 = arith.constant 632 : i32
    %mul3A_4 = arith.muli %arg1, %mul3A_3 : i32
    "tpu.region"() ({
      %run_scoped3A = tpu.sem_alloc : memref<!tpu.dma_semaphore, #tpu.memory_space<semaphore_mem>>
      %dma_start3A = arith.constant 0 : i32
      %dma_start3A_11 = tpu.memref_slice %arg8[%mul3A_4, %dma_start3A] : memref<10112x128xf32, #tpu.memory_space<vmem_shared>> -> memref<632x128xf32, #tpu.memory_space<vmem_shared>>
      %dma_start3A_12 = arith.constant 0 : i32
      %dma_start3A_13 = tpu.memref_slice %arg4[%mul3A_4, %dma_start3A_12] : memref<10112x128xf32, #tpu.memory_space<hbm>> -> memref<632x128xf32, #tpu.memory_space<hbm>>
      tpu.enqueue_dma source(%dma_start3A_13 : memref<632x128xf32, #tpu.memory_space<hbm>>) target(%dma_start3A_11 : memref<632x128xf32, #tpu.memory_space<vmem_shared>>) target_semaphore(%run_scoped3A : memref<!tpu.dma_semaphore, #tpu.memory_space<semaphore_mem>>)
      %dma_wait3A = arith.constant 0 : i32
      %dma_wait3A_14 = tpu.memref_slice %arg8[%mul3A_4, %dma_wait3A] : memref<10112x128xf32, #tpu.memory_space<vmem_shared>> -> memref<632x128xf32, #tpu.memory_space<vmem_shared>>
      %dma_wait3A_15 = arith.constant 0 : i32
      %dma_wait3A_16 = tpu.memref_slice %arg4[%mul3A_4, %dma_wait3A_15] : memref<10112x128xf32, #tpu.memory_space<hbm>> -> memref<632x128xf32, #tpu.memory_space<hbm>>
      tpu.wait_dma2 semaphore(%run_scoped3A : memref<!tpu.dma_semaphore, #tpu.memory_space<semaphore_mem>>) src(%dma_wait3A_16 : memref<632x128xf32, #tpu.memory_space<hbm>>) dst(%dma_wait3A_14 : memref<632x128xf32, #tpu.memory_space<vmem_shared>>)
      tpu.yield
    }) : () -> ()
    %barrier3A = arith.constant 0 : index
    tpu.barrier barrier_id(%barrier3A)
    %scan3A = arith.constant 0 : i32
    %scan3A_5 = arith.constant 0 : i32
    %scan3A_6 = arith.constant 25 : i32
    %scan3A_7 = arith.addi %scan3A_5, %scan3A_6 : i32
    %scan3A_8 = arith.constant 1 : i32
    scf.for %scan3A_11 = %scan3A_5 to %scan3A_7 step %scan3A_8  : i32 {
      %mul3A_12 = arith.constant 200 : i32
      %mul3A_13 = arith.muli %scan3A_11, %mul3A_12 : i32
      %add3A_14 = arith.addi %mul3A_2, %mul3A_13 : i32
      "tpu.region"() ({
        %run_scoped3A = tpu.sem_alloc : memref<!tpu.dma_semaphore, #tpu.memory_space<semaphore_mem>>
        %dma_start3A_27 = tpu.memref_slice %arg3[%add3A_14] : memref<160000xi32, #tpu.memory_space<hbm>> -> memref<200xi32, #tpu.memory_space<hbm>>
        %dma_start3A_28 = tpu.memref_slice %arg3[%add3A_14] : memref<160000xi32, #tpu.memory_space<hbm>> -> memref<200xi32, #tpu.memory_space<hbm>>
        tpu.enqueue_dma source(%dma_start3A_28 : memref<200xi32, #tpu.memory_space<hbm>>) target(%arg6 : memref<200xi32, #tpu.memory_space<vmem>>) target_semaphore(%run_scoped3A : memref<!tpu.dma_semaphore, #tpu.memory_space<semaphore_mem>>)
        %dma_wait3A_29 = tpu.memref_slice %arg3[%add3A_14] : memref<160000xi32, #tpu.memory_space<hbm>> -> memref<200xi32, #tpu.memory_space<hbm>>
        %dma_wait3A_30 = tpu.memref_slice %arg3[%add3A_14] : memref<160000xi32, #tpu.memory_space<hbm>> -> memref<200xi32, #tpu.memory_space<hbm>>
        tpu.wait_dma2 semaphore(%run_scoped3A : memref<!tpu.dma_semaphore, #tpu.memory_space<semaphore_mem>>) src(%dma_wait3A_30 : memref<200xi32, #tpu.memory_space<hbm>>) dst(%arg6 : memref<200xi32, #tpu.memory_space<vmem>>)
        tpu.yield
      }) : () -> ()
      %dma_start3A = arith.constant 0 : i32
      %dma_start3A_15 = arith.constant 0 : i32
      %dma_start3A_16 = tpu.memref_slice %arg2[%dma_start3A, %add3A_14, %dma_start3A_15] : memref<2x160000x128xf32, #tpu.memory_space<hbm>> -> memref<1x200x128xf32, #tpu.memory_space<hbm>>
      %dma_start3A_17 = tpu.memref_squeeze %dma_start3A_16 : memref<1x200x128xf32, #tpu.memory_space<hbm>> -> memref<200x128xf32, #tpu.memory_space<hbm>>
      %dma_start3A_18 = arith.constant 0 : i32
      %dma_start3A_19 = tpu.memref_slice %arg2[%dma_start3A, %add3A_14, %dma_start3A_18] : memref<2x160000x128xf32, #tpu.memory_space<hbm>> -> memref<1x200x128xf32, #tpu.memory_space<hbm>>
      %dma_start3A_20 = tpu.memref_squeeze %dma_start3A_19 : memref<1x200x128xf32, #tpu.memory_space<hbm>> -> memref<200x128xf32, #tpu.memory_space<hbm>>
      tpu.enqueue_dma source(%dma_start3A_20 : memref<200x128xf32, #tpu.memory_space<hbm>>) target(%arg7 : memref<200x128xf32, #tpu.memory_space<vmem>>) target_semaphore(%arg9 : memref<!tpu.dma_semaphore, #tpu.memory_space<semaphore_mem>>)
      %dma_wait3A = arith.constant 0 : i32
      %dma_wait3A_21 = arith.constant 0 : i32
      %dma_wait3A_22 = tpu.memref_slice %arg2[%dma_wait3A, %add3A_14, %dma_wait3A_21] : memref<2x160000x128xf32, #tpu.memory_space<hbm>> -> memref<1x200x128xf32, #tpu.memory_space<hbm>>
      %dma_wait3A_23 = tpu.memref_squeeze %dma_wait3A_22 : memref<1x200x128xf32, #tpu.memory_space<hbm>> -> memref<200x128xf32, #tpu.memory_space<hbm>>
      %dma_wait3A_24 = arith.constant 0 : i32
      %dma_wait3A_25 = tpu.memref_slice %arg2[%dma_wait3A, %add3A_14, %dma_wait3A_24] : memref<2x160000x128xf32, #tpu.memory_space<hbm>> -> memref<1x200x128xf32, #tpu.memory_space<hbm>>
      %dma_wait3A_26 = tpu.memref_squeeze %dma_wait3A_25 : memref<1x200x128xf32, #tpu.memory_space<hbm>> -> memref<200x128xf32, #tpu.memory_space<hbm>>
      tpu.wait_dma2 semaphore(%arg9 : memref<!tpu.dma_semaphore, #tpu.memory_space<semaphore_mem>>) src(%dma_wait3A_26 : memref<200x128xf32, #tpu.memory_space<hbm>>) dst(%arg7 : memref<200x128xf32, #tpu.memory_space<vmem>>)
      "tpu.region"() ({
        %run_scoped3A = tpu.sem_alloc : memref<!tpu.dma_semaphore, #tpu.memory_space<semaphore_mem>>
        %dma_start3A_27 = arith.constant 0 : i32
        %dma_start3A_28 = arith.constant 0 : i32
        %dma_start3A_29 = tpu.memref_slice %arg8[%dma_start3A_27, %dma_start3A_28] : memref<10112x128xf32, #tpu.memory_space<vmem_shared>> -> memref<10112x128xf32, #tpu.memory_space<vmem_shared>>
        tpu.enqueue_indirect_dma source(%arg7 : memref<200x128xf32, #tpu.memory_space<vmem>>) target(%dma_start3A_29 : memref<10112x128xf32, #tpu.memory_space<vmem_shared>>) offsets(%arg6 : memref<200xi32, #tpu.memory_space<vmem>>) semaphore(%run_scoped3A : memref<!tpu.dma_semaphore, #tpu.memory_space<semaphore_mem>>) {add = true}
        %dma_wait3A_30 = arith.constant 0 : i32
        %dma_wait3A_31 = arith.constant 0 : i32
        %dma_wait3A_32 = tpu.memref_slice %arg8[%dma_wait3A_30, %dma_wait3A_31] : memref<10112x128xf32, #tpu.memory_space<vmem_shared>> -> memref<10112x128xf32, #tpu.memory_space<vmem_shared>>
        tpu.wait_indirect_dma semaphore(%run_scoped3A : memref<!tpu.dma_semaphore, #tpu.memory_space<semaphore_mem>>) src(%arg7 : memref<200x128xf32, #tpu.memory_space<vmem>>) dst(%dma_wait3A_32 : memref<10112x128xf32, #tpu.memory_space<vmem_shared>>)
        tpu.yield
      }) : () -> ()
    }
    %scan3A_9 = arith.constant 25 : i32
    %barrier3A_10 = arith.constant 0 : index
    tpu.barrier barrier_id(%barrier3A_10)
    "tpu.region"() ({
      %run_scoped3A = tpu.sem_alloc : memref<!tpu.dma_semaphore, #tpu.memory_space<semaphore_mem>>
      %dma_start3A = arith.constant 0 : i32
      %dma_start3A_11 = tpu.memref_slice %arg5[%arg0, %mul3A_4, %dma_start3A] : memref<2x10112x128xf32, #tpu.memory_space<hbm>> -> memref<1x632x128xf32, #tpu.memory_space<hbm>>
      %dma_start3A_12 = tpu.memref_squeeze %dma_start3A_11 : memref<1x632x128xf32, #tpu.memory_space<hbm>> -> memref<632x128xf32, #tpu.memory_space<hbm>>
      %dma_start3A_13 = arith.constant 0 : i32
      %dma_start3A_14 = tpu.memref_slice %arg8[%mul3A_4, %dma_start3A_13] : memref<10112x128xf32, #tpu.memory_space<vmem_shared>> -> memref<632x128xf32, #tpu.memory_space<vmem_shared>>
      tpu.enqueue_dma source(%dma_start3A_14 : memref<632x128xf32, #tpu.memory_space<vmem_shared>>) target(%dma_start3A_12 : memref<632x128xf32, #tpu.memory_space<hbm>>) target_semaphore(%run_scoped3A : memref<!tpu.dma_semaphore, #tpu.memory_space<semaphore_mem>>)
      %dma_wait3A = arith.constant 0 : i32
      %dma_wait3A_15 = tpu.memref_slice %arg5[%arg0, %mul3A_4, %dma_wait3A] : memref<2x10112x128xf32, #tpu.memory_space<hbm>> -> memref<1x632x128xf32, #tpu.memory_space<hbm>>
      %dma_wait3A_16 = tpu.memref_squeeze %dma_wait3A_15 : memref<1x632x128xf32, #tpu.memory_space<hbm>> -> memref<632x128xf32, #tpu.memory_space<hbm>>
      %dma_wait3A_17 = arith.constant 0 : i32
      %dma_wait3A_18 = tpu.memref_slice %arg8[%mul3A_4, %dma_wait3A_17] : memref<10112x128xf32, #tpu.memory_space<vmem_shared>> -> memref<632x128xf32, #tpu.memory_space<vmem_shared>>
      tpu.wait_dma2 semaphore(%run_scoped3A : memref<!tpu.dma_semaphore, #tpu.memory_space<semaphore_mem>>) src(%dma_wait3A_18 : memref<632x128xf32, #tpu.memory_space<vmem_shared>>) dst(%dma_wait3A_16 : memref<632x128xf32, #tpu.memory_space<hbm>>)
      tpu.yield
    }) : () -> ()
    return
  }
}

#map = affine_map<(d0, d1) -> (0, 0, 0)>
#map1 = affine_map<(d0, d1) -> (0)>
#map2 = affine_map<(d0, d1) -> (0, 0)>
module attributes {stable_mosaic.version = 14 : i64} {
  func.func @k(%arg0: i32, %arg1: i32, %arg2: memref<2x160000x128xf32, #tpu.memory_space<hbm>>, %arg3: memref<160000xi32, #tpu.memory_space<hbm>>, %arg4: memref<10112x128xf32, #tpu.memory_space<hbm>>, %arg5: memref<2x10112x128xf32, #tpu.memory_space<hbm>>, %arg6: memref<200xi32, #tpu.memory_space<vmem>>, %arg7: memref<200x128xf32, #tpu.memory_space<vmem>>, %arg8: memref<10112x128xf32, #tpu.memory_space<vmem_shared>>, %arg9: memref<!tpu.dma_semaphore, #tpu.memory_space<semaphore_mem>>) attributes {dimension_semantics = [#tpu.dimension_semantics<core_parallel>, #tpu.dimension_semantics<subcore_parallel>], iteration_bounds = array<i64: 2, 16>, scalar_prefetch = 0 : i64, scratch_operands = 4 : i64, tpu.core_type = #tpu.core_type<sc_vector_subcore>, window_params = [{transform_indices = #map}, {transform_indices = #map1}, {transform_indices = #map2}, {transform_indices = #map}]} {
    %mul3A = arith.constant 16 : i32
    %mul3A_0 = arith.muli %arg0, %mul3A : i32
    %add3A = arith.addi %mul3A_0, %arg1 : i32
    %mul3A_1 = arith.constant 5000 : i32
    %mul3A_2 = arith.muli %add3A, %mul3A_1 : i32
    %mul3A_3 = arith.constant 632 : i32
    %mul3A_4 = arith.muli %arg1, %mul3A_3 : i32
    "tpu.region"() ({
      %run_scoped3A = tpu.sem_alloc : memref<!tpu.dma_semaphore, #tpu.memory_space<semaphore_mem>>
      %dma_start3A = arith.constant 0 : i32
      %dma_start3A_11 = tpu.memref_slice %arg8[%mul3A_4, %dma_start3A] : memref<10112x128xf32, #tpu.memory_space<vmem_shared>> -> memref<632x128xf32, #tpu.memory_space<vmem_shared>>
      %dma_start3A_12 = arith.constant 0 : i32
      %dma_start3A_13 = tpu.memref_slice %arg4[%mul3A_4, %dma_start3A_12] : memref<10112x128xf32, #tpu.memory_space<hbm>> -> memref<632x128xf32, #tpu.memory_space<hbm>>
      tpu.enqueue_dma source(%dma_start3A_13 : memref<632x128xf32, #tpu.memory_space<hbm>>) target(%dma_start3A_11 : memref<632x128xf32, #tpu.memory_space<vmem_shared>>) target_semaphore(%run_scoped3A : memref<!tpu.dma_semaphore, #tpu.memory_space<semaphore_mem>>)
      %dma_wait3A = arith.constant 0 : i32
      %dma_wait3A_14 = tpu.memref_slice %arg8[%mul3A_4, %dma_wait3A] : memref<10112x128xf32, #tpu.memory_space<vmem_shared>> -> memref<632x128xf32, #tpu.memory_space<vmem_shared>>
      %dma_wait3A_15 = arith.constant 0 : i32
      %dma_wait3A_16 = tpu.memref_slice %arg4[%mul3A_4, %dma_wait3A_15] : memref<10112x128xf32, #tpu.memory_space<hbm>> -> memref<632x128xf32, #tpu.memory_space<hbm>>
      tpu.wait_dma2 semaphore(%run_scoped3A : memref<!tpu.dma_semaphore, #tpu.memory_space<semaphore_mem>>) src(%dma_wait3A_16 : memref<632x128xf32, #tpu.memory_space<hbm>>) dst(%dma_wait3A_14 : memref<632x128xf32, #tpu.memory_space<vmem_shared>>)
      tpu.yield
    }) : () -> ()
    %barrier3A = arith.constant 0 : index
    tpu.barrier barrier_id(%barrier3A)
    %scan3A = arith.constant 0 : i32
    %scan3A_5 = arith.constant 0 : i32
    %scan3A_6 = arith.constant 25 : i32
    %scan3A_7 = arith.addi %scan3A_5, %scan3A_6 : i32
    %scan3A_8 = arith.constant 1 : i32
    scf.for %scan3A_11 = %scan3A_5 to %scan3A_7 step %scan3A_8  : i32 {
      %mul3A_12 = arith.constant 200 : i32
      %mul3A_13 = arith.muli %scan3A_11, %mul3A_12 : i32
      %add3A_14 = arith.addi %mul3A_2, %mul3A_13 : i32
      "tpu.region"() ({
        %run_scoped3A = tpu.sem_alloc : memref<!tpu.dma_semaphore, #tpu.memory_space<semaphore_mem>>
        %dma_start3A_27 = tpu.memref_slice %arg3[%add3A_14] : memref<160000xi32, #tpu.memory_space<hbm>> -> memref<200xi32, #tpu.memory_space<hbm>>
        %dma_start3A_28 = tpu.memref_slice %arg3[%add3A_14] : memref<160000xi32, #tpu.memory_space<hbm>> -> memref<200xi32, #tpu.memory_space<hbm>>
        tpu.enqueue_dma source(%dma_start3A_28 : memref<200xi32, #tpu.memory_space<hbm>>) target(%arg6 : memref<200xi32, #tpu.memory_space<vmem>>) target_semaphore(%run_scoped3A : memref<!tpu.dma_semaphore, #tpu.memory_space<semaphore_mem>>)
        %dma_wait3A_29 = tpu.memref_slice %arg3[%add3A_14] : memref<160000xi32, #tpu.memory_space<hbm>> -> memref<200xi32, #tpu.memory_space<hbm>>
        %dma_wait3A_30 = tpu.memref_slice %arg3[%add3A_14] : memref<160000xi32, #tpu.memory_space<hbm>> -> memref<200xi32, #tpu.memory_space<hbm>>
        tpu.wait_dma2 semaphore(%run_scoped3A : memref<!tpu.dma_semaphore, #tpu.memory_space<semaphore_mem>>) src(%dma_wait3A_30 : memref<200xi32, #tpu.memory_space<hbm>>) dst(%arg6 : memref<200xi32, #tpu.memory_space<vmem>>)
        tpu.yield
      }) : () -> ()
      %dma_start3A = arith.constant 1 : i32
      %dma_start3A_15 = arith.constant 0 : i32
      %dma_start3A_16 = tpu.memref_slice %arg2[%dma_start3A, %add3A_14, %dma_start3A_15] : memref<2x160000x128xf32, #tpu.memory_space<hbm>> -> memref<1x200x128xf32, #tpu.memory_space<hbm>>
      %dma_start3A_17 = tpu.memref_squeeze %dma_start3A_16 : memref<1x200x128xf32, #tpu.memory_space<hbm>> -> memref<200x128xf32, #tpu.memory_space<hbm>>
      %dma_start3A_18 = arith.constant 0 : i32
      %dma_start3A_19 = tpu.memref_slice %arg2[%dma_start3A, %add3A_14, %dma_start3A_18] : memref<2x160000x128xf32, #tpu.memory_space<hbm>> -> memref<1x200x128xf32, #tpu.memory_space<hbm>>
      %dma_start3A_20 = tpu.memref_squeeze %dma_start3A_19 : memref<1x200x128xf32, #tpu.memory_space<hbm>> -> memref<200x128xf32, #tpu.memory_space<hbm>>
      tpu.enqueue_dma source(%dma_start3A_20 : memref<200x128xf32, #tpu.memory_space<hbm>>) target(%arg7 : memref<200x128xf32, #tpu.memory_space<vmem>>) target_semaphore(%arg9 : memref<!tpu.dma_semaphore, #tpu.memory_space<semaphore_mem>>)
      %dma_wait3A = arith.constant 1 : i32
      %dma_wait3A_21 = arith.constant 0 : i32
      %dma_wait3A_22 = tpu.memref_slice %arg2[%dma_wait3A, %add3A_14, %dma_wait3A_21] : memref<2x160000x128xf32, #tpu.memory_space<hbm>> -> memref<1x200x128xf32, #tpu.memory_space<hbm>>
      %dma_wait3A_23 = tpu.memref_squeeze %dma_wait3A_22 : memref<1x200x128xf32, #tpu.memory_space<hbm>> -> memref<200x128xf32, #tpu.memory_space<hbm>>
      %dma_wait3A_24 = arith.constant 0 : i32
      %dma_wait3A_25 = tpu.memref_slice %arg2[%dma_wait3A, %add3A_14, %dma_wait3A_24] : memref<2x160000x128xf32, #tpu.memory_space<hbm>> -> memref<1x200x128xf32, #tpu.memory_space<hbm>>
      %dma_wait3A_26 = tpu.memref_squeeze %dma_wait3A_25 : memref<1x200x128xf32, #tpu.memory_space<hbm>> -> memref<200x128xf32, #tpu.memory_space<hbm>>
      tpu.wait_dma2 semaphore(%arg9 : memref<!tpu.dma_semaphore, #tpu.memory_space<semaphore_mem>>) src(%dma_wait3A_26 : memref<200x128xf32, #tpu.memory_space<hbm>>) dst(%arg7 : memref<200x128xf32, #tpu.memory_space<vmem>>)
      "tpu.region"() ({
        %run_scoped3A = tpu.sem_alloc : memref<!tpu.dma_semaphore, #tpu.memory_space<semaphore_mem>>
        %dma_start3A_27 = arith.constant 0 : i32
        %dma_start3A_28 = arith.constant 0 : i32
        %dma_start3A_29 = tpu.memref_slice %arg8[%dma_start3A_27, %dma_start3A_28] : memref<10112x128xf32, #tpu.memory_space<vmem_shared>> -> memref<10112x128xf32, #tpu.memory_space<vmem_shared>>
        tpu.enqueue_indirect_dma source(%arg7 : memref<200x128xf32, #tpu.memory_space<vmem>>) target(%dma_start3A_29 : memref<10112x128xf32, #tpu.memory_space<vmem_shared>>) offsets(%arg6 : memref<200xi32, #tpu.memory_space<vmem>>) semaphore(%run_scoped3A : memref<!tpu.dma_semaphore, #tpu.memory_space<semaphore_mem>>) {add = true}
        %dma_wait3A_30 = arith.constant 0 : i32
        %dma_wait3A_31 = arith.constant 0 : i32
        %dma_wait3A_32 = tpu.memref_slice %arg8[%dma_wait3A_30, %dma_wait3A_31] : memref<10112x128xf32, #tpu.memory_space<vmem_shared>> -> memref<10112x128xf32, #tpu.memory_space<vmem_shared>>
        tpu.wait_indirect_dma semaphore(%run_scoped3A : memref<!tpu.dma_semaphore, #tpu.memory_space<semaphore_mem>>) src(%arg7 : memref<200x128xf32, #tpu.memory_space<vmem>>) dst(%dma_wait3A_32 : memref<10112x128xf32, #tpu.memory_space<vmem_shared>>)
        tpu.yield
      }) : () -> ()
    }
    %scan3A_9 = arith.constant 25 : i32
    %barrier3A_10 = arith.constant 0 : index
    tpu.barrier barrier_id(%barrier3A_10)
    "tpu.region"() ({
      %run_scoped3A = tpu.sem_alloc : memref<!tpu.dma_semaphore, #tpu.memory_space<semaphore_mem>>
      %dma_start3A = arith.constant 0 : i32
      %dma_start3A_11 = tpu.memref_slice %arg5[%arg0, %mul3A_4, %dma_start3A] : memref<2x10112x128xf32, #tpu.memory_space<hbm>> -> memref<1x632x128xf32, #tpu.memory_space<hbm>>
      %dma_start3A_12 = tpu.memref_squeeze %dma_start3A_11 : memref<1x632x128xf32, #tpu.memory_space<hbm>> -> memref<632x128xf32, #tpu.memory_space<hbm>>
      %dma_start3A_13 = arith.constant 0 : i32
      %dma_start3A_14 = tpu.memref_slice %arg8[%mul3A_4, %dma_start3A_13] : memref<10112x128xf32, #tpu.memory_space<vmem_shared>> -> memref<632x128xf32, #tpu.memory_space<vmem_shared>>
      tpu.enqueue_dma source(%dma_start3A_14 : memref<632x128xf32, #tpu.memory_space<vmem_shared>>) target(%dma_start3A_12 : memref<632x128xf32, #tpu.memory_space<hbm>>) target_semaphore(%run_scoped3A : memref<!tpu.dma_semaphore, #tpu.memory_space<semaphore_mem>>)
      %dma_wait3A = arith.constant 0 : i32
      %dma_wait3A_15 = tpu.memref_slice %arg5[%arg0, %mul3A_4, %dma_wait3A] : memref<2x10112x128xf32, #tpu.memory_space<hbm>> -> memref<1x632x128xf32, #tpu.memory_space<hbm>>
      %dma_wait3A_16 = tpu.memref_squeeze %dma_wait3A_15 : memref<1x632x128xf32, #tpu.memory_space<hbm>> -> memref<632x128xf32, #tpu.memory_space<hbm>>
      %dma_wait3A_17 = arith.constant 0 : i32
      %dma_wait3A_18 = tpu.memref_slice %arg8[%mul3A_4, %dma_wait3A_17] : memref<10112x128xf32, #tpu.memory_space<vmem_shared>> -> memref<632x128xf32, #tpu.memory_space<vmem_shared>>
      tpu.wait_dma2 semaphore(%run_scoped3A : memref<!tpu.dma_semaphore, #tpu.memory_space<semaphore_mem>>) src(%dma_wait3A_18 : memref<632x128xf32, #tpu.memory_space<vmem_shared>>) dst(%dma_wait3A_16 : memref<632x128xf32, #tpu.memory_space<hbm>>)
      tpu.yield
    }) : () -> ()
    return
  }
}

module attributes {stable_mosaic.version = 14 : i64} {
  func.func @_prep_body(%arg0: i32, %arg1: memref<4x1000x128xf32, #tpu.memory_space<vmem>>, %arg2: memref<1000x12xf32, #tpu.memory_space<vmem>>, %arg3: memref<4x4x128x128xf32, #tpu.memory_space<vmem>>, %arg4: memref<128x128xf32, #tpu.memory_space<vmem>>, %arg5: memref<128x128xf32, #tpu.memory_space<vmem>>, %arg6: memref<12x12xf32, #tpu.memory_space<vmem>>, %arg7: memref<4x1000x128xf32, #tpu.memory_space<vmem>>, %arg8: memref<2x1000x128xf32, #tpu.memory_space<vmem>>, %arg9: memref<2x1000x128xf32, #tpu.memory_space<vmem>>, %arg10: memref<1000x12xf32, #tpu.memory_space<vmem>>) attributes {dimension_semantics = [#tpu.dimension_semantics<arbitrary>], iteration_bounds = array<i64: 10>, scalar_prefetch = 0 : i64, scratch_operands = 0 : i64, tpu.core_type = #tpu.core_type<tc>, window_params = [{transform_indices = @transform_0, window_bounds = array<i64: 4, 1000, 128>}, {transform_indices = @transform_1, window_bounds = array<i64: 1000, 12>}, {pipeline_mode = #tpu.pipeline_mode<synchronous>, transform_indices = @transform_2, window_bounds = array<i64: 4, 4, 128, 128>}, {pipeline_mode = #tpu.pipeline_mode<synchronous>, transform_indices = @transform_3, window_bounds = array<i64: 128, 128>}, {pipeline_mode = #tpu.pipeline_mode<synchronous>, transform_indices = @transform_4, window_bounds = array<i64: 128, 128>}, {pipeline_mode = #tpu.pipeline_mode<synchronous>, transform_indices = @transform_5, window_bounds = array<i64: 12, 12>}, {transform_indices = @transform_6, window_bounds = array<i64: 4, 1000, 128>}, {transform_indices = @transform_7, window_bounds = array<i64: 2, 1000, 128>}, {transform_indices = @transform_8, window_bounds = array<i64: 2, 1000, 128>}, {transform_indices = @transform_9, window_bounds = array<i64: 1000, 12>}]} {
    %broadcast_in_dim3A = arith.constant 0.000000e+00 : f32
    %broadcast_in_dim3A_0 = vector.broadcast %broadcast_in_dim3A : f32 to vector<1000x128xf32>
    %get3A = arith.constant 0 : index
    %get3A_1 = arith.constant 0 : index
    %get3A_2 = arith.constant 0 : index
    %get3A_3 = vector.load %arg1[%get3A, %get3A_1, %get3A_2] : memref<4x1000x128xf32, #tpu.memory_space<vmem>>, vector<1x1000x128xf32>
    %get3A_4 = vector.shape_cast %get3A_3 : vector<1x1000x128xf32> to vector<1000x128xf32>
    %get3A_5 = arith.constant 0 : index
    %get3A_6 = arith.constant 0 : index
    %get3A_7 = arith.constant 0 : index
    %get3A_8 = arith.constant 0 : index
    %get3A_9 = vector.load %arg3[%get3A_5, %get3A_6, %get3A_7, %get3A_8] : memref<4x4x128x128xf32, #tpu.memory_space<vmem>>, vector<1x1x128x128xf32>
    %get3A_10 = vector.shape_cast %get3A_9 : vector<1x1x128x128xf32> to vector<128x128xf32>
    %dot_general3A = arith.constant dense<0.000000e+00> : vector<1000x128xf32>
    %dot_general3A_11 = tpu.matmul %get3A_4, %get3A_10, %dot_general3A {dimension_numbers = #tpu.dot_dimension_numbers<[1], [0], [0], [1], [0, 0, 1, 1], [], []>, transpose_lhs_hint = false} : vector<1000x128xf32>, vector<128x128xf32>, vector<1000x128xf32> -> vector<1000x128xf32>
    %add3A = arith.addf %broadcast_in_dim3A_0, %dot_general3A_11 : vector<1000x128xf32>
    %get3A_12 = arith.constant 1 : index
    %get3A_13 = arith.constant 0 : index
    %get3A_14 = arith.constant 0 : index
    %get3A_15 = vector.load %arg1[%get3A_12, %get3A_13, %get3A_14] : memref<4x1000x128xf32, #tpu.memory_space<vmem>>, vector<1x1000x128xf32>
    %get3A_16 = vector.shape_cast %get3A_15 : vector<1x1000x128xf32> to vector<1000x128xf32>
    %get3A_17 = arith.constant 1 : index
    %get3A_18 = arith.constant 0 : index
    %get3A_19 = arith.constant 0 : index
    %get3A_20 = arith.constant 0 : index
    %get3A_21 = vector.load %arg3[%get3A_17, %get3A_18, %get3A_19, %get3A_20] : memref<4x4x128x128xf32, #tpu.memory_space<vmem>>, vector<1x1x128x128xf32>
    %get3A_22 = vector.shape_cast %get3A_21 : vector<1x1x128x128xf32> to vector<128x128xf32>
    %dot_general3A_23 = arith.constant dense<0.000000e+00> : vector<1000x128xf32>
    %dot_general3A_24 = tpu.matmul %get3A_16, %get3A_22, %dot_general3A_23 {dimension_numbers = #tpu.dot_dimension_numbers<[1], [0], [0], [1], [0, 0, 1, 1], [], []>, transpose_lhs_hint = false} : vector<1000x128xf32>, vector<128x128xf32>, vector<1000x128xf32> -> vector<1000x128xf32>
    %add3A_25 = arith.addf %add3A, %dot_general3A_24 : vector<1000x128xf32>
    %get3A_26 = arith.constant 2 : index
    %get3A_27 = arith.constant 0 : index
    %get3A_28 = arith.constant 0 : index
    %get3A_29 = vector.load %arg1[%get3A_26, %get3A_27, %get3A_28] : memref<4x1000x128xf32, #tpu.memory_space<vmem>>, vector<1x1000x128xf32>
    %get3A_30 = vector.shape_cast %get3A_29 : vector<1x1000x128xf32> to vector<1000x128xf32>
    %get3A_31 = arith.constant 2 : index
    %get3A_32 = arith.constant 0 : index
    %get3A_33 = arith.constant 0 : index
    %get3A_34 = arith.constant 0 : index
    %get3A_35 = vector.load %arg3[%get3A_31, %get3A_32, %get3A_33, %get3A_34] : memref<4x4x128x128xf32, #tpu.memory_space<vmem>>, vector<1x1x128x128xf32>
    %get3A_36 = vector.shape_cast %get3A_35 : vector<1x1x128x128xf32> to vector<128x128xf32>
    %dot_general3A_37 = arith.constant dense<0.000000e+00> : vector<1000x128xf32>
    %dot_general3A_38 = tpu.matmul %get3A_30, %get3A_36, %dot_general3A_37 {dimension_numbers = #tpu.dot_dimension_numbers<[1], [0], [0], [1], [0, 0, 1, 1], [], []>, transpose_lhs_hint = false} : vector<1000x128xf32>, vector<128x128xf32>, vector<1000x128xf32> -> vector<1000x128xf32>
    %add3A_39 = arith.addf %add3A_25, %dot_general3A_38 : vector<1000x128xf32>
    %get3A_40 = arith.constant 3 : index
    %get3A_41 = arith.constant 0 : index
    %get3A_42 = arith.constant 0 : index
    %get3A_43 = vector.load %arg1[%get3A_40, %get3A_41, %get3A_42] : memref<4x1000x128xf32, #tpu.memory_space<vmem>>, vector<1x1000x128xf32>
    %get3A_44 = vector.shape_cast %get3A_43 : vector<1x1000x128xf32> to vector<1000x128xf32>
    %get3A_45 = arith.constant 3 : index
    %get3A_46 = arith.constant 0 : index
    %get3A_47 = arith.constant 0 : index
    %get3A_48 = arith.constant 0 : index
    %get3A_49 = vector.load %arg3[%get3A_45, %get3A_46, %get3A_47, %get3A_48] : memref<4x4x128x128xf32, #tpu.memory_space<vmem>>, vector<1x1x128x128xf32>
    %get3A_50 = vector.shape_cast %get3A_49 : vector<1x1x128x128xf32> to vector<128x128xf32>
    %dot_general3A_51 = arith.constant dense<0.000000e+00> : vector<1000x128xf32>
    %dot_general3A_52 = tpu.matmul %get3A_44, %get3A_50, %dot_general3A_51 {dimension_numbers = #tpu.dot_dimension_numbers<[1], [0], [0], [1], [0, 0, 1, 1], [], []>, transpose_lhs_hint = false} : vector<1000x128xf32>, vector<128x128xf32>, vector<1000x128xf32> -> vector<1000x128xf32>
    %add3A_53 = arith.addf %add3A_39, %dot_general3A_52 : vector<1000x128xf32>
    %get3A_54 = arith.constant 0 : index
    %get3A_55 = arith.constant 0 : index
    %get3A_56 = arith.constant 0 : index
    %get3A_57 = vector.load %arg1[%get3A_54, %get3A_55, %get3A_56] : memref<4x1000x128xf32, #tpu.memory_space<vmem>>, vector<1x1000x128xf32>
    %get3A_58 = vector.shape_cast %get3A_57 : vector<1x1000x128xf32> to vector<1000x128xf32>
    %gt3A = arith.constant 0.000000e+00 : f32
    %gt3A_59 = vector.broadcast %gt3A : f32 to vector<1000x128xf32>
    %gt3A_60 = arith.cmpf ogt, %add3A_53, %gt3A_59 : vector<1000x128xf32>
    %mul3A = arith.constant 2.000000e-01 : f32
    %mul3A_61 = vector.broadcast %mul3A : f32 to vector<1000x128xf32>
    %mul3A_62 = arith.mulf %mul3A_61, %add3A_53 : vector<1000x128xf32>
    %select_n3A = arith.select %gt3A_60, %add3A_53, %mul3A_62 : vector<1000x128xi1>, vector<1000x128xf32>
    %add3A_63 = arith.addf %get3A_58, %select_n3A : vector<1000x128xf32>
    %swap3A = arith.constant 0 : index
    %swap3A_64 = arith.constant 0 : index
    %swap3A_65 = arith.constant 0 : index
    %swap3A_66 = vector.load %arg7[%swap3A, %swap3A_64, %swap3A_65] : memref<4x1000x128xf32, #tpu.memory_space<vmem>>, vector<1x1000x128xf32>
    %swap3A_67 = vector.shape_cast %swap3A_66 : vector<1x1000x128xf32> to vector<1000x128xf32>
    %swap3A_68 = vector.shape_cast %add3A_63 : vector<1000x128xf32> to vector<1x1000x128xf32>
    tpu.vector_store %arg7[%swap3A, %swap3A_64, %swap3A_65], %swap3A_68 {strides = array<i32>} : memref<4x1000x128xf32, #tpu.memory_space<vmem>>, vector<1x1000x128xf32>,
    %get3A_69 = arith.constant 0 : index
    %get3A_70 = arith.constant 0 : index
    %get3A_71 = vector.load %arg4[%get3A_69, %get3A_70] : memref<128x128xf32, #tpu.memory_space<vmem>>, vector<128x128xf32>
    %dot_general3A_72 = arith.constant dense<0.000000e+00> : vector<1000x128xf32>
    %dot_general3A_73 = tpu.matmul %add3A_63, %get3A_71, %dot_general3A_72 {dimension_numbers = #tpu.dot_dimension_numbers<[1], [0], [0], [1], [0, 0, 1, 1], [], []>, transpose_lhs_hint = false} : vector<1000x128xf32>, vector<128x128xf32>, vector<1000x128xf32> -> vector<1000x128xf32>
    %convert_element_type3A = arith.truncf %dot_general3A_73 : vector<1000x128xf32> to vector<1000x128xbf16>
    %convert_element_type3A_74 = arith.extf %convert_element_type3A : vector<1000x128xbf16> to vector<1000x128xf32>
    %bitcast_convert_type3A = tpu.bitcast %convert_element_type3A_74 : vector<1000x128xf32> -> vector<1000x128xi32>
    %slice3A = vector.extract_strided_slice %bitcast_convert_type3A {offsets = [0, 0], sizes = [1000, 64], strides = [1, 1]} : vector<1000x128xi32> to vector<1000x64xi32>
    %shift_right_logical3A = arith.constant 16 : i32
    %shift_right_logical3A_75 = vector.broadcast %shift_right_logical3A : i32 to vector<1000x64xi32>
    %shift_right_logical3A_76 = arith.shrui %slice3A, %shift_right_logical3A_75 : vector<1000x64xi32>
    %slice3A_77 = vector.extract_strided_slice %bitcast_convert_type3A {offsets = [0, 64], sizes = [1000, 64], strides = [1, 1]} : vector<1000x128xi32> to vector<1000x64xi32>
    %and3A = arith.constant -65536 : i32
    %and3A_78 = vector.broadcast %and3A : i32 to vector<1000x64xi32>
    %and3A_79 = arith.andi %slice3A_77, %and3A_78 : vector<1000x64xi32>
    %or3A = arith.ori %shift_right_logical3A_76, %and3A_79 : vector<1000x64xi32>
    %bitcast_convert_type3A_80 = tpu.bitcast %or3A : vector<1000x64xi32> -> vector<1000x64xf32>
    %get3A_81 = arith.constant 0 : index
    %get3A_82 = arith.constant 0 : index
    %get3A_83 = vector.load %arg5[%get3A_81, %get3A_82] : memref<128x128xf32, #tpu.memory_space<vmem>>, vector<128x128xf32>
    %dot_general3A_84 = arith.constant dense<0.000000e+00> : vector<1000x128xf32>
    %dot_general3A_85 = tpu.matmul %add3A_63, %get3A_83, %dot_general3A_84 {dimension_numbers = #tpu.dot_dimension_numbers<[1], [0], [0], [1], [0, 0, 1, 1], [], []>, transpose_lhs_hint = false} : vector<1000x128xf32>, vector<128x128xf32>, vector<1000x128xf32> -> vector<1000x128xf32>
    %convert_element_type3A_86 = arith.truncf %dot_general3A_85 : vector<1000x128xf32> to vector<1000x128xbf16>
    %convert_element_type3A_87 = arith.extf %convert_element_type3A_86 : vector<1000x128xbf16> to vector<1000x128xf32>
    %bitcast_convert_type3A_88 = tpu.bitcast %convert_element_type3A_87 : vector<1000x128xf32> -> vector<1000x128xi32>
    %slice3A_89 = vector.extract_strided_slice %bitcast_convert_type3A_88 {offsets = [0, 0], sizes = [1000, 64], strides = [1, 1]} : vector<1000x128xi32> to vector<1000x64xi32>
    %shift_right_logical3A_90 = arith.constant 16 : i32
    %shift_right_logical3A_91 = vector.broadcast %shift_right_logical3A_90 : i32 to vector<1000x64xi32>
    %shift_right_logical3A_92 = arith.shrui %slice3A_89, %shift_right_logical3A_91 : vector<1000x64xi32>
    %slice3A_93 = vector.extract_strided_slice %bitcast_convert_type3A_88 {offsets = [0, 64], sizes = [1000, 64], strides = [1, 1]} : vector<1000x128xi32> to vector<1000x64xi32>
    %and3A_94 = arith.constant -65536 : i32
    %and3A_95 = vector.broadcast %and3A_94 : i32 to vector<1000x64xi32>
    %and3A_96 = arith.andi %slice3A_93, %and3A_95 : vector<1000x64xi32>
    %or3A_97 = arith.ori %shift_right_logical3A_92, %and3A_96 : vector<1000x64xi32>
    %bitcast_convert_type3A_98 = tpu.bitcast %or3A_97 : vector<1000x64xi32> -> vector<1000x64xf32>
    %broadcast_in_dim3A_99 = arith.constant 0.000000e+00 : f32
    %broadcast_in_dim3A_100 = vector.broadcast %broadcast_in_dim3A_99 : f32 to vector<1000x128xf32>
    %get3A_101 = arith.constant 0 : index
    %get3A_102 = arith.constant 0 : index
    %get3A_103 = arith.constant 0 : index
    %get3A_104 = vector.load %arg1[%get3A_101, %get3A_102, %get3A_103] : memref<4x1000x128xf32, #tpu.memory_space<vmem>>, vector<1x1000x128xf32>
    %get3A_105 = vector.shape_cast %get3A_104 : vector<1x1000x128xf32> to vector<1000x128xf32>
    %get3A_106 = arith.constant 0 : index
    %get3A_107 = arith.constant 1 : index
    %get3A_108 = arith.constant 0 : index
    %get3A_109 = arith.constant 0 : index
    %get3A_110 = vector.load %arg3[%get3A_106, %get3A_107, %get3A_108, %get3A_109] : memref<4x4x128x128xf32, #tpu.memory_space<vmem>>, vector<1x1x128x128xf32>
    %get3A_111 = vector.shape_cast %get3A_110 : vector<1x1x128x128xf32> to vector<128x128xf32>
    %dot_general3A_112 = arith.constant dense<0.000000e+00> : vector<1000x128xf32>
    %dot_general3A_113 = tpu.matmul %get3A_105, %get3A_111, %dot_general3A_112 {dimension_numbers = #tpu.dot_dimension_numbers<[1], [0], [0], [1], [0, 0, 1, 1], [], []>, transpose_lhs_hint = false} : vector<1000x128xf32>, vector<128x128xf32>, vector<1000x128xf32> -> vector<1000x128xf32>
    %add3A_114 = arith.addf %broadcast_in_dim3A_100, %dot_general3A_113 : vector<1000x128xf32>
    %get3A_115 = arith.constant 1 : index
    %get3A_116 = arith.constant 0 : index
    %get3A_117 = arith.constant 0 : index
    %get3A_118 = vector.load %arg1[%get3A_115, %get3A_116, %get3A_117] : memref<4x1000x128xf32, #tpu.memory_space<vmem>>, vector<1x1000x128xf32>
    %get3A_119 = vector.shape_cast %get3A_118 : vector<1x1000x128xf32> to vector<1000x128xf32>
    %get3A_120 = arith.constant 1 : index
    %get3A_121 = arith.constant 1 : index
    %get3A_122 = arith.constant 0 : index
    %get3A_123 = arith.constant 0 : index
    %get3A_124 = vector.load %arg3[%get3A_120, %get3A_121, %get3A_122, %get3A_123] : memref<4x4x128x128xf32, #tpu.memory_space<vmem>>, vector<1x1x128x128xf32>
    %get3A_125 = vector.shape_cast %get3A_124 : vector<1x1x128x128xf32> to vector<128x128xf32>
    %dot_general3A_126 = arith.constant dense<0.000000e+00> : vector<1000x128xf32>
    %dot_general3A_127 = tpu.matmul %get3A_119, %get3A_125, %dot_general3A_126 {dimension_numbers = #tpu.dot_dimension_numbers<[1], [0], [0], [1], [0, 0, 1, 1], [], []>, transpose_lhs_hint = false} : vector<1000x128xf32>, vector<128x128xf32>, vector<1000x128xf32> -> vector<1000x128xf32>
    %add3A_128 = arith.addf %add3A_114, %dot_general3A_127 : vector<1000x128xf32>
    %get3A_129 = arith.constant 2 : index
    %get3A_130 = arith.constant 0 : index
    %get3A_131 = arith.constant 0 : index
    %get3A_132 = vector.load %arg1[%get3A_129, %get3A_130, %get3A_131] : memref<4x1000x128xf32, #tpu.memory_space<vmem>>, vector<1x1000x128xf32>
    %get3A_133 = vector.shape_cast %get3A_132 : vector<1x1000x128xf32> to vector<1000x128xf32>
    %get3A_134 = arith.constant 2 : index
    %get3A_135 = arith.constant 1 : index
    %get3A_136 = arith.constant 0 : index
    %get3A_137 = arith.constant 0 : index
    %get3A_138 = vector.load %arg3[%get3A_134, %get3A_135, %get3A_136, %get3A_137] : memref<4x4x128x128xf32, #tpu.memory_space<vmem>>, vector<1x1x128x128xf32>
    %get3A_139 = vector.shape_cast %get3A_138 : vector<1x1x128x128xf32> to vector<128x128xf32>
    %dot_general3A_140 = arith.constant dense<0.000000e+00> : vector<1000x128xf32>
    %dot_general3A_141 = tpu.matmul %get3A_133, %get3A_139, %dot_general3A_140 {dimension_numbers = #tpu.dot_dimension_numbers<[1], [0], [0], [1], [0, 0, 1, 1], [], []>, transpose_lhs_hint = false} : vector<1000x128xf32>, vector<128x128xf32>, vector<1000x128xf32> -> vector<1000x128xf32>
    %add3A_142 = arith.addf %add3A_128, %dot_general3A_141 : vector<1000x128xf32>
    %get3A_143 = arith.constant 3 : index
    %get3A_144 = arith.constant 0 : index
    %get3A_145 = arith.constant 0 : index
    %get3A_146 = vector.load %arg1[%get3A_143, %get3A_144, %get3A_145] : memref<4x1000x128xf32, #tpu.memory_space<vmem>>, vector<1x1000x128xf32>
    %get3A_147 = vector.shape_cast %get3A_146 : vector<1x1000x128xf32> to vector<1000x128xf32>
    %get3A_148 = arith.constant 3 : index
    %get3A_149 = arith.constant 1 : index
    %get3A_150 = arith.constant 0 : index
    %get3A_151 = arith.constant 0 : index
    %get3A_152 = vector.load %arg3[%get3A_148, %get3A_149, %get3A_150, %get3A_151] : memref<4x4x128x128xf32, #tpu.memory_space<vmem>>, vector<1x1x128x128xf32>
    %get3A_153 = vector.shape_cast %get3A_152 : vector<1x1x128x128xf32> to vector<128x128xf32>
    %dot_general3A_154 = arith.constant dense<0.000000e+00> : vector<1000x128xf32>
    %dot_general3A_155 = tpu.matmul %get3A_147, %get3A_153, %dot_general3A_154 {dimension_numbers = #tpu.dot_dimension_numbers<[1], [0], [0], [1], [0, 0, 1, 1], [], []>, transpose_lhs_hint = false} : vector<1000x128xf32>, vector<128x128xf32>, vector<1000x128xf32> -> vector<1000x128xf32>
    %add3A_156 = arith.addf %add3A_142, %dot_general3A_155 : vector<1000x128xf32>
    %get3A_157 = arith.constant 1 : index
    %get3A_158 = arith.constant 0 : index
    %get3A_159 = arith.constant 0 : index
    %get3A_160 = vector.load %arg1[%get3A_157, %get3A_158, %get3A_159] : memref<4x1000x128xf32, #tpu.memory_space<vmem>>, vector<1x1000x128xf32>
    %get3A_161 = vector.shape_cast %get3A_160 : vector<1x1000x128xf32> to vector<1000x128xf32>
    %gt3A_162 = arith.constant 0.000000e+00 : f32
    %gt3A_163 = vector.broadcast %gt3A_162 : f32 to vector<1000x128xf32>
    %gt3A_164 = arith.cmpf ogt, %add3A_156, %gt3A_163 : vector<1000x128xf32>
    %mul3A_165 = arith.constant 2.000000e-01 : f32
    %mul3A_166 = vector.broadcast %mul3A_165 : f32 to vector<1000x128xf32>
    %mul3A_167 = arith.mulf %mul3A_166, %add3A_156 : vector<1000x128xf32>
    %select_n3A_168 = arith.select %gt3A_164, %add3A_156, %mul3A_167 : vector<1000x128xi1>, vector<1000x128xf32>
    %add3A_169 = arith.addf %get3A_161, %select_n3A_168 : vector<1000x128xf32>
    %swap3A_170 = arith.constant 1 : index
    %swap3A_171 = arith.constant 0 : index
    %swap3A_172 = arith.constant 0 : index
    %swap3A_173 = vector.load %arg7[%swap3A_170, %swap3A_171, %swap3A_172] : memref<4x1000x128xf32, #tpu.memory_space<vmem>>, vector<1x1000x128xf32>
    %swap3A_174 = vector.shape_cast %swap3A_173 : vector<1x1000x128xf32> to vector<1000x128xf32>
    %swap3A_175 = vector.shape_cast %add3A_169 : vector<1000x128xf32> to vector<1x1000x128xf32>
    tpu.vector_store %arg7[%swap3A_170, %swap3A_171, %swap3A_172], %swap3A_175 {strides = array<i32>} : memref<4x1000x128xf32, #tpu.memory_space<vmem>>, vector<1x1000x128xf32>,
    %get3A_176 = arith.constant 0 : index
    %get3A_177 = arith.constant 0 : index
    %get3A_178 = vector.load %arg4[%get3A_176, %get3A_177] : memref<128x128xf32, #tpu.memory_space<vmem>>, vector<128x128xf32>
    %dot_general3A_179 = arith.constant dense<0.000000e+00> : vector<1000x128xf32>
    %dot_general3A_180 = tpu.matmul %add3A_169, %get3A_178, %dot_general3A_179 {dimension_numbers = #tpu.dot_dimension_numbers<[1], [0], [0], [1], [0, 0, 1, 1], [], []>, transpose_lhs_hint = false} : vector<1000x128xf32>, vector<128x128xf32>, vector<1000x128xf32> -> vector<1000x128xf32>
    %convert_element_type3A_181 = arith.truncf %dot_general3A_180 : vector<1000x128xf32> to vector<1000x128xbf16>
    %convert_element_type3A_182 = arith.extf %convert_element_type3A_181 : vector<1000x128xbf16> to vector<1000x128xf32>
    %bitcast_convert_type3A_183 = tpu.bitcast %convert_element_type3A_182 : vector<1000x128xf32> -> vector<1000x128xi32>
    %slice3A_184 = vector.extract_strided_slice %bitcast_convert_type3A_183 {offsets = [0, 0], sizes = [1000, 64], strides = [1, 1]} : vector<1000x128xi32> to vector<1000x64xi32>
    %shift_right_logical3A_185 = arith.constant 16 : i32
    %shift_right_logical3A_186 = vector.broadcast %shift_right_logical3A_185 : i32 to vector<1000x64xi32>
    %shift_right_logical3A_187 = arith.shrui %slice3A_184, %shift_right_logical3A_186 : vector<1000x64xi32>
    %slice3A_188 = vector.extract_strided_slice %bitcast_convert_type3A_183 {offsets = [0, 64], sizes = [1000, 64], strides = [1, 1]} : vector<1000x128xi32> to vector<1000x64xi32>
    %and3A_189 = arith.constant -65536 : i32
    %and3A_190 = vector.broadcast %and3A_189 : i32 to vector<1000x64xi32>
    %and3A_191 = arith.andi %slice3A_188, %and3A_190 : vector<1000x64xi32>
    %or3A_192 = arith.ori %shift_right_logical3A_187, %and3A_191 : vector<1000x64xi32>
    %bitcast_convert_type3A_193 = tpu.bitcast %or3A_192 : vector<1000x64xi32> -> vector<1000x64xf32>
    %get3A_194 = arith.constant 0 : index
    %get3A_195 = arith.constant 0 : index
    %get3A_196 = vector.load %arg5[%get3A_194, %get3A_195] : memref<128x128xf32, #tpu.memory_space<vmem>>, vector<128x128xf32>
    %dot_general3A_197 = arith.constant dense<0.000000e+00> : vector<1000x128xf32>
    %dot_general3A_198 = tpu.matmul %add3A_169, %get3A_196, %dot_general3A_197 {dimension_numbers = #tpu.dot_dimension_numbers<[1], [0], [0], [1], [0, 0, 1, 1], [], []>, transpose_lhs_hint = false} : vector<1000x128xf32>, vector<128x128xf32>, vector<1000x128xf32> -> vector<1000x128xf32>
    %convert_element_type3A_199 = arith.truncf %dot_general3A_198 : vector<1000x128xf32> to vector<1000x128xbf16>
    %convert_element_type3A_200 = arith.extf %convert_element_type3A_199 : vector<1000x128xbf16> to vector<1000x128xf32>
    %bitcast_convert_type3A_201 = tpu.bitcast %convert_element_type3A_200 : vector<1000x128xf32> -> vector<1000x128xi32>
    %slice3A_202 = vector.extract_strided_slice %bitcast_convert_type3A_201 {offsets = [0, 0], sizes = [1000, 64], strides = [1, 1]} : vector<1000x128xi32> to vector<1000x64xi32>
    %shift_right_logical3A_203 = arith.constant 16 : i32
    %shift_right_logical3A_204 = vector.broadcast %shift_right_logical3A_203 : i32 to vector<1000x64xi32>
    %shift_right_logical3A_205 = arith.shrui %slice3A_202, %shift_right_logical3A_204 : vector<1000x64xi32>
    %slice3A_206 = vector.extract_strided_slice %bitcast_convert_type3A_201 {offsets = [0, 64], sizes = [1000, 64], strides = [1, 1]} : vector<1000x128xi32> to vector<1000x64xi32>
    %and3A_207 = arith.constant -65536 : i32
    %and3A_208 = vector.broadcast %and3A_207 : i32 to vector<1000x64xi32>
    %and3A_209 = arith.andi %slice3A_206, %and3A_208 : vector<1000x64xi32>
    %or3A_210 = arith.ori %shift_right_logical3A_205, %and3A_209 : vector<1000x64xi32>
    %bitcast_convert_type3A_211 = tpu.bitcast %or3A_210 : vector<1000x64xi32> -> vector<1000x64xf32>
    %broadcast_in_dim3A_212 = arith.constant 0.000000e+00 : f32
    %broadcast_in_dim3A_213 = vector.broadcast %broadcast_in_dim3A_212 : f32 to vector<1000x128xf32>
    %get3A_214 = arith.constant 0 : index
    %get3A_215 = arith.constant 0 : index
    %get3A_216 = arith.constant 0 : index
    %get3A_217 = vector.load %arg1[%get3A_214, %get3A_215, %get3A_216] : memref<4x1000x128xf32, #tpu.memory_space<vmem>>, vector<1x1000x128xf32>
    %get3A_218 = vector.shape_cast %get3A_217 : vector<1x1000x128xf32> to vector<1000x128xf32>
    %get3A_219 = arith.constant 0 : index
    %get3A_220 = arith.constant 2 : index
    %get3A_221 = arith.constant 0 : index
    %get3A_222 = arith.constant 0 : index
    %get3A_223 = vector.load %arg3[%get3A_219, %get3A_220, %get3A_221, %get3A_222] : memref<4x4x128x128xf32, #tpu.memory_space<vmem>>, vector<1x1x128x128xf32>
    %get3A_224 = vector.shape_cast %get3A_223 : vector<1x1x128x128xf32> to vector<128x128xf32>
    %dot_general3A_225 = arith.constant dense<0.000000e+00> : vector<1000x128xf32>
    %dot_general3A_226 = tpu.matmul %get3A_218, %get3A_224, %dot_general3A_225 {dimension_numbers = #tpu.dot_dimension_numbers<[1], [0], [0], [1], [0, 0, 1, 1], [], []>, transpose_lhs_hint = false} : vector<1000x128xf32>, vector<128x128xf32>, vector<1000x128xf32> -> vector<1000x128xf32>
    %add3A_227 = arith.addf %broadcast_in_dim3A_213, %dot_general3A_226 : vector<1000x128xf32>
    %get3A_228 = arith.constant 1 : index
    %get3A_229 = arith.constant 0 : index
    %get3A_230 = arith.constant 0 : index
    %get3A_231 = vector.load %arg1[%get3A_228, %get3A_229, %get3A_230] : memref<4x1000x128xf32, #tpu.memory_space<vmem>>, vector<1x1000x128xf32>
    %get3A_232 = vector.shape_cast %get3A_231 : vector<1x1000x128xf32> to vector<1000x128xf32>
    %get3A_233 = arith.constant 1 : index
    %get3A_234 = arith.constant 2 : index
    %get3A_235 = arith.constant 0 : index
    %get3A_236 = arith.constant 0 : index
    %get3A_237 = vector.load %arg3[%get3A_233, %get3A_234, %get3A_235, %get3A_236] : memref<4x4x128x128xf32, #tpu.memory_space<vmem>>, vector<1x1x128x128xf32>
    %get3A_238 = vector.shape_cast %get3A_237 : vector<1x1x128x128xf32> to vector<128x128xf32>
    %dot_general3A_239 = arith.constant dense<0.000000e+00> : vector<1000x128xf32>
    %dot_general3A_240 = tpu.matmul %get3A_232, %get3A_238, %dot_general3A_239 {dimension_numbers = #tpu.dot_dimension_numbers<[1], [0], [0], [1], [0, 0, 1, 1], [], []>, transpose_lhs_hint = false} : vector<1000x128xf32>, vector<128x128xf32>, vector<1000x128xf32> -> vector<1000x128xf32>
    %add3A_241 = arith.addf %add3A_227, %dot_general3A_240 : vector<1000x128xf32>
    %get3A_242 = arith.constant 2 : index
    %get3A_243 = arith.constant 0 : index
    %get3A_244 = arith.constant 0 : index
    %get3A_245 = vector.load %arg1[%get3A_242, %get3A_243, %get3A_244] : memref<4x1000x128xf32, #tpu.memory_space<vmem>>, vector<1x1000x128xf32>
    %get3A_246 = vector.shape_cast %get3A_245 : vector<1x1000x128xf32> to vector<1000x128xf32>
    %get3A_247 = arith.constant 2 : index
    %get3A_248 = arith.constant 2 : index
    %get3A_249 = arith.constant 0 : index
    %get3A_250 = arith.constant 0 : index
    %get3A_251 = vector.load %arg3[%get3A_247, %get3A_248, %get3A_249, %get3A_250] : memref<4x4x128x128xf32, #tpu.memory_space<vmem>>, vector<1x1x128x128xf32>
    %get3A_252 = vector.shape_cast %get3A_251 : vector<1x1x128x128xf32> to vector<128x128xf32>
    %dot_general3A_253 = arith.constant dense<0.000000e+00> : vector<1000x128xf32>
    %dot_general3A_254 = tpu.matmul %get3A_246, %get3A_252, %dot_general3A_253 {dimension_numbers = #tpu.dot_dimension_numbers<[1], [0], [0], [1], [0, 0, 1, 1], [], []>, transpose_lhs_hint = false} : vector<1000x128xf32>, vector<128x128xf32>, vector<1000x128xf32> -> vector<1000x128xf32>
    %add3A_255 = arith.addf %add3A_241, %dot_general3A_254 : vector<1000x128xf32>
    %get3A_256 = arith.constant 3 : index
    %get3A_257 = arith.constant 0 : index
    %get3A_258 = arith.constant 0 : index
    %get3A_259 = vector.load %arg1[%get3A_256, %get3A_257, %get3A_258] : memref<4x1000x128xf32, #tpu.memory_space<vmem>>, vector<1x1000x128xf32>
    %get3A_260 = vector.shape_cast %get3A_259 : vector<1x1000x128xf32> to vector<1000x128xf32>
    %get3A_261 = arith.constant 3 : index
    %get3A_262 = arith.constant 2 : index
    %get3A_263 = arith.constant 0 : index
    %get3A_264 = arith.constant 0 : index
    %get3A_265 = vector.load %arg3[%get3A_261, %get3A_262, %get3A_263, %get3A_264] : memref<4x4x128x128xf32, #tpu.memory_space<vmem>>, vector<1x1x128x128xf32>
    %get3A_266 = vector.shape_cast %get3A_265 : vector<1x1x128x128xf32> to vector<128x128xf32>
    %dot_general3A_267 = arith.constant dense<0.000000e+00> : vector<1000x128xf32>
    %dot_general3A_268 = tpu.matmul %get3A_260, %get3A_266, %dot_general3A_267 {dimension_numbers = #tpu.dot_dimension_numbers<[1], [0], [0], [1], [0, 0, 1, 1], [], []>, transpose_lhs_hint = false} : vector<1000x128xf32>, vector<128x128xf32>, vector<1000x128xf32> -> vector<1000x128xf32>
    %add3A_269 = arith.addf %add3A_255, %dot_general3A_268 : vector<1000x128xf32>
    %get3A_270 = arith.constant 2 : index
    %get3A_271 = arith.constant 0 : index
    %get3A_272 = arith.constant 0 : index
    %get3A_273 = vector.load %arg1[%get3A_270, %get3A_271, %get3A_272] : memref<4x1000x128xf32, #tpu.memory_space<vmem>>, vector<1x1000x128xf32>
    %get3A_274 = vector.shape_cast %get3A_273 : vector<1x1000x128xf32> to vector<1000x128xf32>
    %gt3A_275 = arith.constant 0.000000e+00 : f32
    %gt3A_276 = vector.broadcast %gt3A_275 : f32 to vector<1000x128xf32>
    %gt3A_277 = arith.cmpf ogt, %add3A_269, %gt3A_276 : vector<1000x128xf32>
    %mul3A_278 = arith.constant 2.000000e-01 : f32
    %mul3A_279 = vector.broadcast %mul3A_278 : f32 to vector<1000x128xf32>
    %mul3A_280 = arith.mulf %mul3A_279, %add3A_269 : vector<1000x128xf32>
    %select_n3A_281 = arith.select %gt3A_277, %add3A_269, %mul3A_280 : vector<1000x128xi1>, vector<1000x128xf32>
    %add3A_282 = arith.addf %get3A_274, %select_n3A_281 : vector<1000x128xf32>
    %swap3A_283 = arith.constant 2 : index
    %swap3A_284 = arith.constant 0 : index
    %swap3A_285 = arith.constant 0 : index
    %swap3A_286 = vector.load %arg7[%swap3A_283, %swap3A_284, %swap3A_285] : memref<4x1000x128xf32, #tpu.memory_space<vmem>>, vector<1x1000x128xf32>
    %swap3A_287 = vector.shape_cast %swap3A_286 : vector<1x1000x128xf32> to vector<1000x128xf32>
    %swap3A_288 = vector.shape_cast %add3A_282 : vector<1000x128xf32> to vector<1x1000x128xf32>
    tpu.vector_store %arg7[%swap3A_283, %swap3A_284, %swap3A_285], %swap3A_288 {strides = array<i32>} : memref<4x1000x128xf32, #tpu.memory_space<vmem>>, vector<1x1000x128xf32>,
    %get3A_289 = arith.constant 0 : index
    %get3A_290 = arith.constant 0 : index
    %get3A_291 = vector.load %arg4[%get3A_289, %get3A_290] : memref<128x128xf32, #tpu.memory_space<vmem>>, vector<128x128xf32>
    %dot_general3A_292 = arith.constant dense<0.000000e+00> : vector<1000x128xf32>
    %dot_general3A_293 = tpu.matmul %add3A_282, %get3A_291, %dot_general3A_292 {dimension_numbers = #tpu.dot_dimension_numbers<[1], [0], [0], [1], [0, 0, 1, 1], [], []>, transpose_lhs_hint = false} : vector<1000x128xf32>, vector<128x128xf32>, vector<1000x128xf32> -> vector<1000x128xf32>
    %convert_element_type3A_294 = arith.truncf %dot_general3A_293 : vector<1000x128xf32> to vector<1000x128xbf16>
    %convert_element_type3A_295 = arith.extf %convert_element_type3A_294 : vector<1000x128xbf16> to vector<1000x128xf32>
    %bitcast_convert_type3A_296 = tpu.bitcast %convert_element_type3A_295 : vector<1000x128xf32> -> vector<1000x128xi32>
    %slice3A_297 = vector.extract_strided_slice %bitcast_convert_type3A_296 {offsets = [0, 0], sizes = [1000, 64], strides = [1, 1]} : vector<1000x128xi32> to vector<1000x64xi32>
    %shift_right_logical3A_298 = arith.constant 16 : i32
    %shift_right_logical3A_299 = vector.broadcast %shift_right_logical3A_298 : i32 to vector<1000x64xi32>
    %shift_right_logical3A_300 = arith.shrui %slice3A_297, %shift_right_logical3A_299 : vector<1000x64xi32>
    %slice3A_301 = vector.extract_strided_slice %bitcast_convert_type3A_296 {offsets = [0, 64], sizes = [1000, 64], strides = [1, 1]} : vector<1000x128xi32> to vector<1000x64xi32>
    %and3A_302 = arith.constant -65536 : i32
    %and3A_303 = vector.broadcast %and3A_302 : i32 to vector<1000x64xi32>
    %and3A_304 = arith.andi %slice3A_301, %and3A_303 : vector<1000x64xi32>
    %or3A_305 = arith.ori %shift_right_logical3A_300, %and3A_304 : vector<1000x64xi32>
    %bitcast_convert_type3A_306 = tpu.bitcast %or3A_305 : vector<1000x64xi32> -> vector<1000x64xf32>
    %get3A_307 = arith.constant 0 : index
    %get3A_308 = arith.constant 0 : index
    %get3A_309 = vector.load %arg5[%get3A_307, %get3A_308] : memref<128x128xf32, #tpu.memory_space<vmem>>, vector<128x128xf32>
    %dot_general3A_310 = arith.constant dense<0.000000e+00> : vector<1000x128xf32>
    %dot_general3A_311 = tpu.matmul %add3A_282, %get3A_309, %dot_general3A_310 {dimension_numbers = #tpu.dot_dimension_numbers<[1], [0], [0], [1], [0, 0, 1, 1], [], []>, transpose_lhs_hint = false} : vector<1000x128xf32>, vector<128x128xf32>, vector<1000x128xf32> -> vector<1000x128xf32>
    %convert_element_type3A_312 = arith.truncf %dot_general3A_311 : vector<1000x128xf32> to vector<1000x128xbf16>
    %convert_element_type3A_313 = arith.extf %convert_element_type3A_312 : vector<1000x128xbf16> to vector<1000x128xf32>
    %bitcast_convert_type3A_314 = tpu.bitcast %convert_element_type3A_313 : vector<1000x128xf32> -> vector<1000x128xi32>
    %slice3A_315 = vector.extract_strided_slice %bitcast_convert_type3A_314 {offsets = [0, 0], sizes = [1000, 64], strides = [1, 1]} : vector<1000x128xi32> to vector<1000x64xi32>
    %shift_right_logical3A_316 = arith.constant 16 : i32
    %shift_right_logical3A_317 = vector.broadcast %shift_right_logical3A_316 : i32 to vector<1000x64xi32>
    %shift_right_logical3A_318 = arith.shrui %slice3A_315, %shift_right_logical3A_317 : vector<1000x64xi32>
    %slice3A_319 = vector.extract_strided_slice %bitcast_convert_type3A_314 {offsets = [0, 64], sizes = [1000, 64], strides = [1, 1]} : vector<1000x128xi32> to vector<1000x64xi32>
    %and3A_320 = arith.constant -65536 : i32
    %and3A_321 = vector.broadcast %and3A_320 : i32 to vector<1000x64xi32>
    %and3A_322 = arith.andi %slice3A_319, %and3A_321 : vector<1000x64xi32>
    %or3A_323 = arith.ori %shift_right_logical3A_318, %and3A_322 : vector<1000x64xi32>
    %bitcast_convert_type3A_324 = tpu.bitcast %or3A_323 : vector<1000x64xi32> -> vector<1000x64xf32>
    %broadcast_in_dim3A_325 = arith.constant 0.000000e+00 : f32
    %broadcast_in_dim3A_326 = vector.broadcast %broadcast_in_dim3A_325 : f32 to vector<1000x128xf32>
    %get3A_327 = arith.constant 0 : index
    %get3A_328 = arith.constant 0 : index
    %get3A_329 = arith.constant 0 : index
    %get3A_330 = vector.load %arg1[%get3A_327, %get3A_328, %get3A_329] : memref<4x1000x128xf32, #tpu.memory_space<vmem>>, vector<1x1000x128xf32>
    %get3A_331 = vector.shape_cast %get3A_330 : vector<1x1000x128xf32> to vector<1000x128xf32>
    %get3A_332 = arith.constant 0 : index
    %get3A_333 = arith.constant 3 : index
    %get3A_334 = arith.constant 0 : index
    %get3A_335 = arith.constant 0 : index
    %get3A_336 = vector.load %arg3[%get3A_332, %get3A_333, %get3A_334, %get3A_335] : memref<4x4x128x128xf32, #tpu.memory_space<vmem>>, vector<1x1x128x128xf32>
    %get3A_337 = vector.shape_cast %get3A_336 : vector<1x1x128x128xf32> to vector<128x128xf32>
    %dot_general3A_338 = arith.constant dense<0.000000e+00> : vector<1000x128xf32>
    %dot_general3A_339 = tpu.matmul %get3A_331, %get3A_337, %dot_general3A_338 {dimension_numbers = #tpu.dot_dimension_numbers<[1], [0], [0], [1], [0, 0, 1, 1], [], []>, transpose_lhs_hint = false} : vector<1000x128xf32>, vector<128x128xf32>, vector<1000x128xf32> -> vector<1000x128xf32>
    %add3A_340 = arith.addf %broadcast_in_dim3A_326, %dot_general3A_339 : vector<1000x128xf32>
    %get3A_341 = arith.constant 1 : index
    %get3A_342 = arith.constant 0 : index
    %get3A_343 = arith.constant 0 : index
    %get3A_344 = vector.load %arg1[%get3A_341, %get3A_342, %get3A_343] : memref<4x1000x128xf32, #tpu.memory_space<vmem>>, vector<1x1000x128xf32>
    %get3A_345 = vector.shape_cast %get3A_344 : vector<1x1000x128xf32> to vector<1000x128xf32>
    %get3A_346 = arith.constant 1 : index
    %get3A_347 = arith.constant 3 : index
    %get3A_348 = arith.constant 0 : index
    %get3A_349 = arith.constant 0 : index
    %get3A_350 = vector.load %arg3[%get3A_346, %get3A_347, %get3A_348, %get3A_349] : memref<4x4x128x128xf32, #tpu.memory_space<vmem>>, vector<1x1x128x128xf32>
    %get3A_351 = vector.shape_cast %get3A_350 : vector<1x1x128x128xf32> to vector<128x128xf32>
    %dot_general3A_352 = arith.constant dense<0.000000e+00> : vector<1000x128xf32>
    %dot_general3A_353 = tpu.matmul %get3A_345, %get3A_351, %dot_general3A_352 {dimension_numbers = #tpu.dot_dimension_numbers<[1], [0], [0], [1], [0, 0, 1, 1], [], []>, transpose_lhs_hint = false} : vector<1000x128xf32>, vector<128x128xf32>, vector<1000x128xf32> -> vector<1000x128xf32>
    %add3A_354 = arith.addf %add3A_340, %dot_general3A_353 : vector<1000x128xf32>
    %get3A_355 = arith.constant 2 : index
    %get3A_356 = arith.constant 0 : index
    %get3A_357 = arith.constant 0 : index
    %get3A_358 = vector.load %arg1[%get3A_355, %get3A_356, %get3A_357] : memref<4x1000x128xf32, #tpu.memory_space<vmem>>, vector<1x1000x128xf32>
    %get3A_359 = vector.shape_cast %get3A_358 : vector<1x1000x128xf32> to vector<1000x128xf32>
    %get3A_360 = arith.constant 2 : index
    %get3A_361 = arith.constant 3 : index
    %get3A_362 = arith.constant 0 : index
    %get3A_363 = arith.constant 0 : index
    %get3A_364 = vector.load %arg3[%get3A_360, %get3A_361, %get3A_362, %get3A_363] : memref<4x4x128x128xf32, #tpu.memory_space<vmem>>, vector<1x1x128x128xf32>
    %get3A_365 = vector.shape_cast %get3A_364 : vector<1x1x128x128xf32> to vector<128x128xf32>
    %dot_general3A_366 = arith.constant dense<0.000000e+00> : vector<1000x128xf32>
    %dot_general3A_367 = tpu.matmul %get3A_359, %get3A_365, %dot_general3A_366 {dimension_numbers = #tpu.dot_dimension_numbers<[1], [0], [0], [1], [0, 0, 1, 1], [], []>, transpose_lhs_hint = false} : vector<1000x128xf32>, vector<128x128xf32>, vector<1000x128xf32> -> vector<1000x128xf32>
    %add3A_368 = arith.addf %add3A_354, %dot_general3A_367 : vector<1000x128xf32>
    %get3A_369 = arith.constant 3 : index
    %get3A_370 = arith.constant 0 : index
    %get3A_371 = arith.constant 0 : index
    %get3A_372 = vector.load %arg1[%get3A_369, %get3A_370, %get3A_371] : memref<4x1000x128xf32, #tpu.memory_space<vmem>>, vector<1x1000x128xf32>
    %get3A_373 = vector.shape_cast %get3A_372 : vector<1x1000x128xf32> to vector<1000x128xf32>
    %get3A_374 = arith.constant 3 : index
    %get3A_375 = arith.constant 3 : index
    %get3A_376 = arith.constant 0 : index
    %get3A_377 = arith.constant 0 : index
    %get3A_378 = vector.load %arg3[%get3A_374, %get3A_375, %get3A_376, %get3A_377] : memref<4x4x128x128xf32, #tpu.memory_space<vmem>>, vector<1x1x128x128xf32>
    %get3A_379 = vector.shape_cast %get3A_378 : vector<1x1x128x128xf32> to vector<128x128xf32>
    %dot_general3A_380 = arith.constant dense<0.000000e+00> : vector<1000x128xf32>
    %dot_general3A_381 = tpu.matmul %get3A_373, %get3A_379, %dot_general3A_380 {dimension_numbers = #tpu.dot_dimension_numbers<[1], [0], [0], [1], [0, 0, 1, 1], [], []>, transpose_lhs_hint = false} : vector<1000x128xf32>, vector<128x128xf32>, vector<1000x128xf32> -> vector<1000x128xf32>
    %add3A_382 = arith.addf %add3A_368, %dot_general3A_381 : vector<1000x128xf32>
    %get3A_383 = arith.constant 3 : index
    %get3A_384 = arith.constant 0 : index
    %get3A_385 = arith.constant 0 : index
    %get3A_386 = vector.load %arg1[%get3A_383, %get3A_384, %get3A_385] : memref<4x1000x128xf32, #tpu.memory_space<vmem>>, vector<1x1000x128xf32>
    %get3A_387 = vector.shape_cast %get3A_386 : vector<1x1000x128xf32> to vector<1000x128xf32>
    %gt3A_388 = arith.constant 0.000000e+00 : f32
    %gt3A_389 = vector.broadcast %gt3A_388 : f32 to vector<1000x128xf32>
    %gt3A_390 = arith.cmpf ogt, %add3A_382, %gt3A_389 : vector<1000x128xf32>
    %mul3A_391 = arith.constant 2.000000e-01 : f32
    %mul3A_392 = vector.broadcast %mul3A_391 : f32 to vector<1000x128xf32>
    %mul3A_393 = arith.mulf %mul3A_392, %add3A_382 : vector<1000x128xf32>
    %select_n3A_394 = arith.select %gt3A_390, %add3A_382, %mul3A_393 : vector<1000x128xi1>, vector<1000x128xf32>
    %add3A_395 = arith.addf %get3A_387, %select_n3A_394 : vector<1000x128xf32>
    %swap3A_396 = arith.constant 3 : index
    %swap3A_397 = arith.constant 0 : index
    %swap3A_398 = arith.constant 0 : index
    %swap3A_399 = vector.load %arg7[%swap3A_396, %swap3A_397, %swap3A_398] : memref<4x1000x128xf32, #tpu.memory_space<vmem>>, vector<1x1000x128xf32>
    %swap3A_400 = vector.shape_cast %swap3A_399 : vector<1x1000x128xf32> to vector<1000x128xf32>
    %swap3A_401 = vector.shape_cast %add3A_395 : vector<1000x128xf32> to vector<1x1000x128xf32>
    tpu.vector_store %arg7[%swap3A_396, %swap3A_397, %swap3A_398], %swap3A_401 {strides = array<i32>} : memref<4x1000x128xf32, #tpu.memory_space<vmem>>, vector<1x1000x128xf32>,
    %get3A_402 = arith.constant 0 : index
    %get3A_403 = arith.constant 0 : index
    %get3A_404 = vector.load %arg4[%get3A_402, %get3A_403] : memref<128x128xf32, #tpu.memory_space<vmem>>, vector<128x128xf32>
    %dot_general3A_405 = arith.constant dense<0.000000e+00> : vector<1000x128xf32>
    %dot_general3A_406 = tpu.matmul %add3A_395, %get3A_404, %dot_general3A_405 {dimension_numbers = #tpu.dot_dimension_numbers<[1], [0], [0], [1], [0, 0, 1, 1], [], []>, transpose_lhs_hint = false} : vector<1000x128xf32>, vector<128x128xf32>, vector<1000x128xf32> -> vector<1000x128xf32>
    %convert_element_type3A_407 = arith.truncf %dot_general3A_406 : vector<1000x128xf32> to vector<1000x128xbf16>
    %convert_element_type3A_408 = arith.extf %convert_element_type3A_407 : vector<1000x128xbf16> to vector<1000x128xf32>
    %bitcast_convert_type3A_409 = tpu.bitcast %convert_element_type3A_408 : vector<1000x128xf32> -> vector<1000x128xi32>
    %slice3A_410 = vector.extract_strided_slice %bitcast_convert_type3A_409 {offsets = [0, 0], sizes = [1000, 64], strides = [1, 1]} : vector<1000x128xi32> to vector<1000x64xi32>
    %shift_right_logical3A_411 = arith.constant 16 : i32
    %shift_right_logical3A_412 = vector.broadcast %shift_right_logical3A_411 : i32 to vector<1000x64xi32>
    %shift_right_logical3A_413 = arith.shrui %slice3A_410, %shift_right_logical3A_412 : vector<1000x64xi32>
    %slice3A_414 = vector.extract_strided_slice %bitcast_convert_type3A_409 {offsets = [0, 64], sizes = [1000, 64], strides = [1, 1]} : vector<1000x128xi32> to vector<1000x64xi32>
    %and3A_415 = arith.constant -65536 : i32
    %and3A_416 = vector.broadcast %and3A_415 : i32 to vector<1000x64xi32>
    %and3A_417 = arith.andi %slice3A_414, %and3A_416 : vector<1000x64xi32>
    %or3A_418 = arith.ori %shift_right_logical3A_413, %and3A_417 : vector<1000x64xi32>
    %bitcast_convert_type3A_419 = tpu.bitcast %or3A_418 : vector<1000x64xi32> -> vector<1000x64xf32>
    %get3A_420 = arith.constant 0 : index
    %get3A_421 = arith.constant 0 : index
    %get3A_422 = vector.load %arg5[%get3A_420, %get3A_421] : memref<128x128xf32, #tpu.memory_space<vmem>>, vector<128x128xf32>
    %dot_general3A_423 = arith.constant dense<0.000000e+00> : vector<1000x128xf32>
    %dot_general3A_424 = tpu.matmul %add3A_395, %get3A_422, %dot_general3A_423 {dimension_numbers = #tpu.dot_dimension_numbers<[1], [0], [0], [1], [0, 0, 1, 1], [], []>, transpose_lhs_hint = false} : vector<1000x128xf32>, vector<128x128xf32>, vector<1000x128xf32> -> vector<1000x128xf32>
    %convert_element_type3A_425 = arith.truncf %dot_general3A_424 : vector<1000x128xf32> to vector<1000x128xbf16>
    %convert_element_type3A_426 = arith.extf %convert_element_type3A_425 : vector<1000x128xbf16> to vector<1000x128xf32>
    %bitcast_convert_type3A_427 = tpu.bitcast %convert_element_type3A_426 : vector<1000x128xf32> -> vector<1000x128xi32>
    %slice3A_428 = vector.extract_strided_slice %bitcast_convert_type3A_427 {offsets = [0, 0], sizes = [1000, 64], strides = [1, 1]} : vector<1000x128xi32> to vector<1000x64xi32>
    %shift_right_logical3A_429 = arith.constant 16 : i32
    %shift_right_logical3A_430 = vector.broadcast %shift_right_logical3A_429 : i32 to vector<1000x64xi32>
    %shift_right_logical3A_431 = arith.shrui %slice3A_428, %shift_right_logical3A_430 : vector<1000x64xi32>
    %slice3A_432 = vector.extract_strided_slice %bitcast_convert_type3A_427 {offsets = [0, 64], sizes = [1000, 64], strides = [1, 1]} : vector<1000x128xi32> to vector<1000x64xi32>
    %and3A_433 = arith.constant -65536 : i32
    %and3A_434 = vector.broadcast %and3A_433 : i32 to vector<1000x64xi32>
    %and3A_435 = arith.andi %slice3A_432, %and3A_434 : vector<1000x64xi32>
    %or3A_436 = arith.ori %shift_right_logical3A_431, %and3A_435 : vector<1000x64xi32>
    %bitcast_convert_type3A_437 = tpu.bitcast %or3A_436 : vector<1000x64xi32> -> vector<1000x64xf32>
    %concatenate3A = tpu.concatenate %bitcast_convert_type3A_80, %bitcast_convert_type3A_193 in 1 : vector<1000x64xf32>, vector<1000x64xf32> -> vector<1000x128xf32>
    %swap3A_438 = arith.constant 0 : index
    %swap3A_439 = arith.constant 0 : index
    %swap3A_440 = arith.constant 0 : index
    %swap3A_441 = vector.load %arg8[%swap3A_438, %swap3A_439, %swap3A_440] : memref<2x1000x128xf32, #tpu.memory_space<vmem>>, vector<1x1000x128xf32>
    %swap3A_442 = vector.shape_cast %swap3A_441 : vector<1x1000x128xf32> to vector<1000x128xf32>
    %swap3A_443 = vector.shape_cast %concatenate3A : vector<1000x128xf32> to vector<1x1000x128xf32>
    tpu.vector_store %arg8[%swap3A_438, %swap3A_439, %swap3A_440], %swap3A_443 {strides = array<i32>} : memref<2x1000x128xf32, #tpu.memory_space<vmem>>, vector<1x1000x128xf32>,
    %concatenate3A_444 = tpu.concatenate %bitcast_convert_type3A_98, %bitcast_convert_type3A_211 in 1 : vector<1000x64xf32>, vector<1000x64xf32> -> vector<1000x128xf32>
    %swap3A_445 = arith.constant 0 : index
    %swap3A_446 = arith.constant 0 : index
    %swap3A_447 = arith.constant 0 : index
    %swap3A_448 = vector.load %arg9[%swap3A_445, %swap3A_446, %swap3A_447] : memref<2x1000x128xf32, #tpu.memory_space<vmem>>, vector<1x1000x128xf32>
    %swap3A_449 = vector.shape_cast %swap3A_448 : vector<1x1000x128xf32> to vector<1000x128xf32>
    %swap3A_450 = vector.shape_cast %concatenate3A_444 : vector<1000x128xf32> to vector<1x1000x128xf32>
    tpu.vector_store %arg9[%swap3A_445, %swap3A_446, %swap3A_447], %swap3A_450 {strides = array<i32>} : memref<2x1000x128xf32, #tpu.memory_space<vmem>>, vector<1x1000x128xf32>,
    %concatenate3A_451 = tpu.concatenate %bitcast_convert_type3A_306, %bitcast_convert_type3A_419 in 1 : vector<1000x64xf32>, vector<1000x64xf32> -> vector<1000x128xf32>
    %swap3A_452 = arith.constant 1 : index
    %swap3A_453 = arith.constant 0 : index
    %swap3A_454 = arith.constant 0 : index
    %swap3A_455 = vector.load %arg8[%swap3A_452, %swap3A_453, %swap3A_454] : memref<2x1000x128xf32, #tpu.memory_space<vmem>>, vector<1x1000x128xf32>
    %swap3A_456 = vector.shape_cast %swap3A_455 : vector<1x1000x128xf32> to vector<1000x128xf32>
    %swap3A_457 = vector.shape_cast %concatenate3A_451 : vector<1000x128xf32> to vector<1x1000x128xf32>
    tpu.vector_store %arg8[%swap3A_452, %swap3A_453, %swap3A_454], %swap3A_457 {strides = array<i32>} : memref<2x1000x128xf32, #tpu.memory_space<vmem>>, vector<1x1000x128xf32>,
    %concatenate3A_458 = tpu.concatenate %bitcast_convert_type3A_324, %bitcast_convert_type3A_437 in 1 : vector<1000x64xf32>, vector<1000x64xf32> -> vector<1000x128xf32>
    %swap3A_459 = arith.constant 1 : index
    %swap3A_460 = arith.constant 0 : index
    %swap3A_461 = arith.constant 0 : index
    %swap3A_462 = vector.load %arg9[%swap3A_459, %swap3A_460, %swap3A_461] : memref<2x1000x128xf32, #tpu.memory_space<vmem>>, vector<1x1000x128xf32>
    %swap3A_463 = vector.shape_cast %swap3A_462 : vector<1x1000x128xf32> to vector<1000x128xf32>
    %swap3A_464 = vector.shape_cast %concatenate3A_458 : vector<1000x128xf32> to vector<1x1000x128xf32>
    tpu.vector_store %arg9[%swap3A_459, %swap3A_460, %swap3A_461], %swap3A_464 {strides = array<i32>} : memref<2x1000x128xf32, #tpu.memory_space<vmem>>, vector<1x1000x128xf32>,
    %get3A_465 = arith.constant 0 : index
    %get3A_466 = arith.constant 0 : index
    %get3A_467 = vector.load %arg2[%get3A_465, %get3A_466] : memref<1000x12xf32, #tpu.memory_space<vmem>>, vector<1000x12xf32>
    %get3A_468 = arith.constant 0 : index
    %get3A_469 = arith.constant 0 : index
    %get3A_470 = vector.load %arg6[%get3A_468, %get3A_469] : memref<12x12xf32, #tpu.memory_space<vmem>>, vector<12x12xf32>
    %dot_general3A_471 = arith.constant dense<0.000000e+00> : vector<1000x12xf32>
    %dot_general3A_472 = tpu.matmul %get3A_467, %get3A_470, %dot_general3A_471 {dimension_numbers = #tpu.dot_dimension_numbers<[1], [0], [0], [1], [0, 0, 1, 1], [], []>, transpose_lhs_hint = false} : vector<1000x12xf32>, vector<12x12xf32>, vector<1000x12xf32> -> vector<1000x12xf32>
    %add3A_473 = arith.addf %get3A_467, %dot_general3A_472 : vector<1000x12xf32>
    %swap3A_474 = arith.constant 0 : index
    %swap3A_475 = arith.constant 0 : index
    %swap3A_476 = vector.load %arg10[%swap3A_474, %swap3A_475] : memref<1000x12xf32, #tpu.memory_space<vmem>>, vector<1000x12xf32>
    tpu.vector_store %arg10[%swap3A_474, %swap3A_475], %add3A_473 {strides = array<i32>} : memref<1000x12xf32, #tpu.memory_space<vmem>>, vector<1000x12xf32>,
    return
  }
  func.func @transform_0(%arg0: i32) -> (i32, i32, i32) {
    %c0_i32 = arith.constant 0 : i32
    %c0_i32_0 = arith.constant 0 : i32
    %c0_i32_1 = arith.constant 0 : i32
    return %c0_i32, %arg0, %c0_i32_0 : i32, i32, i32
  }
  func.func @transform_1(%arg0: i32) -> (i32, i32) {
    %c0_i32 = arith.constant 0 : i32
    %c0_i32_0 = arith.constant 0 : i32
    return %arg0, %c0_i32 : i32, i32
  }
  func.func @transform_2(%arg0: i32) -> (i32, i32, i32, i32) {
    %c0_i32 = arith.constant 0 : i32
    %c0_i32_0 = arith.constant 0 : i32
    %c0_i32_1 = arith.constant 0 : i32
    %c0_i32_2 = arith.constant 0 : i32
    %c0_i32_3 = arith.constant 0 : i32
    return %c0_i32, %c0_i32_0, %c0_i32_1, %c0_i32_2 : i32, i32, i32, i32
  }
  func.func @transform_3(%arg0: i32) -> (i32, i32) {
    %c0_i32 = arith.constant 0 : i32
    %c0_i32_0 = arith.constant 0 : i32
    %c0_i32_1 = arith.constant 0 : i32
    return %c0_i32, %c0_i32_0 : i32, i32
  }
  func.func @transform_4(%arg0: i32) -> (i32, i32) {
    %c0_i32 = arith.constant 0 : i32
    %c0_i32_0 = arith.constant 0 : i32
    %c0_i32_1 = arith.constant 0 : i32
    return %c0_i32, %c0_i32_0 : i32, i32
  }
  func.func @transform_5(%arg0: i32) -> (i32, i32) {
    %c0_i32 = arith.constant 0 : i32
    %c0_i32_0 = arith.constant 0 : i32
    %c0_i32_1 = arith.constant 0 : i32
    return %c0_i32, %c0_i32_0 : i32, i32
  }
  func.func @transform_6(%arg0: i32) -> (i32, i32, i32) {
    %c0_i32 = arith.constant 0 : i32
    %c0_i32_0 = arith.constant 0 : i32
    %c0_i32_1 = arith.constant 0 : i32
    return %c0_i32, %arg0, %c0_i32_0 : i32, i32, i32
  }
  func.func @transform_7(%arg0: i32) -> (i32, i32, i32) {
    %c0_i32 = arith.constant 0 : i32
    %c0_i32_0 = arith.constant 0 : i32
    %c0_i32_1 = arith.constant 0 : i32
    return %c0_i32, %arg0, %c0_i32_0 : i32, i32, i32
  }
  func.func @transform_8(%arg0: i32) -> (i32, i32, i32) {
    %c0_i32 = arith.constant 0 : i32
    %c0_i32_0 = arith.constant 0 : i32
    %c0_i32_1 = arith.constant 0 : i32
    return %c0_i32, %arg0, %c0_i32_0 : i32, i32, i32
  }
  func.func @transform_9(%arg0: i32) -> (i32, i32) {
    %c0_i32 = arith.constant 0 : i32
    %c0_i32_0 = arith.constant 0 : i32
    return %arg0, %c0_i32 : i32, i32
  }
}

module attributes {stable_mosaic.version = 14 : i64} {
  func.func @_edge_body(%arg0: i32, %arg1: memref<2000x128xf32, #tpu.memory_space<vmem>>, %arg2: memref<2000x128xf32, #tpu.memory_space<vmem>>, %arg3: memref<2000x1xf32, #tpu.memory_space<vmem>>, %arg4: memref<128x128xbf16, #tpu.memory_space<vmem>>, %arg5: memref<8x128xf32, #tpu.memory_space<vmem>>, %arg6: memref<2x2000x128xf32, #tpu.memory_space<vmem>>) attributes {dimension_semantics = [#tpu.dimension_semantics<arbitrary>], iteration_bounds = array<i64: 80>, scalar_prefetch = 0 : i64, scratch_operands = 0 : i64, tpu.core_type = #tpu.core_type<tc>, window_params = [{transform_indices = @transform_0, window_bounds = array<i64: 2000, 128>}, {transform_indices = @transform_1, window_bounds = array<i64: 2000, 128>}, {transform_indices = @transform_2, window_bounds = array<i64: 2000, 1>}, {pipeline_mode = #tpu.pipeline_mode<synchronous>, transform_indices = @transform_3, window_bounds = array<i64: 128, 128>}, {pipeline_mode = #tpu.pipeline_mode<synchronous>, transform_indices = @transform_4, window_bounds = array<i64: 8, 128>}, {transform_indices = @transform_5, window_bounds = array<i64: 2, 2000, 128>}]} {
    %get3A = arith.constant 0 : index
    %get3A_0 = arith.constant 0 : index
    %get3A_1 = vector.load %arg3[%get3A, %get3A_0] : memref<2000x1xf32, #tpu.memory_space<vmem>>, vector<2000x1xf32>
    %get3A_2 = arith.constant 0 : index
    %get3A_3 = arith.constant 0 : index
    %get3A_4 = vector.load %arg5[%get3A_2, %get3A_3] : memref<8x128xf32, #tpu.memory_space<vmem>>, vector<1x128xf32>
    %get3A_5 = arith.constant 1 : index
    %get3A_6 = arith.constant 0 : index
    %get3A_7 = vector.load %arg5[%get3A_5, %get3A_6] : memref<8x128xf32, #tpu.memory_space<vmem>>, vector<1x128xf32>
    %get3A_8 = arith.constant 2 : index
    %get3A_9 = arith.constant 0 : index
    %get3A_10 = vector.load %arg5[%get3A_8, %get3A_9] : memref<8x128xf32, #tpu.memory_space<vmem>>, vector<1x128xf32>
    %get3A_11 = arith.constant 3 : index
    %get3A_12 = arith.constant 0 : index
    %get3A_13 = vector.load %arg5[%get3A_11, %get3A_12] : memref<8x128xf32, #tpu.memory_space<vmem>>, vector<1x128xf32>
    %get3A_14 = arith.constant 4 : index
    %get3A_15 = arith.constant 0 : index
    %get3A_16 = vector.load %arg5[%get3A_14, %get3A_15] : memref<8x128xf32, #tpu.memory_space<vmem>>, vector<1x1xf32>
    %get3A_17 = arith.constant 0 : index
    %get3A_18 = arith.constant 0 : index
    %get3A_19 = vector.load %arg1[%get3A_17, %get3A_18] : memref<2000x128xf32, #tpu.memory_space<vmem>>, vector<2000x128xf32>
    %get3A_20 = arith.constant 0 : index
    %get3A_21 = arith.constant 0 : index
    %get3A_22 = vector.load %arg2[%get3A_20, %get3A_21] : memref<2000x128xf32, #tpu.memory_space<vmem>>, vector<2000x128xf32>
    %slice3A = vector.extract_strided_slice %get3A_19 {offsets = [0, 0], sizes = [2000, 64], strides = [1, 1]} : vector<2000x128xf32> to vector<2000x64xf32>
    %bitcast_convert_type3A = tpu.bitcast %slice3A : vector<2000x64xf32> -> vector<2000x64xi32>
    %shift_left3A = arith.constant 16 : i32
    %shift_left3A_23 = vector.broadcast %shift_left3A : i32 to vector<2000x64xi32>
    %shift_left3A_24 = arith.shli %bitcast_convert_type3A, %shift_left3A_23 : vector<2000x64xi32>
    %bitcast_convert_type3A_25 = tpu.bitcast %shift_left3A_24 : vector<2000x64xi32> -> vector<2000x64xf32>
    %and3A = arith.constant -65536 : i32
    %and3A_26 = vector.broadcast %and3A : i32 to vector<2000x64xi32>
    %and3A_27 = arith.andi %bitcast_convert_type3A, %and3A_26 : vector<2000x64xi32>
    %bitcast_convert_type3A_28 = tpu.bitcast %and3A_27 : vector<2000x64xi32> -> vector<2000x64xf32>
    %concatenate3A = tpu.concatenate %bitcast_convert_type3A_25, %bitcast_convert_type3A_28 in 1 : vector<2000x64xf32>, vector<2000x64xf32> -> vector<2000x128xf32>
    %slice3A_29 = vector.extract_strided_slice %get3A_22 {offsets = [0, 0], sizes = [2000, 64], strides = [1, 1]} : vector<2000x128xf32> to vector<2000x64xf32>
    %bitcast_convert_type3A_30 = tpu.bitcast %slice3A_29 : vector<2000x64xf32> -> vector<2000x64xi32>
    %shift_left3A_31 = arith.constant 16 : i32
    %shift_left3A_32 = vector.broadcast %shift_left3A_31 : i32 to vector<2000x64xi32>
    %shift_left3A_33 = arith.shli %bitcast_convert_type3A_30, %shift_left3A_32 : vector<2000x64xi32>
    %bitcast_convert_type3A_34 = tpu.bitcast %shift_left3A_33 : vector<2000x64xi32> -> vector<2000x64xf32>
    %and3A_35 = arith.constant -65536 : i32
    %and3A_36 = vector.broadcast %and3A_35 : i32 to vector<2000x64xi32>
    %and3A_37 = arith.andi %bitcast_convert_type3A_30, %and3A_36 : vector<2000x64xi32>
    %bitcast_convert_type3A_38 = tpu.bitcast %and3A_37 : vector<2000x64xi32> -> vector<2000x64xf32>
    %concatenate3A_39 = tpu.concatenate %bitcast_convert_type3A_34, %bitcast_convert_type3A_38 in 1 : vector<2000x64xf32>, vector<2000x64xf32> -> vector<2000x128xf32>
    %add3A = arith.addf %concatenate3A, %concatenate3A_39 : vector<2000x128xf32>
    %mul3A = vector.broadcast %get3A_1 : vector<2000x1xf32> to vector<2000x128xf32>
    %mul3A_40 = vector.broadcast %get3A_4 : vector<1x128xf32> to vector<2000x128xf32>
    %mul3A_41 = arith.mulf %mul3A, %mul3A_40 : vector<2000x128xf32>
    %add3A_42 = arith.addf %add3A, %mul3A_41 : vector<2000x128xf32>
    %add3A_43 = vector.broadcast %get3A_7 : vector<1x128xf32> to vector<2000x128xf32>
    %add3A_44 = arith.addf %add3A_42, %add3A_43 : vector<2000x128xf32>
    %logistic3A = arith.negf %add3A_44 : vector<2000x128xf32>
    %logistic3A_45 = math.exp %logistic3A : vector<2000x128xf32>
    %logistic3A_46 = arith.constant 1.000000e+00 : f32
    %logistic3A_47 = vector.broadcast %logistic3A_46 : f32 to vector<2000x128xf32>
    %logistic3A_48 = arith.addf %logistic3A_47, %logistic3A_45 : vector<2000x128xf32>
    %logistic3A_49 = arith.divf %logistic3A_47, %logistic3A_48 : vector<2000x128xf32>
    %mul3A_50 = arith.mulf %add3A_44, %logistic3A_49 : vector<2000x128xf32>
    %convert_element_type3A = arith.truncf %mul3A_50 : vector<2000x128xf32> to vector<2000x128xbf16>
    %get3A_51 = arith.constant 0 : index
    %get3A_52 = arith.constant 0 : index
    %get3A_53 = vector.load %arg4[%get3A_51, %get3A_52] : memref<128x128xbf16, #tpu.memory_space<vmem>>, vector<128x128xbf16>
    %dot_general3A = arith.constant dense<0.000000e+00> : vector<2000x128xf32>
    %dot_general3A_54 = tpu.matmul %convert_element_type3A, %get3A_53, %dot_general3A {dimension_numbers = #tpu.dot_dimension_numbers<[1], [0], [0], [1], [0, 0, 1, 1], [], []>, transpose_lhs_hint = false} : vector<2000x128xbf16>, vector<128x128xbf16>, vector<2000x128xf32> -> vector<2000x128xf32>
    %add3A_55 = vector.broadcast %get3A_10 : vector<1x128xf32> to vector<2000x128xf32>
    %add3A_56 = arith.addf %dot_general3A_54, %add3A_55 : vector<2000x128xf32>
    %logistic3A_57 = arith.negf %add3A_56 : vector<2000x128xf32>
    %logistic3A_58 = math.exp %logistic3A_57 : vector<2000x128xf32>
    %logistic3A_59 = arith.constant 1.000000e+00 : f32
    %logistic3A_60 = vector.broadcast %logistic3A_59 : f32 to vector<2000x128xf32>
    %logistic3A_61 = arith.addf %logistic3A_60, %logistic3A_58 : vector<2000x128xf32>
    %logistic3A_62 = arith.divf %logistic3A_60, %logistic3A_61 : vector<2000x128xf32>
    %mul3A_63 = arith.mulf %add3A_56, %logistic3A_62 : vector<2000x128xf32>
    %mul3A_64 = vector.broadcast %get3A_13 : vector<1x128xf32> to vector<2000x128xf32>
    %mul3A_65 = arith.mulf %mul3A_63, %mul3A_64 : vector<2000x128xf32>
    %reduce_sum3A = arith.constant dense<0.000000e+00> : vector<2000xf32>
    %reduce_sum3A_66 = vector.multi_reduction <add>, %mul3A_65, %reduce_sum3A [1] : vector<2000x128xf32> to vector<2000xf32>
    %broadcast_in_dim3A = vector.shape_cast %reduce_sum3A_66 : vector<2000xf32> to vector<2000x1xf32>
    %add3A_67 = vector.broadcast %get3A_16 : vector<1x1xf32> to vector<2000x1xf32>
    %add3A_68 = arith.addf %broadcast_in_dim3A, %add3A_67 : vector<2000x1xf32>
    %logistic3A_69 = arith.negf %add3A_68 : vector<2000x1xf32>
    %logistic3A_70 = math.exp %logistic3A_69 : vector<2000x1xf32>
    %logistic3A_71 = arith.constant 1.000000e+00 : f32
    %logistic3A_72 = vector.broadcast %logistic3A_71 : f32 to vector<2000x1xf32>
    %logistic3A_73 = arith.addf %logistic3A_72, %logistic3A_70 : vector<2000x1xf32>
    %logistic3A_74 = arith.divf %logistic3A_72, %logistic3A_73 : vector<2000x1xf32>
    %mul3A_75 = vector.broadcast %logistic3A_74 : vector<2000x1xf32> to vector<2000x128xf32>
    %mul3A_76 = arith.mulf %mul3A_63, %mul3A_75 : vector<2000x128xf32>
    %swap3A = arith.constant 0 : index
    %swap3A_77 = arith.constant 0 : index
    %swap3A_78 = arith.constant 0 : index
    %swap3A_79 = vector.load %arg6[%swap3A, %swap3A_77, %swap3A_78] : memref<2x2000x128xf32, #tpu.memory_space<vmem>>, vector<1x2000x128xf32>
    %swap3A_80 = vector.shape_cast %swap3A_79 : vector<1x2000x128xf32> to vector<2000x128xf32>
    %swap3A_81 = vector.shape_cast %mul3A_76 : vector<2000x128xf32> to vector<1x2000x128xf32>
    tpu.vector_store %arg6[%swap3A, %swap3A_77, %swap3A_78], %swap3A_81 {strides = array<i32>} : memref<2x2000x128xf32, #tpu.memory_space<vmem>>, vector<1x2000x128xf32>,
    %slice3A_82 = vector.extract_strided_slice %get3A_19 {offsets = [0, 64], sizes = [2000, 64], strides = [1, 1]} : vector<2000x128xf32> to vector<2000x64xf32>
    %bitcast_convert_type3A_83 = tpu.bitcast %slice3A_82 : vector<2000x64xf32> -> vector<2000x64xi32>
    %shift_left3A_84 = arith.constant 16 : i32
    %shift_left3A_85 = vector.broadcast %shift_left3A_84 : i32 to vector<2000x64xi32>
    %shift_left3A_86 = arith.shli %bitcast_convert_type3A_83, %shift_left3A_85 : vector<2000x64xi32>
    %bitcast_convert_type3A_87 = tpu.bitcast %shift_left3A_86 : vector<2000x64xi32> -> vector<2000x64xf32>
    %and3A_88 = arith.constant -65536 : i32
    %and3A_89 = vector.broadcast %and3A_88 : i32 to vector<2000x64xi32>
    %and3A_90 = arith.andi %bitcast_convert_type3A_83, %and3A_89 : vector<2000x64xi32>
    %bitcast_convert_type3A_91 = tpu.bitcast %and3A_90 : vector<2000x64xi32> -> vector<2000x64xf32>
    %concatenate3A_92 = tpu.concatenate %bitcast_convert_type3A_87, %bitcast_convert_type3A_91 in 1 : vector<2000x64xf32>, vector<2000x64xf32> -> vector<2000x128xf32>
    %slice3A_93 = vector.extract_strided_slice %get3A_22 {offsets = [0, 64], sizes = [2000, 64], strides = [1, 1]} : vector<2000x128xf32> to vector<2000x64xf32>
    %bitcast_convert_type3A_94 = tpu.bitcast %slice3A_93 : vector<2000x64xf32> -> vector<2000x64xi32>
    %shift_left3A_95 = arith.constant 16 : i32
    %shift_left3A_96 = vector.broadcast %shift_left3A_95 : i32 to vector<2000x64xi32>
    %shift_left3A_97 = arith.shli %bitcast_convert_type3A_94, %shift_left3A_96 : vector<2000x64xi32>
    %bitcast_convert_type3A_98 = tpu.bitcast %shift_left3A_97 : vector<2000x64xi32> -> vector<2000x64xf32>
    %and3A_99 = arith.constant -65536 : i32
    %and3A_100 = vector.broadcast %and3A_99 : i32 to vector<2000x64xi32>
    %and3A_101 = arith.andi %bitcast_convert_type3A_94, %and3A_100 : vector<2000x64xi32>
    %bitcast_convert_type3A_102 = tpu.bitcast %and3A_101 : vector<2000x64xi32> -> vector<2000x64xf32>
    %concatenate3A_103 = tpu.concatenate %bitcast_convert_type3A_98, %bitcast_convert_type3A_102 in 1 : vector<2000x64xf32>, vector<2000x64xf32> -> vector<2000x128xf32>
    %add3A_104 = arith.addf %concatenate3A_92, %concatenate3A_103 : vector<2000x128xf32>
    %mul3A_105 = vector.broadcast %get3A_1 : vector<2000x1xf32> to vector<2000x128xf32>
    %mul3A_106 = vector.broadcast %get3A_4 : vector<1x128xf32> to vector<2000x128xf32>
    %mul3A_107 = arith.mulf %mul3A_105, %mul3A_106 : vector<2000x128xf32>
    %add3A_108 = arith.addf %add3A_104, %mul3A_107 : vector<2000x128xf32>
    %add3A_109 = vector.broadcast %get3A_7 : vector<1x128xf32> to vector<2000x128xf32>
    %add3A_110 = arith.addf %add3A_108, %add3A_109 : vector<2000x128xf32>
    %logistic3A_111 = arith.negf %add3A_110 : vector<2000x128xf32>
    %logistic3A_112 = math.exp %logistic3A_111 : vector<2000x128xf32>
    %logistic3A_113 = arith.constant 1.000000e+00 : f32
    %logistic3A_114 = vector.broadcast %logistic3A_113 : f32 to vector<2000x128xf32>
    %logistic3A_115 = arith.addf %logistic3A_114, %logistic3A_112 : vector<2000x128xf32>
    %logistic3A_116 = arith.divf %logistic3A_114, %logistic3A_115 : vector<2000x128xf32>
    %mul3A_117 = arith.mulf %add3A_110, %logistic3A_116 : vector<2000x128xf32>
    %convert_element_type3A_118 = arith.truncf %mul3A_117 : vector<2000x128xf32> to vector<2000x128xbf16>
    %get3A_119 = arith.constant 0 : index
    %get3A_120 = arith.constant 0 : index
    %get3A_121 = vector.load %arg4[%get3A_119, %get3A_120] : memref<128x128xbf16, #tpu.memory_space<vmem>>, vector<128x128xbf16>
    %dot_general3A_122 = arith.constant dense<0.000000e+00> : vector<2000x128xf32>
    %dot_general3A_123 = tpu.matmul %convert_element_type3A_118, %get3A_121, %dot_general3A_122 {dimension_numbers = #tpu.dot_dimension_numbers<[1], [0], [0], [1], [0, 0, 1, 1], [], []>, transpose_lhs_hint = false} : vector<2000x128xbf16>, vector<128x128xbf16>, vector<2000x128xf32> -> vector<2000x128xf32>
    %add3A_124 = vector.broadcast %get3A_10 : vector<1x128xf32> to vector<2000x128xf32>
    %add3A_125 = arith.addf %dot_general3A_123, %add3A_124 : vector<2000x128xf32>
    %logistic3A_126 = arith.negf %add3A_125 : vector<2000x128xf32>
    %logistic3A_127 = math.exp %logistic3A_126 : vector<2000x128xf32>
    %logistic3A_128 = arith.constant 1.000000e+00 : f32
    %logistic3A_129 = vector.broadcast %logistic3A_128 : f32 to vector<2000x128xf32>
    %logistic3A_130 = arith.addf %logistic3A_129, %logistic3A_127 : vector<2000x128xf32>
    %logistic3A_131 = arith.divf %logistic3A_129, %logistic3A_130 : vector<2000x128xf32>
    %mul3A_132 = arith.mulf %add3A_125, %logistic3A_131 : vector<2000x128xf32>
    %mul3A_133 = vector.broadcast %get3A_13 : vector<1x128xf32> to vector<2000x128xf32>
    %mul3A_134 = arith.mulf %mul3A_132, %mul3A_133 : vector<2000x128xf32>
    %reduce_sum3A_135 = arith.constant dense<0.000000e+00> : vector<2000xf32>
    %reduce_sum3A_136 = vector.multi_reduction <add>, %mul3A_134, %reduce_sum3A_135 [1] : vector<2000x128xf32> to vector<2000xf32>
    %broadcast_in_dim3A_137 = vector.shape_cast %reduce_sum3A_136 : vector<2000xf32> to vector<2000x1xf32>
    %add3A_138 = vector.broadcast %get3A_16 : vector<1x1xf32> to vector<2000x1xf32>
    %add3A_139 = arith.addf %broadcast_in_dim3A_137, %add3A_138 : vector<2000x1xf32>
    %logistic3A_140 = arith.negf %add3A_139 : vector<2000x1xf32>
    %logistic3A_141 = math.exp %logistic3A_140 : vector<2000x1xf32>
    %logistic3A_142 = arith.constant 1.000000e+00 : f32
    %logistic3A_143 = vector.broadcast %logistic3A_142 : f32 to vector<2000x1xf32>
    %logistic3A_144 = arith.addf %logistic3A_143, %logistic3A_141 : vector<2000x1xf32>
    %logistic3A_145 = arith.divf %logistic3A_143, %logistic3A_144 : vector<2000x1xf32>
    %mul3A_146 = vector.broadcast %logistic3A_145 : vector<2000x1xf32> to vector<2000x128xf32>
    %mul3A_147 = arith.mulf %mul3A_132, %mul3A_146 : vector<2000x128xf32>
    %swap3A_148 = arith.constant 1 : index
    %swap3A_149 = arith.constant 0 : index
    %swap3A_150 = arith.constant 0 : index
    %swap3A_151 = vector.load %arg6[%swap3A_148, %swap3A_149, %swap3A_150] : memref<2x2000x128xf32, #tpu.memory_space<vmem>>, vector<1x2000x128xf32>
    %swap3A_152 = vector.shape_cast %swap3A_151 : vector<1x2000x128xf32> to vector<2000x128xf32>
    %swap3A_153 = vector.shape_cast %mul3A_147 : vector<2000x128xf32> to vector<1x2000x128xf32>
    tpu.vector_store %arg6[%swap3A_148, %swap3A_149, %swap3A_150], %swap3A_153 {strides = array<i32>} : memref<2x2000x128xf32, #tpu.memory_space<vmem>>, vector<1x2000x128xf32>,
    return
  }
  func.func @transform_0(%arg0: i32) -> (i32, i32) {
    %c0_i32 = arith.constant 0 : i32
    %c0_i32_0 = arith.constant 0 : i32
    return %arg0, %c0_i32 : i32, i32
  }
  func.func @transform_1(%arg0: i32) -> (i32, i32) {
    %c0_i32 = arith.constant 0 : i32
    %c0_i32_0 = arith.constant 0 : i32
    return %arg0, %c0_i32 : i32, i32
  }
  func.func @transform_2(%arg0: i32) -> (i32, i32) {
    %c0_i32 = arith.constant 0 : i32
    %c0_i32_0 = arith.constant 0 : i32
    return %arg0, %c0_i32 : i32, i32
  }
  func.func @transform_3(%arg0: i32) -> (i32, i32) {
    %c0_i32 = arith.constant 0 : i32
    %c0_i32_0 = arith.constant 0 : i32
    %c0_i32_1 = arith.constant 0 : i32
    return %c0_i32, %c0_i32_0 : i32, i32
  }
  func.func @transform_4(%arg0: i32) -> (i32, i32) {
    %c0_i32 = arith.constant 0 : i32
    %c0_i32_0 = arith.constant 0 : i32
    %c0_i32_1 = arith.constant 0 : i32
    return %c0_i32, %c0_i32_0 : i32, i32
  }
  func.func @transform_5(%arg0: i32) -> (i32, i32, i32) {
    %c0_i32 = arith.constant 0 : i32
    %c0_i32_0 = arith.constant 0 : i32
    %c0_i32_1 = arith.constant 0 : i32
    return %c0_i32, %arg0, %c0_i32_0 : i32, i32, i32
  }
}

module attributes {stable_mosaic.version = 14 : i64} {
  func.func @_node_body(%arg0: i32, %arg1: memref<128x128xf32, #tpu.memory_space<vmem>>, %arg2: memref<128x128xf32, #tpu.memory_space<vmem>>, %arg3: memref<128x128xf32, #tpu.memory_space<vmem>>, %arg4: memref<8x128xf32, #tpu.memory_space<vmem>>, %arg5: memref<2000x128xf32, #tpu.memory_space<vmem>>, %arg6: memref<2x2000x128xf32, #tpu.memory_space<vmem>>, %arg7: memref<2000x128xf32, #tpu.memory_space<vmem>>) attributes {dimension_semantics = [#tpu.dimension_semantics<arbitrary>], iteration_bounds = array<i64: 5>, scalar_prefetch = 0 : i64, scratch_operands = 0 : i64, tpu.core_type = #tpu.core_type<tc>, window_params = [{pipeline_mode = #tpu.pipeline_mode<synchronous>, transform_indices = @transform_0, window_bounds = array<i64: 128, 128>}, {pipeline_mode = #tpu.pipeline_mode<synchronous>, transform_indices = @transform_1, window_bounds = array<i64: 128, 128>}, {pipeline_mode = #tpu.pipeline_mode<synchronous>, transform_indices = @transform_2, window_bounds = array<i64: 128, 128>}, {pipeline_mode = #tpu.pipeline_mode<synchronous>, transform_indices = @transform_3, window_bounds = array<i64: 8, 128>}, {transform_indices = @transform_4, window_bounds = array<i64: 2000, 128>}, {transform_indices = @transform_5, window_bounds = array<i64: 2, 2000, 128>}, {transform_indices = @transform_6, window_bounds = array<i64: 2000, 128>}]} {
    %get3A = arith.constant 0 : index
    %get3A_0 = arith.constant 0 : index
    %get3A_1 = vector.load %arg4[%get3A, %get3A_0] : memref<8x128xf32, #tpu.memory_space<vmem>>, vector<1x128xf32>
    %get3A_2 = arith.constant 1 : index
    %get3A_3 = arith.constant 0 : index
    %get3A_4 = vector.load %arg4[%get3A_2, %get3A_3] : memref<8x128xf32, #tpu.memory_space<vmem>>, vector<1x128xf32>
    %get3A_5 = arith.constant 0 : index
    %get3A_6 = arith.constant 0 : index
    %get3A_7 = vector.load %arg5[%get3A_5, %get3A_6] : memref<2000x128xf32, #tpu.memory_space<vmem>>, vector<2000x128xf32>
    %get3A_8 = arith.constant 0 : index
    %get3A_9 = arith.constant 0 : index
    %get3A_10 = arith.constant 0 : index
    %get3A_11 = vector.load %arg6[%get3A_8, %get3A_9, %get3A_10] : memref<2x2000x128xf32, #tpu.memory_space<vmem>>, vector<1x2000x128xf32>
    %get3A_12 = vector.shape_cast %get3A_11 : vector<1x2000x128xf32> to vector<2000x128xf32>
    %get3A_13 = arith.constant 1 : index
    %get3A_14 = arith.constant 0 : index
    %get3A_15 = arith.constant 0 : index
    %get3A_16 = vector.load %arg6[%get3A_13, %get3A_14, %get3A_15] : memref<2x2000x128xf32, #tpu.memory_space<vmem>>, vector<1x2000x128xf32>
    %get3A_17 = vector.shape_cast %get3A_16 : vector<1x2000x128xf32> to vector<2000x128xf32>
    %add3A = arith.addf %get3A_12, %get3A_17 : vector<2000x128xf32>
    %get3A_18 = arith.constant 0 : index
    %get3A_19 = arith.constant 0 : index
    %get3A_20 = vector.load %arg1[%get3A_18, %get3A_19] : memref<128x128xf32, #tpu.memory_space<vmem>>, vector<128x128xf32>
    %dot_general3A = arith.constant dense<0.000000e+00> : vector<2000x128xf32>
    %dot_general3A_21 = tpu.matmul %get3A_7, %get3A_20, %dot_general3A {dimension_numbers = #tpu.dot_dimension_numbers<[1], [0], [0], [1], [0, 0, 1, 1], [], []>, transpose_lhs_hint = false} : vector<2000x128xf32>, vector<128x128xf32>, vector<2000x128xf32> -> vector<2000x128xf32>
    %get3A_22 = arith.constant 0 : index
    %get3A_23 = arith.constant 0 : index
    %get3A_24 = vector.load %arg2[%get3A_22, %get3A_23] : memref<128x128xf32, #tpu.memory_space<vmem>>, vector<128x128xf32>
    %dot_general3A_25 = arith.constant dense<0.000000e+00> : vector<2000x128xf32>
    %dot_general3A_26 = tpu.matmul %add3A, %get3A_24, %dot_general3A_25 {dimension_numbers = #tpu.dot_dimension_numbers<[1], [0], [0], [1], [0, 0, 1, 1], [], []>, transpose_lhs_hint = false} : vector<2000x128xf32>, vector<128x128xf32>, vector<2000x128xf32> -> vector<2000x128xf32>
    %add3A_27 = arith.addf %dot_general3A_21, %dot_general3A_26 : vector<2000x128xf32>
    %add3A_28 = vector.broadcast %get3A_1 : vector<1x128xf32> to vector<2000x128xf32>
    %add3A_29 = arith.addf %add3A_27, %add3A_28 : vector<2000x128xf32>
    %logistic3A = arith.negf %add3A_29 : vector<2000x128xf32>
    %logistic3A_30 = math.exp %logistic3A : vector<2000x128xf32>
    %logistic3A_31 = arith.constant 1.000000e+00 : f32
    %logistic3A_32 = vector.broadcast %logistic3A_31 : f32 to vector<2000x128xf32>
    %logistic3A_33 = arith.addf %logistic3A_32, %logistic3A_30 : vector<2000x128xf32>
    %logistic3A_34 = arith.divf %logistic3A_32, %logistic3A_33 : vector<2000x128xf32>
    %mul3A = arith.mulf %add3A_29, %logistic3A_34 : vector<2000x128xf32>
    %get3A_35 = arith.constant 0 : index
    %get3A_36 = arith.constant 0 : index
    %get3A_37 = vector.load %arg3[%get3A_35, %get3A_36] : memref<128x128xf32, #tpu.memory_space<vmem>>, vector<128x128xf32>
    %dot_general3A_38 = arith.constant dense<0.000000e+00> : vector<2000x128xf32>
    %dot_general3A_39 = tpu.matmul %mul3A, %get3A_37, %dot_general3A_38 {dimension_numbers = #tpu.dot_dimension_numbers<[1], [0], [0], [1], [0, 0, 1, 1], [], []>, transpose_lhs_hint = false} : vector<2000x128xf32>, vector<128x128xf32>, vector<2000x128xf32> -> vector<2000x128xf32>
    %add3A_40 = arith.addf %get3A_7, %dot_general3A_39 : vector<2000x128xf32>
    %add3A_41 = vector.broadcast %get3A_4 : vector<1x128xf32> to vector<2000x128xf32>
    %add3A_42 = arith.addf %add3A_40, %add3A_41 : vector<2000x128xf32>
    %swap3A = arith.constant 0 : index
    %swap3A_43 = arith.constant 0 : index
    %swap3A_44 = vector.load %arg7[%swap3A, %swap3A_43] : memref<2000x128xf32, #tpu.memory_space<vmem>>, vector<2000x128xf32>
    tpu.vector_store %arg7[%swap3A, %swap3A_43], %add3A_42 {strides = array<i32>} : memref<2000x128xf32, #tpu.memory_space<vmem>>, vector<2000x128xf32>,
    return
  }
  func.func @transform_0(%arg0: i32) -> (i32, i32) {
    %c0_i32 = arith.constant 0 : i32
    %c0_i32_0 = arith.constant 0 : i32
    %c0_i32_1 = arith.constant 0 : i32
    return %c0_i32, %c0_i32_0 : i32, i32
  }
  func.func @transform_1(%arg0: i32) -> (i32, i32) {
    %c0_i32 = arith.constant 0 : i32
    %c0_i32_0 = arith.constant 0 : i32
    %c0_i32_1 = arith.constant 0 : i32
    return %c0_i32, %c0_i32_0 : i32, i32
  }
  func.func @transform_2(%arg0: i32) -> (i32, i32) {
    %c0_i32 = arith.constant 0 : i32
    %c0_i32_0 = arith.constant 0 : i32
    %c0_i32_1 = arith.constant 0 : i32
    return %c0_i32, %c0_i32_0 : i32, i32
  }
  func.func @transform_3(%arg0: i32) -> (i32, i32) {
    %c0_i32 = arith.constant 0 : i32
    %c0_i32_0 = arith.constant 0 : i32
    %c0_i32_1 = arith.constant 0 : i32
    return %c0_i32, %c0_i32_0 : i32, i32
  }
  func.func @transform_4(%arg0: i32) -> (i32, i32) {
    %c0_i32 = arith.constant 0 : i32
    %c0_i32_0 = arith.constant 0 : i32
    return %arg0, %c0_i32 : i32, i32
  }
  func.func @transform_5(%arg0: i32) -> (i32, i32, i32) {
    %c0_i32 = arith.constant 0 : i32
    %c0_i32_0 = arith.constant 0 : i32
    %c0_i32_1 = arith.constant 0 : i32
    return %c0_i32, %arg0, %c0_i32_0 : i32, i32, i32
  }
  func.func @transform_6(%arg0: i32) -> (i32, i32) {
    %c0_i32 = arith.constant 0 : i32
    %c0_i32_0 = arith.constant 0 : i32
    return %arg0, %c0_i32 : i32, i32
  }
}

</mosaic_0001>

<sc_bundles>
// kernel: kernel.18.cloned.1.call-start
scs
__scs_entry_jumppad:
0x0: {  	(pc) =	sbr.rel $0x88, $3  }
0x1: {  	(tag) =	ssettag $0x0;
	lr =	simm.s32 $0x1  }
0x2: {  	[smem:$0x3F8F] =	sst lr;
	_ =	strace $0xD0000000  }
0x3: {  	_ = 	snop  }
0x4: {  	_ = 	snop  }
0x5: {  	_ = 	snop  }
0x6: {  	_ = 	snop  }
0x7: {  	_ = 	snop  }
__scs_overlays_trampoline_lowered:
0x8: {  	[smem:$0x3F9E] =	sst s0  }
0x9: {  	[smem:$0x3F9F] =	sst s1  }
0xa: {  	[smem:$0x3FA0] =	sst s2  }
0xb: {  	[smem:$0x3FA1] =	sst s3  }
0xc: {  	[smem:$0x3FA2] =	sst s4  }
0xd: {  	[smem:$0x3FA3] =	sst s5  }
0xe: {  	[smem:$0x3FA4] =	sst s6  }
0xf: {  	[smem:$0x3FA5] =	sst s7  }
0x10: {  	[smem:$0x3FA6] =	sst s8  }
0x11: {  	[smem:$0x3FA7] =	sst s9;
	s0 =	simm.s32 @!p0 $0x0  }
0x12: {  	s1 =	sld [smem:$0x3F8D];
	s0 =	simm.s32 @p0 $0x1  }
0x13: {  	[smem:$0x3FA8] =	sst s0;
	s0 =	simm.s32 @!p1 $0x0  }
0x14: {  	s2 =	sld [smem:$0x3F8C];
	s0 =	simm.s32 @p1 $0x1  }
0x15: {  	[smem:$0x3FA9] =	sst s0;
	s0 =	simm.s32 @!p2 $0x0  }
0x16: {  	s3 =	sld [smem:$0x3FDB];
	s0 =	simm.s32 @p2 $0x1  }
0x17: {  	s4 =	simm.s32 $0x1BF5;
	[smem:$0x3FAB] =	sst s0  }
0x18: {  	s0 =	sld [smem:$0x3F8E];
	_ =	swait.ge [sflag:s4], $0x0  }
0x19: {  	s7 =	sld [smem:$0x3F8F]  }
0x1a: {  	s8 =	sadd.s32 $0xFFFFE003, lr  }
0x1b: {  	s9 =	sadd.s32 $0xFFFFFEF7, lr;
	s5 =	simm.s32 $0xFFFFFFFF;
	p2 =	slt.u32 s8, $0xFFFFF086  }
0x1c: {  	p1 =	slt.u32 s9, $0xF7A;
	s5 =	simm.s32 @!p2 $0x0  }
0x1d: {  	s5 =	simm.s32 @p1 $0x1;
	p0 =	seq.s32 s7, s2  }
0x1e: {  	s7 =	smul.u32 @!p0 $0xF7A, s2;
	p2 =	seq.s32 @!p0 s5, $0x0  }
0x1f: {  	s9 =	smul.u32 $0xF7A, s1;
	s8 =	simm.s32 @!p0 $0x1BF5;
	p2 =	por !p2, p0  }
0x20: {  	[sflag:s8] =	ssyncset.s32 @!p0 $0xFFFFF086;
	s6 =	sadd.s32 @!p0 s3, s7;
	s7 =	simm.s32 @!p0 $0x108  }
0x21: {  	s3 =	sadd.s32 s3, s9;
	s6 =	sadd.s32 @!p0 $0x88, s6;
	s7 =	simm.s32 @p2 $0x1082  }
0x22: {  	[simem:s7], [sflag:s8] =	dma.local @!p0 [hbm:s6], $0xF7A  }
0x23: {  	s9 =	sor.u32 $0xD0000000, s2;
	s6 =	simm.s32 $0x108;
	_ =	swait.ge @!p0 [sflag:s8], $0x0  }
0x24: {  	s3 =	sadd.s32 $0x88, s3;
	s6 =	simm.s32 @!p1 $0x1082;
	[sflag:s4] =	ssyncset.s32 $0xFFFFF086  }
0x25: {  	[simem:s6], [sflag:s4] =	dma.local [hbm:s3], $0xF7A  }
0x26: {  	[smem:$0x3F8F] =	sst s1;
	(tag) =	ssettag s2;
	_ =	strace s9  }
0x27: {  	s1 =	sld [smem:$0x3F9F]  }
0x28: {  	s2 =	sld [smem:$0x3FA0]  }
0x29: {  	s4 =	sld [smem:$0x3FA2]  }
0x2a: {  	p0 =	seq.s32 s5, $0x0;
	s5 =	sld [smem:$0x3FA3]  }
0x2b: {  	s6 =	sld [smem:$0x3FA4]  }
0x2c: {  	s7 =	sld [smem:$0x3FA5]  }
0x2d: {  	s3 =	simm.s32 $0x108;
	s8 =	sld [smem:$0x3FA6]  }
0x2e: {  	s3 =	simm.s32 @!p0 $0x1082;
	s9 =	sld [smem:$0x3FA7]  }
0x2f: {  	lr =	sadd.s32 s0, s3;
	s0 =	sld [smem:$0x3F9E]  }
0x30: {  	s3 =	sld [smem:$0x3FA1]  }
0x31: {  	[smem:$0x3FAA] =	sst s10  }
0x32: {  	s10 =	sld [smem:$0x3FA8];
	_ =	sdelay $0x3  }
0x33: {  	p0 =	seq.s32 s10, $0x1;
	s10 =	sld [smem:$0x3FAA];
	_ =	sdelay $0x3  }
0x34: {  	[smem:$0x3FAA] =	sst s10  }
0x35: {  	s10 =	sld [smem:$0x3FA9];
	_ =	sdelay $0x3  }
0x36: {  	p1 =	seq.s32 s10, $0x1;
	s10 =	sld [smem:$0x3FAA];
	_ =	sdelay $0x3  }
0x37: {  	[smem:$0x3FAA] =	sst s10  }
0x38: {  	s10 =	sld [smem:$0x3FAB]  }
0x39: {  	_ = 	snop;
	(pc) =	sbr.ind lr, $3  }
0x3a: {  	_ = 	snop  }
0x3b: {  	_ = 	snop  }
0x3c: {  	p2 =	seq.s32 s10, $0x1;
	s10 =	sld [smem:$0x3FAA]  }
0x3d: {  	_ =	shalt  }
0x3e: {  	_ =	shalt  }
0x3f: {  	_ =	shalt  }
0x40: {  	_ =	shalt  }
0x41: {  	_ =	shalt  }
0x42: {  	_ =	shalt  }
0x43: {  	_ =	shalt  }
0x44: {  	_ =	shalt  }
0x45: {  	_ =	shalt  }
0x46: {  	_ =	shalt  }
0x47: {  	_ =	shalt  }
0x48: {  	_ =	shalt  }
0x49: {  	_ =	shalt  }
0x4a: {  	_ =	shalt  }
0x4b: {  	_ =	shalt  }
0x4c: {  	_ =	shalt  }
0x4d: {  	_ =	shalt  }
0x4e: {  	_ =	shalt  }
0x4f: {  	_ =	shalt  }
0x50: {  	_ =	shalt  }
0x51: {  	_ =	shalt  }
0x52: {  	_ =	shalt  }
0x53: {  	_ =	shalt  }
0x54: {  	_ =	shalt  }
0x55: {  	_ =	shalt  }
0x56: {  	_ =	shalt  }
0x57: {  	_ =	shalt  }
0x58: {  	_ =	shalt  }
0x59: {  	_ =	shalt  }
0x5a: {  	_ =	shalt  }
0x5b: {  	_ =	shalt  }
0x5c: {  	_ =	shalt  }
0x5d: {  	_ =	shalt  }
0x5e: {  	_ =	shalt  }
0x5f: {  	_ =	shalt  }
0x60: {  	_ =	shalt  }
0x61: {  	_ =	shalt  }
0x62: {  	_ =	shalt  }
0x63: {  	_ =	shalt  }
0x64: {  	_ =	shalt  }
0x65: {  	_ =	shalt  }
0x66: {  	_ =	shalt  }
0x67: {  	_ =	shalt  }
0x68: {  	_ =	shalt  }
0x69: {  	_ =	shalt  }
0x6a: {  	_ =	shalt  }
0x6b: {  	_ =	shalt  }
0x6c: {  	_ =	shalt  }
0x6d: {  	_ =	shalt  }
0x6e: {  	_ =	shalt  }
0x6f: {  	_ =	shalt  }
0x70: {  	_ =	shalt  }
0x71: {  	_ =	shalt  }
0x72: {  	_ =	shalt  }
0x73: {  	_ =	shalt  }
0x74: {  	_ =	shalt  }
0x75: {  	_ =	shalt  }
0x76: {  	_ =	shalt  }
0x77: {  	_ =	shalt  }
0x78: {  	_ =	shalt  }
0x79: {  	_ =	shalt  }
0x7a: {  	_ =	shalt  }
0x7b: {  	_ =	shalt  }
0x7c: {  	_ =	shalt  }
0x7d: {  	_ =	shalt  }
0x7e: {  	_ =	shalt  }
0x7f: {  	_ =	shalt  }
0x80: {  	_ =	shalt  }
0x81: {  	_ =	shalt  }
0x82: {  	_ =	shalt  }
0x83: {  	_ =	shalt  }
0x84: {  	_ =	shalt  }
0x85: {  	_ =	shalt  }
0x86: {  	_ =	shalt  }
0x87: {  	_ =	shalt  }
.Lfunc_end0:
.L_simem_size_0:
called_computation_lowered:
.L_overlay_start_0:
0x88: {  	s2 =	sld [smem:$0x3FD9]  }
0x89: {  	s3 =	sld [smem:$0x3FFE];
	_ =	sdelay $0x1  }
0x8a: {  	s1 =	srdreg.scid  }
0x8b: {  	s0 =	sand.u32 $0x1, s1  }
0x8c: {  	s14 =	sshll.u32 s0, $0xA;
	s2 =	sadd.s32 s3, s2  }
0x8d: {  	s2 =	sadd.s32 s2, s14  }
0x8e: {  	[smem:$0x3FB6] =	sst s2  }
0x8f: {  	_ = 	snop  }
0x90: {  	s2 =	sld [smem:$0x3FD0];
	_ =	sdelay $0x2  }
0x91: {  	s15 =	simm.s32 $0xE;
	s4 =	simm.s32 $0x10  }
0x92: {  	[smem:s4], [sflag:s15] =	dma.local [hbm:s2], $0x1  }
0x93: {  	_ =	swait.eq [sflag:s15], $0x1  }
0x94: {  	[sflag:s15] =	ssyncset.done $0x0  }
0x95: {  	[sflag:s15] =	ssyncadd.s32 $0xFFFFFFFF  }
0x96: {  	s16 =	sld [smem:$0x11];
	(tm) =	ssettm $0x1  }
0x97: {  	s17 =	sld [smem:$0x3FFB];
	_ =	sdelay $0x3  }
0x98: {  	_ =	strace s17  }
0x99: {  	s3 =	sld [smem:$0x3FFC];
	_ =	sdelay $0x3  }
0x9a: {  	_ =	strace s3  }
0x9b: {  	s3 =	sld [smem:$0x3FFD];
	_ =	sdelay $0x3  }
0x9c: {  	_ =	strace s3  }
0x9d: {  	_ =	strace $0x8FFFFFFF  }
0x9e: {  	s18 =	sld [smem:$0x3FDB];
	_ =	sdelay $0x1  }
0x9f: {  	s19 =	simm.s32 $_scs_section_size  }
0xa0: {  	s5 =	simm.s32 $_size__tile_overlayer_lowered;
	s6 =	simm.s32 $_tile_overlayer_lowered  }
0xa1: {  	s22 =	simm.s32 $0x1BFF;
	s21 =	sshll.u32 s6, $0x1;
	s3 =	sadd.s32 s19, s18  }
0xa2: {  	s7 =	simm.s32 $0x0;
	s20 =	sshll.u32 s5, $0x1;
	s5 =	sadd.s32 s21, s3  }
0xa3: {  	[timem:s7], [sflag:s22] =	dma.local [hbm:s5], s20  }
0xa4: {  	_ =	swait.ge [sflag:s22], s20  }
0xa5: {  	s4 =	ssub.s32 $0x0, s20;
	[sflag:s22] =	ssyncset.done $0x0  }
0xa6: {  	[sflag:s22] =	ssyncadd.s32 s4;
	_ =	sdelay $0x1  }
0xa7: {  	s23 =	simm.s32 $0x1B8B  }
0xa8: {  	_ =	swait.ge [sflag:s23], $0x1  }
0xa9: {  	[sflag:s23] =	ssyncset.done $0x0  }
0xaa: {  	s25 =	simm.s32 $0x1B8E;
	s24 =	sld [smem:$0x3FFE];
	[sflag:s23] =	ssyncadd.s32 $0xFFFFFFFF  }
0xab: {  	s26 =	simm.s32 $execute0_lowered;
	[smem:$0x3FD2] =	sst s25  }
0xac: {  	s5 =	sshll.u32 s26, $0x1;
	_ =	strace $0x80000046;
	[dreg:$0x1] =	wrdreg $0xFFFFFFFF  }
0xad: {  	s28 =	simm.s32 $_size_execute0_lowered;
	s3 =	sadd.s32 s3, s5;
	[dreg:$0x0] =	wrdreg $0x0  }
0xae: {  	s5 =	sshll.u32 s28, $0x1;
	[dreg:$0x2] =	wrdreg s3  }
0xaf: {  	[dreg:$0x3] =	wrdreg s5  }
0xb0: {  	[dreg:$0x4] =	wrdreg $0xC0  }
0xb1: {  	_ =	task [dreg:s7], $0x5FFFF  }
0xb2: {  	[dreg:$0x1] =	wrdreg $0xFFFFFFFF  }
0xb3: {  	[dreg:$0x0] =	wrdreg $0x60  }
0xb4: {  	[dreg:$0x2] =	wrdreg s16  }
0xb5: {  	[dreg:$0x3] =	wrdreg s24  }
0xb6: {  	[dreg:$0x4] =	wrdreg $0xB  }
0xb7: {  	_ =	task.clear_ibuf [dreg:s7], $0x5FFFF;
	_ =	strace $0x90000046  }
0xb8: {  	s29 =	simm.s32 $0xB;
	_ =	strace $0x80000048  }
0xb9: {  	_ =	swait.ge [sflag:s29], $0x1  }
0xba: {  	[sflag:s29] =	ssyncadd.s32 $0xFFFFFFFF  }
0xbb: {  	_ =	strace $0x90000048  }
0xbc: {  	_ =	sfence  }
0xbd: {  	s30 =	sld [smem:$0x0];
	_ =	sdelay $0x2  }
0xbe: {  	s31 =	sshll.u32 s1, $0xD;
	s1 =	sshrl.u32 s1, $0x2  }
0xbf: {  	s3 =	sand.u32 $0x4000, s31;
	s1 =	sadd.s32 s1, s30  }
0xc0: {  	s0 =	sor.u32 s3, s0;
	s1 =	sshll.u32 s1, $0x11  }
0xc1: {  	s0 =	sor.u32 s1, s0  }
0xc2: {  	s0 =	sadd.s32 $0x8F2B, s0  }
0xc3: {  	[sflag:s0] =	ssyncadd.remote.s32 $0x1  }
0xc4: {  	_ =	sfence.sel $0xFFFF  }
0xc5: {  	[dreg:$0x0] =	wrdreg $0xFFFFFFFF;
	(pc) =	sbr.abs _section_cstart, $3  }
0xc6: {  	[dreg:$0x1] =	wrdreg $0xFFFFFFFF  }
0xc7: {  	_ =	task.clear_ibuf [dreg:s7], $0x2FFFF;
	_ =	strace $0x9FFFFFFF  }
0xc8: {  	(tm) =	ssettm $0x7FFFFFFF  }
0xc9: {  	_ =	shalt  }
tec
execute0_lowered:
.L_overlay_start_1:
0x0: {  	(tag) =	ssettag $0x1  }
0x1: {  	s2 =	rddreg [dreg:$0x0];
	s1 =	srdreg.scid  }
0x2: {  	s0 =	stileid.u32;
	s4 =	rddreg [dreg:$0x1]  }
0x3: {  	s8 =	simm.s32 $0x1;
	s9 =	simm.s32 $0x9C80;
	s10 =	simm.s32 $0xB080  }
0x4: {  	s11 =	simm.s32 $0xC480;
	s5 =	sand.u32 $0x1, s1;
	s3 =	sshll.u32 s0, $0x1  }
0x5: {  	s1 =	rddreg [dreg:$0x2];
	s6 =	sor.u32 s5, s3;
	s5 =	ssub.s32 $0x2, s5  }
0x6: {  	s3 =	simm.s32 $0x0;
	s6 =	smul.u32 $0x271, s6;
	s7 =	sshrl.u32 s5, $0x1  }
0x7: {  	s12 =	simm.s32 $0x0;
	[smem:$0x7FF] =	sst s3;
	s7 =	ssub.s32 s5, s7  }
0x8: {  	_ =	strace $0x80000047;
	s6 =	sadd.s32 s6, s4;
	s7 =	smax.u32 s7, $0x1  }
0x9: {  	s4 =	sadd.s32 $0x7000, s6;
	s5 =	sadd.s32 $0xC000, s6;
	s6 =	sadd.s32 $0x11000, s6  }
.LBB2_1:
0xa: {  	[tilespmem:s3], [sflag:$0x1] =	stream.linear.gather [hbm4b:s2+s3], $0x9C80, $0x38;
	[tilespmem:$0xD880] =	vst v63  }
0xb: {  	_ =	swait.ge [sflag:s8], $0x9C80  }
0xc: {  	[sflag:s8] =	ssyncset.done $0x0  }
0xd: {  	[sflag:s8] =	ssyncadd.s32 $0xFFFF6380  }
0xe: {  	[tilespmem:s9], [sflag:$0x1] =	stream.linear.gather [hbm4b:s4+s3], $0x1388, $0x38;
	[tilespmem:$0xD880] =	vst v63  }
0xf: {  	_ =	swait.ge [sflag:s8], $0x1388  }
0x10: {  	[sflag:s8] =	ssyncset.done $0x0  }
0x11: {  	[sflag:s8] =	ssyncadd.s32 $0xFFFFEC78  }
0x12: {  	[tilespmem:s10], [sflag:$0x1] =	stream.linear.gather [hbm4b:s5+s3], $0x1388, $0x38;
	[tilespmem:$0xD880] =	vst v63  }
0x13: {  	_ =	swait.ge [sflag:s8], $0x1388  }
0x14: {  	[sflag:s8] =	ssyncset.done $0x0  }
0x15: {  	s13 =	simm.s32 $0x0;
	[sflag:s8] =	ssyncadd.s32 $0xFFFFEC78  }
0x16: {  	v0 =	vld [tilespmem:s13+$0xB080]  }
0x17: {  	v1 =	vld [tilespmem:s13+$0x9C80];
	_ =	sdelay $0x3  }
0x18: {  	v0 =	vshll.u32 v0, $0x2  }
0x19: {  	v1 =	vshll.u32 v1, $0x2  }
0x1a: {  	v2 =	vor.u32 $0x1, v1  }
0x1b: {  	v3 =	vor.u32 $0x1, v0  }
0x1c: {  	v4 =	vor.u32 $0x2, v1  }
0x1d: {  	v6 =	vor.u32 $0x2, v0;
	v5 =	vld.idx.msk [tilespmem:v0+s3+$0x0], $0xffff  }
0x1e: {  	v7 =	vld.idx.msk [tilespmem:v1+s3+$0x0], $0xffff  }
0x1f: {  	v8 =	vld.idx.msk [tilespmem:v2+s3+$0x0], $0xffff  }
0x20: {  	v9 =	vld.idx.msk [tilespmem:v3+s3+$0x0], $0xffff  }
0x21: {  	v0 =	vld.idx.msk [tilespmem:v4+s3+$0x0], $0xffff  }
0x22: {  	v2 =	vld.idx.msk [tilespmem:v6+s3+$0x0], $0xffff  }
0x23: {  	s14 =	simm.s32 $0x10  }
0x24: {  	v3 =	vld [tilespmem:s14+$0xB080]  }
0x25: {  	s15 =	simm.s32 $0x80;
	v1 =	vld [tilespmem:s14+$0x9C80];
	v4 =	vsub.f32 v7, v5;
	v5 =	vsub.f32 v8, v9  }
.LBB2_2:
0x26: {  	p0 =	sne.s32 s15, $0x4DC0  }
0x27: {  	v0 =	vsub.f32 v0, v2;
	v4 =	vmul.f32 v4, v4;
	v5 =	vmul.f32 v5, v5;
	_ =	sdelay $0x1  }
0x28: {  	v0 =	vmul.f32 v0, v0;
	v2 =	vshll.u32 v3, $0x2;
	v3 =	vadd.f32 v5, v4  }
0x29: {  	v1 =	vshll.u32 v1, $0x2  }
0x2a: {  	v4 =	vor.u32 $0x1, v1;
	v0 =	vadd.f32 v0, v3  }
0x2b: {  	v3 =	vor.u32 $0x1, v2  }
0x2c: {  	v5 =	vor.u32 $0x2, v1;
	[tilespmem:s13+$0xC480] =	vst v0;
	s13 =	smov.u32 s14  }
0x2d: {  	v6 =	vld.idx.msk [tilespmem:v2+s3+$0x0], $0xffff;
	v2 =	vor.u32 $0x2, v2  }
0x2e: {  	v7 =	vld.idx.msk [tilespmem:v1+s3+$0x0], $0xffff  }
0x2f: {  	v8 =	vld.idx.msk [tilespmem:v4+s3+$0x0], $0xffff  }
0x30: {  	v9 =	vld.idx.msk [tilespmem:v3+s3+$0x0], $0xffff  }
0x31: {  	v0 =	vld.idx.msk [tilespmem:v5+s3+$0x0], $0xffff  }
.Ltmp0:
0x32: {  	v2 =	vld.idx.msk [tilespmem:v2+s3+$0x0], $0xffff;
	(pc) =	sbr.rel @p0 .LBB2_2-.Ltmp0, $4  }
0x33: {  	_ = 	snop  }
0x34: {  	s14 =	sshra.s32 s15, $0x2  }
0x35: {  	v3 =	vld [tilespmem:s14+$0xB080]  }
0x36: {  	s15 =	sadd.s32 $0x40, s15;
	v4 =	vsub.f32 v7, v6;
	v5 =	vsub.f32 v8, v9;
	v1 =	vld [tilespmem:s14+$0x9C80]  }
0x37: {  	_ = 	snop  }
0x38: {  	v0 =	vsub.f32 v0, v2;
	v4 =	vmul.f32 v4, v4;
	v5 =	vmul.f32 v5, v5;
	_ =	sdelay $0x1  }
0x39: {  	v0 =	vmul.f32 v0, v0;
	v49 =	vshll.u32 v3, $0x2;
	v50 =	vadd.f32 v5, v4  }
0x3a: {  	v1 =	vshll.u32 v1, $0x2  }
0x3b: {  	v52 =	vor.u32 $0x1, v49;
	v0 =	vadd.f32 v0, v50  }
0x3c: {  	v51 =	vor.u32 $0x1, v1  }
0x3d: {  	v2 =	vor.u32 $0x2, v49;
	[tilespmem:s13+$0xC480] =	vst v0  }
0x3e: {  	v53 =	vor.u32 $0x2, v1;
	v0 =	vld.idx.msk [tilespmem:v49+s3+$0x0], $0xffff  }
0x3f: {  	v1 =	vld.idx.msk [tilespmem:v1+s3+$0x0], $0xffff  }
0x40: {  	v3 =	vld.idx.msk [tilespmem:v52+s3+$0x0], $0xffff  }
0x41: {  	v4 =	vld.idx.msk [tilespmem:v51+s3+$0x0], $0xffff  }
0x42: {  	v2 =	vld.idx.msk [tilespmem:v2+s3+$0x0], $0xffff  }
0x43: {  	v5 =	vld.idx.msk [tilespmem:v53+s3+$0x0], $0xffff;
	_ =	sdelay $0x2  }
0x44: {  	v0 =	vsub.f32 v1, v0;
	v54 =	vsub.f32 v4, v3;
	_ =	sdelay $0x1  }
0x45: {  	v2 =	vsub.f32 v5, v2;
	v0 =	vmul.f32 v0, v0;
	v1 =	vmul.f32 v54, v54;
	_ =	sdelay $0x1  }
0x46: {  	v55 =	vmul.f32 v2, v2;
	v0 =	vadd.f32 v1, v0;
	_ =	sdelay $0x1  }
0x47: {  	v0 =	vadd.f32 v55, v0;
	_ =	sdelay $0x1  }
0x48: {  	[tilespmem:s14+$0xC480] =	vst v0  }
0x49: {  	v0 =	vld [tilespmem:$0xAFF8]  }
0x4a: {  	v56 =	vld [tilespmem:$0xC3F8];
	_ =	sdelay $0x3  }
0x4b: {  	v0 =	vshll.u32 v0, $0x2  }
0x4c: {  	v1 =	vshll.u32 v56, $0x2  }
0x4d: {  	v57 =	vor.u32 $0x1, v0  }
0x4e: {  	v58 =	vor.u32 $0x1, v1  }
0x4f: {  	v59 =	vor.u32 $0x2, v0  }
0x50: {  	v60 =	vor.u32 $0x2, v1;
	v0 =	vld.idx.msk [tilespmem:v0+s3+$0x0], $0xffff  }
0x51: {  	v1 =	vld.idx.msk [tilespmem:v1+s3+$0x0], $0xffff  }
0x52: {  	v2 =	vld.idx.msk [tilespmem:v57+s3+$0x0], $0xffff  }
0x53: {  	v3 =	vld.idx.msk [tilespmem:v58+s3+$0x0], $0xffff  }
0x54: {  	v4 =	vld.idx.msk [tilespmem:v59+s3+$0x0], $0xffff  }
0x55: {  	v5 =	vld.idx.msk [tilespmem:v60+s3+$0x0], $0xffff;
	_ =	sdelay $0x2  }
0x56: {  	v0 =	vsub.f32 v0, v1;
	v61 =	vsub.f32 v2, v3;
	_ =	sdelay $0x1  }
0x57: {  	v62 =	vsub.f32 v4, v5;
	v0 =	vmul.f32 v0, v0;
	v1 =	vmul.f32 v61, v61;
	_ =	sdelay $0x1  }
0x58: {  	v63 =	vmul.f32 v62, v62;
	v0 =	vadd.f32 v1, v0;
	_ =	sdelay $0x1  }
0x59: {  	s12 =	sadd.s32 $0x1, s12;
	v0 =	vadd.f32 v63, v0  }
0x5a: {  	p0 =	sne.s32 s12, s7  }
.Ltmp1:
0x5b: {  	[tilespmem:$0xD7F8] =	vst v0;
	(pc) =	sbr.rel @p0 .LBB2_1-.Ltmp1, $4  }
0x5c: {  	[hbm4b:s6+s3] =	stream.linear.scatter [tilespmem:s11], [sflag:$0x1], $0x1388, $0x38;
	[tilespmem:$0xD880] =	vst v63  }
0x5d: {  	_ =	swait.ge [sflag:s8], $0x1388  }
0x5e: {  	[sflag:s8] =	ssyncset.done $0x0  }
0x5f: {  	[sflag:s8] =	ssyncadd.s32 $0xFFFFEC78  }
0x60: {  	_ =	sfence.sel $0x180000  }
0x61: {  	[bflag:$0x0] =	sbarrier.arrive $0xFFFF  }
0x62: {  	p0 =	sne.s32 s0, $0x0;
	_ =	strace $0x90000047  }
0x63: {  	s0 =	sadd.s32 @!p0 $0x100000, s1;
	[bflag:$0x2] =	sbarrier.arrive $0xFFFF  }
0x64: {  	[sflag:s0] =	ssyncadd.tile.s32 @!p0 $0x1;
	_ =	shalt  }
.Lfunc_end2:
_tile_overlayer_lowered:
.L_overlay_start_2:
0x65: {  	(tag) =	ssettag $0x2  }
0x66: {  	s0 =	rddreg [dreg:$0x0];
	s2 =	stileid.u32  }
0x67: {  	s1 =	rddreg [dreg:$0x1];
	p0 =	sne.s32 s2, $0x0  }
0x68: {  	s3 =	rddreg [dreg:$0x2];
	[bflag:$0x3] =	sbarrier.arrive $0xFFFF;
	s2 =	simm.s32 @!p0 $0x1C01  }
0x69: {  	[timem:s3], [sflag:s2] =	dma.local @!p0 [hbm:s0], s1  }
0x6a: {  	s0 =	simm.s32 @!p0 $0x1  }
0x6b: {  	_ =	swait.ge @!p0 [sflag:s0], s1  }
0x6c: {  	s1 =	ssub.s32 @!p0 $0x0, s1;
	[sflag:s0] =	ssyncset.done @!p0 $0x0  }
0x6d: {  	[sflag:s0] =	ssyncadd.s32 @!p0 s1  }
0x6e: {  	[bflag:$0x3] =	sbarrier.arrive $0xFFFF  }
0x6f: {  	_ =	shalt  }

// kernel: kernel.21.cloned.1.call-start
scs
__scs_entry_jumppad:
0x0: {  	(pc) =	sbr.rel $0x88, $3  }
0x1: {  	(tag) =	ssettag $0x0;
	lr =	simm.s32 $0x1  }
0x2: {  	[smem:$0x3F8F] =	sst lr;
	_ =	strace $0xD0000000  }
0x3: {  	_ = 	snop  }
0x4: {  	_ = 	snop  }
0x5: {  	_ = 	snop  }
0x6: {  	_ = 	snop  }
0x7: {  	_ = 	snop  }
__scs_overlays_trampoline_lowered:
0x8: {  	[smem:$0x3F9E] =	sst s0  }
0x9: {  	[smem:$0x3F9F] =	sst s1  }
0xa: {  	[smem:$0x3FA0] =	sst s2  }
0xb: {  	[smem:$0x3FA1] =	sst s3  }
0xc: {  	[smem:$0x3FA2] =	sst s4  }
0xd: {  	[smem:$0x3FA3] =	sst s5  }
0xe: {  	[smem:$0x3FA4] =	sst s6  }
0xf: {  	[smem:$0x3FA5] =	sst s7  }
0x10: {  	[smem:$0x3FA6] =	sst s8  }
0x11: {  	[smem:$0x3FA7] =	sst s9;
	s0 =	simm.s32 @!p0 $0x0  }
0x12: {  	s1 =	sld [smem:$0x3F8D];
	s0 =	simm.s32 @p0 $0x1  }
0x13: {  	[smem:$0x3FA8] =	sst s0;
	s0 =	simm.s32 @!p1 $0x0  }
0x14: {  	s2 =	sld [smem:$0x3F8C];
	s0 =	simm.s32 @p1 $0x1  }
0x15: {  	[smem:$0x3FA9] =	sst s0;
	s0 =	simm.s32 @!p2 $0x0  }
0x16: {  	s3 =	sld [smem:$0x3FDB];
	s0 =	simm.s32 @p2 $0x1  }
0x17: {  	s4 =	simm.s32 $0x1BF5;
	[smem:$0x3FAB] =	sst s0  }
0x18: {  	s0 =	sld [smem:$0x3F8E];
	_ =	swait.ge [sflag:s4], $0x0  }
0x19: {  	s7 =	sld [smem:$0x3F8F]  }
0x1a: {  	s8 =	sadd.s32 $0xFFFFE003, lr  }
0x1b: {  	s9 =	sadd.s32 $0xFFFFFEF7, lr;
	s5 =	simm.s32 $0xFFFFFFFF;
	p2 =	slt.u32 s8, $0xFFFFF086  }
0x1c: {  	p1 =	slt.u32 s9, $0xF7A;
	s5 =	simm.s32 @!p2 $0x0  }
0x1d: {  	s5 =	simm.s32 @p1 $0x1;
	p0 =	seq.s32 s7, s2  }
0x1e: {  	s7 =	smul.u32 @!p0 $0xF7A, s2;
	p2 =	seq.s32 @!p0 s5, $0x0  }
0x1f: {  	s9 =	smul.u32 $0xF7A, s1;
	s8 =	simm.s32 @!p0 $0x1BF5;
	p2 =	por !p2, p0  }
0x20: {  	[sflag:s8] =	ssyncset.s32 @!p0 $0xFFFFF086;
	s6 =	sadd.s32 @!p0 s3, s7;
	s7 =	simm.s32 @!p0 $0x108  }
0x21: {  	s3 =	sadd.s32 s3, s9;
	s6 =	sadd.s32 @!p0 $0x88, s6;
	s7 =	simm.s32 @p2 $0x1082  }
0x22: {  	[simem:s7], [sflag:s8] =	dma.local @!p0 [hbm:s6], $0xF7A  }
0x23: {  	s9 =	sor.u32 $0xD0000000, s2;
	s6 =	simm.s32 $0x108;
	_ =	swait.ge @!p0 [sflag:s8], $0x0  }
0x24: {  	s3 =	sadd.s32 $0x88, s3;
	s6 =	simm.s32 @!p1 $0x1082;
	[sflag:s4] =	ssyncset.s32 $0xFFFFF086  }
0x25: {  	[simem:s6], [sflag:s4] =	dma.local [hbm:s3], $0xF7A  }
0x26: {  	[smem:$0x3F8F] =	sst s1;
	(tag) =	ssettag s2;
	_ =	strace s9  }
0x27: {  	s1 =	sld [smem:$0x3F9F]  }
0x28: {  	s2 =	sld [smem:$0x3FA0]  }
0x29: {  	s4 =	sld [smem:$0x3FA2]  }
0x2a: {  	p0 =	seq.s32 s5, $0x0;
	s5 =	sld [smem:$0x3FA3]  }
0x2b: {  	s6 =	sld [smem:$0x3FA4]  }
0x2c: {  	s7 =	sld [smem:$0x3FA5]  }
0x2d: {  	s3 =	simm.s32 $0x108;
	s8 =	sld [smem:$0x3FA6]  }
0x2e: {  	s3 =	simm.s32 @!p0 $0x1082;
	s9 =	sld [smem:$0x3FA7]  }
0x2f: {  	lr =	sadd.s32 s0, s3;
	s0 =	sld [smem:$0x3F9E]  }
0x30: {  	s3 =	sld [smem:$0x3FA1]  }
0x31: {  	[smem:$0x3FAA] =	sst s10  }
0x32: {  	s10 =	sld [smem:$0x3FA8];
	_ =	sdelay $0x3  }
0x33: {  	p0 =	seq.s32 s10, $0x1;
	s10 =	sld [smem:$0x3FAA];
	_ =	sdelay $0x3  }
0x34: {  	[smem:$0x3FAA] =	sst s10  }
0x35: {  	s10 =	sld [smem:$0x3FA9];
	_ =	sdelay $0x3  }
0x36: {  	p1 =	seq.s32 s10, $0x1;
	s10 =	sld [smem:$0x3FAA];
	_ =	sdelay $0x3  }
0x37: {  	[smem:$0x3FAA] =	sst s10  }
0x38: {  	s10 =	sld [smem:$0x3FAB]  }
0x39: {  	_ = 	snop;
	(pc) =	sbr.ind lr, $3  }
0x3a: {  	_ = 	snop  }
0x3b: {  	_ = 	snop  }
0x3c: {  	p2 =	seq.s32 s10, $0x1;
	s10 =	sld [smem:$0x3FAA]  }
0x3d: {  	_ =	shalt  }
0x3e: {  	_ =	shalt  }
0x3f: {  	_ =	shalt  }
0x40: {  	_ =	shalt  }
0x41: {  	_ =	shalt  }
0x42: {  	_ =	shalt  }
0x43: {  	_ =	shalt  }
0x44: {  	_ =	shalt  }
0x45: {  	_ =	shalt  }
0x46: {  	_ =	shalt  }
0x47: {  	_ =	shalt  }
0x48: {  	_ =	shalt  }
0x49: {  	_ =	shalt  }
0x4a: {  	_ =	shalt  }
0x4b: {  	_ =	shalt  }
0x4c: {  	_ =	shalt  }
0x4d: {  	_ =	shalt  }
0x4e: {  	_ =	shalt  }
0x4f: {  	_ =	shalt  }
0x50: {  	_ =	shalt  }
0x51: {  	_ =	shalt  }
0x52: {  	_ =	shalt  }
0x53: {  	_ =	shalt  }
0x54: {  	_ =	shalt  }
0x55: {  	_ =	shalt  }
0x56: {  	_ =	shalt  }
0x57: {  	_ =	shalt  }
0x58: {  	_ =	shalt  }
0x59: {  	_ =	shalt  }
0x5a: {  	_ =	shalt  }
0x5b: {  	_ =	shalt  }
0x5c: {  	_ =	shalt  }
0x5d: {  	_ =	shalt  }
0x5e: {  	_ =	shalt  }
0x5f: {  	_ =	shalt  }
0x60: {  	_ =	shalt  }
0x61: {  	_ =	shalt  }
0x62: {  	_ =	shalt  }
0x63: {  	_ =	shalt  }
0x64: {  	_ =	shalt  }
0x65: {  	_ =	shalt  }
0x66: {  	_ =	shalt  }
0x67: {  	_ =	shalt  }
0x68: {  	_ =	shalt  }
0x69: {  	_ =	shalt  }
0x6a: {  	_ =	shalt  }
0x6b: {  	_ =	shalt  }
0x6c: {  	_ =	shalt  }
0x6d: {  	_ =	shalt  }
0x6e: {  	_ =	shalt  }
0x6f: {  	_ =	shalt  }
0x70: {  	_ =	shalt  }
0x71: {  	_ =	shalt  }
0x72: {  	_ =	shalt  }
0x73: {  	_ =	shalt  }
0x74: {  	_ =	shalt  }
0x75: {  	_ =	shalt  }
0x76: {  	_ =	shalt  }
0x77: {  	_ =	shalt  }
0x78: {  	_ =	shalt  }
0x79: {  	_ =	shalt  }
0x7a: {  	_ =	shalt  }
0x7b: {  	_ =	shalt  }
0x7c: {  	_ =	shalt  }
0x7d: {  	_ =	shalt  }
0x7e: {  	_ =	shalt  }
0x7f: {  	_ =	shalt  }
0x80: {  	_ =	shalt  }
0x81: {  	_ =	shalt  }
0x82: {  	_ =	shalt  }
0x83: {  	_ =	shalt  }
0x84: {  	_ =	shalt  }
0x85: {  	_ =	shalt  }
0x86: {  	_ =	shalt  }
0x87: {  	_ =	shalt  }
.Lfunc_end0:
.L_simem_size_0:
called_computation.1_lowered:
.L_overlay_start_0:
0x88: {  	s2 =	sld [smem:$0x3FD9]  }
0x89: {  	s3 =	sld [smem:$0x3FFE];
	_ =	sdelay $0x1  }
0x8a: {  	s1 =	srdreg.scid  }
0x8b: {  	s0 =	sand.u32 $0x1, s1  }
0x8c: {  	s17 =	sshll.u32 s0, $0xA;
	s2 =	sadd.s32 s3, s2  }
0x8d: {  	s2 =	sadd.s32 s2, s17  }
0x8e: {  	[smem:$0x3FB6] =	sst s2  }
0x8f: {  	_ = 	snop  }
0x90: {  	(tm) =	ssettm $0x1  }
0x91: {  	s18 =	sld [smem:$0x3FFB];
	_ =	sdelay $0x3  }
0x92: {  	_ =	strace s18  }
0x93: {  	s2 =	sld [smem:$0x3FFC];
	_ =	sdelay $0x3  }
0x94: {  	_ =	strace s2  }
0x95: {  	s2 =	sld [smem:$0x3FFD];
	_ =	sdelay $0x3  }
0x96: {  	_ =	strace s2  }
0x97: {  	_ =	strace $0x8FFFFFFF  }
0x98: {  	s19 =	sld [smem:$0x3FDB];
	_ =	sdelay $0x1  }
0x99: {  	s20 =	simm.s32 $_scs_section_size  }
0x9a: {  	s4 =	simm.s32 $_size__tile_overlayer_lowered;
	s5 =	simm.s32 $_tile_overlayer_lowered  }
0x9b: {  	s6 =	simm.s32 $0x1BFF;
	s21 =	sshll.u32 s5, $0x1;
	s3 =	sadd.s32 s20, s19  }
0x9c: {  	s22 =	simm.s32 $0x0;
	s4 =	sshll.u32 s4, $0x1;
	s5 =	sadd.s32 s21, s3  }
0x9d: {  	[timem:s22], [sflag:s6] =	dma.local [hbm:s5], s4  }
0x9e: {  	_ =	swait.ge [sflag:s6], s4  }
0x9f: {  	s4 =	ssub.s32 $0x0, s4;
	[sflag:s6] =	ssyncset.done $0x0  }
0xa0: {  	[sflag:s6] =	ssyncadd.s32 s4;
	_ =	sdelay $0x1  }
0xa1: {  	s23 =	simm.s32 $0x1B8B  }
0xa2: {  	_ =	swait.ge [sflag:s23], $0x1  }
0xa3: {  	[sflag:s23] =	ssyncset.done $0x0  }
0xa4: {  	[sflag:s23] =	ssyncadd.s32 $0xFFFFFFFF  }
0xa5: {  	s4 =	sld [smem:$0x0]  }
0xa6: {  	s5 =	sand.u32 $0xFFFFFFFE, s1  }
0xa7: {  	p0 =	sne.s32 s1, s5  }
0xa8: {  	s5 =	sshll.u32 @p0 s5, $0xE  }
0xa9: {  	s5 =	sadd.s32 @p0 $0x11B8D, s5;
	s6 =	sshll.u32 @p0 s4, $0x11  }
0xaa: {  	s5 =	sor.u32 @p0 s6, s5  }
0xab: {  	[sflag:s5] =	ssyncadd.remote.s32 @p0 $0x1;
	_ =	sdelay $0x1  }
0xac: {  	s5 =	simm.s32 @p0 $0x1B8D  }
0xad: {  	_ =	swait.eq @p0 [sflag:s5], $0x1  }
0xae: {  	[sflag:s5] =	ssyncadd.s32 @p0 $0xFFFFFFFF  }
0xaf: {  	s6 =	sshll.u32 @!p0 s1, $0xE  }
0xb0: {  	s6 =	sor.u32 @!p0 $0x4000, s6;
	s5 =	simm.s32 @!p0 $0x1B8D  }
0xb1: {  	s4 =	sshll.u32 @!p0 s4, $0x11;
	s6 =	sadd.s32 @!p0 $0x11B8D, s6;
	_ =	swait.eq @!p0 [sflag:s5], $0x1  }
0xb2: {  	s4 =	sor.u32 @!p0 s4, s6;
	[sflag:s5] =	ssyncadd.s32 @!p0 $0xFFFFFFFF  }
0xb3: {  	s25 =	simm.s32 $0x1B8E;
	s24 =	sld [smem:$0x3FFE];
	[sflag:s4] =	ssyncadd.remote.s32 @!p0 $0x1  }
0xb4: {  	s26 =	simm.s32 $execute0_lowered;
	[smem:$0x3FD2] =	sst s25  }
0xb5: {  	s5 =	sshll.u32 s26, $0x1;
	_ =	strace $0x80000052;
	[dreg:$0x1] =	wrdreg $0xFFFFFFFF  }
0xb6: {  	s28 =	simm.s32 $_size_execute0_lowered;
	s3 =	sadd.s32 s3, s5;
	[dreg:$0x0] =	wrdreg $0x0  }
0xb7: {  	s5 =	sshll.u32 s28, $0x1;
	[dreg:$0x2] =	wrdreg s3  }
0xb8: {  	[dreg:$0x3] =	wrdreg s5  }
0xb9: {  	[dreg:$0x4] =	wrdreg $0xC0  }
0xba: {  	_ =	task [dreg:s22], $0x5FFFF  }
0xbb: {  	[dreg:$0x1] =	wrdreg $0xFFFFFFFF  }
0xbc: {  	[dreg:$0x0] =	wrdreg $0x60  }
0xbd: {  	[dreg:$0x2] =	wrdreg s24  }
0xbe: {  	[dreg:$0x3] =	wrdreg $0x9  }
0xbf: {  	_ =	task.clear_ibuf [dreg:s22], $0x4FFFF;
	_ =	strace $0x90000052  }
0xc0: {  	s29 =	simm.s32 $0x9;
	_ =	strace $0x80000054  }
0xc1: {  	_ =	swait.ge [sflag:s29], $0x1  }
0xc2: {  	[sflag:s29] =	ssyncadd.s32 $0xFFFFFFFF  }
0xc3: {  	_ =	strace $0x90000054  }
0xc4: {  	_ =	sfence  }
0xc5: {  	s30 =	sld [smem:$0x0];
	_ =	sdelay $0x2  }
0xc6: {  	s31 =	sshll.u32 s1, $0xD;
	s1 =	sshrl.u32 s1, $0x2  }
0xc7: {  	s4 =	sand.u32 $0x4000, s31;
	s1 =	sadd.s32 s1, s30  }
0xc8: {  	s0 =	sor.u32 s4, s0;
	s1 =	sshll.u32 s1, $0x11  }
0xc9: {  	s0 =	sor.u32 s1, s0  }
0xca: {  	s0 =	sadd.s32 $0x8F2B, s0  }
0xcb: {  	[sflag:s0] =	ssyncadd.remote.s32 $0x1  }
0xcc: {  	_ =	sfence.sel $0xFFFF  }
0xcd: {  	[dreg:$0x0] =	wrdreg $0xFFFFFFFF;
	(pc) =	sbr.abs _section_cstart, $3  }
0xce: {  	[dreg:$0x1] =	wrdreg $0xFFFFFFFF  }
0xcf: {  	_ =	task.clear_ibuf [dreg:s22], $0x2FFFF;
	_ =	strace $0x9FFFFFFF  }
0xd0: {  	(tm) =	ssettm $0x7FFFFFFF  }
0xd1: {  	_ =	shalt  }
tec
execute0_lowered:
.L_overlay_start_1:
0x0: {  	(tag) =	ssettag $0x1  }
0x1: {  	s1 =	srdreg.scid;
	s0 =	stileid.u32  }
0x2: {  	s4 =	rddreg [dreg:$0x0];
	s2 =	simm.s32 $0x0;
	s12 =	simm.s32 $0x1  }
0x3: {  	s13 =	simm.s32 $0x2;
	s14 =	simm.s32 $0x0;
	s5 =	sand.u32 $0x1, s1  }
0x4: {  	s3 =	sshll.u32 s0, $0x1;
	[smem:$0x7FF] =	sst s2;
	s10 =	smul.u32 $0x27100, s0  }
0x5: {  	s8 =	sadd.s32 $0x836600, s4;
	s6 =	sor.u32 s5, s3;
	s11 =	smul.u32 $0x13880, s5  }
0x6: {  	s1 =	rddreg [dreg:$0x1];
	_ =	strace $0x80000053;
	s7 =	smul.u32 $0x1388, s6  }
0x7: {  	s3 =	sadd.s32 $0x64200, s4;
	s30 =	ssub.s32 $0x2, s5;
	s6 =	smul.u32 $0x9C400, s6  }
0x8: {  	s9 =	sshrl.u32 s30, $0x1;
	s31 =	sadd.s32 s10, s8;
	s10 =	simm.s32 $0x1400  }
0x9: {  	s9 =	ssub.s32 s30, s9;
	s7 =	sshrl.u32 s7, $0x3;
	s6 =	sshrl.u32 s6, $0x3  }
0xa: {  	s7 =	sadd.s32 s7, s4;
	s6 =	sadd.s32 s8, s6;
	s8 =	simm.s32 $0x3  }
0xb: {  	s4 =	sadd.s32 $0x7000, s7;
	s5 =	sadd.s32 $0x12C00, s6;
	s6 =	smax.u32 s9, $0x1  }
0xc: {  	s7 =	sadd.s32 s11, s31;
	s9 =	simm.s32 $0xC8;
	s11 =	simm.s32 $0x7800  }
.LBB2_1:
0xd: {  	[tilespmem:s2], [sflag:$0x3] =	stream.linear.gather [hbm4b:s4+s2], $0x1388, $0x38;
	[tilespmem:$0xDC00] =	vst v63  }
0xe: {  	_ =	swait.ge [sflag:s8], $0x1388  }
0xf: {  	[sflag:s8] =	ssyncset.done $0x0  }
0x10: {  	[sflag:s8] =	ssyncadd.s32 $0xFFFFEC78  }
0x11: {  	[tilespmem:s10], [sflag:$0x1] =	stream.indirect.gather [hbm4b:s3+s9], $0x80, s2, s9, $0xb8;
	[tilespmem:$0xDC00] =	vst v63  }
0x12: {  	s15 =	simm.s32 $0xC8  }
0x13: {  	[tilespmem:s11], [sflag:$0x2] =	stream.indirect.gather [hbm4b:s3+s9], $0x80, s15, s9, $0xb8;
	[tilespmem:$0xDC00] =	vst v63  }
0x14: {  	_ =	swait.ge [sflag:s12], $0x6400  }
0x15: {  	[sflag:s12] =	ssyncset.done $0x0  }
0x16: {  	s31 =	sadd.s32 $0x0, s7;
	[sflag:s12] =	ssyncadd.s32 $0xFFFF9C00  }
0x17: {  	[hbm4b:s31+s2] =	stream.linear.scatter [tilespmem:s10], [sflag:$0x3], $0x6400, $0x38;
	[tilespmem:$0xDC00] =	vst v63  }
0x18: {  	_ =	swait.ge [sflag:s8], $0x6400  }
0x19: {  	[sflag:s8] =	ssyncset.done $0x0  }
0x1a: {  	s16 =	simm.s32 $0x190;
	[sflag:s8] =	ssyncadd.s32 $0xFFFF9C00  }
0x1b: {  	[tilespmem:s10], [sflag:$0x1] =	stream.indirect.gather [hbm4b:s3+s9], $0x80, s16, s9, $0xb8;
	[tilespmem:$0xDC00] =	vst v63  }
0x1c: {  	_ =	swait.ge [sflag:s13], $0x6400  }
0x1d: {  	[sflag:s13] =	ssyncset.done $0x0  }
0x1e: {  	s15 =	sadd.s32 $0xC80, s31;
	[sflag:s13] =	ssyncadd.s32 $0xFFFF9C00  }
0x1f: {  	[hbm4b:s15+s2] =	stream.linear.scatter [tilespmem:s11], [sflag:$0x3], $0x6400, $0x38;
	[tilespmem:$0xDC00] =	vst v63  }
0x20: {  	s17 =	simm.s32 $0x3200;
	_ =	swait.ge [sflag:s8], $0x6400  }
0x21: {  	s16 =	simm.s32 $0x1900;
	s15 =	simm.s32 $0x320;
	[sflag:s8] =	ssyncset.done $0x0  }
.LBB2_2:
0x22: {  	p0 =	sne.s32 s17, $0x11300;
	s18 =	sadd.s32 $0xFFFFFF38, s15;
	[sflag:s8] =	ssyncadd.s32 $0xFFFF9C00  }
0x23: {  	[tilespmem:s11], [sflag:$0x2] =	stream.indirect.gather [hbm4b:s3+s9], $0x80, s18, s9, $0xb8;
	[tilespmem:$0xDC00] =	vst v63  }
0x24: {  	s18 =	smov.u32 s17;
	s17 =	sadd.s32 $0x1900, s17;
	_ =	swait.ge [sflag:s12], $0x6400  }
0x25: {  	[sflag:s12] =	ssyncset.done $0x0  }
0x26: {  	s19 =	sadd.s32 s16, s7;
	s16 =	smov.u32 s18;
	[sflag:s12] =	ssyncadd.s32 $0xFFFF9C00  }
0x27: {  	[hbm4b:s19+s2] =	stream.linear.scatter [tilespmem:s10], [sflag:$0x3], $0x6400, $0x38;
	[tilespmem:$0xDC00] =	vst v63  }
0x28: {  	_ =	swait.ge [sflag:s8], $0x6400  }
0x29: {  	[sflag:s8] =	ssyncset.done $0x0  }
0x2a: {  	[sflag:s8] =	ssyncadd.s32 $0xFFFF9C00  }
0x2b: {  	[tilespmem:s10], [sflag:$0x1] =	stream.indirect.gather [hbm4b:s3+s9], $0x80, s15, s9, $0xb8;
	[tilespmem:$0xDC00] =	vst v63  }
0x2c: {  	_ =	swait.ge [sflag:s13], $0x6400  }
.Ltmp0:
0x2d: {  	[sflag:s13] =	ssyncset.done $0x0;
	(pc) =	sbr.rel @p0 .LBB2_2-.Ltmp0, $4  }
0x2e: {  	s18 =	sadd.s32 $0xC80, s19;
	[sflag:s13] =	ssyncadd.s32 $0xFFFF9C00  }
0x2f: {  	[hbm4b:s18+s2] =	stream.linear.scatter [tilespmem:s11], [sflag:$0x3], $0x6400, $0x38;
	[tilespmem:$0xDC00] =	vst v63  }
0x30: {  	_ =	swait.ge [sflag:s8], $0x6400  }
0x31: {  	s15 =	sadd.s32 $0x190, s15;
	[sflag:s8] =	ssyncset.done $0x0  }
0x32: {  	s17 =	sadd.s32 $0xFFFFFF38, s15;
	[sflag:s8] =	ssyncadd.s32 $0xFFFF9C00  }
0x33: {  	[tilespmem:s11], [sflag:$0x2] =	stream.indirect.gather [hbm4b:s3+s9], $0x80, s17, s9, $0xb8;
	[tilespmem:$0xDC00] =	vst v63  }
0x34: {  	_ =	swait.ge [sflag:s12], $0x6400  }
0x35: {  	[sflag:s12] =	ssyncset.done $0x0  }
0x36: {  	s16 =	sadd.s32 s16, s7;
	[sflag:s12] =	ssyncadd.s32 $0xFFFF9C00  }
0x37: {  	[hbm4b:s16+s2] =	stream.linear.scatter [tilespmem:s10], [sflag:$0x3], $0x6400, $0x38;
	[tilespmem:$0xDC00] =	vst v63  }
0x38: {  	_ =	swait.ge [sflag:s8], $0x6400  }
0x39: {  	[sflag:s8] =	ssyncset.done $0x0  }
0x3a: {  	[sflag:s8] =	ssyncadd.s32 $0xFFFF9C00  }
0x3b: {  	[tilespmem:s10], [sflag:$0x1] =	stream.indirect.gather [hbm4b:s3+s9], $0x80, s15, s9, $0xb8;
	[tilespmem:$0xDC00] =	vst v63  }
0x3c: {  	_ =	swait.ge [sflag:s13], $0x6400  }
0x3d: {  	[sflag:s13] =	ssyncset.done $0x0  }
0x3e: {  	s31 =	sadd.s32 $0xC80, s16;
	[sflag:s13] =	ssyncadd.s32 $0xFFFF9C00  }
0x3f: {  	[hbm4b:s31+s2] =	stream.linear.scatter [tilespmem:s11], [sflag:$0x3], $0x6400, $0x38;
	[tilespmem:$0xDC00] =	vst v63  }
0x40: {  	_ =	swait.ge [sflag:s8], $0x6400  }
0x41: {  	[sflag:s8] =	ssyncset.done $0x0  }
0x42: {  	[sflag:s8] =	ssyncadd.s32 $0xFFFF9C00  }
0x43: {  	s14 =	sadd.s32 $0x1, s14;
	_ =	swait.ge [sflag:s12], $0x6400  }
0x44: {  	p0 =	sne.s32 s14, s6;
	[sflag:s12] =	ssyncset.done $0x0  }
.Ltmp1:
0x45: {  	[sflag:s12] =	ssyncadd.s32 $0xFFFF9C00;
	(pc) =	sbr.rel @p0 .LBB2_1-.Ltmp1, $4  }
0x46: {  	[hbm4b:s5+s2] =	stream.linear.scatter [tilespmem:s10], [sflag:$0x3], $0x6400, $0x38;
	[tilespmem:$0xDC00] =	vst v63  }
0x47: {  	_ =	swait.ge [sflag:s8], $0x6400  }
0x48: {  	[sflag:s8] =	ssyncset.done $0x0  }
0x49: {  	[sflag:s8] =	ssyncadd.s32 $0xFFFF9C00  }
0x4a: {  	_ =	sfence.sel $0x180000  }
0x4b: {  	[bflag:$0x0] =	sbarrier.arrive $0xFFFF  }
0x4c: {  	p0 =	sne.s32 s0, $0x0;
	_ =	strace $0x90000053  }
0x4d: {  	s0 =	sadd.s32 @!p0 $0x100000, s1;
	[bflag:$0x2] =	sbarrier.arrive $0xFFFF  }
0x4e: {  	[sflag:s0] =	ssyncadd.tile.s32 @!p0 $0x1;
	_ =	shalt  }
.Lfunc_end2:
_tile_overlayer_lowered:
.L_overlay_start_2:
0x4f: {  	(tag) =	ssettag $0x2  }
0x50: {  	s0 =	rddreg [dreg:$0x0];
	s2 =	stileid.u32  }
0x51: {  	s1 =	rddreg [dreg:$0x1];
	p0 =	sne.s32 s2, $0x0  }
0x52: {  	s3 =	rddreg [dreg:$0x2];
	[bflag:$0x3] =	sbarrier.arrive $0xFFFF;
	s2 =	simm.s32 @!p0 $0x1C03  }
0x53: {  	[timem:s3], [sflag:s2] =	dma.local @!p0 [hbm:s0], s1  }
0x54: {  	s0 =	simm.s32 @!p0 $0x3  }
0x55: {  	_ =	swait.ge @!p0 [sflag:s0], s1  }
0x56: {  	s1 =	ssub.s32 @!p0 $0x0, s1;
	[sflag:s0] =	ssyncset.done @!p0 $0x0  }
0x57: {  	[sflag:s0] =	ssyncadd.s32 @!p0 s1  }
0x58: {  	[bflag:$0x3] =	sbarrier.arrive $0xFFFF  }
0x59: {  	_ =	shalt  }

// kernel: kernel.24.cloned.1.call-start
scs
__scs_entry_jumppad:
0x0: {  	(pc) =	sbr.rel $0x88, $3  }
0x1: {  	(tag) =	ssettag $0x0;
	lr =	simm.s32 $0x1  }
0x2: {  	[smem:$0x3F8F] =	sst lr;
	_ =	strace $0xD0000000  }
0x3: {  	_ = 	snop  }
0x4: {  	_ = 	snop  }
0x5: {  	_ = 	snop  }
0x6: {  	_ = 	snop  }
0x7: {  	_ = 	snop  }
__scs_overlays_trampoline_lowered:
0x8: {  	[smem:$0x3F9E] =	sst s0  }
0x9: {  	[smem:$0x3F9F] =	sst s1  }
0xa: {  	[smem:$0x3FA0] =	sst s2  }
0xb: {  	[smem:$0x3FA1] =	sst s3  }
0xc: {  	[smem:$0x3FA2] =	sst s4  }
0xd: {  	[smem:$0x3FA3] =	sst s5  }
0xe: {  	[smem:$0x3FA4] =	sst s6  }
0xf: {  	[smem:$0x3FA5] =	sst s7  }
0x10: {  	[smem:$0x3FA6] =	sst s8  }
0x11: {  	[smem:$0x3FA7] =	sst s9;
	s0 =	simm.s32 @!p0 $0x0  }
0x12: {  	s1 =	sld [smem:$0x3F8D];
	s0 =	simm.s32 @p0 $0x1  }
0x13: {  	[smem:$0x3FA8] =	sst s0;
	s0 =	simm.s32 @!p1 $0x0  }
0x14: {  	s2 =	sld [smem:$0x3F8C];
	s0 =	simm.s32 @p1 $0x1  }
0x15: {  	[smem:$0x3FA9] =	sst s0;
	s0 =	simm.s32 @!p2 $0x0  }
0x16: {  	s3 =	sld [smem:$0x3FDB];
	s0 =	simm.s32 @p2 $0x1  }
0x17: {  	s4 =	simm.s32 $0x1BF5;
	[smem:$0x3FAB] =	sst s0  }
0x18: {  	s0 =	sld [smem:$0x3F8E];
	_ =	swait.ge [sflag:s4], $0x0  }
0x19: {  	s7 =	sld [smem:$0x3F8F]  }
0x1a: {  	s8 =	sadd.s32 $0xFFFFE003, lr  }
0x1b: {  	s9 =	sadd.s32 $0xFFFFFEF7, lr;
	s5 =	simm.s32 $0xFFFFFFFF;
	p2 =	slt.u32 s8, $0xFFFFF086  }
0x1c: {  	p1 =	slt.u32 s9, $0xF7A;
	s5 =	simm.s32 @!p2 $0x0  }
0x1d: {  	s5 =	simm.s32 @p1 $0x1;
	p0 =	seq.s32 s7, s2  }
0x1e: {  	s7 =	smul.u32 @!p0 $0xF7A, s2;
	p2 =	seq.s32 @!p0 s5, $0x0  }
0x1f: {  	s9 =	smul.u32 $0xF7A, s1;
	s8 =	simm.s32 @!p0 $0x1BF5;
	p2 =	por !p2, p0  }
0x20: {  	[sflag:s8] =	ssyncset.s32 @!p0 $0xFFFFF086;
	s6 =	sadd.s32 @!p0 s3, s7;
	s7 =	simm.s32 @!p0 $0x108  }
0x21: {  	s3 =	sadd.s32 s3, s9;
	s6 =	sadd.s32 @!p0 $0x88, s6;
	s7 =	simm.s32 @p2 $0x1082  }
0x22: {  	[simem:s7], [sflag:s8] =	dma.local @!p0 [hbm:s6], $0xF7A  }
0x23: {  	s9 =	sor.u32 $0xD0000000, s2;
	s6 =	simm.s32 $0x108;
	_ =	swait.ge @!p0 [sflag:s8], $0x0  }
0x24: {  	s3 =	sadd.s32 $0x88, s3;
	s6 =	simm.s32 @!p1 $0x1082;
	[sflag:s4] =	ssyncset.s32 $0xFFFFF086  }
0x25: {  	[simem:s6], [sflag:s4] =	dma.local [hbm:s3], $0xF7A  }
0x26: {  	[smem:$0x3F8F] =	sst s1;
	(tag) =	ssettag s2;
	_ =	strace s9  }
0x27: {  	s1 =	sld [smem:$0x3F9F]  }
0x28: {  	s2 =	sld [smem:$0x3FA0]  }
0x29: {  	s4 =	sld [smem:$0x3FA2]  }
0x2a: {  	p0 =	seq.s32 s5, $0x0;
	s5 =	sld [smem:$0x3FA3]  }
0x2b: {  	s6 =	sld [smem:$0x3FA4]  }
0x2c: {  	s7 =	sld [smem:$0x3FA5]  }
0x2d: {  	s3 =	simm.s32 $0x108;
	s8 =	sld [smem:$0x3FA6]  }
0x2e: {  	s3 =	simm.s32 @!p0 $0x1082;
	s9 =	sld [smem:$0x3FA7]  }
0x2f: {  	lr =	sadd.s32 s0, s3;
	s0 =	sld [smem:$0x3F9E]  }
0x30: {  	s3 =	sld [smem:$0x3FA1]  }
0x31: {  	[smem:$0x3FAA] =	sst s10  }
0x32: {  	s10 =	sld [smem:$0x3FA8];
	_ =	sdelay $0x3  }
0x33: {  	p0 =	seq.s32 s10, $0x1;
	s10 =	sld [smem:$0x3FAA];
	_ =	sdelay $0x3  }
0x34: {  	[smem:$0x3FAA] =	sst s10  }
0x35: {  	s10 =	sld [smem:$0x3FA9];
	_ =	sdelay $0x3  }
0x36: {  	p1 =	seq.s32 s10, $0x1;
	s10 =	sld [smem:$0x3FAA];
	_ =	sdelay $0x3  }
0x37: {  	[smem:$0x3FAA] =	sst s10  }
0x38: {  	s10 =	sld [smem:$0x3FAB]  }
0x39: {  	_ = 	snop;
	(pc) =	sbr.ind lr, $3  }
0x3a: {  	_ = 	snop  }
0x3b: {  	_ = 	snop  }
0x3c: {  	p2 =	seq.s32 s10, $0x1;
	s10 =	sld [smem:$0x3FAA]  }
0x3d: {  	_ =	shalt  }
0x3e: {  	_ =	shalt  }
0x3f: {  	_ =	shalt  }
0x40: {  	_ =	shalt  }
0x41: {  	_ =	shalt  }
0x42: {  	_ =	shalt  }
0x43: {  	_ =	shalt  }
0x44: {  	_ =	shalt  }
0x45: {  	_ =	shalt  }
0x46: {  	_ =	shalt  }
0x47: {  	_ =	shalt  }
0x48: {  	_ =	shalt  }
0x49: {  	_ =	shalt  }
0x4a: {  	_ =	shalt  }
0x4b: {  	_ =	shalt  }
0x4c: {  	_ =	shalt  }
0x4d: {  	_ =	shalt  }
0x4e: {  	_ =	shalt  }
0x4f: {  	_ =	shalt  }
0x50: {  	_ =	shalt  }
0x51: {  	_ =	shalt  }
0x52: {  	_ =	shalt  }
0x53: {  	_ =	shalt  }
0x54: {  	_ =	shalt  }
0x55: {  	_ =	shalt  }
0x56: {  	_ =	shalt  }
0x57: {  	_ =	shalt  }
0x58: {  	_ =	shalt  }
0x59: {  	_ =	shalt  }
0x5a: {  	_ =	shalt  }
0x5b: {  	_ =	shalt  }
0x5c: {  	_ =	shalt  }
0x5d: {  	_ =	shalt  }
0x5e: {  	_ =	shalt  }
0x5f: {  	_ =	shalt  }
0x60: {  	_ =	shalt  }
0x61: {  	_ =	shalt  }
0x62: {  	_ =	shalt  }
0x63: {  	_ =	shalt  }
0x64: {  	_ =	shalt  }
0x65: {  	_ =	shalt  }
0x66: {  	_ =	shalt  }
0x67: {  	_ =	shalt  }
0x68: {  	_ =	shalt  }
0x69: {  	_ =	shalt  }
0x6a: {  	_ =	shalt  }
0x6b: {  	_ =	shalt  }
0x6c: {  	_ =	shalt  }
0x6d: {  	_ =	shalt  }
0x6e: {  	_ =	shalt  }
0x6f: {  	_ =	shalt  }
0x70: {  	_ =	shalt  }
0x71: {  	_ =	shalt  }
0x72: {  	_ =	shalt  }
0x73: {  	_ =	shalt  }
0x74: {  	_ =	shalt  }
0x75: {  	_ =	shalt  }
0x76: {  	_ =	shalt  }
0x77: {  	_ =	shalt  }
0x78: {  	_ =	shalt  }
0x79: {  	_ =	shalt  }
0x7a: {  	_ =	shalt  }
0x7b: {  	_ =	shalt  }
0x7c: {  	_ =	shalt  }
0x7d: {  	_ =	shalt  }
0x7e: {  	_ =	shalt  }
0x7f: {  	_ =	shalt  }
0x80: {  	_ =	shalt  }
0x81: {  	_ =	shalt  }
0x82: {  	_ =	shalt  }
0x83: {  	_ =	shalt  }
0x84: {  	_ =	shalt  }
0x85: {  	_ =	shalt  }
0x86: {  	_ =	shalt  }
0x87: {  	_ =	shalt  }
.Lfunc_end0:
.L_simem_size_0:
called_computation.2_lowered:
.L_overlay_start_0:
0x88: {  	s2 =	sld [smem:$0x3FD9]  }
0x89: {  	s3 =	sld [smem:$0x3FFE];
	_ =	sdelay $0x1  }
0x8a: {  	s1 =	srdreg.scid  }
0x8b: {  	s0 =	sand.u32 $0x1, s1  }
0x8c: {  	s17 =	sshll.u32 s0, $0xA;
	s2 =	sadd.s32 s3, s2  }
0x8d: {  	s2 =	sadd.s32 s2, s17  }
0x8e: {  	[smem:$0x3FB6] =	sst s2  }
0x8f: {  	_ = 	snop  }
0x90: {  	(tm) =	ssettm $0x1  }
0x91: {  	s18 =	sld [smem:$0x3FFB];
	_ =	sdelay $0x3  }
0x92: {  	_ =	strace s18  }
0x93: {  	s2 =	sld [smem:$0x3FFC];
	_ =	sdelay $0x3  }
0x94: {  	_ =	strace s2  }
0x95: {  	s2 =	sld [smem:$0x3FFD];
	_ =	sdelay $0x3  }
0x96: {  	_ =	strace s2  }
0x97: {  	_ =	strace $0x8FFFFFFF  }
0x98: {  	s19 =	sld [smem:$0x3FDB];
	_ =	sdelay $0x1  }
0x99: {  	s20 =	simm.s32 $_scs_section_size  }
0x9a: {  	s4 =	simm.s32 $_size__tile_overlayer_lowered;
	s5 =	simm.s32 $_tile_overlayer_lowered  }
0x9b: {  	s6 =	simm.s32 $0x1BFF;
	s21 =	sshll.u32 s5, $0x1;
	s3 =	sadd.s32 s20, s19  }
0x9c: {  	s22 =	simm.s32 $0x0;
	s4 =	sshll.u32 s4, $0x1;
	s5 =	sadd.s32 s21, s3  }
0x9d: {  	[timem:s22], [sflag:s6] =	dma.local [hbm:s5], s4  }
0x9e: {  	_ =	swait.ge [sflag:s6], s4  }
0x9f: {  	s4 =	ssub.s32 $0x0, s4;
	[sflag:s6] =	ssyncset.done $0x0  }
0xa0: {  	[sflag:s6] =	ssyncadd.s32 s4;
	_ =	sdelay $0x1  }
0xa1: {  	s23 =	simm.s32 $0x1B8B  }
0xa2: {  	_ =	swait.ge [sflag:s23], $0x1  }
0xa3: {  	[sflag:s23] =	ssyncset.done $0x0  }
0xa4: {  	[sflag:s23] =	ssyncadd.s32 $0xFFFFFFFF  }
0xa5: {  	s4 =	sld [smem:$0x0]  }
0xa6: {  	s5 =	sand.u32 $0xFFFFFFFE, s1  }
0xa7: {  	p0 =	sne.s32 s1, s5  }
0xa8: {  	s5 =	sshll.u32 @p0 s5, $0xE  }
0xa9: {  	s5 =	sadd.s32 @p0 $0x11B8D, s5;
	s6 =	sshll.u32 @p0 s4, $0x11  }
0xaa: {  	s5 =	sor.u32 @p0 s6, s5  }
0xab: {  	[sflag:s5] =	ssyncadd.remote.s32 @p0 $0x1;
	_ =	sdelay $0x1  }
0xac: {  	s5 =	simm.s32 @p0 $0x1B8D  }
0xad: {  	_ =	swait.eq @p0 [sflag:s5], $0x1  }
0xae: {  	[sflag:s5] =	ssyncadd.s32 @p0 $0xFFFFFFFF  }
0xaf: {  	s6 =	sshll.u32 @!p0 s1, $0xE  }
0xb0: {  	s6 =	sor.u32 @!p0 $0x4000, s6;
	s5 =	simm.s32 @!p0 $0x1B8D  }
0xb1: {  	s4 =	sshll.u32 @!p0 s4, $0x11;
	s6 =	sadd.s32 @!p0 $0x11B8D, s6;
	_ =	swait.eq @!p0 [sflag:s5], $0x1  }
0xb2: {  	s4 =	sor.u32 @!p0 s4, s6;
	[sflag:s5] =	ssyncadd.s32 @!p0 $0xFFFFFFFF  }
0xb3: {  	s25 =	simm.s32 $0x1B8E;
	s24 =	sld [smem:$0x3FFE];
	[sflag:s4] =	ssyncadd.remote.s32 @!p0 $0x1  }
0xb4: {  	s26 =	simm.s32 $execute0_lowered;
	[smem:$0x3FD2] =	sst s25  }
0xb5: {  	s5 =	sshll.u32 s26, $0x1;
	_ =	strace $0x8000004F;
	[dreg:$0x1] =	wrdreg $0xFFFFFFFF  }
0xb6: {  	s28 =	simm.s32 $_size_execute0_lowered;
	s3 =	sadd.s32 s3, s5;
	[dreg:$0x0] =	wrdreg $0x0  }
0xb7: {  	s5 =	sshll.u32 s28, $0x1;
	[dreg:$0x2] =	wrdreg s3  }
0xb8: {  	[dreg:$0x3] =	wrdreg s5  }
0xb9: {  	[dreg:$0x4] =	wrdreg $0xC0  }
0xba: {  	_ =	task [dreg:s22], $0x5FFFF  }
0xbb: {  	[dreg:$0x1] =	wrdreg $0xFFFFFFFF  }
0xbc: {  	[dreg:$0x0] =	wrdreg $0x60  }
0xbd: {  	[dreg:$0x2] =	wrdreg s24  }
0xbe: {  	[dreg:$0x3] =	wrdreg $0xA  }
0xbf: {  	_ =	task.clear_ibuf [dreg:s22], $0x4FFFF;
	_ =	strace $0x9000004F  }
0xc0: {  	s29 =	simm.s32 $0xA;
	_ =	strace $0x80000051  }
0xc1: {  	_ =	swait.ge [sflag:s29], $0x1  }
0xc2: {  	[sflag:s29] =	ssyncadd.s32 $0xFFFFFFFF  }
0xc3: {  	_ =	strace $0x90000051  }
0xc4: {  	_ =	sfence  }
0xc5: {  	s30 =	sld [smem:$0x0];
	_ =	sdelay $0x2  }
0xc6: {  	s31 =	sshll.u32 s1, $0xD;
	s1 =	sshrl.u32 s1, $0x2  }
0xc7: {  	s4 =	sand.u32 $0x4000, s31;
	s1 =	sadd.s32 s1, s30  }
0xc8: {  	s0 =	sor.u32 s4, s0;
	s1 =	sshll.u32 s1, $0x11  }
0xc9: {  	s0 =	sor.u32 s1, s0  }
0xca: {  	s0 =	sadd.s32 $0x8F2B, s0  }
0xcb: {  	[sflag:s0] =	ssyncadd.remote.s32 $0x1  }
0xcc: {  	_ =	sfence.sel $0xFFFF  }
0xcd: {  	[dreg:$0x0] =	wrdreg $0xFFFFFFFF;
	(pc) =	sbr.abs _section_cstart, $3  }
0xce: {  	[dreg:$0x1] =	wrdreg $0xFFFFFFFF  }
0xcf: {  	_ =	task.clear_ibuf [dreg:s22], $0x2FFFF;
	_ =	strace $0x9FFFFFFF  }
0xd0: {  	(tm) =	ssettm $0x7FFFFFFF  }
0xd1: {  	_ =	shalt  }
tec
execute0_lowered:
.L_overlay_start_1:
0x0: {  	(tag) =	ssettag $0x1  }
0x1: {  	s1 =	srdreg.scid;
	s0 =	stileid.u32  }
0x2: {  	s4 =	rddreg [dreg:$0x0];
	s2 =	simm.s32 $0x0;
	s12 =	simm.s32 $0x1  }
0x3: {  	s13 =	simm.s32 $0x2;
	s14 =	simm.s32 $0x0;
	s5 =	sand.u32 $0x1, s1  }
0x4: {  	s3 =	sshll.u32 s0, $0x1;
	[smem:$0x7FF] =	sst s2;
	s10 =	smul.u32 $0x27100, s0  }
0x5: {  	s8 =	sadd.s32 $0x5C5600, s4;
	s6 =	sor.u32 s5, s3;
	s11 =	smul.u32 $0x13880, s5  }
0x6: {  	s1 =	rddreg [dreg:$0x1];
	_ =	strace $0x80000050;
	s7 =	smul.u32 $0x1388, s6  }
0x7: {  	s3 =	sadd.s32 $0x16000, s4;
	s30 =	ssub.s32 $0x2, s5;
	s6 =	smul.u32 $0x9C400, s6  }
0x8: {  	s9 =	sshrl.u32 s30, $0x1;
	s31 =	sadd.s32 s10, s8;
	s10 =	simm.s32 $0x1400  }
0x9: {  	s9 =	ssub.s32 s30, s9;
	s7 =	sshrl.u32 s7, $0x3;
	s6 =	sshrl.u32 s6, $0x3  }
0xa: {  	s7 =	sadd.s32 s7, s4;
	s6 =	sadd.s32 s8, s6;
	s8 =	simm.s32 $0x3  }
0xb: {  	s4 =	sadd.s32 $0xC000, s7;
	s5 =	sadd.s32 $0x12C00, s6;
	s6 =	smax.u32 s9, $0x1  }
0xc: {  	s7 =	sadd.s32 s11, s31;
	s9 =	simm.s32 $0xC8;
	s11 =	simm.s32 $0x7800  }
.LBB2_1:
0xd: {  	[tilespmem:s2], [sflag:$0x3] =	stream.linear.gather [hbm4b:s4+s2], $0x1388, $0x38;
	[tilespmem:$0xDC00] =	vst v63  }
0xe: {  	_ =	swait.ge [sflag:s8], $0x1388  }
0xf: {  	[sflag:s8] =	ssyncset.done $0x0  }
0x10: {  	[sflag:s8] =	ssyncadd.s32 $0xFFFFEC78  }
0x11: {  	[tilespmem:s10], [sflag:$0x1] =	stream.indirect.gather [hbm4b:s3+s9], $0x80, s2, s9, $0xb8;
	[tilespmem:$0xDC00] =	vst v63  }
0x12: {  	s15 =	simm.s32 $0xC8  }
0x13: {  	[tilespmem:s11], [sflag:$0x2] =	stream.indirect.gather [hbm4b:s3+s9], $0x80, s15, s9, $0xb8;
	[tilespmem:$0xDC00] =	vst v63  }
0x14: {  	_ =	swait.ge [sflag:s12], $0x6400  }
0x15: {  	[sflag:s12] =	ssyncset.done $0x0  }
0x16: {  	s31 =	sadd.s32 $0x0, s7;
	[sflag:s12] =	ssyncadd.s32 $0xFFFF9C00  }
0x17: {  	[hbm4b:s31+s2] =	stream.linear.scatter [tilespmem:s10], [sflag:$0x3], $0x6400, $0x38;
	[tilespmem:$0xDC00] =	vst v63  }
0x18: {  	_ =	swait.ge [sflag:s8], $0x6400  }
0x19: {  	[sflag:s8] =	ssyncset.done $0x0  }
0x1a: {  	s16 =	simm.s32 $0x190;
	[sflag:s8] =	ssyncadd.s32 $0xFFFF9C00  }
0x1b: {  	[tilespmem:s10], [sflag:$0x1] =	stream.indirect.gather [hbm4b:s3+s9], $0x80, s16, s9, $0xb8;
	[tilespmem:$0xDC00] =	vst v63  }
0x1c: {  	_ =	swait.ge [sflag:s13], $0x6400  }
0x1d: {  	[sflag:s13] =	ssyncset.done $0x0  }
0x1e: {  	s15 =	sadd.s32 $0xC80, s31;
	[sflag:s13] =	ssyncadd.s32 $0xFFFF9C00  }
0x1f: {  	[hbm4b:s15+s2] =	stream.linear.scatter [tilespmem:s11], [sflag:$0x3], $0x6400, $0x38;
	[tilespmem:$0xDC00] =	vst v63  }
0x20: {  	s17 =	simm.s32 $0x3200;
	_ =	swait.ge [sflag:s8], $0x6400  }
0x21: {  	s16 =	simm.s32 $0x1900;
	s15 =	simm.s32 $0x320;
	[sflag:s8] =	ssyncset.done $0x0  }
.LBB2_2:
0x22: {  	p0 =	sne.s32 s17, $0x11300;
	s18 =	sadd.s32 $0xFFFFFF38, s15;
	[sflag:s8] =	ssyncadd.s32 $0xFFFF9C00  }
0x23: {  	[tilespmem:s11], [sflag:$0x2] =	stream.indirect.gather [hbm4b:s3+s9], $0x80, s18, s9, $0xb8;
	[tilespmem:$0xDC00] =	vst v63  }
0x24: {  	s18 =	smov.u32 s17;
	s17 =	sadd.s32 $0x1900, s17;
	_ =	swait.ge [sflag:s12], $0x6400  }
0x25: {  	[sflag:s12] =	ssyncset.done $0x0  }
0x26: {  	s19 =	sadd.s32 s16, s7;
	s16 =	smov.u32 s18;
	[sflag:s12] =	ssyncadd.s32 $0xFFFF9C00  }
0x27: {  	[hbm4b:s19+s2] =	stream.linear.scatter [tilespmem:s10], [sflag:$0x3], $0x6400, $0x38;
	[tilespmem:$0xDC00] =	vst v63  }
0x28: {  	_ =	swait.ge [sflag:s8], $0x6400  }
0x29: {  	[sflag:s8] =	ssyncset.done $0x0  }
0x2a: {  	[sflag:s8] =	ssyncadd.s32 $0xFFFF9C00  }
0x2b: {  	[tilespmem:s10], [sflag:$0x1] =	stream.indirect.gather [hbm4b:s3+s9], $0x80, s15, s9, $0xb8;
	[tilespmem:$0xDC00] =	vst v63  }
0x2c: {  	_ =	swait.ge [sflag:s13], $0x6400  }
.Ltmp0:
0x2d: {  	[sflag:s13] =	ssyncset.done $0x0;
	(pc) =	sbr.rel @p0 .LBB2_2-.Ltmp0, $4  }
0x2e: {  	s18 =	sadd.s32 $0xC80, s19;
	[sflag:s13] =	ssyncadd.s32 $0xFFFF9C00  }
0x2f: {  	[hbm4b:s18+s2] =	stream.linear.scatter [tilespmem:s11], [sflag:$0x3], $0x6400, $0x38;
	[tilespmem:$0xDC00] =	vst v63  }
0x30: {  	_ =	swait.ge [sflag:s8], $0x6400  }
0x31: {  	s15 =	sadd.s32 $0x190, s15;
	[sflag:s8] =	ssyncset.done $0x0  }
0x32: {  	s17 =	sadd.s32 $0xFFFFFF38, s15;
	[sflag:s8] =	ssyncadd.s32 $0xFFFF9C00  }
0x33: {  	[tilespmem:s11], [sflag:$0x2] =	stream.indirect.gather [hbm4b:s3+s9], $0x80, s17, s9, $0xb8;
	[tilespmem:$0xDC00] =	vst v63  }
0x34: {  	_ =	swait.ge [sflag:s12], $0x6400  }
0x35: {  	[sflag:s12] =	ssyncset.done $0x0  }
0x36: {  	s16 =	sadd.s32 s16, s7;
	[sflag:s12] =	ssyncadd.s32 $0xFFFF9C00  }
0x37: {  	[hbm4b:s16+s2] =	stream.linear.scatter [tilespmem:s10], [sflag:$0x3], $0x6400, $0x38;
	[tilespmem:$0xDC00] =	vst v63  }
0x38: {  	_ =	swait.ge [sflag:s8], $0x6400  }
0x39: {  	[sflag:s8] =	ssyncset.done $0x0  }
0x3a: {  	[sflag:s8] =	ssyncadd.s32 $0xFFFF9C00  }
0x3b: {  	[tilespmem:s10], [sflag:$0x1] =	stream.indirect.gather [hbm4b:s3+s9], $0x80, s15, s9, $0xb8;
	[tilespmem:$0xDC00] =	vst v63  }
0x3c: {  	_ =	swait.ge [sflag:s13], $0x6400  }
0x3d: {  	[sflag:s13] =	ssyncset.done $0x0  }
0x3e: {  	s31 =	sadd.s32 $0xC80, s16;
	[sflag:s13] =	ssyncadd.s32 $0xFFFF9C00  }
0x3f: {  	[hbm4b:s31+s2] =	stream.linear.scatter [tilespmem:s11], [sflag:$0x3], $0x6400, $0x38;
	[tilespmem:$0xDC00] =	vst v63  }
0x40: {  	_ =	swait.ge [sflag:s8], $0x6400  }
0x41: {  	[sflag:s8] =	ssyncset.done $0x0  }
0x42: {  	[sflag:s8] =	ssyncadd.s32 $0xFFFF9C00  }
0x43: {  	s14 =	sadd.s32 $0x1, s14;
	_ =	swait.ge [sflag:s12], $0x6400  }
0x44: {  	p0 =	sne.s32 s14, s6;
	[sflag:s12] =	ssyncset.done $0x0  }
.Ltmp1:
0x45: {  	[sflag:s12] =	ssyncadd.s32 $0xFFFF9C00;
	(pc) =	sbr.rel @p0 .LBB2_1-.Ltmp1, $4  }
0x46: {  	[hbm4b:s5+s2] =	stream.linear.scatter [tilespmem:s10], [sflag:$0x3], $0x6400, $0x38;
	[tilespmem:$0xDC00] =	vst v63  }
0x47: {  	_ =	swait.ge [sflag:s8], $0x6400  }
0x48: {  	[sflag:s8] =	ssyncset.done $0x0  }
0x49: {  	[sflag:s8] =	ssyncadd.s32 $0xFFFF9C00  }
0x4a: {  	_ =	sfence.sel $0x180000  }
0x4b: {  	[bflag:$0x0] =	sbarrier.arrive $0xFFFF  }
0x4c: {  	p0 =	sne.s32 s0, $0x0;
	_ =	strace $0x90000050  }
0x4d: {  	s0 =	sadd.s32 @!p0 $0x100000, s1;
	[bflag:$0x2] =	sbarrier.arrive $0xFFFF  }
0x4e: {  	[sflag:s0] =	ssyncadd.tile.s32 @!p0 $0x1;
	_ =	shalt  }
.Lfunc_end2:
_tile_overlayer_lowered:
.L_overlay_start_2:
0x4f: {  	(tag) =	ssettag $0x2  }
0x50: {  	s0 =	rddreg [dreg:$0x0];
	s2 =	stileid.u32  }
0x51: {  	s1 =	rddreg [dreg:$0x1];
	p0 =	sne.s32 s2, $0x0  }
0x52: {  	s3 =	rddreg [dreg:$0x2];
	[bflag:$0x3] =	sbarrier.arrive $0xFFFF;
	s2 =	simm.s32 @!p0 $0x1C03  }
0x53: {  	[timem:s3], [sflag:s2] =	dma.local @!p0 [hbm:s0], s1  }
0x54: {  	s0 =	simm.s32 @!p0 $0x3  }
0x55: {  	_ =	swait.ge @!p0 [sflag:s0], s1  }
0x56: {  	s1 =	ssub.s32 @!p0 $0x0, s1;
	[sflag:s0] =	ssyncset.done @!p0 $0x0  }
0x57: {  	[sflag:s0] =	ssyncadd.s32 @!p0 s1  }
0x58: {  	[bflag:$0x3] =	sbarrier.arrive $0xFFFF  }
0x59: {  	_ =	shalt  }

// kernel: kernel.27.cloned.1.call-start
scs
__scs_entry_jumppad:
0x0: {  	(pc) =	sbr.rel $0x88, $3  }
0x1: {  	(tag) =	ssettag $0x0;
	lr =	simm.s32 $0x1  }
0x2: {  	[smem:$0x3F8F] =	sst lr;
	_ =	strace $0xD0000000  }
0x3: {  	_ = 	snop  }
0x4: {  	_ = 	snop  }
0x5: {  	_ = 	snop  }
0x6: {  	_ = 	snop  }
0x7: {  	_ = 	snop  }
__scs_overlays_trampoline_lowered:
0x8: {  	[smem:$0x3F9E] =	sst s0  }
0x9: {  	[smem:$0x3F9F] =	sst s1  }
0xa: {  	[smem:$0x3FA0] =	sst s2  }
0xb: {  	[smem:$0x3FA1] =	sst s3  }
0xc: {  	[smem:$0x3FA2] =	sst s4  }
0xd: {  	[smem:$0x3FA3] =	sst s5  }
0xe: {  	[smem:$0x3FA4] =	sst s6  }
0xf: {  	[smem:$0x3FA5] =	sst s7  }
0x10: {  	[smem:$0x3FA6] =	sst s8  }
0x11: {  	[smem:$0x3FA7] =	sst s9;
	s0 =	simm.s32 @!p0 $0x0  }
0x12: {  	s1 =	sld [smem:$0x3F8D];
	s0 =	simm.s32 @p0 $0x1  }
0x13: {  	[smem:$0x3FA8] =	sst s0;
	s0 =	simm.s32 @!p1 $0x0  }
0x14: {  	s2 =	sld [smem:$0x3F8C];
	s0 =	simm.s32 @p1 $0x1  }
0x15: {  	[smem:$0x3FA9] =	sst s0;
	s0 =	simm.s32 @!p2 $0x0  }
0x16: {  	s3 =	sld [smem:$0x3FDB];
	s0 =	simm.s32 @p2 $0x1  }
0x17: {  	s4 =	simm.s32 $0x1BF5;
	[smem:$0x3FAB] =	sst s0  }
0x18: {  	s0 =	sld [smem:$0x3F8E];
	_ =	swait.ge [sflag:s4], $0x0  }
0x19: {  	s7 =	sld [smem:$0x3F8F]  }
0x1a: {  	s8 =	sadd.s32 $0xFFFFE003, lr  }
0x1b: {  	s9 =	sadd.s32 $0xFFFFFEF7, lr;
	s5 =	simm.s32 $0xFFFFFFFF;
	p2 =	slt.u32 s8, $0xFFFFF086  }
0x1c: {  	p1 =	slt.u32 s9, $0xF7A;
	s5 =	simm.s32 @!p2 $0x0  }
0x1d: {  	s5 =	simm.s32 @p1 $0x1;
	p0 =	seq.s32 s7, s2  }
0x1e: {  	s7 =	smul.u32 @!p0 $0xF7A, s2;
	p2 =	seq.s32 @!p0 s5, $0x0  }
0x1f: {  	s9 =	smul.u32 $0xF7A, s1;
	s8 =	simm.s32 @!p0 $0x1BF5;
	p2 =	por !p2, p0  }
0x20: {  	[sflag:s8] =	ssyncset.s32 @!p0 $0xFFFFF086;
	s6 =	sadd.s32 @!p0 s3, s7;
	s7 =	simm.s32 @!p0 $0x108  }
0x21: {  	s3 =	sadd.s32 s3, s9;
	s6 =	sadd.s32 @!p0 $0x88, s6;
	s7 =	simm.s32 @p2 $0x1082  }
0x22: {  	[simem:s7], [sflag:s8] =	dma.local @!p0 [hbm:s6], $0xF7A  }
0x23: {  	s9 =	sor.u32 $0xD0000000, s2;
	s6 =	simm.s32 $0x108;
	_ =	swait.ge @!p0 [sflag:s8], $0x0  }
0x24: {  	s3 =	sadd.s32 $0x88, s3;
	s6 =	simm.s32 @!p1 $0x1082;
	[sflag:s4] =	ssyncset.s32 $0xFFFFF086  }
0x25: {  	[simem:s6], [sflag:s4] =	dma.local [hbm:s3], $0xF7A  }
0x26: {  	[smem:$0x3F8F] =	sst s1;
	(tag) =	ssettag s2;
	_ =	strace s9  }
0x27: {  	s1 =	sld [smem:$0x3F9F]  }
0x28: {  	s2 =	sld [smem:$0x3FA0]  }
0x29: {  	s4 =	sld [smem:$0x3FA2]  }
0x2a: {  	p0 =	seq.s32 s5, $0x0;
	s5 =	sld [smem:$0x3FA3]  }
0x2b: {  	s6 =	sld [smem:$0x3FA4]  }
0x2c: {  	s7 =	sld [smem:$0x3FA5]  }
0x2d: {  	s3 =	simm.s32 $0x108;
	s8 =	sld [smem:$0x3FA6]  }
0x2e: {  	s3 =	simm.s32 @!p0 $0x1082;
	s9 =	sld [smem:$0x3FA7]  }
0x2f: {  	lr =	sadd.s32 s0, s3;
	s0 =	sld [smem:$0x3F9E]  }
0x30: {  	s3 =	sld [smem:$0x3FA1]  }
0x31: {  	[smem:$0x3FAA] =	sst s10  }
0x32: {  	s10 =	sld [smem:$0x3FA8];
	_ =	sdelay $0x3  }
0x33: {  	p0 =	seq.s32 s10, $0x1;
	s10 =	sld [smem:$0x3FAA];
	_ =	sdelay $0x3  }
0x34: {  	[smem:$0x3FAA] =	sst s10  }
0x35: {  	s10 =	sld [smem:$0x3FA9];
	_ =	sdelay $0x3  }
0x36: {  	p1 =	seq.s32 s10, $0x1;
	s10 =	sld [smem:$0x3FAA];
	_ =	sdelay $0x3  }
0x37: {  	[smem:$0x3FAA] =	sst s10  }
0x38: {  	s10 =	sld [smem:$0x3FAB]  }
0x39: {  	_ = 	snop;
	(pc) =	sbr.ind lr, $3  }
0x3a: {  	_ = 	snop  }
0x3b: {  	_ = 	snop  }
0x3c: {  	p2 =	seq.s32 s10, $0x1;
	s10 =	sld [smem:$0x3FAA]  }
0x3d: {  	_ =	shalt  }
0x3e: {  	_ =	shalt  }
0x3f: {  	_ =	shalt  }
0x40: {  	_ =	shalt  }
0x41: {  	_ =	shalt  }
0x42: {  	_ =	shalt  }
0x43: {  	_ =	shalt  }
0x44: {  	_ =	shalt  }
0x45: {  	_ =	shalt  }
0x46: {  	_ =	shalt  }
0x47: {  	_ =	shalt  }
0x48: {  	_ =	shalt  }
0x49: {  	_ =	shalt  }
0x4a: {  	_ =	shalt  }
0x4b: {  	_ =	shalt  }
0x4c: {  	_ =	shalt  }
0x4d: {  	_ =	shalt  }
0x4e: {  	_ =	shalt  }
0x4f: {  	_ =	shalt  }
0x50: {  	_ =	shalt  }
0x51: {  	_ =	shalt  }
0x52: {  	_ =	shalt  }
0x53: {  	_ =	shalt  }
0x54: {  	_ =	shalt  }
0x55: {  	_ =	shalt  }
0x56: {  	_ =	shalt  }
0x57: {  	_ =	shalt  }
0x58: {  	_ =	shalt  }
0x59: {  	_ =	shalt  }
0x5a: {  	_ =	shalt  }
0x5b: {  	_ =	shalt  }
0x5c: {  	_ =	shalt  }
0x5d: {  	_ =	shalt  }
0x5e: {  	_ =	shalt  }
0x5f: {  	_ =	shalt  }
0x60: {  	_ =	shalt  }
0x61: {  	_ =	shalt  }
0x62: {  	_ =	shalt  }
0x63: {  	_ =	shalt  }
0x64: {  	_ =	shalt  }
0x65: {  	_ =	shalt  }
0x66: {  	_ =	shalt  }
0x67: {  	_ =	shalt  }
0x68: {  	_ =	shalt  }
0x69: {  	_ =	shalt  }
0x6a: {  	_ =	shalt  }
0x6b: {  	_ =	shalt  }
0x6c: {  	_ =	shalt  }
0x6d: {  	_ =	shalt  }
0x6e: {  	_ =	shalt  }
0x6f: {  	_ =	shalt  }
0x70: {  	_ =	shalt  }
0x71: {  	_ =	shalt  }
0x72: {  	_ =	shalt  }
0x73: {  	_ =	shalt  }
0x74: {  	_ =	shalt  }
0x75: {  	_ =	shalt  }
0x76: {  	_ =	shalt  }
0x77: {  	_ =	shalt  }
0x78: {  	_ =	shalt  }
0x79: {  	_ =	shalt  }
0x7a: {  	_ =	shalt  }
0x7b: {  	_ =	shalt  }
0x7c: {  	_ =	shalt  }
0x7d: {  	_ =	shalt  }
0x7e: {  	_ =	shalt  }
0x7f: {  	_ =	shalt  }
0x80: {  	_ =	shalt  }
0x81: {  	_ =	shalt  }
0x82: {  	_ =	shalt  }
0x83: {  	_ =	shalt  }
0x84: {  	_ =	shalt  }
0x85: {  	_ =	shalt  }
0x86: {  	_ =	shalt  }
0x87: {  	_ =	shalt  }
.Lfunc_end0:
.L_simem_size_0:
called_computation.3_lowered:
.L_overlay_start_0:
0x88: {  	s2 =	sld [smem:$0x3FD9]  }
0x89: {  	s3 =	sld [smem:$0x3FFE];
	_ =	sdelay $0x1  }
0x8a: {  	s1 =	srdreg.scid  }
0x8b: {  	s0 =	sand.u32 $0x1, s1  }
0x8c: {  	s17 =	sshll.u32 s0, $0xA;
	s2 =	sadd.s32 s3, s2  }
0x8d: {  	s2 =	sadd.s32 s2, s17  }
0x8e: {  	[smem:$0x3FB6] =	sst s2  }
0x8f: {  	_ = 	snop  }
0x90: {  	(tm) =	ssettm $0x1  }
0x91: {  	s18 =	sld [smem:$0x3FFB];
	_ =	sdelay $0x3  }
0x92: {  	_ =	strace s18  }
0x93: {  	s2 =	sld [smem:$0x3FFC];
	_ =	sdelay $0x3  }
0x94: {  	_ =	strace s2  }
0x95: {  	s2 =	sld [smem:$0x3FFD];
	_ =	sdelay $0x3  }
0x96: {  	_ =	strace s2  }
0x97: {  	_ =	strace $0x8FFFFFFF  }
0x98: {  	s19 =	sld [smem:$0x3FDB];
	_ =	sdelay $0x1  }
0x99: {  	s20 =	simm.s32 $_scs_section_size  }
0x9a: {  	s4 =	simm.s32 $_size__tile_overlayer_lowered;
	s5 =	simm.s32 $_tile_overlayer_lowered  }
0x9b: {  	s6 =	simm.s32 $0x1BFF;
	s21 =	sshll.u32 s5, $0x1;
	s3 =	sadd.s32 s20, s19  }
0x9c: {  	s22 =	simm.s32 $0x0;
	s4 =	sshll.u32 s4, $0x1;
	s5 =	sadd.s32 s21, s3  }
0x9d: {  	[timem:s22], [sflag:s6] =	dma.local [hbm:s5], s4  }
0x9e: {  	_ =	swait.ge [sflag:s6], s4  }
0x9f: {  	s4 =	ssub.s32 $0x0, s4;
	[sflag:s6] =	ssyncset.done $0x0  }
0xa0: {  	[sflag:s6] =	ssyncadd.s32 s4;
	_ =	sdelay $0x1  }
0xa1: {  	s23 =	simm.s32 $0x1B8B  }
0xa2: {  	_ =	swait.ge [sflag:s23], $0x1  }
0xa3: {  	[sflag:s23] =	ssyncset.done $0x0  }
0xa4: {  	[sflag:s23] =	ssyncadd.s32 $0xFFFFFFFF  }
0xa5: {  	s4 =	sld [smem:$0x0]  }
0xa6: {  	s5 =	sand.u32 $0xFFFFFFFE, s1  }
0xa7: {  	p0 =	sne.s32 s1, s5  }
0xa8: {  	s5 =	sshll.u32 @p0 s5, $0xE  }
0xa9: {  	s5 =	sadd.s32 @p0 $0x11B8D, s5;
	s6 =	sshll.u32 @p0 s4, $0x11  }
0xaa: {  	s5 =	sor.u32 @p0 s6, s5  }
0xab: {  	[sflag:s5] =	ssyncadd.remote.s32 @p0 $0x1;
	_ =	sdelay $0x1  }
0xac: {  	s5 =	simm.s32 @p0 $0x1B8D  }
0xad: {  	_ =	swait.eq @p0 [sflag:s5], $0x1  }
0xae: {  	[sflag:s5] =	ssyncadd.s32 @p0 $0xFFFFFFFF  }
0xaf: {  	s6 =	sshll.u32 @!p0 s1, $0xE  }
0xb0: {  	s6 =	sor.u32 @!p0 $0x4000, s6;
	s5 =	simm.s32 @!p0 $0x1B8D  }
0xb1: {  	s4 =	sshll.u32 @!p0 s4, $0x11;
	s6 =	sadd.s32 @!p0 $0x11B8D, s6;
	_ =	swait.eq @!p0 [sflag:s5], $0x1  }
0xb2: {  	s4 =	sor.u32 @!p0 s4, s6;
	[sflag:s5] =	ssyncadd.s32 @!p0 $0xFFFFFFFF  }
0xb3: {  	s25 =	simm.s32 $0x1B8E;
	s24 =	sld [smem:$0x3FFE];
	[sflag:s4] =	ssyncadd.remote.s32 @!p0 $0x1  }
0xb4: {  	s26 =	simm.s32 $execute0_lowered;
	[smem:$0x3FD2] =	sst s25  }
0xb5: {  	s5 =	sshll.u32 s26, $0x1;
	_ =	strace $0x8000005B;
	[dreg:$0x1] =	wrdreg $0xFFFFFFFF  }
0xb6: {  	s28 =	simm.s32 $_size_execute0_lowered;
	s3 =	sadd.s32 s3, s5;
	[dreg:$0x0] =	wrdreg $0x0  }
0xb7: {  	s5 =	sshll.u32 s28, $0x1;
	[dreg:$0x2] =	wrdreg s3  }
0xb8: {  	[dreg:$0x3] =	wrdreg s5  }
0xb9: {  	[dreg:$0x4] =	wrdreg $0xC0  }
0xba: {  	_ =	task [dreg:s22], $0x5FFFF  }
0xbb: {  	[dreg:$0x1] =	wrdreg $0xFFFFFFFF  }
0xbc: {  	[dreg:$0x0] =	wrdreg $0x60  }
0xbd: {  	[dreg:$0x2] =	wrdreg s24  }
0xbe: {  	[dreg:$0x3] =	wrdreg $0x65000  }
0xbf: {  	[dreg:$0x4] =	wrdreg $0x9  }
0xc0: {  	_ =	task.clear_ibuf [dreg:s22], $0x5FFFF;
	_ =	strace $0x9000005B  }
0xc1: {  	s29 =	simm.s32 $0x9;
	_ =	strace $0x8000005D  }
0xc2: {  	_ =	swait.ge [sflag:s29], $0x1  }
0xc3: {  	[sflag:s29] =	ssyncadd.s32 $0xFFFFFFFF  }
0xc4: {  	_ =	strace $0x9000005D  }
0xc5: {  	_ =	sfence  }
0xc6: {  	s30 =	sld [smem:$0x0];
	_ =	sdelay $0x2  }
0xc7: {  	s31 =	sshll.u32 s1, $0xD;
	s1 =	sshrl.u32 s1, $0x2  }
0xc8: {  	s4 =	sand.u32 $0x4000, s31;
	s1 =	sadd.s32 s1, s30  }
0xc9: {  	s0 =	sor.u32 s4, s0;
	s1 =	sshll.u32 s1, $0x11  }
0xca: {  	s0 =	sor.u32 s1, s0  }
0xcb: {  	s0 =	sadd.s32 $0x8F2B, s0  }
0xcc: {  	[sflag:s0] =	ssyncadd.remote.s32 $0x1  }
0xcd: {  	_ =	sfence.sel $0xFFFF  }
0xce: {  	[dreg:$0x0] =	wrdreg $0xFFFFFFFF;
	(pc) =	sbr.abs _section_cstart, $3  }
0xcf: {  	[dreg:$0x1] =	wrdreg $0xFFFFFFFF  }
0xd0: {  	_ =	task.clear_ibuf [dreg:s22], $0x2FFFF;
	_ =	strace $0x9FFFFFFF  }
0xd1: {  	(tm) =	ssettm $0x7FFFFFFF  }
tec
execute0_lowered:
.L_overlay_start_1:
0x0: {  	(tag) =	ssettag $0x1  }
0x1: {  	s0 =	srdreg.scid  }
0x2: {  	s4 =	sand.u32 $0x1, s0  }
0x3: {  	s5 =	rddreg [dreg:$0x0];
	s6 =	smul.u32 $0x138800, s4  }
0x4: {  	s0 =	stileid.u32;
	s7 =	smul.u32 $0x13880, s4  }
0x5: {  	s2 =	rddreg [dreg:$0x1];
	s8 =	smul.u32 $0x1388, s0  }
0x6: {  	s1 =	rddreg [dreg:$0x2];
	s3 =	simm.s32 $0x0;
	s9 =	smul.u32 $0x13C00, s0  }
0x7: {  	s13 =	simm.s32 $0x1;
	s14 =	simm.s32 $0xC8;
	s21 =	smul.u32 $0x13C000, s4  }
0x8: {  	s15 =	simm.s32 $0x0;
	[smem:$0x7FF] =	sst s3;
	s25 =	smul.u32 $0x4F000, s0  }
0x9: {  	_ =	strace $0x8000005C;
	s4 =	ssub.s32 $0x2, s4;
	s30 =	smul.u32 $0x13880, s0  }
0xa: {  	s31 =	sshll.u32 s0, $0x6;
	s26 =	sshrl.u32 s4, $0x1;
	s7 =	sadd.s32 s8, s7  }
0xb: {  	s10 =	sadd.s32 s6, s5;
	s23 =	sshrl.u32 s9, $0x3;
	s24 =	sadd.s32 s9, s21  }
0xc: {  	s28 =	ssub.s32 s4, s26;
	s29 =	sshrl.u32 s25, $0x2;
	s22 =	sshrl.u32 s7, $0x3  }
0xd: {  	s7 =	sshrl.u32 s24, $0x3;
	s6 =	sadd.s32 s23, s5;
	s12 =	sadd.s32 s29, s2  }
0xe: {  	s8 =	sadd.s32 s30, s10;
	s11 =	sadd.s32 s22, s5;
	s7 =	sadd.s32 s7, s5  }
0xf: {  	s4 =	sadd.s32 $0xD9600, s6;
	s5 =	sor.u32 $0x1C02, s31;
	s8 =	sadd.s32 $0x11FAC00, s8  }
0x10: {  	s10 =	sshrl.u32 s12, $0x3;
	s12 =	simm.s32 $0x100;
	s6 =	sadd.s32 $0x11000, s7  }
0x11: {  	s7 =	smax.u32 s28, $0x1;
	s9 =	sadd.s32 $0xC000, s11;
	s11 =	simm.s32 $0x2  }
.LBB2_1:
0x12: {  	[spmem:s10], [sflag:s5] =	dma.local [hbm:s4], $0x2780  }
0x13: {  	_ =	swait.ge [sflag:s11], $0x2780  }
0x14: {  	[sflag:s11] =	ssyncset.done $0x0  }
0x15: {  	[sflag:s11] =	ssyncadd.s32 $0xFFFFD880  }
0x16: {  	s16 =	sadd.s32 $0x0, s9;
	[bflag:$0x0] =	sbarrier.arrive $0xFFFF  }
0x17: {  	[tilespmem:s3], [sflag:$0x2] =	stream.linear.gather [hbm4b:s16+s3], $0xC8, $0x38;
	[tilespmem:$0x1A100] =	vst v63  }
0x18: {  	_ =	swait.ge [sflag:s11], $0xC8  }
0x19: {  	[sflag:s11] =	ssyncset.done $0x0  }
0x1a: {  	[sflag:s11] =	ssyncadd.s32 $0xFFFFFF38  }
0x1b: {  	[tilespmem:s12], [sflag:$0x1] =	stream.linear.gather [hbm4b:s8+s3], $0x6400, $0x38;
	[tilespmem:$0x1A100] =	vst v63  }
0x1c: {  	_ =	swait.ge [sflag:s13], $0x6400  }
0x1d: {  	[sflag:s13] =	ssyncset.done $0x0  }
0x1e: {  	[sflag:s13] =	ssyncadd.s32 $0xFFFF9C00  }
0x1f: {  	[spmem:s2] =	stream.indirect.scatter.add.f32 [tilespmem:s12], [sflag:$0x2], $0x80, s3, s14, $0xb8;
	[tilespmem:$0x1A100] =	vst v63  }
0x20: {  	s17 =	simm.s32 $0x19;
	_ =	swait.ge [sflag:s11], $0x6400  }
0x21: {  	s18 =	simm.s32 $0x32;
	s16 =	sadd.s32 $0xC80, s8;
	[sflag:s11] =	ssyncset.done $0x0  }
.LBB2_2:
0x22: {  	s19 =	sadd.s32 s17, s9  }
0x23: {  	[sflag:s11] =	ssyncadd.s32 $0xFFFF9C00;
	s17 =	smov.u32 s18;
	s20 =	sadd.s32 $0x19, s18  }
0x24: {  	[tilespmem:s3], [sflag:$0x2] =	stream.linear.gather [hbm4b:s19+s3], $0xC8, $0x38;
	[tilespmem:$0x1A100] =	vst v63  }
0x25: {  	p0 =	sne.s32 s18, $0x258;
	_ =	swait.ge [sflag:s11], $0xC8  }
0x26: {  	[sflag:s11] =	ssyncset.done $0x0  }
0x27: {  	[sflag:s11] =	ssyncadd.s32 $0xFFFFFF38  }
0x28: {  	[tilespmem:s12], [sflag:$0x1] =	stream.linear.gather [hbm4b:s16+s3], $0x6400, $0x38;
	[tilespmem:$0x1A100] =	vst v63  }
0x29: {  	_ =	swait.ge [sflag:s13], $0x6400  }
.Ltmp0:
0x2a: {  	[sflag:s13] =	ssyncset.done $0x0;
	(pc) =	sbr.rel @p0 .LBB2_2-.Ltmp0, $4  }
0x2b: {  	[sflag:s13] =	ssyncadd.s32 $0xFFFF9C00  }
0x2c: {  	[spmem:s2] =	stream.indirect.scatter.add.f32 [tilespmem:s12], [sflag:$0x2], $0x80, s3, s14, $0xb8;
	[tilespmem:$0x1A100] =	vst v63  }
0x2d: {  	_ =	swait.ge [sflag:s11], $0x6400  }
0x2e: {  	s18 =	smov.u32 s20;
	s16 =	sadd.s32 $0xC80, s16;
	[sflag:s11] =	ssyncset.done $0x0  }
0x2f: {  	s17 =	sadd.s32 s17, s9;
	[sflag:s11] =	ssyncadd.s32 $0xFFFF9C00  }
0x30: {  	[tilespmem:s3], [sflag:$0x2] =	stream.linear.gather [hbm4b:s17+s3], $0xC8, $0x38;
	[tilespmem:$0x1A100] =	vst v63  }
0x31: {  	_ =	swait.ge [sflag:s11], $0xC8  }
0x32: {  	[sflag:s11] =	ssyncset.done $0x0  }
0x33: {  	[sflag:s11] =	ssyncadd.s32 $0xFFFFFF38  }
0x34: {  	[tilespmem:s12], [sflag:$0x1] =	stream.linear.gather [hbm4b:s16+s3], $0x6400, $0x38;
	[tilespmem:$0x1A100] =	vst v63  }
0x35: {  	_ =	swait.ge [sflag:s13], $0x6400  }
0x36: {  	[sflag:s13] =	ssyncset.done $0x0  }
0x37: {  	[sflag:s13] =	ssyncadd.s32 $0xFFFF9C00  }
0x38: {  	[spmem:s2] =	stream.indirect.scatter.add.f32 [tilespmem:s12], [sflag:$0x2], $0x80, s3, s14, $0xb8;
	[tilespmem:$0x1A100] =	vst v63  }
0x39: {  	_ =	swait.ge [sflag:s11], $0x6400  }
0x3a: {  	s15 =	sadd.s32 $0x1, s15;
	[sflag:s11] =	ssyncset.done $0x0  }
0x3b: {  	p0 =	sne.s32 s15, s7;
	[sflag:s11] =	ssyncadd.s32 $0xFFFF9C00  }
.Ltmp1:
0x3c: {  	[bflag:$0x0] =	sbarrier.arrive $0xFFFF;
	(pc) =	sbr.rel @p0 .LBB2_1-.Ltmp1, $4  }
0x3d: {  	[hbm:s6], [sflag:s5] =	dma.local [spmem:s10], $0x2780  }
0x3e: {  	_ =	swait.ge [sflag:s11], $0x2780  }
0x3f: {  	[sflag:s11] =	ssyncset.done $0x0  }
0x40: {  	[sflag:s11] =	ssyncadd.s32 $0xFFFFD880  }
0x41: {  	_ =	sfence.sel $0x180000  }
0x42: {  	[bflag:$0x0] =	sbarrier.arrive $0xFFFF  }
0x43: {  	p0 =	sne.s32 s0, $0x0;
	_ =	strace $0x9000005C  }
0x44: {  	s0 =	sadd.s32 @!p0 $0x100000, s1;
	[bflag:$0x2] =	sbarrier.arrive $0xFFFF  }
0x45: {  	[sflag:s0] =	ssyncadd.tile.s32 @!p0 $0x1;
	_ =	shalt  }
.Lfunc_end2:
_tile_overlayer_lowered:
.L_overlay_start_2:
0x46: {  	(tag) =	ssettag $0x2  }
0x47: {  	s0 =	rddreg [dreg:$0x0];
	s2 =	stileid.u32  }
0x48: {  	s1 =	rddreg [dreg:$0x1];
	p0 =	sne.s32 s2, $0x0  }
0x49: {  	s3 =	rddreg [dreg:$0x2];
	[bflag:$0x3] =	sbarrier.arrive $0xFFFF;
	s2 =	simm.s32 @!p0 $0x1C02  }
0x4a: {  	[timem:s3], [sflag:s2] =	dma.local @!p0 [hbm:s0], s1  }
0x4b: {  	s0 =	simm.s32 @!p0 $0x2  }
0x4c: {  	_ =	swait.ge @!p0 [sflag:s0], s1  }
0x4d: {  	s1 =	ssub.s32 @!p0 $0x0, s1;
	[sflag:s0] =	ssyncset.done @!p0 $0x0  }
0x4e: {  	[sflag:s0] =	ssyncadd.s32 @!p0 s1  }
0x4f: {  	[bflag:$0x3] =	sbarrier.arrive $0xFFFF  }
0x50: {  	_ =	shalt  }

// kernel: kernel.30.cloned.1.call-start
scs
__scs_entry_jumppad:
0x0: {  	(pc) =	sbr.rel $0x88, $3  }
0x1: {  	(tag) =	ssettag $0x0;
	lr =	simm.s32 $0x1  }
0x2: {  	[smem:$0x3F8F] =	sst lr;
	_ =	strace $0xD0000000  }
0x3: {  	_ = 	snop  }
0x4: {  	_ = 	snop  }
0x5: {  	_ = 	snop  }
0x6: {  	_ = 	snop  }
0x7: {  	_ = 	snop  }
__scs_overlays_trampoline_lowered:
0x8: {  	[smem:$0x3F9E] =	sst s0  }
0x9: {  	[smem:$0x3F9F] =	sst s1  }
0xa: {  	[smem:$0x3FA0] =	sst s2  }
0xb: {  	[smem:$0x3FA1] =	sst s3  }
0xc: {  	[smem:$0x3FA2] =	sst s4  }
0xd: {  	[smem:$0x3FA3] =	sst s5  }
0xe: {  	[smem:$0x3FA4] =	sst s6  }
0xf: {  	[smem:$0x3FA5] =	sst s7  }
0x10: {  	[smem:$0x3FA6] =	sst s8  }
0x11: {  	[smem:$0x3FA7] =	sst s9;
	s0 =	simm.s32 @!p0 $0x0  }
0x12: {  	s1 =	sld [smem:$0x3F8D];
	s0 =	simm.s32 @p0 $0x1  }
0x13: {  	[smem:$0x3FA8] =	sst s0;
	s0 =	simm.s32 @!p1 $0x0  }
0x14: {  	s2 =	sld [smem:$0x3F8C];
	s0 =	simm.s32 @p1 $0x1  }
0x15: {  	[smem:$0x3FA9] =	sst s0;
	s0 =	simm.s32 @!p2 $0x0  }
0x16: {  	s3 =	sld [smem:$0x3FDB];
	s0 =	simm.s32 @p2 $0x1  }
0x17: {  	s4 =	simm.s32 $0x1BF5;
	[smem:$0x3FAB] =	sst s0  }
0x18: {  	s0 =	sld [smem:$0x3F8E];
	_ =	swait.ge [sflag:s4], $0x0  }
0x19: {  	s7 =	sld [smem:$0x3F8F]  }
0x1a: {  	s8 =	sadd.s32 $0xFFFFE003, lr  }
0x1b: {  	s9 =	sadd.s32 $0xFFFFFEF7, lr;
	s5 =	simm.s32 $0xFFFFFFFF;
	p2 =	slt.u32 s8, $0xFFFFF086  }
0x1c: {  	p1 =	slt.u32 s9, $0xF7A;
	s5 =	simm.s32 @!p2 $0x0  }
0x1d: {  	s5 =	simm.s32 @p1 $0x1;
	p0 =	seq.s32 s7, s2  }
0x1e: {  	s7 =	smul.u32 @!p0 $0xF7A, s2;
	p2 =	seq.s32 @!p0 s5, $0x0  }
0x1f: {  	s9 =	smul.u32 $0xF7A, s1;
	s8 =	simm.s32 @!p0 $0x1BF5;
	p2 =	por !p2, p0  }
0x20: {  	[sflag:s8] =	ssyncset.s32 @!p0 $0xFFFFF086;
	s6 =	sadd.s32 @!p0 s3, s7;
	s7 =	simm.s32 @!p0 $0x108  }
0x21: {  	s3 =	sadd.s32 s3, s9;
	s6 =	sadd.s32 @!p0 $0x88, s6;
	s7 =	simm.s32 @p2 $0x1082  }
0x22: {  	[simem:s7], [sflag:s8] =	dma.local @!p0 [hbm:s6], $0xF7A  }
0x23: {  	s9 =	sor.u32 $0xD0000000, s2;
	s6 =	simm.s32 $0x108;
	_ =	swait.ge @!p0 [sflag:s8], $0x0  }
0x24: {  	s3 =	sadd.s32 $0x88, s3;
	s6 =	simm.s32 @!p1 $0x1082;
	[sflag:s4] =	ssyncset.s32 $0xFFFFF086  }
0x25: {  	[simem:s6], [sflag:s4] =	dma.local [hbm:s3], $0xF7A  }
0x26: {  	[smem:$0x3F8F] =	sst s1;
	(tag) =	ssettag s2;
	_ =	strace s9  }
0x27: {  	s1 =	sld [smem:$0x3F9F]  }
0x28: {  	s2 =	sld [smem:$0x3FA0]  }
0x29: {  	s4 =	sld [smem:$0x3FA2]  }
0x2a: {  	p0 =	seq.s32 s5, $0x0;
	s5 =	sld [smem:$0x3FA3]  }
0x2b: {  	s6 =	sld [smem:$0x3FA4]  }
0x2c: {  	s7 =	sld [smem:$0x3FA5]  }
0x2d: {  	s3 =	simm.s32 $0x108;
	s8 =	sld [smem:$0x3FA6]  }
0x2e: {  	s3 =	simm.s32 @!p0 $0x1082;
	s9 =	sld [smem:$0x3FA7]  }
0x2f: {  	lr =	sadd.s32 s0, s3;
	s0 =	sld [smem:$0x3F9E]  }
0x30: {  	s3 =	sld [smem:$0x3FA1]  }
0x31: {  	[smem:$0x3FAA] =	sst s10  }
0x32: {  	s10 =	sld [smem:$0x3FA8];
	_ =	sdelay $0x3  }
0x33: {  	p0 =	seq.s32 s10, $0x1;
	s10 =	sld [smem:$0x3FAA];
	_ =	sdelay $0x3  }
0x34: {  	[smem:$0x3FAA] =	sst s10  }
0x35: {  	s10 =	sld [smem:$0x3FA9];
	_ =	sdelay $0x3  }
0x36: {  	p1 =	seq.s32 s10, $0x1;
	s10 =	sld [smem:$0x3FAA];
	_ =	sdelay $0x3  }
0x37: {  	[smem:$0x3FAA] =	sst s10  }
0x38: {  	s10 =	sld [smem:$0x3FAB]  }
0x39: {  	_ = 	snop;
	(pc) =	sbr.ind lr, $3  }
0x3a: {  	_ = 	snop  }
0x3b: {  	_ = 	snop  }
0x3c: {  	p2 =	seq.s32 s10, $0x1;
	s10 =	sld [smem:$0x3FAA]  }
0x3d: {  	_ =	shalt  }
0x3e: {  	_ =	shalt  }
0x3f: {  	_ =	shalt  }
0x40: {  	_ =	shalt  }
0x41: {  	_ =	shalt  }
0x42: {  	_ =	shalt  }
0x43: {  	_ =	shalt  }
0x44: {  	_ =	shalt  }
0x45: {  	_ =	shalt  }
0x46: {  	_ =	shalt  }
0x47: {  	_ =	shalt  }
0x48: {  	_ =	shalt  }
0x49: {  	_ =	shalt  }
0x4a: {  	_ =	shalt  }
0x4b: {  	_ =	shalt  }
0x4c: {  	_ =	shalt  }
0x4d: {  	_ =	shalt  }
0x4e: {  	_ =	shalt  }
0x4f: {  	_ =	shalt  }
0x50: {  	_ =	shalt  }
0x51: {  	_ =	shalt  }
0x52: {  	_ =	shalt  }
0x53: {  	_ =	shalt  }
0x54: {  	_ =	shalt  }
0x55: {  	_ =	shalt  }
0x56: {  	_ =	shalt  }
0x57: {  	_ =	shalt  }
0x58: {  	_ =	shalt  }
0x59: {  	_ =	shalt  }
0x5a: {  	_ =	shalt  }
0x5b: {  	_ =	shalt  }
0x5c: {  	_ =	shalt  }
0x5d: {  	_ =	shalt  }
0x5e: {  	_ =	shalt  }
0x5f: {  	_ =	shalt  }
0x60: {  	_ =	shalt  }
0x61: {  	_ =	shalt  }
0x62: {  	_ =	shalt  }
0x63: {  	_ =	shalt  }
0x64: {  	_ =	shalt  }
0x65: {  	_ =	shalt  }
0x66: {  	_ =	shalt  }
0x67: {  	_ =	shalt  }
0x68: {  	_ =	shalt  }
0x69: {  	_ =	shalt  }
0x6a: {  	_ =	shalt  }
0x6b: {  	_ =	shalt  }
0x6c: {  	_ =	shalt  }
0x6d: {  	_ =	shalt  }
0x6e: {  	_ =	shalt  }
0x6f: {  	_ =	shalt  }
0x70: {  	_ =	shalt  }
0x71: {  	_ =	shalt  }
0x72: {  	_ =	shalt  }
0x73: {  	_ =	shalt  }
0x74: {  	_ =	shalt  }
0x75: {  	_ =	shalt  }
0x76: {  	_ =	shalt  }
0x77: {  	_ =	shalt  }
0x78: {  	_ =	shalt  }
0x79: {  	_ =	shalt  }
0x7a: {  	_ =	shalt  }
0x7b: {  	_ =	shalt  }
0x7c: {  	_ =	shalt  }
0x7d: {  	_ =	shalt  }
0x7e: {  	_ =	shalt  }
0x7f: {  	_ =	shalt  }
0x80: {  	_ =	shalt  }
0x81: {  	_ =	shalt  }
0x82: {  	_ =	shalt  }
0x83: {  	_ =	shalt  }
0x84: {  	_ =	shalt  }
0x85: {  	_ =	shalt  }
0x86: {  	_ =	shalt  }
0x87: {  	_ =	shalt  }
.Lfunc_end0:
.L_simem_size_0:
called_computation.4_lowered:
.L_overlay_start_0:
0x88: {  	s2 =	sld [smem:$0x3FD9]  }
0x89: {  	s3 =	sld [smem:$0x3FFE];
	_ =	sdelay $0x1  }
0x8a: {  	s1 =	srdreg.scid  }
0x8b: {  	s0 =	sand.u32 $0x1, s1  }
0x8c: {  	s17 =	sshll.u32 s0, $0xA;
	s2 =	sadd.s32 s3, s2  }
0x8d: {  	s2 =	sadd.s32 s2, s17  }
0x8e: {  	[smem:$0x3FB6] =	sst s2  }
0x8f: {  	_ = 	snop  }
0x90: {  	(tm) =	ssettm $0x1  }
0x91: {  	s18 =	sld [smem:$0x3FFB];
	_ =	sdelay $0x3  }
0x92: {  	_ =	strace s18  }
0x93: {  	s2 =	sld [smem:$0x3FFC];
	_ =	sdelay $0x3  }
0x94: {  	_ =	strace s2  }
0x95: {  	s2 =	sld [smem:$0x3FFD];
	_ =	sdelay $0x3  }
0x96: {  	_ =	strace s2  }
0x97: {  	_ =	strace $0x8FFFFFFF  }
0x98: {  	s19 =	sld [smem:$0x3FDB];
	_ =	sdelay $0x1  }
0x99: {  	s20 =	simm.s32 $_scs_section_size  }
0x9a: {  	s4 =	simm.s32 $_size__tile_overlayer_lowered;
	s5 =	simm.s32 $_tile_overlayer_lowered  }
0x9b: {  	s6 =	simm.s32 $0x1BFF;
	s21 =	sshll.u32 s5, $0x1;
	s3 =	sadd.s32 s20, s19  }
0x9c: {  	s22 =	simm.s32 $0x0;
	s4 =	sshll.u32 s4, $0x1;
	s5 =	sadd.s32 s21, s3  }
0x9d: {  	[timem:s22], [sflag:s6] =	dma.local [hbm:s5], s4  }
0x9e: {  	_ =	swait.ge [sflag:s6], s4  }
0x9f: {  	s4 =	ssub.s32 $0x0, s4;
	[sflag:s6] =	ssyncset.done $0x0  }
0xa0: {  	[sflag:s6] =	ssyncadd.s32 s4;
	_ =	sdelay $0x1  }
0xa1: {  	s23 =	simm.s32 $0x1B8B  }
0xa2: {  	_ =	swait.ge [sflag:s23], $0x1  }
0xa3: {  	[sflag:s23] =	ssyncset.done $0x0  }
0xa4: {  	[sflag:s23] =	ssyncadd.s32 $0xFFFFFFFF  }
0xa5: {  	s4 =	sld [smem:$0x0]  }
0xa6: {  	s5 =	sand.u32 $0xFFFFFFFE, s1  }
0xa7: {  	p0 =	sne.s32 s1, s5  }
0xa8: {  	s5 =	sshll.u32 @p0 s5, $0xE  }
0xa9: {  	s5 =	sadd.s32 @p0 $0x11B8D, s5;
	s6 =	sshll.u32 @p0 s4, $0x11  }
0xaa: {  	s5 =	sor.u32 @p0 s6, s5  }
0xab: {  	[sflag:s5] =	ssyncadd.remote.s32 @p0 $0x1;
	_ =	sdelay $0x1  }
0xac: {  	s5 =	simm.s32 @p0 $0x1B8D  }
0xad: {  	_ =	swait.eq @p0 [sflag:s5], $0x1  }
0xae: {  	[sflag:s5] =	ssyncadd.s32 @p0 $0xFFFFFFFF  }
0xaf: {  	s6 =	sshll.u32 @!p0 s1, $0xE  }
0xb0: {  	s6 =	sor.u32 @!p0 $0x4000, s6;
	s5 =	simm.s32 @!p0 $0x1B8D  }
0xb1: {  	s4 =	sshll.u32 @!p0 s4, $0x11;
	s6 =	sadd.s32 @!p0 $0x11B8D, s6;
	_ =	swait.eq @!p0 [sflag:s5], $0x1  }
0xb2: {  	s4 =	sor.u32 @!p0 s4, s6;
	[sflag:s5] =	ssyncadd.s32 @!p0 $0xFFFFFFFF  }
0xb3: {  	s25 =	simm.s32 $0x1B8E;
	s24 =	sld [smem:$0x3FFE];
	[sflag:s4] =	ssyncadd.remote.s32 @!p0 $0x1  }
0xb4: {  	s26 =	simm.s32 $execute0_lowered;
	[smem:$0x3FD2] =	sst s25  }
0xb5: {  	s5 =	sshll.u32 s26, $0x1;
	_ =	strace $0x8000005E;
	[dreg:$0x1] =	wrdreg $0xFFFFFFFF  }
0xb6: {  	s28 =	simm.s32 $_size_execute0_lowered;
	s3 =	sadd.s32 s3, s5;
	[dreg:$0x0] =	wrdreg $0x0  }
0xb7: {  	s5 =	sshll.u32 s28, $0x1;
	[dreg:$0x2] =	wrdreg s3  }
0xb8: {  	[dreg:$0x3] =	wrdreg s5  }
0xb9: {  	[dreg:$0x4] =	wrdreg $0xC0  }
0xba: {  	_ =	task [dreg:s22], $0x5FFFF  }
0xbb: {  	[dreg:$0x1] =	wrdreg $0xFFFFFFFF  }
0xbc: {  	[dreg:$0x0] =	wrdreg $0x60  }
0xbd: {  	[dreg:$0x2] =	wrdreg s24  }
0xbe: {  	[dreg:$0x3] =	wrdreg $0x65000  }
0xbf: {  	[dreg:$0x4] =	wrdreg $0xA  }
0xc0: {  	_ =	task.clear_ibuf [dreg:s22], $0x5FFFF;
	_ =	strace $0x9000005E  }
0xc1: {  	s29 =	simm.s32 $0xA;
	_ =	strace $0x80000060  }
0xc2: {  	_ =	swait.ge [sflag:s29], $0x1  }
0xc3: {  	[sflag:s29] =	ssyncadd.s32 $0xFFFFFFFF  }
0xc4: {  	_ =	strace $0x90000060  }
0xc5: {  	_ =	sfence  }
0xc6: {  	s30 =	sld [smem:$0x0];
	_ =	sdelay $0x2  }
0xc7: {  	s31 =	sshll.u32 s1, $0xD;
	s1 =	sshrl.u32 s1, $0x2  }
0xc8: {  	s4 =	sand.u32 $0x4000, s31;
	s1 =	sadd.s32 s1, s30  }
0xc9: {  	s0 =	sor.u32 s4, s0;
	s1 =	sshll.u32 s1, $0x11  }
0xca: {  	s0 =	sor.u32 s1, s0  }
0xcb: {  	s0 =	sadd.s32 $0x8F2B, s0  }
0xcc: {  	[sflag:s0] =	ssyncadd.remote.s32 $0x1  }
0xcd: {  	_ =	sfence.sel $0xFFFF  }
0xce: {  	[dreg:$0x0] =	wrdreg $0xFFFFFFFF;
	(pc) =	sbr.abs _section_cstart, $3  }
0xcf: {  	[dreg:$0x1] =	wrdreg $0xFFFFFFFF  }
0xd0: {  	_ =	task.clear_ibuf [dreg:s22], $0x2FFFF;
	_ =	strace $0x9FFFFFFF  }
0xd1: {  	(tm) =	ssettm $0x7FFFFFFF  }
tec
execute0_lowered:
.L_overlay_start_1:
0x0: {  	(tag) =	ssettag $0x1  }
0x1: {  	s0 =	srdreg.scid  }
0x2: {  	s4 =	sand.u32 $0x1, s0  }
0x3: {  	s5 =	rddreg [dreg:$0x0];
	s6 =	smul.u32 $0x138800, s4  }
0x4: {  	s0 =	stileid.u32;
	s7 =	smul.u32 $0x13880, s4  }
0x5: {  	s2 =	rddreg [dreg:$0x1];
	s8 =	smul.u32 $0x1388, s0  }
0x6: {  	s1 =	rddreg [dreg:$0x2];
	s3 =	simm.s32 $0x0;
	s9 =	smul.u32 $0x13C00, s0  }
0x7: {  	s13 =	simm.s32 $0x1;
	s14 =	simm.s32 $0xC8;
	s21 =	smul.u32 $0x13C000, s4  }
0x8: {  	s15 =	simm.s32 $0x0;
	[smem:$0x7FF] =	sst s3;
	s25 =	smul.u32 $0x4F000, s0  }
0x9: {  	_ =	strace $0x8000005F;
	s4 =	ssub.s32 $0x2, s4;
	s30 =	smul.u32 $0x13880, s0  }
0xa: {  	s31 =	sshll.u32 s0, $0x6;
	s26 =	sshrl.u32 s4, $0x1;
	s7 =	sadd.s32 s8, s7  }
0xb: {  	s10 =	sadd.s32 s6, s5;
	s23 =	sshrl.u32 s9, $0x3;
	s24 =	sadd.s32 s9, s21  }
0xc: {  	s28 =	ssub.s32 s4, s26;
	s29 =	sshrl.u32 s25, $0x2;
	s22 =	sshrl.u32 s7, $0x3  }
0xd: {  	s7 =	sshrl.u32 s24, $0x3;
	s6 =	sadd.s32 s23, s5;
	s12 =	sadd.s32 s29, s2  }
0xe: {  	s8 =	sadd.s32 s30, s10;
	s11 =	sadd.s32 s22, s5;
	s7 =	sadd.s32 s7, s5  }
0xf: {  	s4 =	sadd.s32 $0xD9600, s6;
	s5 =	sor.u32 $0x1C02, s31;
	s8 =	sadd.s32 $0x146BC00, s8  }
0x10: {  	s10 =	sshrl.u32 s12, $0x3;
	s12 =	simm.s32 $0x100;
	s6 =	sadd.s32 $0x60000, s7  }
0x11: {  	s7 =	smax.u32 s28, $0x1;
	s9 =	sadd.s32 $0xC000, s11;
	s11 =	simm.s32 $0x2  }
.LBB2_1:
0x12: {  	[spmem:s10], [sflag:s5] =	dma.local [hbm:s4], $0x2780  }
0x13: {  	_ =	swait.ge [sflag:s11], $0x2780  }
0x14: {  	[sflag:s11] =	ssyncset.done $0x0  }
0x15: {  	[sflag:s11] =	ssyncadd.s32 $0xFFFFD880  }
0x16: {  	s16 =	sadd.s32 $0x0, s9;
	[bflag:$0x0] =	sbarrier.arrive $0xFFFF  }
0x17: {  	[tilespmem:s3], [sflag:$0x2] =	stream.linear.gather [hbm4b:s16+s3], $0xC8, $0x38;
	[tilespmem:$0x1A100] =	vst v63  }
0x18: {  	_ =	swait.ge [sflag:s11], $0xC8  }
0x19: {  	[sflag:s11] =	ssyncset.done $0x0  }
0x1a: {  	[sflag:s11] =	ssyncadd.s32 $0xFFFFFF38  }
0x1b: {  	[tilespmem:s12], [sflag:$0x1] =	stream.linear.gather [hbm4b:s8+s3], $0x6400, $0x38;
	[tilespmem:$0x1A100] =	vst v63  }
0x1c: {  	_ =	swait.ge [sflag:s13], $0x6400  }
0x1d: {  	[sflag:s13] =	ssyncset.done $0x0  }
0x1e: {  	[sflag:s13] =	ssyncadd.s32 $0xFFFF9C00  }
0x1f: {  	[spmem:s2] =	stream.indirect.scatter.add.f32 [tilespmem:s12], [sflag:$0x2], $0x80, s3, s14, $0xb8;
	[tilespmem:$0x1A100] =	vst v63  }
0x20: {  	s17 =	simm.s32 $0x19;
	_ =	swait.ge [sflag:s11], $0x6400  }
0x21: {  	s18 =	simm.s32 $0x32;
	s16 =	sadd.s32 $0xC80, s8;
	[sflag:s11] =	ssyncset.done $0x0  }
.LBB2_2:
0x22: {  	s19 =	sadd.s32 s17, s9  }
0x23: {  	[sflag:s11] =	ssyncadd.s32 $0xFFFF9C00;
	s17 =	smov.u32 s18;
	s20 =	sadd.s32 $0x19, s18  }
0x24: {  	[tilespmem:s3], [sflag:$0x2] =	stream.linear.gather [hbm4b:s19+s3], $0xC8, $0x38;
	[tilespmem:$0x1A100] =	vst v63  }
0x25: {  	p0 =	sne.s32 s18, $0x258;
	_ =	swait.ge [sflag:s11], $0xC8  }
0x26: {  	[sflag:s11] =	ssyncset.done $0x0  }
0x27: {  	[sflag:s11] =	ssyncadd.s32 $0xFFFFFF38  }
0x28: {  	[tilespmem:s12], [sflag:$0x1] =	stream.linear.gather [hbm4b:s16+s3], $0x6400, $0x38;
	[tilespmem:$0x1A100] =	vst v63  }
0x29: {  	_ =	swait.ge [sflag:s13], $0x6400  }
.Ltmp0:
0x2a: {  	[sflag:s13] =	ssyncset.done $0x0;
	(pc) =	sbr.rel @p0 .LBB2_2-.Ltmp0, $4  }
0x2b: {  	[sflag:s13] =	ssyncadd.s32 $0xFFFF9C00  }
0x2c: {  	[spmem:s2] =	stream.indirect.scatter.add.f32 [tilespmem:s12], [sflag:$0x2], $0x80, s3, s14, $0xb8;
	[tilespmem:$0x1A100] =	vst v63  }
0x2d: {  	_ =	swait.ge [sflag:s11], $0x6400  }
0x2e: {  	s18 =	smov.u32 s20;
	s16 =	sadd.s32 $0xC80, s16;
	[sflag:s11] =	ssyncset.done $0x0  }
0x2f: {  	s17 =	sadd.s32 s17, s9;
	[sflag:s11] =	ssyncadd.s32 $0xFFFF9C00  }
0x30: {  	[tilespmem:s3], [sflag:$0x2] =	stream.linear.gather [hbm4b:s17+s3], $0xC8, $0x38;
	[tilespmem:$0x1A100] =	vst v63  }
0x31: {  	_ =	swait.ge [sflag:s11], $0xC8  }
0x32: {  	[sflag:s11] =	ssyncset.done $0x0  }
0x33: {  	[sflag:s11] =	ssyncadd.s32 $0xFFFFFF38  }
0x34: {  	[tilespmem:s12], [sflag:$0x1] =	stream.linear.gather [hbm4b:s16+s3], $0x6400, $0x38;
	[tilespmem:$0x1A100] =	vst v63  }
0x35: {  	_ =	swait.ge [sflag:s13], $0x6400  }
0x36: {  	[sflag:s13] =	ssyncset.done $0x0  }
0x37: {  	[sflag:s13] =	ssyncadd.s32 $0xFFFF9C00  }
0x38: {  	[spmem:s2] =	stream.indirect.scatter.add.f32 [tilespmem:s12], [sflag:$0x2], $0x80, s3, s14, $0xb8;
	[tilespmem:$0x1A100] =	vst v63  }
0x39: {  	_ =	swait.ge [sflag:s11], $0x6400  }
0x3a: {  	s15 =	sadd.s32 $0x1, s15;
	[sflag:s11] =	ssyncset.done $0x0  }
0x3b: {  	p0 =	sne.s32 s15, s7;
	[sflag:s11] =	ssyncadd.s32 $0xFFFF9C00  }
.Ltmp1:
0x3c: {  	[bflag:$0x0] =	sbarrier.arrive $0xFFFF;
	(pc) =	sbr.rel @p0 .LBB2_1-.Ltmp1, $4  }
0x3d: {  	[hbm:s6], [sflag:s5] =	dma.local [spmem:s10], $0x2780  }
0x3e: {  	_ =	swait.ge [sflag:s11], $0x2780  }
0x3f: {  	[sflag:s11] =	ssyncset.done $0x0  }
0x40: {  	[sflag:s11] =	ssyncadd.s32 $0xFFFFD880  }
0x41: {  	_ =	sfence.sel $0x180000  }
0x42: {  	[bflag:$0x0] =	sbarrier.arrive $0xFFFF  }
0x43: {  	p0 =	sne.s32 s0, $0x0;
	_ =	strace $0x9000005F  }
0x44: {  	s0 =	sadd.s32 @!p0 $0x100000, s1;
	[bflag:$0x2] =	sbarrier.arrive $0xFFFF  }
0x45: {  	[sflag:s0] =	ssyncadd.tile.s32 @!p0 $0x1;
	_ =	shalt  }
.Lfunc_end2:
_tile_overlayer_lowered:
.L_overlay_start_2:
0x46: {  	(tag) =	ssettag $0x2  }
0x47: {  	s0 =	rddreg [dreg:$0x0];
	s2 =	stileid.u32  }
0x48: {  	s1 =	rddreg [dreg:$0x1];
	p0 =	sne.s32 s2, $0x0  }
0x49: {  	s3 =	rddreg [dreg:$0x2];
	[bflag:$0x3] =	sbarrier.arrive $0xFFFF;
	s2 =	simm.s32 @!p0 $0x1C02  }
0x4a: {  	[timem:s3], [sflag:s2] =	dma.local @!p0 [hbm:s0], s1  }
0x4b: {  	s0 =	simm.s32 @!p0 $0x2  }
0x4c: {  	_ =	swait.ge @!p0 [sflag:s0], s1  }
0x4d: {  	s1 =	ssub.s32 @!p0 $0x0, s1;
	[sflag:s0] =	ssyncset.done @!p0 $0x0  }
0x4e: {  	[sflag:s0] =	ssyncadd.s32 @!p0 s1  }
0x4f: {  	[bflag:$0x3] =	sbarrier.arrive $0xFFFF  }
0x50: {  	_ =	shalt  }

// kernel: kernel.33.cloned.1.call-start
scs
__scs_entry_jumppad:
0x0: {  	(pc) =	sbr.rel $0x88, $3  }
0x1: {  	(tag) =	ssettag $0x0;
	lr =	simm.s32 $0x1  }
0x2: {  	[smem:$0x3F8F] =	sst lr;
	_ =	strace $0xD0000000  }
0x3: {  	_ = 	snop  }
0x4: {  	_ = 	snop  }
0x5: {  	_ = 	snop  }
0x6: {  	_ = 	snop  }
0x7: {  	_ = 	snop  }
__scs_overlays_trampoline_lowered:
0x8: {  	[smem:$0x3F9E] =	sst s0  }
0x9: {  	[smem:$0x3F9F] =	sst s1  }
0xa: {  	[smem:$0x3FA0] =	sst s2  }
0xb: {  	[smem:$0x3FA1] =	sst s3  }
0xc: {  	[smem:$0x3FA2] =	sst s4  }
0xd: {  	[smem:$0x3FA3] =	sst s5  }
0xe: {  	[smem:$0x3FA4] =	sst s6  }
0xf: {  	[smem:$0x3FA5] =	sst s7  }
0x10: {  	[smem:$0x3FA6] =	sst s8  }
0x11: {  	[smem:$0x3FA7] =	sst s9;
	s0 =	simm.s32 @!p0 $0x0  }
0x12: {  	s1 =	sld [smem:$0x3F8D];
	s0 =	simm.s32 @p0 $0x1  }
0x13: {  	[smem:$0x3FA8] =	sst s0;
	s0 =	simm.s32 @!p1 $0x0  }
0x14: {  	s2 =	sld [smem:$0x3F8C];
	s0 =	simm.s32 @p1 $0x1  }
0x15: {  	[smem:$0x3FA9] =	sst s0;
	s0 =	simm.s32 @!p2 $0x0  }
0x16: {  	s3 =	sld [smem:$0x3FDB];
	s0 =	simm.s32 @p2 $0x1  }
0x17: {  	s4 =	simm.s32 $0x1BF5;
	[smem:$0x3FAB] =	sst s0  }
0x18: {  	s0 =	sld [smem:$0x3F8E];
	_ =	swait.ge [sflag:s4], $0x0  }
0x19: {  	s7 =	sld [smem:$0x3F8F]  }
0x1a: {  	s8 =	sadd.s32 $0xFFFFE003, lr  }
0x1b: {  	s9 =	sadd.s32 $0xFFFFFEF7, lr;
	s5 =	simm.s32 $0xFFFFFFFF;
	p2 =	slt.u32 s8, $0xFFFFF086  }
0x1c: {  	p1 =	slt.u32 s9, $0xF7A;
	s5 =	simm.s32 @!p2 $0x0  }
0x1d: {  	s5 =	simm.s32 @p1 $0x1;
	p0 =	seq.s32 s7, s2  }
0x1e: {  	s7 =	smul.u32 @!p0 $0xF7A, s2;
	p2 =	seq.s32 @!p0 s5, $0x0  }
0x1f: {  	s9 =	smul.u32 $0xF7A, s1;
	s8 =	simm.s32 @!p0 $0x1BF5;
	p2 =	por !p2, p0  }
0x20: {  	[sflag:s8] =	ssyncset.s32 @!p0 $0xFFFFF086;
	s6 =	sadd.s32 @!p0 s3, s7;
	s7 =	simm.s32 @!p0 $0x108  }
0x21: {  	s3 =	sadd.s32 s3, s9;
	s6 =	sadd.s32 @!p0 $0x88, s6;
	s7 =	simm.s32 @p2 $0x1082  }
0x22: {  	[simem:s7], [sflag:s8] =	dma.local @!p0 [hbm:s6], $0xF7A  }
0x23: {  	s9 =	sor.u32 $0xD0000000, s2;
	s6 =	simm.s32 $0x108;
	_ =	swait.ge @!p0 [sflag:s8], $0x0  }
0x24: {  	s3 =	sadd.s32 $0x88, s3;
	s6 =	simm.s32 @!p1 $0x1082;
	[sflag:s4] =	ssyncset.s32 $0xFFFFF086  }
0x25: {  	[simem:s6], [sflag:s4] =	dma.local [hbm:s3], $0xF7A  }
0x26: {  	[smem:$0x3F8F] =	sst s1;
	(tag) =	ssettag s2;
	_ =	strace s9  }
0x27: {  	s1 =	sld [smem:$0x3F9F]  }
0x28: {  	s2 =	sld [smem:$0x3FA0]  }
0x29: {  	s4 =	sld [smem:$0x3FA2]  }
0x2a: {  	p0 =	seq.s32 s5, $0x0;
	s5 =	sld [smem:$0x3FA3]  }
0x2b: {  	s6 =	sld [smem:$0x3FA4]  }
0x2c: {  	s7 =	sld [smem:$0x3FA5]  }
0x2d: {  	s3 =	simm.s32 $0x108;
	s8 =	sld [smem:$0x3FA6]  }
0x2e: {  	s3 =	simm.s32 @!p0 $0x1082;
	s9 =	sld [smem:$0x3FA7]  }
0x2f: {  	lr =	sadd.s32 s0, s3;
	s0 =	sld [smem:$0x3F9E]  }
0x30: {  	s3 =	sld [smem:$0x3FA1]  }
0x31: {  	[smem:$0x3FAA] =	sst s10  }
0x32: {  	s10 =	sld [smem:$0x3FA8];
	_ =	sdelay $0x3  }
0x33: {  	p0 =	seq.s32 s10, $0x1;
	s10 =	sld [smem:$0x3FAA];
	_ =	sdelay $0x3  }
0x34: {  	[smem:$0x3FAA] =	sst s10  }
0x35: {  	s10 =	sld [smem:$0x3FA9];
	_ =	sdelay $0x3  }
0x36: {  	p1 =	seq.s32 s10, $0x1;
	s10 =	sld [smem:$0x3FAA];
	_ =	sdelay $0x3  }
0x37: {  	[smem:$0x3FAA] =	sst s10  }
0x38: {  	s10 =	sld [smem:$0x3FAB]  }
0x39: {  	_ = 	snop;
	(pc) =	sbr.ind lr, $3  }
0x3a: {  	_ = 	snop  }
0x3b: {  	_ = 	snop  }
0x3c: {  	p2 =	seq.s32 s10, $0x1;
	s10 =	sld [smem:$0x3FAA]  }
0x3d: {  	_ =	shalt  }
0x3e: {  	_ =	shalt  }
0x3f: {  	_ =	shalt  }
0x40: {  	_ =	shalt  }
0x41: {  	_ =	shalt  }
0x42: {  	_ =	shalt  }
0x43: {  	_ =	shalt  }
0x44: {  	_ =	shalt  }
0x45: {  	_ =	shalt  }
0x46: {  	_ =	shalt  }
0x47: {  	_ =	shalt  }
0x48: {  	_ =	shalt  }
0x49: {  	_ =	shalt  }
0x4a: {  	_ =	shalt  }
0x4b: {  	_ =	shalt  }
0x4c: {  	_ =	shalt  }
0x4d: {  	_ =	shalt  }
0x4e: {  	_ =	shalt  }
0x4f: {  	_ =	shalt  }
0x50: {  	_ =	shalt  }
0x51: {  	_ =	shalt  }
0x52: {  	_ =	shalt  }
0x53: {  	_ =	shalt  }
0x54: {  	_ =	shalt  }
0x55: {  	_ =	shalt  }
0x56: {  	_ =	shalt  }
0x57: {  	_ =	shalt  }
0x58: {  	_ =	shalt  }
0x59: {  	_ =	shalt  }
0x5a: {  	_ =	shalt  }
0x5b: {  	_ =	shalt  }
0x5c: {  	_ =	shalt  }
0x5d: {  	_ =	shalt  }
0x5e: {  	_ =	shalt  }
0x5f: {  	_ =	shalt  }
0x60: {  	_ =	shalt  }
0x61: {  	_ =	shalt  }
0x62: {  	_ =	shalt  }
0x63: {  	_ =	shalt  }
0x64: {  	_ =	shalt  }
0x65: {  	_ =	shalt  }
0x66: {  	_ =	shalt  }
0x67: {  	_ =	shalt  }
0x68: {  	_ =	shalt  }
0x69: {  	_ =	shalt  }
0x6a: {  	_ =	shalt  }
0x6b: {  	_ =	shalt  }
0x6c: {  	_ =	shalt  }
0x6d: {  	_ =	shalt  }
0x6e: {  	_ =	shalt  }
0x6f: {  	_ =	shalt  }
0x70: {  	_ =	shalt  }
0x71: {  	_ =	shalt  }
0x72: {  	_ =	shalt  }
0x73: {  	_ =	shalt  }
0x74: {  	_ =	shalt  }
0x75: {  	_ =	shalt  }
0x76: {  	_ =	shalt  }
0x77: {  	_ =	shalt  }
0x78: {  	_ =	shalt  }
0x79: {  	_ =	shalt  }
0x7a: {  	_ =	shalt  }
0x7b: {  	_ =	shalt  }
0x7c: {  	_ =	shalt  }
0x7d: {  	_ =	shalt  }
0x7e: {  	_ =	shalt  }
0x7f: {  	_ =	shalt  }
0x80: {  	_ =	shalt  }
0x81: {  	_ =	shalt  }
0x82: {  	_ =	shalt  }
0x83: {  	_ =	shalt  }
0x84: {  	_ =	shalt  }
0x85: {  	_ =	shalt  }
0x86: {  	_ =	shalt  }
0x87: {  	_ =	shalt  }
.Lfunc_end0:
.L_simem_size_0:
called_computation.5_lowered:
.L_overlay_start_0:
0x88: {  	s2 =	sld [smem:$0x3FD9]  }
0x89: {  	s3 =	sld [smem:$0x3FFE];
	_ =	sdelay $0x1  }
0x8a: {  	s1 =	srdreg.scid  }
0x8b: {  	s0 =	sand.u32 $0x1, s1  }
0x8c: {  	s17 =	sshll.u32 s0, $0xA;
	s2 =	sadd.s32 s3, s2  }
0x8d: {  	s2 =	sadd.s32 s2, s17  }
0x8e: {  	[smem:$0x3FB6] =	sst s2  }
0x8f: {  	_ = 	snop  }
0x90: {  	(tm) =	ssettm $0x1  }
0x91: {  	s18 =	sld [smem:$0x3FFB];
	_ =	sdelay $0x3  }
0x92: {  	_ =	strace s18  }
0x93: {  	s2 =	sld [smem:$0x3FFC];
	_ =	sdelay $0x3  }
0x94: {  	_ =	strace s2  }
0x95: {  	s2 =	sld [smem:$0x3FFD];
	_ =	sdelay $0x3  }
0x96: {  	_ =	strace s2  }
0x97: {  	_ =	strace $0x8FFFFFFF  }
0x98: {  	s19 =	sld [smem:$0x3FDB];
	_ =	sdelay $0x1  }
0x99: {  	s20 =	simm.s32 $_scs_section_size  }
0x9a: {  	s4 =	simm.s32 $_size__tile_overlayer_lowered;
	s5 =	simm.s32 $_tile_overlayer_lowered  }
0x9b: {  	s6 =	simm.s32 $0x1BFF;
	s21 =	sshll.u32 s5, $0x1;
	s3 =	sadd.s32 s20, s19  }
0x9c: {  	s22 =	simm.s32 $0x0;
	s4 =	sshll.u32 s4, $0x1;
	s5 =	sadd.s32 s21, s3  }
0x9d: {  	[timem:s22], [sflag:s6] =	dma.local [hbm:s5], s4  }
0x9e: {  	_ =	swait.ge [sflag:s6], s4  }
0x9f: {  	s4 =	ssub.s32 $0x0, s4;
	[sflag:s6] =	ssyncset.done $0x0  }
0xa0: {  	[sflag:s6] =	ssyncadd.s32 s4;
	_ =	sdelay $0x1  }
0xa1: {  	s23 =	simm.s32 $0x1B8B  }
0xa2: {  	_ =	swait.ge [sflag:s23], $0x1  }
0xa3: {  	[sflag:s23] =	ssyncset.done $0x0  }
0xa4: {  	[sflag:s23] =	ssyncadd.s32 $0xFFFFFFFF  }
0xa5: {  	s4 =	sld [smem:$0x0]  }
0xa6: {  	s5 =	sand.u32 $0xFFFFFFFE, s1  }
0xa7: {  	p0 =	sne.s32 s1, s5  }
0xa8: {  	s5 =	sshll.u32 @p0 s5, $0xE  }
0xa9: {  	s5 =	sadd.s32 @p0 $0x11B8D, s5;
	s6 =	sshll.u32 @p0 s4, $0x11  }
0xaa: {  	s5 =	sor.u32 @p0 s6, s5  }
0xab: {  	[sflag:s5] =	ssyncadd.remote.s32 @p0 $0x1;
	_ =	sdelay $0x1  }
0xac: {  	s5 =	simm.s32 @p0 $0x1B8D  }
0xad: {  	_ =	swait.eq @p0 [sflag:s5], $0x1  }
0xae: {  	[sflag:s5] =	ssyncadd.s32 @p0 $0xFFFFFFFF  }
0xaf: {  	s6 =	sshll.u32 @!p0 s1, $0xE  }
0xb0: {  	s6 =	sor.u32 @!p0 $0x4000, s6;
	s5 =	simm.s32 @!p0 $0x1B8D  }
0xb1: {  	s4 =	sshll.u32 @!p0 s4, $0x11;
	s6 =	sadd.s32 @!p0 $0x11B8D, s6;
	_ =	swait.eq @!p0 [sflag:s5], $0x1  }
0xb2: {  	s4 =	sor.u32 @!p0 s4, s6;
	[sflag:s5] =	ssyncadd.s32 @!p0 $0xFFFFFFFF  }
0xb3: {  	s25 =	simm.s32 $0x1B8E;
	s24 =	sld [smem:$0x3FFE];
	[sflag:s4] =	ssyncadd.remote.s32 @!p0 $0x1  }
0xb4: {  	s26 =	simm.s32 $execute0_lowered;
	[smem:$0x3FD2] =	sst s25  }
0xb5: {  	s5 =	sshll.u32 s26, $0x1;
	_ =	strace $0x80000049;
	[dreg:$0x1] =	wrdreg $0xFFFFFFFF  }
0xb6: {  	s28 =	simm.s32 $_size_execute0_lowered;
	s3 =	sadd.s32 s3, s5;
	[dreg:$0x0] =	wrdreg $0x0  }
0xb7: {  	s5 =	sshll.u32 s28, $0x1;
	[dreg:$0x2] =	wrdreg s3  }
0xb8: {  	[dreg:$0x3] =	wrdreg s5  }
0xb9: {  	[dreg:$0x4] =	wrdreg $0xC0  }
0xba: {  	_ =	task [dreg:s22], $0x5FFFF  }
0xbb: {  	[dreg:$0x1] =	wrdreg $0xFFFFFFFF  }
0xbc: {  	[dreg:$0x0] =	wrdreg $0x60  }
0xbd: {  	[dreg:$0x2] =	wrdreg s24  }
0xbe: {  	[dreg:$0x3] =	wrdreg $0xC  }
0xbf: {  	_ =	task.clear_ibuf [dreg:s22], $0x4FFFF;
	_ =	strace $0x90000049  }
0xc0: {  	s29 =	simm.s32 $0xC;
	_ =	strace $0x8000004B  }
0xc1: {  	_ =	swait.ge [sflag:s29], $0x1  }
0xc2: {  	[sflag:s29] =	ssyncadd.s32 $0xFFFFFFFF  }
0xc3: {  	_ =	strace $0x9000004B  }
0xc4: {  	_ =	sfence  }
0xc5: {  	s30 =	sld [smem:$0x0];
	_ =	sdelay $0x2  }
0xc6: {  	s31 =	sshll.u32 s1, $0xD;
	s1 =	sshrl.u32 s1, $0x2  }
0xc7: {  	s4 =	sand.u32 $0x4000, s31;
	s1 =	sadd.s32 s1, s30  }
0xc8: {  	s0 =	sor.u32 s4, s0;
	s1 =	sshll.u32 s1, $0x11  }
0xc9: {  	s0 =	sor.u32 s1, s0  }
0xca: {  	s0 =	sadd.s32 $0x8F2B, s0  }
0xcb: {  	[sflag:s0] =	ssyncadd.remote.s32 $0x1  }
0xcc: {  	_ =	sfence.sel $0xFFFF  }
0xcd: {  	[dreg:$0x0] =	wrdreg $0xFFFFFFFF;
	(pc) =	sbr.abs _section_cstart, $3  }
0xce: {  	[dreg:$0x1] =	wrdreg $0xFFFFFFFF  }
0xcf: {  	_ =	task.clear_ibuf [dreg:s22], $0x2FFFF;
	_ =	strace $0x9FFFFFFF  }
0xd0: {  	(tm) =	ssettm $0x7FFFFFFF  }
0xd1: {  	_ =	shalt  }
tec
execute0_lowered:
.L_overlay_start_1:
0x0: {  	(tag) =	ssettag $0x1  }
0x1: {  	s1 =	srdreg.scid;
	s0 =	stileid.u32  }
0x2: {  	s4 =	rddreg [dreg:$0x0];
	s2 =	simm.s32 $0x0;
	s12 =	simm.s32 $0x1  }
0x3: {  	s13 =	simm.s32 $0x2;
	s14 =	simm.s32 $0x0;
	s5 =	sand.u32 $0x1, s1  }
0x4: {  	s3 =	sshll.u32 s0, $0x1;
	s1 =	rddreg [dreg:$0x1];
	s10 =	smul.u32 $0x27100, s0  }
0x5: {  	[smem:$0x7FF] =	sst s2;
	s6 =	sor.u32 s5, s3;
	s11 =	smul.u32 $0x13880, s5  }
0x6: {  	s8 =	sadd.s32 $0xE3600, s4;
	_ =	strace $0x8000004A;
	s7 =	smul.u32 $0x1388, s6  }
0x7: {  	s3 =	sadd.s32 $0x64200, s4;
	s30 =	ssub.s32 $0x2, s5;
	s6 =	smul.u32 $0x9C400, s6  }
0x8: {  	s9 =	sshrl.u32 s30, $0x1;
	s31 =	sadd.s32 s10, s8;
	s10 =	simm.s32 $0x1400  }
0x9: {  	s9 =	ssub.s32 s30, s9;
	s7 =	sshrl.u32 s7, $0x3;
	s6 =	sshrl.u32 s6, $0x3  }
0xa: {  	s7 =	sadd.s32 s7, s4;
	s6 =	sadd.s32 s8, s6;
	s8 =	simm.s32 $0x3  }
0xb: {  	s4 =	sadd.s32 $0xD9600, s7;
	s5 =	sadd.s32 $0x12C00, s6;
	s6 =	smax.u32 s9, $0x1  }
0xc: {  	s7 =	sadd.s32 s11, s31;
	s9 =	simm.s32 $0xC8;
	s11 =	simm.s32 $0x7800  }
.LBB2_1:
0xd: {  	[tilespmem:s2], [sflag:$0x3] =	stream.linear.gather [hbm4b:s4+s2], $0x1388, $0x38;
	[tilespmem:$0xDC00] =	vst v63  }
0xe: {  	_ =	swait.ge [sflag:s8], $0x1388  }
0xf: {  	[sflag:s8] =	ssyncset.done $0x0  }
0x10: {  	[sflag:s8] =	ssyncadd.s32 $0xFFFFEC78  }
0x11: {  	[tilespmem:s10], [sflag:$0x1] =	stream.indirect.gather [hbm4b:s3+s9], $0x80, s2, s9, $0xb8;
	[tilespmem:$0xDC00] =	vst v63  }
0x12: {  	s15 =	simm.s32 $0xC8  }
0x13: {  	[tilespmem:s11], [sflag:$0x2] =	stream.indirect.gather [hbm4b:s3+s9], $0x80, s15, s9, $0xb8;
	[tilespmem:$0xDC00] =	vst v63  }
0x14: {  	_ =	swait.ge [sflag:s12], $0x6400  }
0x15: {  	[sflag:s12] =	ssyncset.done $0x0  }
0x16: {  	s31 =	sadd.s32 $0x0, s7;
	[sflag:s12] =	ssyncadd.s32 $0xFFFF9C00  }
0x17: {  	[hbm4b:s31+s2] =	stream.linear.scatter [tilespmem:s10], [sflag:$0x3], $0x6400, $0x38;
	[tilespmem:$0xDC00] =	vst v63  }
0x18: {  	_ =	swait.ge [sflag:s8], $0x6400  }
0x19: {  	[sflag:s8] =	ssyncset.done $0x0  }
0x1a: {  	s16 =	simm.s32 $0x190;
	[sflag:s8] =	ssyncadd.s32 $0xFFFF9C00  }
0x1b: {  	[tilespmem:s10], [sflag:$0x1] =	stream.indirect.gather [hbm4b:s3+s9], $0x80, s16, s9, $0xb8;
	[tilespmem:$0xDC00] =	vst v63  }
0x1c: {  	_ =	swait.ge [sflag:s13], $0x6400  }
0x1d: {  	[sflag:s13] =	ssyncset.done $0x0  }
0x1e: {  	s15 =	sadd.s32 $0xC80, s31;
	[sflag:s13] =	ssyncadd.s32 $0xFFFF9C00  }
0x1f: {  	[hbm4b:s15+s2] =	stream.linear.scatter [tilespmem:s11], [sflag:$0x3], $0x6400, $0x38;
	[tilespmem:$0xDC00] =	vst v63  }
0x20: {  	s17 =	simm.s32 $0x3200;
	_ =	swait.ge [sflag:s8], $0x6400  }
0x21: {  	s16 =	simm.s32 $0x1900;
	s15 =	simm.s32 $0x320;
	[sflag:s8] =	ssyncset.done $0x0  }
.LBB2_2:
0x22: {  	p0 =	sne.s32 s17, $0x11300;
	s18 =	sadd.s32 $0xFFFFFF38, s15;
	[sflag:s8] =	ssyncadd.s32 $0xFFFF9C00  }
0x23: {  	[tilespmem:s11], [sflag:$0x2] =	stream.indirect.gather [hbm4b:s3+s9], $0x80, s18, s9, $0xb8;
	[tilespmem:$0xDC00] =	vst v63  }
0x24: {  	s18 =	smov.u32 s17;
	s17 =	sadd.s32 $0x1900, s17;
	_ =	swait.ge [sflag:s12], $0x6400  }
0x25: {  	[sflag:s12] =	ssyncset.done $0x0  }
0x26: {  	s19 =	sadd.s32 s16, s7;
	s16 =	smov.u32 s18;
	[sflag:s12] =	ssyncadd.s32 $0xFFFF9C00  }
0x27: {  	[hbm4b:s19+s2] =	stream.linear.scatter [tilespmem:s10], [sflag:$0x3], $0x6400, $0x38;
	[tilespmem:$0xDC00] =	vst v63  }
0x28: {  	_ =	swait.ge [sflag:s8], $0x6400  }
0x29: {  	[sflag:s8] =	ssyncset.done $0x0  }
0x2a: {  	[sflag:s8] =	ssyncadd.s32 $0xFFFF9C00  }
0x2b: {  	[tilespmem:s10], [sflag:$0x1] =	stream.indirect.gather [hbm4b:s3+s9], $0x80, s15, s9, $0xb8;
	[tilespmem:$0xDC00] =	vst v63  }
0x2c: {  	_ =	swait.ge [sflag:s13], $0x6400  }
.Ltmp0:
0x2d: {  	[sflag:s13] =	ssyncset.done $0x0;
	(pc) =	sbr.rel @p0 .LBB2_2-.Ltmp0, $4  }
0x2e: {  	s18 =	sadd.s32 $0xC80, s19;
	[sflag:s13] =	ssyncadd.s32 $0xFFFF9C00  }
0x2f: {  	[hbm4b:s18+s2] =	stream.linear.scatter [tilespmem:s11], [sflag:$0x3], $0x6400, $0x38;
	[tilespmem:$0xDC00] =	vst v63  }
0x30: {  	_ =	swait.ge [sflag:s8], $0x6400  }
0x31: {  	s15 =	sadd.s32 $0x190, s15;
	[sflag:s8] =	ssyncset.done $0x0  }
0x32: {  	s17 =	sadd.s32 $0xFFFFFF38, s15;
	[sflag:s8] =	ssyncadd.s32 $0xFFFF9C00  }
0x33: {  	[tilespmem:s11], [sflag:$0x2] =	stream.indirect.gather [hbm4b:s3+s9], $0x80, s17, s9, $0xb8;
	[tilespmem:$0xDC00] =	vst v63  }
0x34: {  	_ =	swait.ge [sflag:s12], $0x6400  }
0x35: {  	[sflag:s12] =	ssyncset.done $0x0  }
0x36: {  	s16 =	sadd.s32 s16, s7;
	[sflag:s12] =	ssyncadd.s32 $0xFFFF9C00  }
0x37: {  	[hbm4b:s16+s2] =	stream.linear.scatter [tilespmem:s10], [sflag:$0x3], $0x6400, $0x38;
	[tilespmem:$0xDC00] =	vst v63  }
0x38: {  	_ =	swait.ge [sflag:s8], $0x6400  }
0x39: {  	[sflag:s8] =	ssyncset.done $0x0  }
0x3a: {  	[sflag:s8] =	ssyncadd.s32 $0xFFFF9C00  }
0x3b: {  	[tilespmem:s10], [sflag:$0x1] =	stream.indirect.gather [hbm4b:s3+s9], $0x80, s15, s9, $0xb8;
	[tilespmem:$0xDC00] =	vst v63  }
0x3c: {  	_ =	swait.ge [sflag:s13], $0x6400  }
0x3d: {  	[sflag:s13] =	ssyncset.done $0x0  }
0x3e: {  	s31 =	sadd.s32 $0xC80, s16;
	[sflag:s13] =	ssyncadd.s32 $0xFFFF9C00  }
0x3f: {  	[hbm4b:s31+s2] =	stream.linear.scatter [tilespmem:s11], [sflag:$0x3], $0x6400, $0x38;
	[tilespmem:$0xDC00] =	vst v63  }
0x40: {  	_ =	swait.ge [sflag:s8], $0x6400  }
0x41: {  	[sflag:s8] =	ssyncset.done $0x0  }
0x42: {  	[sflag:s8] =	ssyncadd.s32 $0xFFFF9C00  }
0x43: {  	s14 =	sadd.s32 $0x1, s14;
	_ =	swait.ge [sflag:s12], $0x6400  }
0x44: {  	p0 =	sne.s32 s14, s6;
	[sflag:s12] =	ssyncset.done $0x0  }
.Ltmp1:
0x45: {  	[sflag:s12] =	ssyncadd.s32 $0xFFFF9C00;
	(pc) =	sbr.rel @p0 .LBB2_1-.Ltmp1, $4  }
0x46: {  	[hbm4b:s5+s2] =	stream.linear.scatter [tilespmem:s10], [sflag:$0x3], $0x6400, $0x38;
	[tilespmem:$0xDC00] =	vst v63  }
0x47: {  	_ =	swait.ge [sflag:s8], $0x6400  }
0x48: {  	[sflag:s8] =	ssyncset.done $0x0  }
0x49: {  	[sflag:s8] =	ssyncadd.s32 $0xFFFF9C00  }
0x4a: {  	_ =	sfence.sel $0x180000  }
0x4b: {  	[bflag:$0x0] =	sbarrier.arrive $0xFFFF  }
0x4c: {  	p0 =	sne.s32 s0, $0x0;
	_ =	strace $0x9000004A  }
0x4d: {  	s0 =	sadd.s32 @!p0 $0x100000, s1;
	[bflag:$0x2] =	sbarrier.arrive $0xFFFF  }
0x4e: {  	[sflag:s0] =	ssyncadd.tile.s32 @!p0 $0x1;
	_ =	shalt  }
.Lfunc_end2:
_tile_overlayer_lowered:
.L_overlay_start_2:
0x4f: {  	(tag) =	ssettag $0x2  }
0x50: {  	s0 =	rddreg [dreg:$0x0];
	s2 =	stileid.u32  }
0x51: {  	s1 =	rddreg [dreg:$0x1];
	p0 =	sne.s32 s2, $0x0  }
0x52: {  	s3 =	rddreg [dreg:$0x2];
	[bflag:$0x3] =	sbarrier.arrive $0xFFFF;
	s2 =	simm.s32 @!p0 $0x1C03  }
0x53: {  	[timem:s3], [sflag:s2] =	dma.local @!p0 [hbm:s0], s1  }
0x54: {  	s0 =	simm.s32 @!p0 $0x3  }
0x55: {  	_ =	swait.ge @!p0 [sflag:s0], s1  }
0x56: {  	s1 =	ssub.s32 @!p0 $0x0, s1;
	[sflag:s0] =	ssyncset.done @!p0 $0x0  }
0x57: {  	[sflag:s0] =	ssyncadd.s32 @!p0 s1  }
0x58: {  	[bflag:$0x3] =	sbarrier.arrive $0xFFFF  }
0x59: {  	_ =	shalt  }

// kernel: kernel.36.cloned.1.call-start
scs
__scs_entry_jumppad:
0x0: {  	(pc) =	sbr.rel $0x88, $3  }
0x1: {  	(tag) =	ssettag $0x0;
	lr =	simm.s32 $0x1  }
0x2: {  	[smem:$0x3F8F] =	sst lr;
	_ =	strace $0xD0000000  }
0x3: {  	_ = 	snop  }
0x4: {  	_ = 	snop  }
0x5: {  	_ = 	snop  }
0x6: {  	_ = 	snop  }
0x7: {  	_ = 	snop  }
__scs_overlays_trampoline_lowered:
0x8: {  	[smem:$0x3F9E] =	sst s0  }
0x9: {  	[smem:$0x3F9F] =	sst s1  }
0xa: {  	[smem:$0x3FA0] =	sst s2  }
0xb: {  	[smem:$0x3FA1] =	sst s3  }
0xc: {  	[smem:$0x3FA2] =	sst s4  }
0xd: {  	[smem:$0x3FA3] =	sst s5  }
0xe: {  	[smem:$0x3FA4] =	sst s6  }
0xf: {  	[smem:$0x3FA5] =	sst s7  }
0x10: {  	[smem:$0x3FA6] =	sst s8  }
0x11: {  	[smem:$0x3FA7] =	sst s9;
	s0 =	simm.s32 @!p0 $0x0  }
0x12: {  	s1 =	sld [smem:$0x3F8D];
	s0 =	simm.s32 @p0 $0x1  }
0x13: {  	[smem:$0x3FA8] =	sst s0;
	s0 =	simm.s32 @!p1 $0x0  }
0x14: {  	s2 =	sld [smem:$0x3F8C];
	s0 =	simm.s32 @p1 $0x1  }
0x15: {  	[smem:$0x3FA9] =	sst s0;
	s0 =	simm.s32 @!p2 $0x0  }
0x16: {  	s3 =	sld [smem:$0x3FDB];
	s0 =	simm.s32 @p2 $0x1  }
0x17: {  	s4 =	simm.s32 $0x1BF5;
	[smem:$0x3FAB] =	sst s0  }
0x18: {  	s0 =	sld [smem:$0x3F8E];
	_ =	swait.ge [sflag:s4], $0x0  }
0x19: {  	s7 =	sld [smem:$0x3F8F]  }
0x1a: {  	s8 =	sadd.s32 $0xFFFFE003, lr  }
0x1b: {  	s9 =	sadd.s32 $0xFFFFFEF7, lr;
	s5 =	simm.s32 $0xFFFFFFFF;
	p2 =	slt.u32 s8, $0xFFFFF086  }
0x1c: {  	p1 =	slt.u32 s9, $0xF7A;
	s5 =	simm.s32 @!p2 $0x0  }
0x1d: {  	s5 =	simm.s32 @p1 $0x1;
	p0 =	seq.s32 s7, s2  }
0x1e: {  	s7 =	smul.u32 @!p0 $0xF7A, s2;
	p2 =	seq.s32 @!p0 s5, $0x0  }
0x1f: {  	s9 =	smul.u32 $0xF7A, s1;
	s8 =	simm.s32 @!p0 $0x1BF5;
	p2 =	por !p2, p0  }
0x20: {  	[sflag:s8] =	ssyncset.s32 @!p0 $0xFFFFF086;
	s6 =	sadd.s32 @!p0 s3, s7;
	s7 =	simm.s32 @!p0 $0x108  }
0x21: {  	s3 =	sadd.s32 s3, s9;
	s6 =	sadd.s32 @!p0 $0x88, s6;
	s7 =	simm.s32 @p2 $0x1082  }
0x22: {  	[simem:s7], [sflag:s8] =	dma.local @!p0 [hbm:s6], $0xF7A  }
0x23: {  	s9 =	sor.u32 $0xD0000000, s2;
	s6 =	simm.s32 $0x108;
	_ =	swait.ge @!p0 [sflag:s8], $0x0  }
0x24: {  	s3 =	sadd.s32 $0x88, s3;
	s6 =	simm.s32 @!p1 $0x1082;
	[sflag:s4] =	ssyncset.s32 $0xFFFFF086  }
0x25: {  	[simem:s6], [sflag:s4] =	dma.local [hbm:s3], $0xF7A  }
0x26: {  	[smem:$0x3F8F] =	sst s1;
	(tag) =	ssettag s2;
	_ =	strace s9  }
0x27: {  	s1 =	sld [smem:$0x3F9F]  }
0x28: {  	s2 =	sld [smem:$0x3FA0]  }
0x29: {  	s4 =	sld [smem:$0x3FA2]  }
0x2a: {  	p0 =	seq.s32 s5, $0x0;
	s5 =	sld [smem:$0x3FA3]  }
0x2b: {  	s6 =	sld [smem:$0x3FA4]  }
0x2c: {  	s7 =	sld [smem:$0x3FA5]  }
0x2d: {  	s3 =	simm.s32 $0x108;
	s8 =	sld [smem:$0x3FA6]  }
0x2e: {  	s3 =	simm.s32 @!p0 $0x1082;
	s9 =	sld [smem:$0x3FA7]  }
0x2f: {  	lr =	sadd.s32 s0, s3;
	s0 =	sld [smem:$0x3F9E]  }
0x30: {  	s3 =	sld [smem:$0x3FA1]  }
0x31: {  	[smem:$0x3FAA] =	sst s10  }
0x32: {  	s10 =	sld [smem:$0x3FA8];
	_ =	sdelay $0x3  }
0x33: {  	p0 =	seq.s32 s10, $0x1;
	s10 =	sld [smem:$0x3FAA];
	_ =	sdelay $0x3  }
0x34: {  	[smem:$0x3FAA] =	sst s10  }
0x35: {  	s10 =	sld [smem:$0x3FA9];
	_ =	sdelay $0x3  }
0x36: {  	p1 =	seq.s32 s10, $0x1;
	s10 =	sld [smem:$0x3FAA];
	_ =	sdelay $0x3  }
0x37: {  	[smem:$0x3FAA] =	sst s10  }
0x38: {  	s10 =	sld [smem:$0x3FAB]  }
0x39: {  	_ = 	snop;
	(pc) =	sbr.ind lr, $3  }
0x3a: {  	_ = 	snop  }
0x3b: {  	_ = 	snop  }
0x3c: {  	p2 =	seq.s32 s10, $0x1;
	s10 =	sld [smem:$0x3FAA]  }
0x3d: {  	_ =	shalt  }
0x3e: {  	_ =	shalt  }
0x3f: {  	_ =	shalt  }
0x40: {  	_ =	shalt  }
0x41: {  	_ =	shalt  }
0x42: {  	_ =	shalt  }
0x43: {  	_ =	shalt  }
0x44: {  	_ =	shalt  }
0x45: {  	_ =	shalt  }
0x46: {  	_ =	shalt  }
0x47: {  	_ =	shalt  }
0x48: {  	_ =	shalt  }
0x49: {  	_ =	shalt  }
0x4a: {  	_ =	shalt  }
0x4b: {  	_ =	shalt  }
0x4c: {  	_ =	shalt  }
0x4d: {  	_ =	shalt  }
0x4e: {  	_ =	shalt  }
0x4f: {  	_ =	shalt  }
0x50: {  	_ =	shalt  }
0x51: {  	_ =	shalt  }
0x52: {  	_ =	shalt  }
0x53: {  	_ =	shalt  }
0x54: {  	_ =	shalt  }
0x55: {  	_ =	shalt  }
0x56: {  	_ =	shalt  }
0x57: {  	_ =	shalt  }
0x58: {  	_ =	shalt  }
0x59: {  	_ =	shalt  }
0x5a: {  	_ =	shalt  }
0x5b: {  	_ =	shalt  }
0x5c: {  	_ =	shalt  }
0x5d: {  	_ =	shalt  }
0x5e: {  	_ =	shalt  }
0x5f: {  	_ =	shalt  }
0x60: {  	_ =	shalt  }
0x61: {  	_ =	shalt  }
0x62: {  	_ =	shalt  }
0x63: {  	_ =	shalt  }
0x64: {  	_ =	shalt  }
0x65: {  	_ =	shalt  }
0x66: {  	_ =	shalt  }
0x67: {  	_ =	shalt  }
0x68: {  	_ =	shalt  }
0x69: {  	_ =	shalt  }
0x6a: {  	_ =	shalt  }
0x6b: {  	_ =	shalt  }
0x6c: {  	_ =	shalt  }
0x6d: {  	_ =	shalt  }
0x6e: {  	_ =	shalt  }
0x6f: {  	_ =	shalt  }
0x70: {  	_ =	shalt  }
0x71: {  	_ =	shalt  }
0x72: {  	_ =	shalt  }
0x73: {  	_ =	shalt  }
0x74: {  	_ =	shalt  }
0x75: {  	_ =	shalt  }
0x76: {  	_ =	shalt  }
0x77: {  	_ =	shalt  }
0x78: {  	_ =	shalt  }
0x79: {  	_ =	shalt  }
0x7a: {  	_ =	shalt  }
0x7b: {  	_ =	shalt  }
0x7c: {  	_ =	shalt  }
0x7d: {  	_ =	shalt  }
0x7e: {  	_ =	shalt  }
0x7f: {  	_ =	shalt  }
0x80: {  	_ =	shalt  }
0x81: {  	_ =	shalt  }
0x82: {  	_ =	shalt  }
0x83: {  	_ =	shalt  }
0x84: {  	_ =	shalt  }
0x85: {  	_ =	shalt  }
0x86: {  	_ =	shalt  }
0x87: {  	_ =	shalt  }
.Lfunc_end0:
.L_simem_size_0:
called_computation.6_lowered:
.L_overlay_start_0:
0x88: {  	s2 =	sld [smem:$0x3FD9]  }
0x89: {  	s3 =	sld [smem:$0x3FFE];
	_ =	sdelay $0x1  }
0x8a: {  	s1 =	srdreg.scid  }
0x8b: {  	s0 =	sand.u32 $0x1, s1  }
0x8c: {  	s17 =	sshll.u32 s0, $0xA;
	s2 =	sadd.s32 s3, s2  }
0x8d: {  	s2 =	sadd.s32 s2, s17  }
0x8e: {  	[smem:$0x3FB6] =	sst s2  }
0x8f: {  	_ = 	snop  }
0x90: {  	(tm) =	ssettm $0x1  }
0x91: {  	s18 =	sld [smem:$0x3FFB];
	_ =	sdelay $0x3  }
0x92: {  	_ =	strace s18  }
0x93: {  	s2 =	sld [smem:$0x3FFC];
	_ =	sdelay $0x3  }
0x94: {  	_ =	strace s2  }
0x95: {  	s2 =	sld [smem:$0x3FFD];
	_ =	sdelay $0x3  }
0x96: {  	_ =	strace s2  }
0x97: {  	_ =	strace $0x8FFFFFFF  }
0x98: {  	s19 =	sld [smem:$0x3FDB];
	_ =	sdelay $0x1  }
0x99: {  	s20 =	simm.s32 $_scs_section_size  }
0x9a: {  	s4 =	simm.s32 $_size__tile_overlayer_lowered;
	s5 =	simm.s32 $_tile_overlayer_lowered  }
0x9b: {  	s6 =	simm.s32 $0x1BFF;
	s21 =	sshll.u32 s5, $0x1;
	s3 =	sadd.s32 s20, s19  }
0x9c: {  	s22 =	simm.s32 $0x0;
	s4 =	sshll.u32 s4, $0x1;
	s5 =	sadd.s32 s21, s3  }
0x9d: {  	[timem:s22], [sflag:s6] =	dma.local [hbm:s5], s4  }
0x9e: {  	_ =	swait.ge [sflag:s6], s4  }
0x9f: {  	s4 =	ssub.s32 $0x0, s4;
	[sflag:s6] =	ssyncset.done $0x0  }
0xa0: {  	[sflag:s6] =	ssyncadd.s32 s4;
	_ =	sdelay $0x1  }
0xa1: {  	s23 =	simm.s32 $0x1B8B  }
0xa2: {  	_ =	swait.ge [sflag:s23], $0x1  }
0xa3: {  	[sflag:s23] =	ssyncset.done $0x0  }
0xa4: {  	[sflag:s23] =	ssyncadd.s32 $0xFFFFFFFF  }
0xa5: {  	s4 =	sld [smem:$0x0]  }
0xa6: {  	s5 =	sand.u32 $0xFFFFFFFE, s1  }
0xa7: {  	p0 =	sne.s32 s1, s5  }
0xa8: {  	s5 =	sshll.u32 @p0 s5, $0xE  }
0xa9: {  	s5 =	sadd.s32 @p0 $0x11B8D, s5;
	s6 =	sshll.u32 @p0 s4, $0x11  }
0xaa: {  	s5 =	sor.u32 @p0 s6, s5  }
0xab: {  	[sflag:s5] =	ssyncadd.remote.s32 @p0 $0x1;
	_ =	sdelay $0x1  }
0xac: {  	s5 =	simm.s32 @p0 $0x1B8D  }
0xad: {  	_ =	swait.eq @p0 [sflag:s5], $0x1  }
0xae: {  	[sflag:s5] =	ssyncadd.s32 @p0 $0xFFFFFFFF  }
0xaf: {  	s6 =	sshll.u32 @!p0 s1, $0xE  }
0xb0: {  	s6 =	sor.u32 @!p0 $0x4000, s6;
	s5 =	simm.s32 @!p0 $0x1B8D  }
0xb1: {  	s4 =	sshll.u32 @!p0 s4, $0x11;
	s6 =	sadd.s32 @!p0 $0x11B8D, s6;
	_ =	swait.eq @!p0 [sflag:s5], $0x1  }
0xb2: {  	s4 =	sor.u32 @!p0 s4, s6;
	[sflag:s5] =	ssyncadd.s32 @!p0 $0xFFFFFFFF  }
0xb3: {  	s25 =	simm.s32 $0x1B8E;
	s24 =	sld [smem:$0x3FFE];
	[sflag:s4] =	ssyncadd.remote.s32 @!p0 $0x1  }
0xb4: {  	s26 =	simm.s32 $execute0_lowered;
	[smem:$0x3FD2] =	sst s25  }
0xb5: {  	s5 =	sshll.u32 s26, $0x1;
	_ =	strace $0x8000004C;
	[dreg:$0x1] =	wrdreg $0xFFFFFFFF  }
0xb6: {  	s28 =	simm.s32 $_size_execute0_lowered;
	s3 =	sadd.s32 s3, s5;
	[dreg:$0x0] =	wrdreg $0x0  }
0xb7: {  	s5 =	sshll.u32 s28, $0x1;
	[dreg:$0x2] =	wrdreg s3  }
0xb8: {  	[dreg:$0x3] =	wrdreg s5  }
0xb9: {  	[dreg:$0x4] =	wrdreg $0xC0  }
0xba: {  	_ =	task [dreg:s22], $0x5FFFF  }
0xbb: {  	[dreg:$0x1] =	wrdreg $0xFFFFFFFF  }
0xbc: {  	[dreg:$0x0] =	wrdreg $0x60  }
0xbd: {  	[dreg:$0x2] =	wrdreg s24  }
0xbe: {  	[dreg:$0x3] =	wrdreg $0xD  }
0xbf: {  	_ =	task.clear_ibuf [dreg:s22], $0x4FFFF;
	_ =	strace $0x9000004C  }
0xc0: {  	s29 =	simm.s32 $0xD;
	_ =	strace $0x8000004E  }
0xc1: {  	_ =	swait.ge [sflag:s29], $0x1  }
0xc2: {  	[sflag:s29] =	ssyncadd.s32 $0xFFFFFFFF  }
0xc3: {  	_ =	strace $0x9000004E  }
0xc4: {  	_ =	sfence  }
0xc5: {  	s30 =	sld [smem:$0x0];
	_ =	sdelay $0x2  }
0xc6: {  	s31 =	sshll.u32 s1, $0xD;
	s1 =	sshrl.u32 s1, $0x2  }
0xc7: {  	s4 =	sand.u32 $0x4000, s31;
	s1 =	sadd.s32 s1, s30  }
0xc8: {  	s0 =	sor.u32 s4, s0;
	s1 =	sshll.u32 s1, $0x11  }
0xc9: {  	s0 =	sor.u32 s1, s0  }
0xca: {  	s0 =	sadd.s32 $0x8F2B, s0  }
0xcb: {  	[sflag:s0] =	ssyncadd.remote.s32 $0x1  }
0xcc: {  	_ =	sfence.sel $0xFFFF  }
0xcd: {  	[dreg:$0x0] =	wrdreg $0xFFFFFFFF;
	(pc) =	sbr.abs _section_cstart, $3  }
0xce: {  	[dreg:$0x1] =	wrdreg $0xFFFFFFFF  }
0xcf: {  	_ =	task.clear_ibuf [dreg:s22], $0x2FFFF;
	_ =	strace $0x9FFFFFFF  }
0xd0: {  	(tm) =	ssettm $0x7FFFFFFF  }
0xd1: {  	_ =	shalt  }
tec
execute0_lowered:
.L_overlay_start_1:
0x0: {  	(tag) =	ssettag $0x1  }
0x1: {  	s1 =	srdreg.scid;
	s0 =	stileid.u32  }
0x2: {  	s4 =	rddreg [dreg:$0x0];
	s2 =	simm.s32 $0x0;
	s12 =	simm.s32 $0x1  }
0x3: {  	s13 =	simm.s32 $0x2;
	s14 =	simm.s32 $0x0;
	s5 =	sand.u32 $0x1, s1  }
0x4: {  	s3 =	sshll.u32 s0, $0x1;
	[smem:$0x7FF] =	sst s2;
	s10 =	smul.u32 $0x27100, s0  }
0x5: {  	s8 =	sadd.s32 $0x354600, s4;
	s6 =	sor.u32 s5, s3;
	s11 =	smul.u32 $0x13880, s5  }
0x6: {  	s1 =	rddreg [dreg:$0x1];
	_ =	strace $0x8000004D;
	s7 =	smul.u32 $0x1388, s6  }
0x7: {  	s3 =	sadd.s32 $0x16000, s4;
	s30 =	ssub.s32 $0x2, s5;
	s6 =	smul.u32 $0x9C400, s6  }
0x8: {  	s9 =	sshrl.u32 s30, $0x1;
	s31 =	sadd.s32 s10, s8;
	s10 =	simm.s32 $0x1400  }
0x9: {  	s9 =	ssub.s32 s30, s9;
	s7 =	sshrl.u32 s7, $0x3;
	s6 =	sshrl.u32 s6, $0x3  }
0xa: {  	s7 =	sadd.s32 s7, s4;
	s6 =	sadd.s32 s8, s6;
	s8 =	simm.s32 $0x3  }
0xb: {  	s4 =	sadd.s32 $0xDE600, s7;
	s5 =	sadd.s32 $0x12C00, s6;
	s6 =	smax.u32 s9, $0x1  }
0xc: {  	s7 =	sadd.s32 s11, s31;
	s9 =	simm.s32 $0xC8;
	s11 =	simm.s32 $0x7800  }
.LBB2_1:
0xd: {  	[tilespmem:s2], [sflag:$0x3] =	stream.linear.gather [hbm4b:s4+s2], $0x1388, $0x38;
	[tilespmem:$0xDC00] =	vst v63  }
0xe: {  	_ =	swait.ge [sflag:s8], $0x1388  }
0xf: {  	[sflag:s8] =	ssyncset.done $0x0  }
0x10: {  	[sflag:s8] =	ssyncadd.s32 $0xFFFFEC78  }
0x11: {  	[tilespmem:s10], [sflag:$0x1] =	stream.indirect.gather [hbm4b:s3+s9], $0x80, s2, s9, $0xb8;
	[tilespmem:$0xDC00] =	vst v63  }
0x12: {  	s15 =	simm.s32 $0xC8  }
0x13: {  	[tilespmem:s11], [sflag:$0x2] =	stream.indirect.gather [hbm4b:s3+s9], $0x80, s15, s9, $0xb8;
	[tilespmem:$0xDC00] =	vst v63  }
0x14: {  	_ =	swait.ge [sflag:s12], $0x6400  }
0x15: {  	[sflag:s12] =	ssyncset.done $0x0  }
0x16: {  	s31 =	sadd.s32 $0x0, s7;
	[sflag:s12] =	ssyncadd.s32 $0xFFFF9C00  }
0x17: {  	[hbm4b:s31+s2] =	stream.linear.scatter [tilespmem:s10], [sflag:$0x3], $0x6400, $0x38;
	[tilespmem:$0xDC00] =	vst v63  }
0x18: {  	_ =	swait.ge [sflag:s8], $0x6400  }
0x19: {  	[sflag:s8] =	ssyncset.done $0x0  }
0x1a: {  	s16 =	simm.s32 $0x190;
	[sflag:s8] =	ssyncadd.s32 $0xFFFF9C00  }
0x1b: {  	[tilespmem:s10], [sflag:$0x1] =	stream.indirect.gather [hbm4b:s3+s9], $0x80, s16, s9, $0xb8;
	[tilespmem:$0xDC00] =	vst v63  }
0x1c: {  	_ =	swait.ge [sflag:s13], $0x6400  }
0x1d: {  	[sflag:s13] =	ssyncset.done $0x0  }
0x1e: {  	s15 =	sadd.s32 $0xC80, s31;
	[sflag:s13] =	ssyncadd.s32 $0xFFFF9C00  }
0x1f: {  	[hbm4b:s15+s2] =	stream.linear.scatter [tilespmem:s11], [sflag:$0x3], $0x6400, $0x38;
	[tilespmem:$0xDC00] =	vst v63  }
0x20: {  	s17 =	simm.s32 $0x3200;
	_ =	swait.ge [sflag:s8], $0x6400  }
0x21: {  	s16 =	simm.s32 $0x1900;
	s15 =	simm.s32 $0x320;
	[sflag:s8] =	ssyncset.done $0x0  }
.LBB2_2:
0x22: {  	p0 =	sne.s32 s17, $0x11300;
	s18 =	sadd.s32 $0xFFFFFF38, s15;
	[sflag:s8] =	ssyncadd.s32 $0xFFFF9C00  }
0x23: {  	[tilespmem:s11], [sflag:$0x2] =	stream.indirect.gather [hbm4b:s3+s9], $0x80, s18, s9, $0xb8;
	[tilespmem:$0xDC00] =	vst v63  }
0x24: {  	s18 =	smov.u32 s17;
	s17 =	sadd.s32 $0x1900, s17;
	_ =	swait.ge [sflag:s12], $0x6400  }
0x25: {  	[sflag:s12] =	ssyncset.done $0x0  }
0x26: {  	s19 =	sadd.s32 s16, s7;
	s16 =	smov.u32 s18;
	[sflag:s12] =	ssyncadd.s32 $0xFFFF9C00  }
0x27: {  	[hbm4b:s19+s2] =	stream.linear.scatter [tilespmem:s10], [sflag:$0x3], $0x6400, $0x38;
	[tilespmem:$0xDC00] =	vst v63  }
0x28: {  	_ =	swait.ge [sflag:s8], $0x6400  }
0x29: {  	[sflag:s8] =	ssyncset.done $0x0  }
0x2a: {  	[sflag:s8] =	ssyncadd.s32 $0xFFFF9C00  }
0x2b: {  	[tilespmem:s10], [sflag:$0x1] =	stream.indirect.gather [hbm4b:s3+s9], $0x80, s15, s9, $0xb8;
	[tilespmem:$0xDC00] =	vst v63  }
0x2c: {  	_ =	swait.ge [sflag:s13], $0x6400  }
.Ltmp0:
0x2d: {  	[sflag:s13] =	ssyncset.done $0x0;
	(pc) =	sbr.rel @p0 .LBB2_2-.Ltmp0, $4  }
0x2e: {  	s18 =	sadd.s32 $0xC80, s19;
	[sflag:s13] =	ssyncadd.s32 $0xFFFF9C00  }
0x2f: {  	[hbm4b:s18+s2] =	stream.linear.scatter [tilespmem:s11], [sflag:$0x3], $0x6400, $0x38;
	[tilespmem:$0xDC00] =	vst v63  }
0x30: {  	_ =	swait.ge [sflag:s8], $0x6400  }
0x31: {  	s15 =	sadd.s32 $0x190, s15;
	[sflag:s8] =	ssyncset.done $0x0  }
0x32: {  	s17 =	sadd.s32 $0xFFFFFF38, s15;
	[sflag:s8] =	ssyncadd.s32 $0xFFFF9C00  }
0x33: {  	[tilespmem:s11], [sflag:$0x2] =	stream.indirect.gather [hbm4b:s3+s9], $0x80, s17, s9, $0xb8;
	[tilespmem:$0xDC00] =	vst v63  }
0x34: {  	_ =	swait.ge [sflag:s12], $0x6400  }
0x35: {  	[sflag:s12] =	ssyncset.done $0x0  }
0x36: {  	s16 =	sadd.s32 s16, s7;
	[sflag:s12] =	ssyncadd.s32 $0xFFFF9C00  }
0x37: {  	[hbm4b:s16+s2] =	stream.linear.scatter [tilespmem:s10], [sflag:$0x3], $0x6400, $0x38;
	[tilespmem:$0xDC00] =	vst v63  }
0x38: {  	_ =	swait.ge [sflag:s8], $0x6400  }
0x39: {  	[sflag:s8] =	ssyncset.done $0x0  }
0x3a: {  	[sflag:s8] =	ssyncadd.s32 $0xFFFF9C00  }
0x3b: {  	[tilespmem:s10], [sflag:$0x1] =	stream.indirect.gather [hbm4b:s3+s9], $0x80, s15, s9, $0xb8;
	[tilespmem:$0xDC00] =	vst v63  }
0x3c: {  	_ =	swait.ge [sflag:s13], $0x6400  }
0x3d: {  	[sflag:s13] =	ssyncset.done $0x0  }
0x3e: {  	s31 =	sadd.s32 $0xC80, s16;
	[sflag:s13] =	ssyncadd.s32 $0xFFFF9C00  }
0x3f: {  	[hbm4b:s31+s2] =	stream.linear.scatter [tilespmem:s11], [sflag:$0x3], $0x6400, $0x38;
	[tilespmem:$0xDC00] =	vst v63  }
0x40: {  	_ =	swait.ge [sflag:s8], $0x6400  }
0x41: {  	[sflag:s8] =	ssyncset.done $0x0  }
0x42: {  	[sflag:s8] =	ssyncadd.s32 $0xFFFF9C00  }
0x43: {  	s14 =	sadd.s32 $0x1, s14;
	_ =	swait.ge [sflag:s12], $0x6400  }
0x44: {  	p0 =	sne.s32 s14, s6;
	[sflag:s12] =	ssyncset.done $0x0  }
.Ltmp1:
0x45: {  	[sflag:s12] =	ssyncadd.s32 $0xFFFF9C00;
	(pc) =	sbr.rel @p0 .LBB2_1-.Ltmp1, $4  }
0x46: {  	[hbm4b:s5+s2] =	stream.linear.scatter [tilespmem:s10], [sflag:$0x3], $0x6400, $0x38;
	[tilespmem:$0xDC00] =	vst v63  }
0x47: {  	_ =	swait.ge [sflag:s8], $0x6400  }
0x48: {  	[sflag:s8] =	ssyncset.done $0x0  }
0x49: {  	[sflag:s8] =	ssyncadd.s32 $0xFFFF9C00  }
0x4a: {  	_ =	sfence.sel $0x180000  }
0x4b: {  	[bflag:$0x0] =	sbarrier.arrive $0xFFFF  }
0x4c: {  	p0 =	sne.s32 s0, $0x0;
	_ =	strace $0x9000004D  }
0x4d: {  	s0 =	sadd.s32 @!p0 $0x100000, s1;
	[bflag:$0x2] =	sbarrier.arrive $0xFFFF  }
0x4e: {  	[sflag:s0] =	ssyncadd.tile.s32 @!p0 $0x1;
	_ =	shalt  }
.Lfunc_end2:
_tile_overlayer_lowered:
.L_overlay_start_2:
0x4f: {  	(tag) =	ssettag $0x2  }
0x50: {  	s0 =	rddreg [dreg:$0x0];
	s2 =	stileid.u32  }
0x51: {  	s1 =	rddreg [dreg:$0x1];
	p0 =	sne.s32 s2, $0x0  }
0x52: {  	s3 =	rddreg [dreg:$0x2];
	[bflag:$0x3] =	sbarrier.arrive $0xFFFF;
	s2 =	simm.s32 @!p0 $0x1C03  }
0x53: {  	[timem:s3], [sflag:s2] =	dma.local @!p0 [hbm:s0], s1  }
0x54: {  	s0 =	simm.s32 @!p0 $0x3  }
0x55: {  	_ =	swait.ge @!p0 [sflag:s0], s1  }
0x56: {  	s1 =	ssub.s32 @!p0 $0x0, s1;
	[sflag:s0] =	ssyncset.done @!p0 $0x0  }
0x57: {  	[sflag:s0] =	ssyncadd.s32 @!p0 s1  }
0x58: {  	[bflag:$0x3] =	sbarrier.arrive $0xFFFF  }
0x59: {  	_ =	shalt  }

// kernel: kernel.39.cloned.1.call-start
scs
__scs_entry_jumppad:
0x0: {  	(pc) =	sbr.rel $0x88, $3  }
0x1: {  	(tag) =	ssettag $0x0;
	lr =	simm.s32 $0x1  }
0x2: {  	[smem:$0x3F8F] =	sst lr;
	_ =	strace $0xD0000000  }
0x3: {  	_ = 	snop  }
0x4: {  	_ = 	snop  }
0x5: {  	_ = 	snop  }
0x6: {  	_ = 	snop  }
0x7: {  	_ = 	snop  }
__scs_overlays_trampoline_lowered:
0x8: {  	[smem:$0x3F9E] =	sst s0  }
0x9: {  	[smem:$0x3F9F] =	sst s1  }
0xa: {  	[smem:$0x3FA0] =	sst s2  }
0xb: {  	[smem:$0x3FA1] =	sst s3  }
0xc: {  	[smem:$0x3FA2] =	sst s4  }
0xd: {  	[smem:$0x3FA3] =	sst s5  }
0xe: {  	[smem:$0x3FA4] =	sst s6  }
0xf: {  	[smem:$0x3FA5] =	sst s7  }
0x10: {  	[smem:$0x3FA6] =	sst s8  }
0x11: {  	[smem:$0x3FA7] =	sst s9;
	s0 =	simm.s32 @!p0 $0x0  }
0x12: {  	s1 =	sld [smem:$0x3F8D];
	s0 =	simm.s32 @p0 $0x1  }
0x13: {  	[smem:$0x3FA8] =	sst s0;
	s0 =	simm.s32 @!p1 $0x0  }
0x14: {  	s2 =	sld [smem:$0x3F8C];
	s0 =	simm.s32 @p1 $0x1  }
0x15: {  	[smem:$0x3FA9] =	sst s0;
	s0 =	simm.s32 @!p2 $0x0  }
0x16: {  	s3 =	sld [smem:$0x3FDB];
	s0 =	simm.s32 @p2 $0x1  }
0x17: {  	s4 =	simm.s32 $0x1BF5;
	[smem:$0x3FAB] =	sst s0  }
0x18: {  	s0 =	sld [smem:$0x3F8E];
	_ =	swait.ge [sflag:s4], $0x0  }
0x19: {  	s7 =	sld [smem:$0x3F8F]  }
0x1a: {  	s8 =	sadd.s32 $0xFFFFE003, lr  }
0x1b: {  	s9 =	sadd.s32 $0xFFFFFEF7, lr;
	s5 =	simm.s32 $0xFFFFFFFF;
	p2 =	slt.u32 s8, $0xFFFFF086  }
0x1c: {  	p1 =	slt.u32 s9, $0xF7A;
	s5 =	simm.s32 @!p2 $0x0  }
0x1d: {  	s5 =	simm.s32 @p1 $0x1;
	p0 =	seq.s32 s7, s2  }
0x1e: {  	s7 =	smul.u32 @!p0 $0xF7A, s2;
	p2 =	seq.s32 @!p0 s5, $0x0  }
0x1f: {  	s9 =	smul.u32 $0xF7A, s1;
	s8 =	simm.s32 @!p0 $0x1BF5;
	p2 =	por !p2, p0  }
0x20: {  	[sflag:s8] =	ssyncset.s32 @!p0 $0xFFFFF086;
	s6 =	sadd.s32 @!p0 s3, s7;
	s7 =	simm.s32 @!p0 $0x108  }
0x21: {  	s3 =	sadd.s32 s3, s9;
	s6 =	sadd.s32 @!p0 $0x88, s6;
	s7 =	simm.s32 @p2 $0x1082  }
0x22: {  	[simem:s7], [sflag:s8] =	dma.local @!p0 [hbm:s6], $0xF7A  }
0x23: {  	s9 =	sor.u32 $0xD0000000, s2;
	s6 =	simm.s32 $0x108;
	_ =	swait.ge @!p0 [sflag:s8], $0x0  }
0x24: {  	s3 =	sadd.s32 $0x88, s3;
	s6 =	simm.s32 @!p1 $0x1082;
	[sflag:s4] =	ssyncset.s32 $0xFFFFF086  }
0x25: {  	[simem:s6], [sflag:s4] =	dma.local [hbm:s3], $0xF7A  }
0x26: {  	[smem:$0x3F8F] =	sst s1;
	(tag) =	ssettag s2;
	_ =	strace s9  }
0x27: {  	s1 =	sld [smem:$0x3F9F]  }
0x28: {  	s2 =	sld [smem:$0x3FA0]  }
0x29: {  	s4 =	sld [smem:$0x3FA2]  }
0x2a: {  	p0 =	seq.s32 s5, $0x0;
	s5 =	sld [smem:$0x3FA3]  }
0x2b: {  	s6 =	sld [smem:$0x3FA4]  }
0x2c: {  	s7 =	sld [smem:$0x3FA5]  }
0x2d: {  	s3 =	simm.s32 $0x108;
	s8 =	sld [smem:$0x3FA6]  }
0x2e: {  	s3 =	simm.s32 @!p0 $0x1082;
	s9 =	sld [smem:$0x3FA7]  }
0x2f: {  	lr =	sadd.s32 s0, s3;
	s0 =	sld [smem:$0x3F9E]  }
0x30: {  	s3 =	sld [smem:$0x3FA1]  }
0x31: {  	[smem:$0x3FAA] =	sst s10  }
0x32: {  	s10 =	sld [smem:$0x3FA8];
	_ =	sdelay $0x3  }
0x33: {  	p0 =	seq.s32 s10, $0x1;
	s10 =	sld [smem:$0x3FAA];
	_ =	sdelay $0x3  }
0x34: {  	[smem:$0x3FAA] =	sst s10  }
0x35: {  	s10 =	sld [smem:$0x3FA9];
	_ =	sdelay $0x3  }
0x36: {  	p1 =	seq.s32 s10, $0x1;
	s10 =	sld [smem:$0x3FAA];
	_ =	sdelay $0x3  }
0x37: {  	[smem:$0x3FAA] =	sst s10  }
0x38: {  	s10 =	sld [smem:$0x3FAB]  }
0x39: {  	_ = 	snop;
	(pc) =	sbr.ind lr, $3  }
0x3a: {  	_ = 	snop  }
0x3b: {  	_ = 	snop  }
0x3c: {  	p2 =	seq.s32 s10, $0x1;
	s10 =	sld [smem:$0x3FAA]  }
0x3d: {  	_ =	shalt  }
0x3e: {  	_ =	shalt  }
0x3f: {  	_ =	shalt  }
0x40: {  	_ =	shalt  }
0x41: {  	_ =	shalt  }
0x42: {  	_ =	shalt  }
0x43: {  	_ =	shalt  }
0x44: {  	_ =	shalt  }
0x45: {  	_ =	shalt  }
0x46: {  	_ =	shalt  }
0x47: {  	_ =	shalt  }
0x48: {  	_ =	shalt  }
0x49: {  	_ =	shalt  }
0x4a: {  	_ =	shalt  }
0x4b: {  	_ =	shalt  }
0x4c: {  	_ =	shalt  }
0x4d: {  	_ =	shalt  }
0x4e: {  	_ =	shalt  }
0x4f: {  	_ =	shalt  }
0x50: {  	_ =	shalt  }
0x51: {  	_ =	shalt  }
0x52: {  	_ =	shalt  }
0x53: {  	_ =	shalt  }
0x54: {  	_ =	shalt  }
0x55: {  	_ =	shalt  }
0x56: {  	_ =	shalt  }
0x57: {  	_ =	shalt  }
0x58: {  	_ =	shalt  }
0x59: {  	_ =	shalt  }
0x5a: {  	_ =	shalt  }
0x5b: {  	_ =	shalt  }
0x5c: {  	_ =	shalt  }
0x5d: {  	_ =	shalt  }
0x5e: {  	_ =	shalt  }
0x5f: {  	_ =	shalt  }
0x60: {  	_ =	shalt  }
0x61: {  	_ =	shalt  }
0x62: {  	_ =	shalt  }
0x63: {  	_ =	shalt  }
0x64: {  	_ =	shalt  }
0x65: {  	_ =	shalt  }
0x66: {  	_ =	shalt  }
0x67: {  	_ =	shalt  }
0x68: {  	_ =	shalt  }
0x69: {  	_ =	shalt  }
0x6a: {  	_ =	shalt  }
0x6b: {  	_ =	shalt  }
0x6c: {  	_ =	shalt  }
0x6d: {  	_ =	shalt  }
0x6e: {  	_ =	shalt  }
0x6f: {  	_ =	shalt  }
0x70: {  	_ =	shalt  }
0x71: {  	_ =	shalt  }
0x72: {  	_ =	shalt  }
0x73: {  	_ =	shalt  }
0x74: {  	_ =	shalt  }
0x75: {  	_ =	shalt  }
0x76: {  	_ =	shalt  }
0x77: {  	_ =	shalt  }
0x78: {  	_ =	shalt  }
0x79: {  	_ =	shalt  }
0x7a: {  	_ =	shalt  }
0x7b: {  	_ =	shalt  }
0x7c: {  	_ =	shalt  }
0x7d: {  	_ =	shalt  }
0x7e: {  	_ =	shalt  }
0x7f: {  	_ =	shalt  }
0x80: {  	_ =	shalt  }
0x81: {  	_ =	shalt  }
0x82: {  	_ =	shalt  }
0x83: {  	_ =	shalt  }
0x84: {  	_ =	shalt  }
0x85: {  	_ =	shalt  }
0x86: {  	_ =	shalt  }
0x87: {  	_ =	shalt  }
.Lfunc_end0:
.L_simem_size_0:
called_computation.7_lowered:
.L_overlay_start_0:
0x88: {  	s2 =	sld [smem:$0x3FD9]  }
0x89: {  	s3 =	sld [smem:$0x3FFE];
	_ =	sdelay $0x1  }
0x8a: {  	s1 =	srdreg.scid  }
0x8b: {  	s0 =	sand.u32 $0x1, s1  }
0x8c: {  	s17 =	sshll.u32 s0, $0xA;
	s2 =	sadd.s32 s3, s2  }
0x8d: {  	s2 =	sadd.s32 s2, s17  }
0x8e: {  	[smem:$0x3FB6] =	sst s2  }
0x8f: {  	_ = 	snop  }
0x90: {  	(tm) =	ssettm $0x1  }
0x91: {  	s18 =	sld [smem:$0x3FFB];
	_ =	sdelay $0x3  }
0x92: {  	_ =	strace s18  }
0x93: {  	s2 =	sld [smem:$0x3FFC];
	_ =	sdelay $0x3  }
0x94: {  	_ =	strace s2  }
0x95: {  	s2 =	sld [smem:$0x3FFD];
	_ =	sdelay $0x3  }
0x96: {  	_ =	strace s2  }
0x97: {  	_ =	strace $0x8FFFFFFF  }
0x98: {  	s19 =	sld [smem:$0x3FDB];
	_ =	sdelay $0x1  }
0x99: {  	s20 =	simm.s32 $_scs_section_size  }
0x9a: {  	s4 =	simm.s32 $_size__tile_overlayer_lowered;
	s5 =	simm.s32 $_tile_overlayer_lowered  }
0x9b: {  	s6 =	simm.s32 $0x1BFF;
	s21 =	sshll.u32 s5, $0x1;
	s3 =	sadd.s32 s20, s19  }
0x9c: {  	s22 =	simm.s32 $0x0;
	s4 =	sshll.u32 s4, $0x1;
	s5 =	sadd.s32 s21, s3  }
0x9d: {  	[timem:s22], [sflag:s6] =	dma.local [hbm:s5], s4  }
0x9e: {  	_ =	swait.ge [sflag:s6], s4  }
0x9f: {  	s4 =	ssub.s32 $0x0, s4;
	[sflag:s6] =	ssyncset.done $0x0  }
0xa0: {  	[sflag:s6] =	ssyncadd.s32 s4;
	_ =	sdelay $0x1  }
0xa1: {  	s23 =	simm.s32 $0x1B8B  }
0xa2: {  	_ =	swait.ge [sflag:s23], $0x1  }
0xa3: {  	[sflag:s23] =	ssyncset.done $0x0  }
0xa4: {  	[sflag:s23] =	ssyncadd.s32 $0xFFFFFFFF  }
0xa5: {  	s4 =	sld [smem:$0x0]  }
0xa6: {  	s5 =	sand.u32 $0xFFFFFFFE, s1  }
0xa7: {  	p0 =	sne.s32 s1, s5  }
0xa8: {  	s5 =	sshll.u32 @p0 s5, $0xE  }
0xa9: {  	s5 =	sadd.s32 @p0 $0x11B8D, s5;
	s6 =	sshll.u32 @p0 s4, $0x11  }
0xaa: {  	s5 =	sor.u32 @p0 s6, s5  }
0xab: {  	[sflag:s5] =	ssyncadd.remote.s32 @p0 $0x1;
	_ =	sdelay $0x1  }
0xac: {  	s5 =	simm.s32 @p0 $0x1B8D  }
0xad: {  	_ =	swait.eq @p0 [sflag:s5], $0x1  }
0xae: {  	[sflag:s5] =	ssyncadd.s32 @p0 $0xFFFFFFFF  }
0xaf: {  	s6 =	sshll.u32 @!p0 s1, $0xE  }
0xb0: {  	s6 =	sor.u32 @!p0 $0x4000, s6;
	s5 =	simm.s32 @!p0 $0x1B8D  }
0xb1: {  	s4 =	sshll.u32 @!p0 s4, $0x11;
	s6 =	sadd.s32 @!p0 $0x11B8D, s6;
	_ =	swait.eq @!p0 [sflag:s5], $0x1  }
0xb2: {  	s4 =	sor.u32 @!p0 s4, s6;
	[sflag:s5] =	ssyncadd.s32 @!p0 $0xFFFFFFFF  }
0xb3: {  	s25 =	simm.s32 $0x1B8E;
	s24 =	sld [smem:$0x3FFE];
	[sflag:s4] =	ssyncadd.remote.s32 @!p0 $0x1  }
0xb4: {  	s26 =	simm.s32 $execute0_lowered;
	[smem:$0x3FD2] =	sst s25  }
0xb5: {  	s5 =	sshll.u32 s26, $0x1;
	_ =	strace $0x80000055;
	[dreg:$0x1] =	wrdreg $0xFFFFFFFF  }
0xb6: {  	s28 =	simm.s32 $_size_execute0_lowered;
	s3 =	sadd.s32 s3, s5;
	[dreg:$0x0] =	wrdreg $0x0  }
0xb7: {  	s5 =	sshll.u32 s28, $0x1;
	[dreg:$0x2] =	wrdreg s3  }
0xb8: {  	[dreg:$0x3] =	wrdreg s5  }
0xb9: {  	[dreg:$0x4] =	wrdreg $0xC0  }
0xba: {  	_ =	task [dreg:s22], $0x5FFFF  }
0xbb: {  	[dreg:$0x1] =	wrdreg $0xFFFFFFFF  }
0xbc: {  	[dreg:$0x0] =	wrdreg $0x60  }
0xbd: {  	[dreg:$0x2] =	wrdreg s24  }
0xbe: {  	[dreg:$0x3] =	wrdreg $0x65000  }
0xbf: {  	[dreg:$0x4] =	wrdreg $0xB  }
0xc0: {  	_ =	task.clear_ibuf [dreg:s22], $0x5FFFF;
	_ =	strace $0x90000055  }
0xc1: {  	s29 =	simm.s32 $0xB;
	_ =	strace $0x80000057  }
0xc2: {  	_ =	swait.ge [sflag:s29], $0x1  }
0xc3: {  	[sflag:s29] =	ssyncadd.s32 $0xFFFFFFFF  }
0xc4: {  	_ =	strace $0x90000057  }
0xc5: {  	_ =	sfence  }
0xc6: {  	s30 =	sld [smem:$0x0];
	_ =	sdelay $0x2  }
0xc7: {  	s31 =	sshll.u32 s1, $0xD;
	s1 =	sshrl.u32 s1, $0x2  }
0xc8: {  	s4 =	sand.u32 $0x4000, s31;
	s1 =	sadd.s32 s1, s30  }
0xc9: {  	s0 =	sor.u32 s4, s0;
	s1 =	sshll.u32 s1, $0x11  }
0xca: {  	s0 =	sor.u32 s1, s0  }
0xcb: {  	s0 =	sadd.s32 $0x8F2B, s0  }
0xcc: {  	[sflag:s0] =	ssyncadd.remote.s32 $0x1  }
0xcd: {  	_ =	sfence.sel $0xFFFF  }
0xce: {  	[dreg:$0x0] =	wrdreg $0xFFFFFFFF;
	(pc) =	sbr.abs _section_cstart, $3  }
0xcf: {  	[dreg:$0x1] =	wrdreg $0xFFFFFFFF  }
0xd0: {  	_ =	task.clear_ibuf [dreg:s22], $0x2FFFF;
	_ =	strace $0x9FFFFFFF  }
0xd1: {  	(tm) =	ssettm $0x7FFFFFFF  }
tec
execute0_lowered:
.L_overlay_start_1:
0x0: {  	(tag) =	ssettag $0x1  }
0x1: {  	s0 =	srdreg.scid  }
0x2: {  	s4 =	sand.u32 $0x1, s0  }
0x3: {  	s5 =	rddreg [dreg:$0x0];
	s6 =	smul.u32 $0x138800, s4  }
0x4: {  	s0 =	stileid.u32;
	s7 =	smul.u32 $0x13880, s4  }
0x5: {  	s2 =	rddreg [dreg:$0x1];
	s8 =	smul.u32 $0x1388, s0  }
0x6: {  	s1 =	rddreg [dreg:$0x2];
	s3 =	simm.s32 $0x0;
	s9 =	smul.u32 $0x13C00, s0  }
0x7: {  	s13 =	simm.s32 $0x1;
	s14 =	simm.s32 $0xC8;
	s21 =	smul.u32 $0x13C000, s4  }
0x8: {  	s15 =	simm.s32 $0x0;
	[smem:$0x7FF] =	sst s3;
	s25 =	smul.u32 $0x4F000, s0  }
0x9: {  	_ =	strace $0x80000056;
	s4 =	ssub.s32 $0x2, s4;
	s30 =	smul.u32 $0x13880, s0  }
0xa: {  	s31 =	sshll.u32 s0, $0x6;
	s26 =	sshrl.u32 s4, $0x1;
	s7 =	sadd.s32 s8, s7  }
0xb: {  	s10 =	sadd.s32 s6, s5;
	s23 =	sshrl.u32 s9, $0x3;
	s24 =	sadd.s32 s9, s21  }
0xc: {  	s28 =	ssub.s32 s4, s26;
	s29 =	sshrl.u32 s25, $0x2;
	s22 =	sshrl.u32 s7, $0x3  }
0xd: {  	s7 =	sshrl.u32 s24, $0x3;
	s6 =	sadd.s32 s23, s5;
	s12 =	sadd.s32 s29, s2  }
0xe: {  	s8 =	sadd.s32 s30, s10;
	s11 =	sadd.s32 s22, s5;
	s7 =	sadd.s32 s7, s5  }
0xf: {  	s4 =	sadd.s32 $0xD9600, s6;
	s5 =	sor.u32 $0x1C02, s31;
	s8 =	sadd.s32 $0xD18C00, s8  }
0x10: {  	s10 =	sshrl.u32 s12, $0x3;
	s12 =	simm.s32 $0x100;
	s6 =	sadd.s32 $0x100E00, s7  }
0x11: {  	s7 =	smax.u32 s28, $0x1;
	s9 =	sadd.s32 $0xC000, s11;
	s11 =	simm.s32 $0x2  }
.LBB2_1:
0x12: {  	[spmem:s10], [sflag:s5] =	dma.local [hbm:s4], $0x2780  }
0x13: {  	_ =	swait.ge [sflag:s11], $0x2780  }
0x14: {  	[sflag:s11] =	ssyncset.done $0x0  }
0x15: {  	[sflag:s11] =	ssyncadd.s32 $0xFFFFD880  }
0x16: {  	s16 =	sadd.s32 $0x0, s9;
	[bflag:$0x0] =	sbarrier.arrive $0xFFFF  }
0x17: {  	[tilespmem:s3], [sflag:$0x2] =	stream.linear.gather [hbm4b:s16+s3], $0xC8, $0x38;
	[tilespmem:$0x1A100] =	vst v63  }
0x18: {  	_ =	swait.ge [sflag:s11], $0xC8  }
0x19: {  	[sflag:s11] =	ssyncset.done $0x0  }
0x1a: {  	[sflag:s11] =	ssyncadd.s32 $0xFFFFFF38  }
0x1b: {  	[tilespmem:s12], [sflag:$0x1] =	stream.linear.gather [hbm4b:s8+s3], $0x6400, $0x38;
	[tilespmem:$0x1A100] =	vst v63  }
0x1c: {  	_ =	swait.ge [sflag:s13], $0x6400  }
0x1d: {  	[sflag:s13] =	ssyncset.done $0x0  }
0x1e: {  	[sflag:s13] =	ssyncadd.s32 $0xFFFF9C00  }
0x1f: {  	[spmem:s2] =	stream.indirect.scatter.add.f32 [tilespmem:s12], [sflag:$0x2], $0x80, s3, s14, $0xb8;
	[tilespmem:$0x1A100] =	vst v63  }
0x20: {  	s17 =	simm.s32 $0x19;
	_ =	swait.ge [sflag:s11], $0x6400  }
0x21: {  	s18 =	simm.s32 $0x32;
	s16 =	sadd.s32 $0xC80, s8;
	[sflag:s11] =	ssyncset.done $0x0  }
.LBB2_2:
0x22: {  	s19 =	sadd.s32 s17, s9  }
0x23: {  	[sflag:s11] =	ssyncadd.s32 $0xFFFF9C00;
	s17 =	smov.u32 s18;
	s20 =	sadd.s32 $0x19, s18  }
0x24: {  	[tilespmem:s3], [sflag:$0x2] =	stream.linear.gather [hbm4b:s19+s3], $0xC8, $0x38;
	[tilespmem:$0x1A100] =	vst v63  }
0x25: {  	p0 =	sne.s32 s18, $0x258;
	_ =	swait.ge [sflag:s11], $0xC8  }
0x26: {  	[sflag:s11] =	ssyncset.done $0x0  }
0x27: {  	[sflag:s11] =	ssyncadd.s32 $0xFFFFFF38  }
0x28: {  	[tilespmem:s12], [sflag:$0x1] =	stream.linear.gather [hbm4b:s16+s3], $0x6400, $0x38;
	[tilespmem:$0x1A100] =	vst v63  }
0x29: {  	_ =	swait.ge [sflag:s13], $0x6400  }
.Ltmp0:
0x2a: {  	[sflag:s13] =	ssyncset.done $0x0;
	(pc) =	sbr.rel @p0 .LBB2_2-.Ltmp0, $4  }
0x2b: {  	[sflag:s13] =	ssyncadd.s32 $0xFFFF9C00  }
0x2c: {  	[spmem:s2] =	stream.indirect.scatter.add.f32 [tilespmem:s12], [sflag:$0x2], $0x80, s3, s14, $0xb8;
	[tilespmem:$0x1A100] =	vst v63  }
0x2d: {  	_ =	swait.ge [sflag:s11], $0x6400  }
0x2e: {  	s18 =	smov.u32 s20;
	s16 =	sadd.s32 $0xC80, s16;
	[sflag:s11] =	ssyncset.done $0x0  }
0x2f: {  	s17 =	sadd.s32 s17, s9;
	[sflag:s11] =	ssyncadd.s32 $0xFFFF9C00  }
0x30: {  	[tilespmem:s3], [sflag:$0x2] =	stream.linear.gather [hbm4b:s17+s3], $0xC8, $0x38;
	[tilespmem:$0x1A100] =	vst v63  }
0x31: {  	_ =	swait.ge [sflag:s11], $0xC8  }
0x32: {  	[sflag:s11] =	ssyncset.done $0x0  }
0x33: {  	[sflag:s11] =	ssyncadd.s32 $0xFFFFFF38  }
0x34: {  	[tilespmem:s12], [sflag:$0x1] =	stream.linear.gather [hbm4b:s16+s3], $0x6400, $0x38;
	[tilespmem:$0x1A100] =	vst v63  }
0x35: {  	_ =	swait.ge [sflag:s13], $0x6400  }
0x36: {  	[sflag:s13] =	ssyncset.done $0x0  }
0x37: {  	[sflag:s13] =	ssyncadd.s32 $0xFFFF9C00  }
0x38: {  	[spmem:s2] =	stream.indirect.scatter.add.f32 [tilespmem:s12], [sflag:$0x2], $0x80, s3, s14, $0xb8;
	[tilespmem:$0x1A100] =	vst v63  }
0x39: {  	_ =	swait.ge [sflag:s11], $0x6400  }
0x3a: {  	s15 =	sadd.s32 $0x1, s15;
	[sflag:s11] =	ssyncset.done $0x0  }
0x3b: {  	p0 =	sne.s32 s15, s7;
	[sflag:s11] =	ssyncadd.s32 $0xFFFF9C00  }
.Ltmp1:
0x3c: {  	[bflag:$0x0] =	sbarrier.arrive $0xFFFF;
	(pc) =	sbr.rel @p0 .LBB2_1-.Ltmp1, $4  }
0x3d: {  	[hbm:s6], [sflag:s5] =	dma.local [spmem:s10], $0x2780  }
0x3e: {  	_ =	swait.ge [sflag:s11], $0x2780  }
0x3f: {  	[sflag:s11] =	ssyncset.done $0x0  }
0x40: {  	[sflag:s11] =	ssyncadd.s32 $0xFFFFD880  }
0x41: {  	_ =	sfence.sel $0x180000  }
0x42: {  	[bflag:$0x0] =	sbarrier.arrive $0xFFFF  }
0x43: {  	p0 =	sne.s32 s0, $0x0;
	_ =	strace $0x90000056  }
0x44: {  	s0 =	sadd.s32 @!p0 $0x100000, s1;
	[bflag:$0x2] =	sbarrier.arrive $0xFFFF  }
0x45: {  	[sflag:s0] =	ssyncadd.tile.s32 @!p0 $0x1;
	_ =	shalt  }
.Lfunc_end2:
_tile_overlayer_lowered:
.L_overlay_start_2:
0x46: {  	(tag) =	ssettag $0x2  }
0x47: {  	s0 =	rddreg [dreg:$0x0];
	s2 =	stileid.u32  }
0x48: {  	s1 =	rddreg [dreg:$0x1];
	p0 =	sne.s32 s2, $0x0  }
0x49: {  	s3 =	rddreg [dreg:$0x2];
	[bflag:$0x3] =	sbarrier.arrive $0xFFFF;
	s2 =	simm.s32 @!p0 $0x1C02  }
0x4a: {  	[timem:s3], [sflag:s2] =	dma.local @!p0 [hbm:s0], s1  }
0x4b: {  	s0 =	simm.s32 @!p0 $0x2  }
0x4c: {  	_ =	swait.ge @!p0 [sflag:s0], s1  }
0x4d: {  	s1 =	ssub.s32 @!p0 $0x0, s1;
	[sflag:s0] =	ssyncset.done @!p0 $0x0  }
0x4e: {  	[sflag:s0] =	ssyncadd.s32 @!p0 s1  }
0x4f: {  	[bflag:$0x3] =	sbarrier.arrive $0xFFFF  }
0x50: {  	_ =	shalt  }

// kernel: kernel.42.cloned.1.call-start
scs
__scs_entry_jumppad:
0x0: {  	(pc) =	sbr.rel $0x88, $3  }
0x1: {  	(tag) =	ssettag $0x0;
	lr =	simm.s32 $0x1  }
0x2: {  	[smem:$0x3F8F] =	sst lr;
	_ =	strace $0xD0000000  }
0x3: {  	_ = 	snop  }
0x4: {  	_ = 	snop  }
0x5: {  	_ = 	snop  }
0x6: {  	_ = 	snop  }
0x7: {  	_ = 	snop  }
__scs_overlays_trampoline_lowered:
0x8: {  	[smem:$0x3F9E] =	sst s0  }
0x9: {  	[smem:$0x3F9F] =	sst s1  }
0xa: {  	[smem:$0x3FA0] =	sst s2  }
0xb: {  	[smem:$0x3FA1] =	sst s3  }
0xc: {  	[smem:$0x3FA2] =	sst s4  }
0xd: {  	[smem:$0x3FA3] =	sst s5  }
0xe: {  	[smem:$0x3FA4] =	sst s6  }
0xf: {  	[smem:$0x3FA5] =	sst s7  }
0x10: {  	[smem:$0x3FA6] =	sst s8  }
0x11: {  	[smem:$0x3FA7] =	sst s9;
	s0 =	simm.s32 @!p0 $0x0  }
0x12: {  	s1 =	sld [smem:$0x3F8D];
	s0 =	simm.s32 @p0 $0x1  }
0x13: {  	[smem:$0x3FA8] =	sst s0;
	s0 =	simm.s32 @!p1 $0x0  }
0x14: {  	s2 =	sld [smem:$0x3F8C];
	s0 =	simm.s32 @p1 $0x1  }
0x15: {  	[smem:$0x3FA9] =	sst s0;
	s0 =	simm.s32 @!p2 $0x0  }
0x16: {  	s3 =	sld [smem:$0x3FDB];
	s0 =	simm.s32 @p2 $0x1  }
0x17: {  	s4 =	simm.s32 $0x1BF5;
	[smem:$0x3FAB] =	sst s0  }
0x18: {  	s0 =	sld [smem:$0x3F8E];
	_ =	swait.ge [sflag:s4], $0x0  }
0x19: {  	s7 =	sld [smem:$0x3F8F]  }
0x1a: {  	s8 =	sadd.s32 $0xFFFFE003, lr  }
0x1b: {  	s9 =	sadd.s32 $0xFFFFFEF7, lr;
	s5 =	simm.s32 $0xFFFFFFFF;
	p2 =	slt.u32 s8, $0xFFFFF086  }
0x1c: {  	p1 =	slt.u32 s9, $0xF7A;
	s5 =	simm.s32 @!p2 $0x0  }
0x1d: {  	s5 =	simm.s32 @p1 $0x1;
	p0 =	seq.s32 s7, s2  }
0x1e: {  	s7 =	smul.u32 @!p0 $0xF7A, s2;
	p2 =	seq.s32 @!p0 s5, $0x0  }
0x1f: {  	s9 =	smul.u32 $0xF7A, s1;
	s8 =	simm.s32 @!p0 $0x1BF5;
	p2 =	por !p2, p0  }
0x20: {  	[sflag:s8] =	ssyncset.s32 @!p0 $0xFFFFF086;
	s6 =	sadd.s32 @!p0 s3, s7;
	s7 =	simm.s32 @!p0 $0x108  }
0x21: {  	s3 =	sadd.s32 s3, s9;
	s6 =	sadd.s32 @!p0 $0x88, s6;
	s7 =	simm.s32 @p2 $0x1082  }
0x22: {  	[simem:s7], [sflag:s8] =	dma.local @!p0 [hbm:s6], $0xF7A  }
0x23: {  	s9 =	sor.u32 $0xD0000000, s2;
	s6 =	simm.s32 $0x108;
	_ =	swait.ge @!p0 [sflag:s8], $0x0  }
0x24: {  	s3 =	sadd.s32 $0x88, s3;
	s6 =	simm.s32 @!p1 $0x1082;
	[sflag:s4] =	ssyncset.s32 $0xFFFFF086  }
0x25: {  	[simem:s6], [sflag:s4] =	dma.local [hbm:s3], $0xF7A  }
0x26: {  	[smem:$0x3F8F] =	sst s1;
	(tag) =	ssettag s2;
	_ =	strace s9  }
0x27: {  	s1 =	sld [smem:$0x3F9F]  }
0x28: {  	s2 =	sld [smem:$0x3FA0]  }
0x29: {  	s4 =	sld [smem:$0x3FA2]  }
0x2a: {  	p0 =	seq.s32 s5, $0x0;
	s5 =	sld [smem:$0x3FA3]  }
0x2b: {  	s6 =	sld [smem:$0x3FA4]  }
0x2c: {  	s7 =	sld [smem:$0x3FA5]  }
0x2d: {  	s3 =	simm.s32 $0x108;
	s8 =	sld [smem:$0x3FA6]  }
0x2e: {  	s3 =	simm.s32 @!p0 $0x1082;
	s9 =	sld [smem:$0x3FA7]  }
0x2f: {  	lr =	sadd.s32 s0, s3;
	s0 =	sld [smem:$0x3F9E]  }
0x30: {  	s3 =	sld [smem:$0x3FA1]  }
0x31: {  	[smem:$0x3FAA] =	sst s10  }
0x32: {  	s10 =	sld [smem:$0x3FA8];
	_ =	sdelay $0x3  }
0x33: {  	p0 =	seq.s32 s10, $0x1;
	s10 =	sld [smem:$0x3FAA];
	_ =	sdelay $0x3  }
0x34: {  	[smem:$0x3FAA] =	sst s10  }
0x35: {  	s10 =	sld [smem:$0x3FA9];
	_ =	sdelay $0x3  }
0x36: {  	p1 =	seq.s32 s10, $0x1;
	s10 =	sld [smem:$0x3FAA];
	_ =	sdelay $0x3  }
0x37: {  	[smem:$0x3FAA] =	sst s10  }
0x38: {  	s10 =	sld [smem:$0x3FAB]  }
0x39: {  	_ = 	snop;
	(pc) =	sbr.ind lr, $3  }
0x3a: {  	_ = 	snop  }
0x3b: {  	_ = 	snop  }
0x3c: {  	p2 =	seq.s32 s10, $0x1;
	s10 =	sld [smem:$0x3FAA]  }
0x3d: {  	_ =	shalt  }
0x3e: {  	_ =	shalt  }
0x3f: {  	_ =	shalt  }
0x40: {  	_ =	shalt  }
0x41: {  	_ =	shalt  }
0x42: {  	_ =	shalt  }
0x43: {  	_ =	shalt  }
0x44: {  	_ =	shalt  }
0x45: {  	_ =	shalt  }
0x46: {  	_ =	shalt  }
0x47: {  	_ =	shalt  }
0x48: {  	_ =	shalt  }
0x49: {  	_ =	shalt  }
0x4a: {  	_ =	shalt  }
0x4b: {  	_ =	shalt  }
0x4c: {  	_ =	shalt  }
0x4d: {  	_ =	shalt  }
0x4e: {  	_ =	shalt  }
0x4f: {  	_ =	shalt  }
0x50: {  	_ =	shalt  }
0x51: {  	_ =	shalt  }
0x52: {  	_ =	shalt  }
0x53: {  	_ =	shalt  }
0x54: {  	_ =	shalt  }
0x55: {  	_ =	shalt  }
0x56: {  	_ =	shalt  }
0x57: {  	_ =	shalt  }
0x58: {  	_ =	shalt  }
0x59: {  	_ =	shalt  }
0x5a: {  	_ =	shalt  }
0x5b: {  	_ =	shalt  }
0x5c: {  	_ =	shalt  }
0x5d: {  	_ =	shalt  }
0x5e: {  	_ =	shalt  }
0x5f: {  	_ =	shalt  }
0x60: {  	_ =	shalt  }
0x61: {  	_ =	shalt  }
0x62: {  	_ =	shalt  }
0x63: {  	_ =	shalt  }
0x64: {  	_ =	shalt  }
0x65: {  	_ =	shalt  }
0x66: {  	_ =	shalt  }
0x67: {  	_ =	shalt  }
0x68: {  	_ =	shalt  }
0x69: {  	_ =	shalt  }
0x6a: {  	_ =	shalt  }
0x6b: {  	_ =	shalt  }
0x6c: {  	_ =	shalt  }
0x6d: {  	_ =	shalt  }
0x6e: {  	_ =	shalt  }
0x6f: {  	_ =	shalt  }
0x70: {  	_ =	shalt  }
0x71: {  	_ =	shalt  }
0x72: {  	_ =	shalt  }
0x73: {  	_ =	shalt  }
0x74: {  	_ =	shalt  }
0x75: {  	_ =	shalt  }
0x76: {  	_ =	shalt  }
0x77: {  	_ =	shalt  }
0x78: {  	_ =	shalt  }
0x79: {  	_ =	shalt  }
0x7a: {  	_ =	shalt  }
0x7b: {  	_ =	shalt  }
0x7c: {  	_ =	shalt  }
0x7d: {  	_ =	shalt  }
0x7e: {  	_ =	shalt  }
0x7f: {  	_ =	shalt  }
0x80: {  	_ =	shalt  }
0x81: {  	_ =	shalt  }
0x82: {  	_ =	shalt  }
0x83: {  	_ =	shalt  }
0x84: {  	_ =	shalt  }
0x85: {  	_ =	shalt  }
0x86: {  	_ =	shalt  }
0x87: {  	_ =	shalt  }
.Lfunc_end0:
.L_simem_size_0:
called_computation.8_lowered:
.L_overlay_start_0:
0x88: {  	s2 =	sld [smem:$0x3FD9]  }
0x89: {  	s3 =	sld [smem:$0x3FFE];
	_ =	sdelay $0x1  }
0x8a: {  	s1 =	srdreg.scid  }
0x8b: {  	s0 =	sand.u32 $0x1, s1  }
0x8c: {  	s17 =	sshll.u32 s0, $0xA;
	s2 =	sadd.s32 s3, s2  }
0x8d: {  	s2 =	sadd.s32 s2, s17  }
0x8e: {  	[smem:$0x3FB6] =	sst s2  }
0x8f: {  	_ = 	snop  }
0x90: {  	(tm) =	ssettm $0x1  }
0x91: {  	s18 =	sld [smem:$0x3FFB];
	_ =	sdelay $0x3  }
0x92: {  	_ =	strace s18  }
0x93: {  	s2 =	sld [smem:$0x3FFC];
	_ =	sdelay $0x3  }
0x94: {  	_ =	strace s2  }
0x95: {  	s2 =	sld [smem:$0x3FFD];
	_ =	sdelay $0x3  }
0x96: {  	_ =	strace s2  }
0x97: {  	_ =	strace $0x8FFFFFFF  }
0x98: {  	s19 =	sld [smem:$0x3FDB];
	_ =	sdelay $0x1  }
0x99: {  	s20 =	simm.s32 $_scs_section_size  }
0x9a: {  	s4 =	simm.s32 $_size__tile_overlayer_lowered;
	s5 =	simm.s32 $_tile_overlayer_lowered  }
0x9b: {  	s6 =	simm.s32 $0x1BFF;
	s21 =	sshll.u32 s5, $0x1;
	s3 =	sadd.s32 s20, s19  }
0x9c: {  	s22 =	simm.s32 $0x0;
	s4 =	sshll.u32 s4, $0x1;
	s5 =	sadd.s32 s21, s3  }
0x9d: {  	[timem:s22], [sflag:s6] =	dma.local [hbm:s5], s4  }
0x9e: {  	_ =	swait.ge [sflag:s6], s4  }
0x9f: {  	s4 =	ssub.s32 $0x0, s4;
	[sflag:s6] =	ssyncset.done $0x0  }
0xa0: {  	[sflag:s6] =	ssyncadd.s32 s4;
	_ =	sdelay $0x1  }
0xa1: {  	s23 =	simm.s32 $0x1B8B  }
0xa2: {  	_ =	swait.ge [sflag:s23], $0x1  }
0xa3: {  	[sflag:s23] =	ssyncset.done $0x0  }
0xa4: {  	[sflag:s23] =	ssyncadd.s32 $0xFFFFFFFF  }
0xa5: {  	s4 =	sld [smem:$0x0]  }
0xa6: {  	s5 =	sand.u32 $0xFFFFFFFE, s1  }
0xa7: {  	p0 =	sne.s32 s1, s5  }
0xa8: {  	s5 =	sshll.u32 @p0 s5, $0xE  }
0xa9: {  	s5 =	sadd.s32 @p0 $0x11B8D, s5;
	s6 =	sshll.u32 @p0 s4, $0x11  }
0xaa: {  	s5 =	sor.u32 @p0 s6, s5  }
0xab: {  	[sflag:s5] =	ssyncadd.remote.s32 @p0 $0x1;
	_ =	sdelay $0x1  }
0xac: {  	s5 =	simm.s32 @p0 $0x1B8D  }
0xad: {  	_ =	swait.eq @p0 [sflag:s5], $0x1  }
0xae: {  	[sflag:s5] =	ssyncadd.s32 @p0 $0xFFFFFFFF  }
0xaf: {  	s6 =	sshll.u32 @!p0 s1, $0xE  }
0xb0: {  	s6 =	sor.u32 @!p0 $0x4000, s6;
	s5 =	simm.s32 @!p0 $0x1B8D  }
0xb1: {  	s4 =	sshll.u32 @!p0 s4, $0x11;
	s6 =	sadd.s32 @!p0 $0x11B8D, s6;
	_ =	swait.eq @!p0 [sflag:s5], $0x1  }
0xb2: {  	s4 =	sor.u32 @!p0 s4, s6;
	[sflag:s5] =	ssyncadd.s32 @!p0 $0xFFFFFFFF  }
0xb3: {  	s25 =	simm.s32 $0x1B8E;
	s24 =	sld [smem:$0x3FFE];
	[sflag:s4] =	ssyncadd.remote.s32 @!p0 $0x1  }
0xb4: {  	s26 =	simm.s32 $execute0_lowered;
	[smem:$0x3FD2] =	sst s25  }
0xb5: {  	s5 =	sshll.u32 s26, $0x1;
	_ =	strace $0x80000058;
	[dreg:$0x1] =	wrdreg $0xFFFFFFFF  }
0xb6: {  	s28 =	simm.s32 $_size_execute0_lowered;
	s3 =	sadd.s32 s3, s5;
	[dreg:$0x0] =	wrdreg $0x0  }
0xb7: {  	s5 =	sshll.u32 s28, $0x1;
	[dreg:$0x2] =	wrdreg s3  }
0xb8: {  	[dreg:$0x3] =	wrdreg s5  }
0xb9: {  	[dreg:$0x4] =	wrdreg $0xC0  }
0xba: {  	_ =	task [dreg:s22], $0x5FFFF  }
0xbb: {  	[dreg:$0x1] =	wrdreg $0xFFFFFFFF  }
0xbc: {  	[dreg:$0x0] =	wrdreg $0x60  }
0xbd: {  	[dreg:$0x2] =	wrdreg s24  }
0xbe: {  	[dreg:$0x3] =	wrdreg $0x65000  }
0xbf: {  	[dreg:$0x4] =	wrdreg $0xC  }
0xc0: {  	_ =	task.clear_ibuf [dreg:s22], $0x5FFFF;
	_ =	strace $0x90000058  }
0xc1: {  	s29 =	simm.s32 $0xC;
	_ =	strace $0x8000005A  }
0xc2: {  	_ =	swait.ge [sflag:s29], $0x1  }
0xc3: {  	[sflag:s29] =	ssyncadd.s32 $0xFFFFFFFF  }
0xc4: {  	_ =	strace $0x9000005A  }
0xc5: {  	_ =	sfence  }
0xc6: {  	s30 =	sld [smem:$0x0];
	_ =	sdelay $0x2  }
0xc7: {  	s31 =	sshll.u32 s1, $0xD;
	s1 =	sshrl.u32 s1, $0x2  }
0xc8: {  	s4 =	sand.u32 $0x4000, s31;
	s1 =	sadd.s32 s1, s30  }
0xc9: {  	s0 =	sor.u32 s4, s0;
	s1 =	sshll.u32 s1, $0x11  }
0xca: {  	s0 =	sor.u32 s1, s0  }
0xcb: {  	s0 =	sadd.s32 $0x8F2B, s0  }
0xcc: {  	[sflag:s0] =	ssyncadd.remote.s32 $0x1  }
0xcd: {  	_ =	sfence.sel $0xFFFF  }
0xce: {  	[dreg:$0x0] =	wrdreg $0xFFFFFFFF;
	(pc) =	sbr.abs _section_cstart, $3  }
0xcf: {  	[dreg:$0x1] =	wrdreg $0xFFFFFFFF  }
0xd0: {  	_ =	task.clear_ibuf [dreg:s22], $0x2FFFF;
	_ =	strace $0x9FFFFFFF  }
0xd1: {  	(tm) =	ssettm $0x7FFFFFFF  }
tec
execute0_lowered:
.L_overlay_start_1:
0x0: {  	(tag) =	ssettag $0x1  }
0x1: {  	s0 =	srdreg.scid  }
0x2: {  	s4 =	sand.u32 $0x1, s0  }
0x3: {  	s5 =	rddreg [dreg:$0x0];
	s6 =	smul.u32 $0x138800, s4  }
0x4: {  	s0 =	stileid.u32;
	s7 =	smul.u32 $0x13880, s4  }
0x5: {  	s2 =	rddreg [dreg:$0x1];
	s8 =	smul.u32 $0x1388, s0  }
0x6: {  	s1 =	rddreg [dreg:$0x2];
	s3 =	simm.s32 $0x0;
	s9 =	smul.u32 $0x13C00, s0  }
0x7: {  	s13 =	simm.s32 $0x1;
	s14 =	simm.s32 $0xC8;
	s21 =	smul.u32 $0x13C000, s4  }
0x8: {  	s15 =	simm.s32 $0x0;
	[smem:$0x7FF] =	sst s3;
	s25 =	smul.u32 $0x4F000, s0  }
0x9: {  	_ =	strace $0x80000059;
	s4 =	ssub.s32 $0x2, s4;
	s30 =	smul.u32 $0x13880, s0  }
0xa: {  	s31 =	sshll.u32 s0, $0x6;
	s26 =	sshrl.u32 s4, $0x1;
	s7 =	sadd.s32 s8, s7  }
0xb: {  	s10 =	sadd.s32 s6, s5;
	s23 =	sshrl.u32 s9, $0x3;
	s24 =	sadd.s32 s9, s21  }
0xc: {  	s28 =	ssub.s32 s4, s26;
	s29 =	sshrl.u32 s25, $0x2;
	s22 =	sshrl.u32 s7, $0x3  }
0xd: {  	s7 =	sshrl.u32 s24, $0x3;
	s6 =	sadd.s32 s23, s5;
	s12 =	sadd.s32 s29, s2  }
0xe: {  	s8 =	sadd.s32 s30, s10;
	s11 =	sadd.s32 s22, s5;
	s7 =	sadd.s32 s7, s5  }
0xf: {  	s4 =	sadd.s32 $0xD9600, s6;
	s5 =	sor.u32 $0x1C02, s31;
	s8 =	sadd.s32 $0xF89C00, s8  }
0x10: {  	s10 =	sshrl.u32 s12, $0x3;
	s12 =	simm.s32 $0x100;
	s6 =	sadd.s32 $0x14FE00, s7  }
0x11: {  	s7 =	smax.u32 s28, $0x1;
	s9 =	sadd.s32 $0xC000, s11;
	s11 =	simm.s32 $0x2  }
.LBB2_1:
0x12: {  	[spmem:s10], [sflag:s5] =	dma.local [hbm:s4], $0x2780  }
0x13: {  	_ =	swait.ge [sflag:s11], $0x2780  }
0x14: {  	[sflag:s11] =	ssyncset.done $0x0  }
0x15: {  	[sflag:s11] =	ssyncadd.s32 $0xFFFFD880  }
0x16: {  	s16 =	sadd.s32 $0x0, s9;
	[bflag:$0x0] =	sbarrier.arrive $0xFFFF  }
0x17: {  	[tilespmem:s3], [sflag:$0x2] =	stream.linear.gather [hbm4b:s16+s3], $0xC8, $0x38;
	[tilespmem:$0x1A100] =	vst v63  }
0x18: {  	_ =	swait.ge [sflag:s11], $0xC8  }
0x19: {  	[sflag:s11] =	ssyncset.done $0x0  }
0x1a: {  	[sflag:s11] =	ssyncadd.s32 $0xFFFFFF38  }
0x1b: {  	[tilespmem:s12], [sflag:$0x1] =	stream.linear.gather [hbm4b:s8+s3], $0x6400, $0x38;
	[tilespmem:$0x1A100] =	vst v63  }
0x1c: {  	_ =	swait.ge [sflag:s13], $0x6400  }
0x1d: {  	[sflag:s13] =	ssyncset.done $0x0  }
0x1e: {  	[sflag:s13] =	ssyncadd.s32 $0xFFFF9C00  }
0x1f: {  	[spmem:s2] =	stream.indirect.scatter.add.f32 [tilespmem:s12], [sflag:$0x2], $0x80, s3, s14, $0xb8;
	[tilespmem:$0x1A100] =	vst v63  }
0x20: {  	s17 =	simm.s32 $0x19;
	_ =	swait.ge [sflag:s11], $0x6400  }
0x21: {  	s18 =	simm.s32 $0x32;
	s16 =	sadd.s32 $0xC80, s8;
	[sflag:s11] =	ssyncset.done $0x0  }
.LBB2_2:
0x22: {  	s19 =	sadd.s32 s17, s9  }
0x23: {  	[sflag:s11] =	ssyncadd.s32 $0xFFFF9C00;
	s17 =	smov.u32 s18;
	s20 =	sadd.s32 $0x19, s18  }
0x24: {  	[tilespmem:s3], [sflag:$0x2] =	stream.linear.gather [hbm4b:s19+s3], $0xC8, $0x38;
	[tilespmem:$0x1A100] =	vst v63  }
0x25: {  	p0 =	sne.s32 s18, $0x258;
	_ =	swait.ge [sflag:s11], $0xC8  }
0x26: {  	[sflag:s11] =	ssyncset.done $0x0  }
0x27: {  	[sflag:s11] =	ssyncadd.s32 $0xFFFFFF38  }
0x28: {  	[tilespmem:s12], [sflag:$0x1] =	stream.linear.gather [hbm4b:s16+s3], $0x6400, $0x38;
	[tilespmem:$0x1A100] =	vst v63  }
0x29: {  	_ =	swait.ge [sflag:s13], $0x6400  }
.Ltmp0:
0x2a: {  	[sflag:s13] =	ssyncset.done $0x0;
	(pc) =	sbr.rel @p0 .LBB2_2-.Ltmp0, $4  }
0x2b: {  	[sflag:s13] =	ssyncadd.s32 $0xFFFF9C00  }
0x2c: {  	[spmem:s2] =	stream.indirect.scatter.add.f32 [tilespmem:s12], [sflag:$0x2], $0x80, s3, s14, $0xb8;
	[tilespmem:$0x1A100] =	vst v63  }
0x2d: {  	_ =	swait.ge [sflag:s11], $0x6400  }
0x2e: {  	s18 =	smov.u32 s20;
	s16 =	sadd.s32 $0xC80, s16;
	[sflag:s11] =	ssyncset.done $0x0  }
0x2f: {  	s17 =	sadd.s32 s17, s9;
	[sflag:s11] =	ssyncadd.s32 $0xFFFF9C00  }
0x30: {  	[tilespmem:s3], [sflag:$0x2] =	stream.linear.gather [hbm4b:s17+s3], $0xC8, $0x38;
	[tilespmem:$0x1A100] =	vst v63  }
0x31: {  	_ =	swait.ge [sflag:s11], $0xC8  }
0x32: {  	[sflag:s11] =	ssyncset.done $0x0  }
0x33: {  	[sflag:s11] =	ssyncadd.s32 $0xFFFFFF38  }
0x34: {  	[tilespmem:s12], [sflag:$0x1] =	stream.linear.gather [hbm4b:s16+s3], $0x6400, $0x38;
	[tilespmem:$0x1A100] =	vst v63  }
0x35: {  	_ =	swait.ge [sflag:s13], $0x6400  }
0x36: {  	[sflag:s13] =	ssyncset.done $0x0  }
0x37: {  	[sflag:s13] =	ssyncadd.s32 $0xFFFF9C00  }
0x38: {  	[spmem:s2] =	stream.indirect.scatter.add.f32 [tilespmem:s12], [sflag:$0x2], $0x80, s3, s14, $0xb8;
	[tilespmem:$0x1A100] =	vst v63  }
0x39: {  	_ =	swait.ge [sflag:s11], $0x6400  }
0x3a: {  	s15 =	sadd.s32 $0x1, s15;
	[sflag:s11] =	ssyncset.done $0x0  }
0x3b: {  	p0 =	sne.s32 s15, s7;
	[sflag:s11] =	ssyncadd.s32 $0xFFFF9C00  }
.Ltmp1:
0x3c: {  	[bflag:$0x0] =	sbarrier.arrive $0xFFFF;
	(pc) =	sbr.rel @p0 .LBB2_1-.Ltmp1, $4  }
0x3d: {  	[hbm:s6], [sflag:s5] =	dma.local [spmem:s10], $0x2780  }
0x3e: {  	_ =	swait.ge [sflag:s11], $0x2780  }
0x3f: {  	[sflag:s11] =	ssyncset.done $0x0  }
0x40: {  	[sflag:s11] =	ssyncadd.s32 $0xFFFFD880  }
0x41: {  	_ =	sfence.sel $0x180000  }
0x42: {  	[bflag:$0x0] =	sbarrier.arrive $0xFFFF  }
0x43: {  	p0 =	sne.s32 s0, $0x0;
	_ =	strace $0x90000059  }
0x44: {  	s0 =	sadd.s32 @!p0 $0x100000, s1;
	[bflag:$0x2] =	sbarrier.arrive $0xFFFF  }
0x45: {  	[sflag:s0] =	ssyncadd.tile.s32 @!p0 $0x1;
	_ =	shalt  }
.Lfunc_end2:
_tile_overlayer_lowered:
.L_overlay_start_2:
0x46: {  	(tag) =	ssettag $0x2  }
0x47: {  	s0 =	rddreg [dreg:$0x0];
	s2 =	stileid.u32  }
0x48: {  	s1 =	rddreg [dreg:$0x1];
	p0 =	sne.s32 s2, $0x0  }
0x49: {  	s3 =	rddreg [dreg:$0x2];
	[bflag:$0x3] =	sbarrier.arrive $0xFFFF;
	s2 =	simm.s32 @!p0 $0x1C02  }
0x4a: {  	[timem:s3], [sflag:s2] =	dma.local @!p0 [hbm:s0], s1  }
0x4b: {  	s0 =	simm.s32 @!p0 $0x2  }
0x4c: {  	_ =	swait.ge @!p0 [sflag:s0], s1  }
0x4d: {  	s1 =	ssub.s32 @!p0 $0x0, s1;
	[sflag:s0] =	ssyncset.done @!p0 $0x0  }
0x4e: {  	[sflag:s0] =	ssyncadd.s32 @!p0 s1  }
0x4f: {  	[bflag:$0x3] =	sbarrier.arrive $0xFFFF  }
0x50: {  	_ =	shalt  }

</sc_bundles>
